<compile_context>
chip_gen: v7x
topology: tpu7x:2x2x1
jax: 0.10.2.dev20260603
libtpu: 0.0.44.dev20260713+nightly
codegen_flags: <defaults>
</compile_context>

<pallas_src>
import functools

import jax
import jax.numpy as jnp
from jax import lax
from jax.experimental import pallas as pl
from jax.experimental.pallas import tpu as pltpu
from jax.experimental.pallas import tpu_sc as plsc

B, P, C = 32, 8732, 21
G = 4
PP = 8960
CP = 24
P4 = P * 4
PP4 = PP * 4
NCHUNK = PP // 16


def _dense_body(conf_ref, lab_ref, pred_ref, gt_ref, negkey_ref,
                stats_ref):
    x = conf_ref[...]
    lab = lab_ref[...]
    m = jnp.max(x, axis=1, keepdims=True)
    e = jnp.exp(x - m)
    s = jnp.sum(e, axis=1, keepdims=True)
    lse = m + jnp.log(s)
    bg = lse - x[:, 0:1, :]
    iota_c = lax.broadcasted_iota(jnp.int32, (G, C, PP), 1)
    conf_lab = jnp.sum(jnp.where(iota_c == lab, x, 0.0), axis=1, keepdims=True)
    ce = lse - conf_lab
    posm = lab > 0
    negm = lab == 0
    negkey_ref[...] = jnp.where(negm, bg, jnp.float32(-jnp.inf))
    pos_ce = jnp.sum(jnp.where(posm, ce, 0.0), axis=(1, 2), keepdims=True)
    npos = jnp.sum(jnp.where(posm, 1.0, 0.0), axis=(1, 2), keepdims=True)
    nneg = jnp.sum(jnp.where(negm, 1.0, 0.0), axis=(1, 2), keepdims=True)
    d = pred_ref[...] - gt_ref[...]
    ad = jnp.abs(d)
    sl1 = jnp.where(ad < 1.0, 0.5 * d * d, ad - 0.5)
    sl1s = jnp.sum(jnp.where(posm, sl1, 0.0), axis=(1, 2), keepdims=True)
    row = lax.broadcasted_iota(jnp.int32, (G, 8, 128), 1)
    stats_ref[...] = jnp.where(
        row == 0, pos_ce,
        jnp.where(row == 1, npos,
                  jnp.where(row == 2, nneg,
                            jnp.where(row == 3, sl1s, 0.0))))


def _dense_call(conf_t, lab3, pred_t, gt_t, interpret=False):
    return pl.pallas_call(
        _dense_body,
        grid=(B // G,),
        in_specs=[
            pl.BlockSpec((G, C, PP), lambda b: (b, 0, 0)),
            pl.BlockSpec((G, 1, PP), lambda b: (b, 0, 0)),
            pl.BlockSpec((G, 4, PP), lambda b: (b, 0, 0)),
            pl.BlockSpec((G, 4, PP), lambda b: (b, 0, 0)),
        ],
        out_specs=[
            pl.BlockSpec((G, 1, PP), lambda b: (b, 0, 0)),
            pl.BlockSpec((G, 8, 128), lambda b: (b, 0, 0)),
        ],
        out_shape=[
            jax.ShapeDtypeStruct((B, 1, PP), jnp.float32),
            jax.ShapeDtypeStruct((B, 8, 128), jnp.float32),
        ],
        compiler_params=pltpu.CompilerParams(
            allow_input_fusion=[True, True, True, True]),
        interpret=interpret,
    )(conf_t, lab3, pred_t, gt_t)


_UNROLL = 8


def _count_ge(key_v, cand):
    def cnt_body(i, acc):
        base = i * (16 * _UNROLL)
        for j in range(_UNROLL):
            m = key_v[pl.ds(base + j * 16, 16)] >= cand
            acc = acc + plsc.all_reduce_population_count(m)
        return acc
    return lax.fori_loop(0, NCHUNK // _UNROLL, cnt_body,
                         jnp.zeros((16,), jnp.int32))


def _mining_body(val_hbm, stats_hbm, out_hbm, key_v, val_v, np_v,
                 nn_v, out_v):
    info = plsc.get_sparse_core_info()
    w = lax.axis_index("s") * info.num_cores + lax.axis_index("c")
    pltpu.sync_copy(val_hbm.at[w], val_v)
    pltpu.sync_copy(stats_hbm.at[w, 1, pl.ds(0, 16)], np_v)
    pltpu.sync_copy(stats_hbm.at[w, 2, pl.ds(0, 16)], nn_v)
    kvec = jnp.minimum(3.0 * np_v[...], nn_v[...]).astype(jnp.int32)

    def mk_body(i, carry):
        base = i * (16 * _UNROLL)
        for j in range(_UNROLL):
            bits = plsc.bitcast(val_v[pl.ds(base + j * 16, 16)], jnp.int32)
            key_v[pl.ds(base + j * 16, 16)] = jnp.where(
                bits < 0, bits ^ jnp.int32(0x7FFFFFFF), bits)
        return carry
    lax.fori_loop(0, NCHUNK // _UNROLL, mk_body, 0)

    cnt0 = _count_ge(key_v, jnp.zeros((16,), jnp.int32))
    ans = jnp.where(cnt0 >= kvec, jnp.int32(0), jnp.int32(-2147483648))
    for b in range(30, -1, -1):
        cand = ans | jnp.int32(1 << b)
        cntv = _count_ge(key_v, cand)
        ans = jnp.where(cntv >= kvec, cand, ans)

    def fin_body(i, carry):
        sacc, eacc, cgt, ceq = carry
        base = i * (16 * _UNROLL)
        for j in range(_UNROLL):
            key = key_v[pl.ds(base + j * 16, 16)]
            x = val_v[pl.ds(base + j * 16, 16)]
            mgt = key > ans
            meq = key == ans
            sacc = sacc + jnp.where(mgt, x, 0.0)
            eacc = eacc + jnp.where(meq, x, 0.0)
            cgt = cgt + plsc.all_reduce_population_count(mgt)
            ceq = ceq + plsc.all_reduce_population_count(meq)
        return (sacc, eacc, cgt, ceq)
    sacc, eacc, cgt, ceq = lax.fori_loop(
        0, NCHUNK // _UNROLL, fin_body,
        (jnp.zeros((16,), jnp.float32), jnp.zeros((16,), jnp.float32),
         jnp.zeros((16,), jnp.int32), jnp.zeros((16,), jnp.int32)))

    frac = (kvec - cgt).astype(jnp.float32) / ceq.astype(jnp.float32)
    out_v[...] = jnp.where(kvec > 0, sacc + eacc * frac, 0.0)
    pltpu.sync_copy(out_v, out_hbm.at[w])


def _mining_call(negkey2d, stats):
    mesh = plsc.VectorSubcoreMesh(core_axis_name="c", subcore_axis_name="s")
    fn = functools.partial(
        pl.kernel,
        out_type=jax.ShapeDtypeStruct((B, 16), jnp.float32),
        mesh=mesh,
        compiler_params=pltpu.CompilerParams(needs_layout_passes=False),
        scratch_types=[
            pltpu.VMEM((PP,), jnp.int32),
            pltpu.VMEM((PP,), jnp.float32),
            pltpu.VMEM((16,), jnp.float32),
            pltpu.VMEM((16,), jnp.float32),
            pltpu.VMEM((16,), jnp.float32),
        ],
    )(_mining_body)
    return fn(negkey2d, stats)


def kernel(confidence, predicted_locations, labels, gt_locations):
    conf_p = jnp.pad(confidence.astype(jnp.float32),
                     ((0, 0), (0, PP - P), (0, 0)))
    conf_t = jnp.transpose(conf_p, (0, 2, 1))
    lab_p = jnp.pad(labels.astype(jnp.int32), ((0, 0), (0, PP - P)),
                    constant_values=-1)
    lab3 = lab_p.reshape(B, 1, PP)
    pred_t = jnp.transpose(
        jnp.pad(predicted_locations.astype(jnp.float32),
                ((0, 0), (0, PP - P), (0, 0))), (0, 2, 1))
    gt_t = jnp.transpose(
        jnp.pad(gt_locations.astype(jnp.float32),
                ((0, 0), (0, PP - P), (0, 0))), (0, 2, 1))

    negkey, stats = _dense_call(conf_t, lab3, pred_t, gt_t)
    pos_ce = stats[:, 0, 0]
    npos = stats[:, 1, 0]
    sl1 = stats[:, 3, 0]

    neg_sum = jnp.sum(_mining_call(negkey.reshape(B, PP), stats), axis=1)

    num_pos = jnp.sum(npos)
    classification_loss = (jnp.sum(pos_ce) + jnp.sum(neg_sum)) / num_pos
    smooth_l1_loss = jnp.sum(sl1) / num_pos
    return (smooth_l1_loss, classification_loss)

# --- scband reference (transcript-rebuilt; emitter-appended) ---
"""Pipeline reference for scband-multibox-loss-70325794505517 (READ-ONLY COPY).

The authoritative reference and input builder live on the scoring server;
editing this copy changes nothing except your own understanding.
"""

import jax, jax.numpy as jnp
import numpy as np

NEG_POS_RATIO = 3

def hard_negative_mining(loss, labels, neg_pos_ratio):
    # loss: (B, P) background-class negative log-prob; labels: (B, P) int
    pos_mask = labels > 0
    num_pos = jnp.sum(pos_mask.astype(jnp.int32), axis=1, keepdims=True)
    num_neg = num_pos * neg_pos_ratio
    loss = jnp.where(pos_mask, -jnp.inf, loss)
    indexes = jnp.argsort(-loss, axis=1)          # descending sort of loss
    orders = jnp.argsort(indexes, axis=1)         # rank of each prior
    neg_mask = orders < num_neg
    return pos_mask, neg_mask

def setup_inputs(seed: int = 0):
    key = jax.random.key(seed)
    k1, k2, k3, k4 = jax.random.split(key, 4)
    B, P, C = 32, 8732, 21
    confidence = jax.random.normal(k1, (B, P, C), dtype=jnp.float32)
    predicted_locations = jax.random.normal(k2, (B, P, 4), dtype=jnp.float32)
    labels = jax.random.randint(k3, (B, P), 0, C)
    gt_locations = jax.random.normal(k4, (B, P, 4), dtype=jnp.float32)
    return {"confidence": confidence, "predicted_locations": predicted_locations,
            "labels": labels, "gt_locations": gt_locations}

def reference(confidence, predicted_locations, labels, gt_locations):
    # classification: hard negative mining on background-class loss (no grad)
    logp = jax.nn.log_softmax(confidence, axis=2)
    bg_loss = -logp[:, :, 0]
    pos_mask, neg_mask = hard_negative_mining(jax.lax.stop_gradient(bg_loss), labels, NEG_POS_RATIO)
    mask = pos_mask | neg_mask
    # cross entropy summed over selected (masked) priors == F.cross_entropy(conf[mask], labels[mask], sum)
    ce = -jnp.take_along_axis(logp, labels[..., None].astype(jnp.int32), axis=2)[..., 0]
    classification_loss = jnp.sum(ce * mask.astype(ce.dtype))
    # smooth L1 over positive priors only (beta=1, sum reduction)
    pos = labels > 0
    diff = predicted_locations - gt_locations
    abs_diff = jnp.abs(diff)
    sl1 = jnp.where(abs_diff < 1.0, 0.5 * diff * diff, abs_diff - 0.5)
    smooth_l1_loss = jnp.sum(sl1 * pos[..., None].astype(sl1.dtype))
    num_pos = jnp.sum(pos.astype(jnp.float32))
    return (smooth_l1_loss / num_pos, classification_loss / num_pos)

if __name__ == "__main__":
    import jax
    _d = setup_inputs()
    print(jax.jit(kernel)(*tuple(_d.values())))

</pallas_src>

<mosaic_0001>
#map = affine_map<(d0, d1) -> (0, 0)>
#map1 = affine_map<(d0, d1) -> (0, 0, 0)>
module attributes {stable_mosaic.version = 14 : i64} {
  func.func @_mining_body(%arg0: i32, %arg1: i32, %arg2: memref<32x8960xf32, #tpu.memory_space<hbm>>, %arg3: memref<32x8x128xf32, #tpu.memory_space<hbm>>, %arg4: memref<32x16xf32, #tpu.memory_space<hbm>>, %arg5: memref<8960xi32, #tpu.memory_space<vmem>>, %arg6: memref<8960xf32, #tpu.memory_space<vmem>>, %arg7: memref<16xf32, #tpu.memory_space<vmem>>, %arg8: memref<16xf32, #tpu.memory_space<vmem>>, %arg9: memref<16xf32, #tpu.memory_space<vmem>>) attributes {dimension_semantics = [#tpu.dimension_semantics<core_parallel>, #tpu.dimension_semantics<subcore_parallel>], iteration_bounds = array<i64: 2, 16>, scalar_prefetch = 0 : i64, scratch_operands = 5 : i64, tpu.core_type = #tpu.core_type<sc_vector_subcore>, window_params = [{transform_indices = #map}, {transform_indices = #map1}, {transform_indices = #map}]} {
    %mul3A = arith.constant 2 : i32
    %mul3A_0 = arith.muli %arg1, %mul3A : i32
    %add3A = arith.addi %mul3A_0, %arg0 : i32
    "tpu.region"() ({
      %run_scoped3A_451 = tpu.sem_alloc : memref<!tpu.dma_semaphore, #tpu.memory_space<semaphore_mem>>
      %dma_start3A = arith.constant 0 : i32
      %dma_start3A_452 = tpu.memref_slice %arg2[%add3A, %dma_start3A] : memref<32x8960xf32, #tpu.memory_space<hbm>> -> memref<1x8960xf32, #tpu.memory_space<hbm>>
      %dma_start3A_453 = tpu.memref_squeeze %dma_start3A_452 : memref<1x8960xf32, #tpu.memory_space<hbm>> -> memref<8960xf32, #tpu.memory_space<hbm>>
      %dma_start3A_454 = arith.constant 0 : i32
      %dma_start3A_455 = tpu.memref_slice %arg2[%add3A, %dma_start3A_454] : memref<32x8960xf32, #tpu.memory_space<hbm>> -> memref<1x8960xf32, #tpu.memory_space<hbm>>
      %dma_start3A_456 = tpu.memref_squeeze %dma_start3A_455 : memref<1x8960xf32, #tpu.memory_space<hbm>> -> memref<8960xf32, #tpu.memory_space<hbm>>
      tpu.enqueue_dma source(%dma_start3A_456 : memref<8960xf32, #tpu.memory_space<hbm>>) target(%arg6 : memref<8960xf32, #tpu.memory_space<vmem>>) target_semaphore(%run_scoped3A_451 : memref<!tpu.dma_semaphore, #tpu.memory_space<semaphore_mem>>)
      %dma_wait3A = arith.constant 0 : i32
      %dma_wait3A_457 = tpu.memref_slice %arg2[%add3A, %dma_wait3A] : memref<32x8960xf32, #tpu.memory_space<hbm>> -> memref<1x8960xf32, #tpu.memory_space<hbm>>
      %dma_wait3A_458 = tpu.memref_squeeze %dma_wait3A_457 : memref<1x8960xf32, #tpu.memory_space<hbm>> -> memref<8960xf32, #tpu.memory_space<hbm>>
      %dma_wait3A_459 = arith.constant 0 : i32
      %dma_wait3A_460 = tpu.memref_slice %arg2[%add3A, %dma_wait3A_459] : memref<32x8960xf32, #tpu.memory_space<hbm>> -> memref<1x8960xf32, #tpu.memory_space<hbm>>
      %dma_wait3A_461 = tpu.memref_squeeze %dma_wait3A_460 : memref<1x8960xf32, #tpu.memory_space<hbm>> -> memref<8960xf32, #tpu.memory_space<hbm>>
      tpu.wait_dma2 semaphore(%run_scoped3A_451 : memref<!tpu.dma_semaphore, #tpu.memory_space<semaphore_mem>>) src(%dma_wait3A_461 : memref<8960xf32, #tpu.memory_space<hbm>>) dst(%arg6 : memref<8960xf32, #tpu.memory_space<vmem>>)
      tpu.yield
    }) : () -> ()
    %run_scoped3A = arith.constant 1 : i32
    "tpu.region"() ({
      %run_scoped3A_451 = tpu.sem_alloc : memref<!tpu.dma_semaphore, #tpu.memory_space<semaphore_mem>>
      %dma_start3A = arith.constant 0 : i32
      %dma_start3A_452 = tpu.memref_slice %arg3[%add3A, %run_scoped3A, %dma_start3A] : memref<32x8x128xf32, #tpu.memory_space<hbm>> -> memref<1x1x16xf32, #tpu.memory_space<hbm>>
      %dma_start3A_453 = tpu.memref_squeeze %dma_start3A_452 : memref<1x1x16xf32, #tpu.memory_space<hbm>> -> memref<16xf32, #tpu.memory_space<hbm>>
      %dma_start3A_454 = arith.constant 0 : i32
      %dma_start3A_455 = tpu.memref_slice %arg3[%add3A, %run_scoped3A, %dma_start3A_454] : memref<32x8x128xf32, #tpu.memory_space<hbm>> -> memref<1x1x16xf32, #tpu.memory_space<hbm>>
      %dma_start3A_456 = tpu.memref_squeeze %dma_start3A_455 : memref<1x1x16xf32, #tpu.memory_space<hbm>> -> memref<16xf32, #tpu.memory_space<hbm>>
      tpu.enqueue_dma source(%dma_start3A_456 : memref<16xf32, #tpu.memory_space<hbm>>) target(%arg7 : memref<16xf32, #tpu.memory_space<vmem>>) target_semaphore(%run_scoped3A_451 : memref<!tpu.dma_semaphore, #tpu.memory_space<semaphore_mem>>)
      %dma_wait3A = arith.constant 0 : i32
      %dma_wait3A_457 = tpu.memref_slice %arg3[%add3A, %run_scoped3A, %dma_wait3A] : memref<32x8x128xf32, #tpu.memory_space<hbm>> -> memref<1x1x16xf32, #tpu.memory_space<hbm>>
      %dma_wait3A_458 = tpu.memref_squeeze %dma_wait3A_457 : memref<1x1x16xf32, #tpu.memory_space<hbm>> -> memref<16xf32, #tpu.memory_space<hbm>>
      %dma_wait3A_459 = arith.constant 0 : i32
      %dma_wait3A_460 = tpu.memref_slice %arg3[%add3A, %run_scoped3A, %dma_wait3A_459] : memref<32x8x128xf32, #tpu.memory_space<hbm>> -> memref<1x1x16xf32, #tpu.memory_space<hbm>>
      %dma_wait3A_461 = tpu.memref_squeeze %dma_wait3A_460 : memref<1x1x16xf32, #tpu.memory_space<hbm>> -> memref<16xf32, #tpu.memory_space<hbm>>
      tpu.wait_dma2 semaphore(%run_scoped3A_451 : memref<!tpu.dma_semaphore, #tpu.memory_space<semaphore_mem>>) src(%dma_wait3A_461 : memref<16xf32, #tpu.memory_space<hbm>>) dst(%arg7 : memref<16xf32, #tpu.memory_space<vmem>>)
      tpu.yield
    }) : () -> ()
    %run_scoped3A_1 = arith.constant 2 : i32
    "tpu.region"() ({
      %run_scoped3A_451 = tpu.sem_alloc : memref<!tpu.dma_semaphore, #tpu.memory_space<semaphore_mem>>
      %dma_start3A = arith.constant 0 : i32
      %dma_start3A_452 = tpu.memref_slice %arg3[%add3A, %run_scoped3A_1, %dma_start3A] : memref<32x8x128xf32, #tpu.memory_space<hbm>> -> memref<1x1x16xf32, #tpu.memory_space<hbm>>
      %dma_start3A_453 = tpu.memref_squeeze %dma_start3A_452 : memref<1x1x16xf32, #tpu.memory_space<hbm>> -> memref<16xf32, #tpu.memory_space<hbm>>
      %dma_start3A_454 = arith.constant 0 : i32
      %dma_start3A_455 = tpu.memref_slice %arg3[%add3A, %run_scoped3A_1, %dma_start3A_454] : memref<32x8x128xf32, #tpu.memory_space<hbm>> -> memref<1x1x16xf32, #tpu.memory_space<hbm>>
      %dma_start3A_456 = tpu.memref_squeeze %dma_start3A_455 : memref<1x1x16xf32, #tpu.memory_space<hbm>> -> memref<16xf32, #tpu.memory_space<hbm>>
      tpu.enqueue_dma source(%dma_start3A_456 : memref<16xf32, #tpu.memory_space<hbm>>) target(%arg8 : memref<16xf32, #tpu.memory_space<vmem>>) target_semaphore(%run_scoped3A_451 : memref<!tpu.dma_semaphore, #tpu.memory_space<semaphore_mem>>)
      %dma_wait3A = arith.constant 0 : i32
      %dma_wait3A_457 = tpu.memref_slice %arg3[%add3A, %run_scoped3A_1, %dma_wait3A] : memref<32x8x128xf32, #tpu.memory_space<hbm>> -> memref<1x1x16xf32, #tpu.memory_space<hbm>>
      %dma_wait3A_458 = tpu.memref_squeeze %dma_wait3A_457 : memref<1x1x16xf32, #tpu.memory_space<hbm>> -> memref<16xf32, #tpu.memory_space<hbm>>
      %dma_wait3A_459 = arith.constant 0 : i32
      %dma_wait3A_460 = tpu.memref_slice %arg3[%add3A, %run_scoped3A_1, %dma_wait3A_459] : memref<32x8x128xf32, #tpu.memory_space<hbm>> -> memref<1x1x16xf32, #tpu.memory_space<hbm>>
      %dma_wait3A_461 = tpu.memref_squeeze %dma_wait3A_460 : memref<1x1x16xf32, #tpu.memory_space<hbm>> -> memref<16xf32, #tpu.memory_space<hbm>>
      tpu.wait_dma2 semaphore(%run_scoped3A_451 : memref<!tpu.dma_semaphore, #tpu.memory_space<semaphore_mem>>) src(%dma_wait3A_461 : memref<16xf32, #tpu.memory_space<hbm>>) dst(%arg8 : memref<16xf32, #tpu.memory_space<vmem>>)
      tpu.yield
    }) : () -> ()
    %get3A = arith.constant 0 : index
    %get3A_2 = tpu.vector_load %arg7[%get3A] {strides = array<i32>} : memref<16xf32, #tpu.memory_space<vmem>>, vector<16xf32>,
    %mul3A_3 = arith.constant 3.000000e+00 : f32
    %mul3A_4 = vector.broadcast %mul3A_3 : f32 to vector<16xf32>
    %mul3A_5 = arith.mulf %mul3A_4, %get3A_2 : vector<16xf32>
    %get3A_6 = arith.constant 0 : index
    %get3A_7 = tpu.vector_load %arg8[%get3A_6] {strides = array<i32>} : memref<16xf32, #tpu.memory_space<vmem>>, vector<16xf32>,
    %min3A = arith.minimumf %mul3A_5, %get3A_7 : vector<16xf32>
    %convert_element_type3A = arith.fptosi %min3A : vector<16xf32> to vector<16xi32>
    %scan3A = arith.constant 0 : i32
    %scan3A_8 = arith.constant 0 : i32
    %scan3A_9 = arith.constant 70 : i32
    %scan3A_10 = arith.addi %scan3A_8, %scan3A_9 : i32
    %scan3A_11 = arith.constant 1 : i32
    scf.for %scan3A_451 = %scan3A_8 to %scan3A_10 step %scan3A_11  : i32 {
      %mul3A_452 = arith.constant 128 : i32
      %mul3A_453 = arith.muli %scan3A_451, %mul3A_452 : i32
      %add3A_454 = arith.constant 0 : i32
      %add3A_455 = arith.addi %mul3A_453, %add3A_454 : i32
      %get3A_456 = arith.index_cast %add3A_455 : i32 to index
      %get3A_457 = tpu.vector_load %arg6[%get3A_456] {strides = array<i32>} : memref<8960xf32, #tpu.memory_space<vmem>>, vector<16xf32>,
      %bitcast3A = vector.bitcast %get3A_457 : vector<16xf32> to vector<16xi32>
      %lt3A = arith.constant 0 : i32
      %lt3A_458 = vector.broadcast %lt3A : i32 to vector<16xi32>
      %lt3A_459 = arith.cmpi slt, %bitcast3A, %lt3A_458 : vector<16xi32>
      %xor3A = arith.constant 2147483647 : i32
      %xor3A_460 = vector.broadcast %xor3A : i32 to vector<16xi32>
      %xor3A_461 = arith.xori %bitcast3A, %xor3A_460 : vector<16xi32>
      %select_n3A_462 = arith.select %lt3A_459, %xor3A_461, %bitcast3A : vector<16xi1>, vector<16xi32>
      %add3A_463 = arith.constant 0 : i32
      %add3A_464 = arith.addi %mul3A_453, %add3A_463 : i32
      %swap3A_465 = arith.index_cast %add3A_464 : i32 to index
      %swap3A_466 = tpu.vector_load %arg5[%swap3A_465] {strides = array<i32>} : memref<8960xi32, #tpu.memory_space<vmem>>, vector<16xi32>,
      tpu.vector_store %arg5[%swap3A_465], %select_n3A_462 {strides = array<i32>} : memref<8960xi32, #tpu.memory_space<vmem>>, vector<16xi32>,
      %add3A_467 = arith.constant 16 : i32
      %add3A_468 = arith.addi %mul3A_453, %add3A_467 : i32
      %get3A_469 = arith.index_cast %add3A_468 : i32 to index
      %get3A_470 = tpu.vector_load %arg6[%get3A_469] {strides = array<i32>} : memref<8960xf32, #tpu.memory_space<vmem>>, vector<16xf32>,
      %bitcast3A_471 = vector.bitcast %get3A_470 : vector<16xf32> to vector<16xi32>
      %lt3A_472 = arith.constant 0 : i32
      %lt3A_473 = vector.broadcast %lt3A_472 : i32 to vector<16xi32>
      %lt3A_474 = arith.cmpi slt, %bitcast3A_471, %lt3A_473 : vector<16xi32>
      %xor3A_475 = arith.constant 2147483647 : i32
      %xor3A_476 = vector.broadcast %xor3A_475 : i32 to vector<16xi32>
      %xor3A_477 = arith.xori %bitcast3A_471, %xor3A_476 : vector<16xi32>
      %select_n3A_478 = arith.select %lt3A_474, %xor3A_477, %bitcast3A_471 : vector<16xi1>, vector<16xi32>
      %add3A_479 = arith.constant 16 : i32
      %add3A_480 = arith.addi %mul3A_453, %add3A_479 : i32
      %swap3A_481 = arith.index_cast %add3A_480 : i32 to index
      %swap3A_482 = tpu.vector_load %arg5[%swap3A_481] {strides = array<i32>} : memref<8960xi32, #tpu.memory_space<vmem>>, vector<16xi32>,
      tpu.vector_store %arg5[%swap3A_481], %select_n3A_478 {strides = array<i32>} : memref<8960xi32, #tpu.memory_space<vmem>>, vector<16xi32>,
      %add3A_483 = arith.constant 32 : i32
      %add3A_484 = arith.addi %mul3A_453, %add3A_483 : i32
      %get3A_485 = arith.index_cast %add3A_484 : i32 to index
      %get3A_486 = tpu.vector_load %arg6[%get3A_485] {strides = array<i32>} : memref<8960xf32, #tpu.memory_space<vmem>>, vector<16xf32>,
      %bitcast3A_487 = vector.bitcast %get3A_486 : vector<16xf32> to vector<16xi32>
      %lt3A_488 = arith.constant 0 : i32
      %lt3A_489 = vector.broadcast %lt3A_488 : i32 to vector<16xi32>
      %lt3A_490 = arith.cmpi slt, %bitcast3A_487, %lt3A_489 : vector<16xi32>
      %xor3A_491 = arith.constant 2147483647 : i32
      %xor3A_492 = vector.broadcast %xor3A_491 : i32 to vector<16xi32>
      %xor3A_493 = arith.xori %bitcast3A_487, %xor3A_492 : vector<16xi32>
      %select_n3A_494 = arith.select %lt3A_490, %xor3A_493, %bitcast3A_487 : vector<16xi1>, vector<16xi32>
      %add3A_495 = arith.constant 32 : i32
      %add3A_496 = arith.addi %mul3A_453, %add3A_495 : i32
      %swap3A_497 = arith.index_cast %add3A_496 : i32 to index
      %swap3A_498 = tpu.vector_load %arg5[%swap3A_497] {strides = array<i32>} : memref<8960xi32, #tpu.memory_space<vmem>>, vector<16xi32>,
      tpu.vector_store %arg5[%swap3A_497], %select_n3A_494 {strides = array<i32>} : memref<8960xi32, #tpu.memory_space<vmem>>, vector<16xi32>,
      %add3A_499 = arith.constant 48 : i32
      %add3A_500 = arith.addi %mul3A_453, %add3A_499 : i32
      %get3A_501 = arith.index_cast %add3A_500 : i32 to index
      %get3A_502 = tpu.vector_load %arg6[%get3A_501] {strides = array<i32>} : memref<8960xf32, #tpu.memory_space<vmem>>, vector<16xf32>,
      %bitcast3A_503 = vector.bitcast %get3A_502 : vector<16xf32> to vector<16xi32>
      %lt3A_504 = arith.constant 0 : i32
      %lt3A_505 = vector.broadcast %lt3A_504 : i32 to vector<16xi32>
      %lt3A_506 = arith.cmpi slt, %bitcast3A_503, %lt3A_505 : vector<16xi32>
      %xor3A_507 = arith.constant 2147483647 : i32
      %xor3A_508 = vector.broadcast %xor3A_507 : i32 to vector<16xi32>
      %xor3A_509 = arith.xori %bitcast3A_503, %xor3A_508 : vector<16xi32>
      %select_n3A_510 = arith.select %lt3A_506, %xor3A_509, %bitcast3A_503 : vector<16xi1>, vector<16xi32>
      %add3A_511 = arith.constant 48 : i32
      %add3A_512 = arith.addi %mul3A_453, %add3A_511 : i32
      %swap3A_513 = arith.index_cast %add3A_512 : i32 to index
      %swap3A_514 = tpu.vector_load %arg5[%swap3A_513] {strides = array<i32>} : memref<8960xi32, #tpu.memory_space<vmem>>, vector<16xi32>,
      tpu.vector_store %arg5[%swap3A_513], %select_n3A_510 {strides = array<i32>} : memref<8960xi32, #tpu.memory_space<vmem>>, vector<16xi32>,
      %add3A_515 = arith.constant 64 : i32
      %add3A_516 = arith.addi %mul3A_453, %add3A_515 : i32
      %get3A_517 = arith.index_cast %add3A_516 : i32 to index
      %get3A_518 = tpu.vector_load %arg6[%get3A_517] {strides = array<i32>} : memref<8960xf32, #tpu.memory_space<vmem>>, vector<16xf32>,
      %bitcast3A_519 = vector.bitcast %get3A_518 : vector<16xf32> to vector<16xi32>
      %lt3A_520 = arith.constant 0 : i32
      %lt3A_521 = vector.broadcast %lt3A_520 : i32 to vector<16xi32>
      %lt3A_522 = arith.cmpi slt, %bitcast3A_519, %lt3A_521 : vector<16xi32>
      %xor3A_523 = arith.constant 2147483647 : i32
      %xor3A_524 = vector.broadcast %xor3A_523 : i32 to vector<16xi32>
      %xor3A_525 = arith.xori %bitcast3A_519, %xor3A_524 : vector<16xi32>
      %select_n3A_526 = arith.select %lt3A_522, %xor3A_525, %bitcast3A_519 : vector<16xi1>, vector<16xi32>
      %add3A_527 = arith.constant 64 : i32
      %add3A_528 = arith.addi %mul3A_453, %add3A_527 : i32
      %swap3A_529 = arith.index_cast %add3A_528 : i32 to index
      %swap3A_530 = tpu.vector_load %arg5[%swap3A_529] {strides = array<i32>} : memref<8960xi32, #tpu.memory_space<vmem>>, vector<16xi32>,
      tpu.vector_store %arg5[%swap3A_529], %select_n3A_526 {strides = array<i32>} : memref<8960xi32, #tpu.memory_space<vmem>>, vector<16xi32>,
      %add3A_531 = arith.constant 80 : i32
      %add3A_532 = arith.addi %mul3A_453, %add3A_531 : i32
      %get3A_533 = arith.index_cast %add3A_532 : i32 to index
      %get3A_534 = tpu.vector_load %arg6[%get3A_533] {strides = array<i32>} : memref<8960xf32, #tpu.memory_space<vmem>>, vector<16xf32>,
      %bitcast3A_535 = vector.bitcast %get3A_534 : vector<16xf32> to vector<16xi32>
      %lt3A_536 = arith.constant 0 : i32
      %lt3A_537 = vector.broadcast %lt3A_536 : i32 to vector<16xi32>
      %lt3A_538 = arith.cmpi slt, %bitcast3A_535, %lt3A_537 : vector<16xi32>
      %xor3A_539 = arith.constant 2147483647 : i32
      %xor3A_540 = vector.broadcast %xor3A_539 : i32 to vector<16xi32>
      %xor3A_541 = arith.xori %bitcast3A_535, %xor3A_540 : vector<16xi32>
      %select_n3A_542 = arith.select %lt3A_538, %xor3A_541, %bitcast3A_535 : vector<16xi1>, vector<16xi32>
      %add3A_543 = arith.constant 80 : i32
      %add3A_544 = arith.addi %mul3A_453, %add3A_543 : i32
      %swap3A_545 = arith.index_cast %add3A_544 : i32 to index
      %swap3A_546 = tpu.vector_load %arg5[%swap3A_545] {strides = array<i32>} : memref<8960xi32, #tpu.memory_space<vmem>>, vector<16xi32>,
      tpu.vector_store %arg5[%swap3A_545], %select_n3A_542 {strides = array<i32>} : memref<8960xi32, #tpu.memory_space<vmem>>, vector<16xi32>,
      %add3A_547 = arith.constant 96 : i32
      %add3A_548 = arith.addi %mul3A_453, %add3A_547 : i32
      %get3A_549 = arith.index_cast %add3A_548 : i32 to index
      %get3A_550 = tpu.vector_load %arg6[%get3A_549] {strides = array<i32>} : memref<8960xf32, #tpu.memory_space<vmem>>, vector<16xf32>,
      %bitcast3A_551 = vector.bitcast %get3A_550 : vector<16xf32> to vector<16xi32>
      %lt3A_552 = arith.constant 0 : i32
      %lt3A_553 = vector.broadcast %lt3A_552 : i32 to vector<16xi32>
      %lt3A_554 = arith.cmpi slt, %bitcast3A_551, %lt3A_553 : vector<16xi32>
      %xor3A_555 = arith.constant 2147483647 : i32
      %xor3A_556 = vector.broadcast %xor3A_555 : i32 to vector<16xi32>
      %xor3A_557 = arith.xori %bitcast3A_551, %xor3A_556 : vector<16xi32>
      %select_n3A_558 = arith.select %lt3A_554, %xor3A_557, %bitcast3A_551 : vector<16xi1>, vector<16xi32>
      %add3A_559 = arith.constant 96 : i32
      %add3A_560 = arith.addi %mul3A_453, %add3A_559 : i32
      %swap3A_561 = arith.index_cast %add3A_560 : i32 to index
      %swap3A_562 = tpu.vector_load %arg5[%swap3A_561] {strides = array<i32>} : memref<8960xi32, #tpu.memory_space<vmem>>, vector<16xi32>,
      tpu.vector_store %arg5[%swap3A_561], %select_n3A_558 {strides = array<i32>} : memref<8960xi32, #tpu.memory_space<vmem>>, vector<16xi32>,
      %add3A_563 = arith.constant 112 : i32
      %add3A_564 = arith.addi %mul3A_453, %add3A_563 : i32
      %get3A_565 = arith.index_cast %add3A_564 : i32 to index
      %get3A_566 = tpu.vector_load %arg6[%get3A_565] {strides = array<i32>} : memref<8960xf32, #tpu.memory_space<vmem>>, vector<16xf32>,
      %bitcast3A_567 = vector.bitcast %get3A_566 : vector<16xf32> to vector<16xi32>
      %lt3A_568 = arith.constant 0 : i32
      %lt3A_569 = vector.broadcast %lt3A_568 : i32 to vector<16xi32>
      %lt3A_570 = arith.cmpi slt, %bitcast3A_567, %lt3A_569 : vector<16xi32>
      %xor3A_571 = arith.constant 2147483647 : i32
      %xor3A_572 = vector.broadcast %xor3A_571 : i32 to vector<16xi32>
      %xor3A_573 = arith.xori %bitcast3A_567, %xor3A_572 : vector<16xi32>
      %select_n3A_574 = arith.select %lt3A_570, %xor3A_573, %bitcast3A_567 : vector<16xi1>, vector<16xi32>
      %add3A_575 = arith.constant 112 : i32
      %add3A_576 = arith.addi %mul3A_453, %add3A_575 : i32
      %swap3A_577 = arith.index_cast %add3A_576 : i32 to index
      %swap3A_578 = tpu.vector_load %arg5[%swap3A_577] {strides = array<i32>} : memref<8960xi32, #tpu.memory_space<vmem>>, vector<16xi32>,
      tpu.vector_store %arg5[%swap3A_577], %select_n3A_574 {strides = array<i32>} : memref<8960xi32, #tpu.memory_space<vmem>>, vector<16xi32>,
    }
    %scan3A_12 = arith.constant 70 : i32
    %broadcast_in_dim3A = arith.constant 0 : i32
    %broadcast_in_dim3A_13 = vector.broadcast %broadcast_in_dim3A : i32 to vector<16xi32>
    %broadcast_in_dim3A_14 = arith.constant 0 : i32
    %broadcast_in_dim3A_15 = vector.broadcast %broadcast_in_dim3A_14 : i32 to vector<16xi32>
    %scan3A_16 = arith.constant 0 : i32
    %scan3A_17 = arith.constant 70 : i32
    %scan3A_18 = arith.addi %scan3A_16, %scan3A_17 : i32
    %scan3A_19 = arith.constant 1 : i32
    %scan3A_20 = scf.for %scan3A_451 = %scan3A_16 to %scan3A_18 step %scan3A_19 iter_args(%scan3A_452 = %broadcast_in_dim3A_15) -> (vector<16xi32>)  : i32 {
      %mul3A_453 = arith.constant 128 : i32
      %mul3A_454 = arith.muli %scan3A_451, %mul3A_453 : i32
      %add3A_455 = arith.constant 0 : i32
      %add3A_456 = arith.addi %mul3A_454, %add3A_455 : i32
      %get3A_457 = arith.index_cast %add3A_456 : i32 to index
      %get3A_458 = tpu.vector_load %arg5[%get3A_457] {strides = array<i32>} : memref<8960xi32, #tpu.memory_space<vmem>>, vector<16xi32>,
      %ge3A_459 = arith.cmpi sge, %get3A_458, %broadcast_in_dim3A_13 : vector<16xi32>
      %all_reduce_population_count3A = tpu.all_reduce %ge3A_459 {dim = 0 : i64, kind = #tpu.reduction_kind<sum>} : vector<16xi1> -> vector<16xi32>
      %add3A_460 = arith.addi %scan3A_452, %all_reduce_population_count3A : vector<16xi32>
      %add3A_461 = arith.constant 16 : i32
      %add3A_462 = arith.addi %mul3A_454, %add3A_461 : i32
      %get3A_463 = arith.index_cast %add3A_462 : i32 to index
      %get3A_464 = tpu.vector_load %arg5[%get3A_463] {strides = array<i32>} : memref<8960xi32, #tpu.memory_space<vmem>>, vector<16xi32>,
      %ge3A_465 = arith.cmpi sge, %get3A_464, %broadcast_in_dim3A_13 : vector<16xi32>
      %all_reduce_population_count3A_466 = tpu.all_reduce %ge3A_465 {dim = 0 : i64, kind = #tpu.reduction_kind<sum>} : vector<16xi1> -> vector<16xi32>
      %add3A_467 = arith.addi %add3A_460, %all_reduce_population_count3A_466 : vector<16xi32>
      %add3A_468 = arith.constant 32 : i32
      %add3A_469 = arith.addi %mul3A_454, %add3A_468 : i32
      %get3A_470 = arith.index_cast %add3A_469 : i32 to index
      %get3A_471 = tpu.vector_load %arg5[%get3A_470] {strides = array<i32>} : memref<8960xi32, #tpu.memory_space<vmem>>, vector<16xi32>,
      %ge3A_472 = arith.cmpi sge, %get3A_471, %broadcast_in_dim3A_13 : vector<16xi32>
      %all_reduce_population_count3A_473 = tpu.all_reduce %ge3A_472 {dim = 0 : i64, kind = #tpu.reduction_kind<sum>} : vector<16xi1> -> vector<16xi32>
      %add3A_474 = arith.addi %add3A_467, %all_reduce_population_count3A_473 : vector<16xi32>
      %add3A_475 = arith.constant 48 : i32
      %add3A_476 = arith.addi %mul3A_454, %add3A_475 : i32
      %get3A_477 = arith.index_cast %add3A_476 : i32 to index
      %get3A_478 = tpu.vector_load %arg5[%get3A_477] {strides = array<i32>} : memref<8960xi32, #tpu.memory_space<vmem>>, vector<16xi32>,
      %ge3A_479 = arith.cmpi sge, %get3A_478, %broadcast_in_dim3A_13 : vector<16xi32>
      %all_reduce_population_count3A_480 = tpu.all_reduce %ge3A_479 {dim = 0 : i64, kind = #tpu.reduction_kind<sum>} : vector<16xi1> -> vector<16xi32>
      %add3A_481 = arith.addi %add3A_474, %all_reduce_population_count3A_480 : vector<16xi32>
      %add3A_482 = arith.constant 64 : i32
      %add3A_483 = arith.addi %mul3A_454, %add3A_482 : i32
      %get3A_484 = arith.index_cast %add3A_483 : i32 to index
      %get3A_485 = tpu.vector_load %arg5[%get3A_484] {strides = array<i32>} : memref<8960xi32, #tpu.memory_space<vmem>>, vector<16xi32>,
      %ge3A_486 = arith.cmpi sge, %get3A_485, %broadcast_in_dim3A_13 : vector<16xi32>
      %all_reduce_population_count3A_487 = tpu.all_reduce %ge3A_486 {dim = 0 : i64, kind = #tpu.reduction_kind<sum>} : vector<16xi1> -> vector<16xi32>
      %add3A_488 = arith.addi %add3A_481, %all_reduce_population_count3A_487 : vector<16xi32>
      %add3A_489 = arith.constant 80 : i32
      %add3A_490 = arith.addi %mul3A_454, %add3A_489 : i32
      %get3A_491 = arith.index_cast %add3A_490 : i32 to index
      %get3A_492 = tpu.vector_load %arg5[%get3A_491] {strides = array<i32>} : memref<8960xi32, #tpu.memory_space<vmem>>, vector<16xi32>,
      %ge3A_493 = arith.cmpi sge, %get3A_492, %broadcast_in_dim3A_13 : vector<16xi32>
      %all_reduce_population_count3A_494 = tpu.all_reduce %ge3A_493 {dim = 0 : i64, kind = #tpu.reduction_kind<sum>} : vector<16xi1> -> vector<16xi32>
      %add3A_495 = arith.addi %add3A_488, %all_reduce_population_count3A_494 : vector<16xi32>
      %add3A_496 = arith.constant 96 : i32
      %add3A_497 = arith.addi %mul3A_454, %add3A_496 : i32
      %get3A_498 = arith.index_cast %add3A_497 : i32 to index
      %get3A_499 = tpu.vector_load %arg5[%get3A_498] {strides = array<i32>} : memref<8960xi32, #tpu.memory_space<vmem>>, vector<16xi32>,
      %ge3A_500 = arith.cmpi sge, %get3A_499, %broadcast_in_dim3A_13 : vector<16xi32>
      %all_reduce_population_count3A_501 = tpu.all_reduce %ge3A_500 {dim = 0 : i64, kind = #tpu.reduction_kind<sum>} : vector<16xi1> -> vector<16xi32>
      %add3A_502 = arith.addi %add3A_495, %all_reduce_population_count3A_501 : vector<16xi32>
      %add3A_503 = arith.constant 112 : i32
      %add3A_504 = arith.addi %mul3A_454, %add3A_503 : i32
      %get3A_505 = arith.index_cast %add3A_504 : i32 to index
      %get3A_506 = tpu.vector_load %arg5[%get3A_505] {strides = array<i32>} : memref<8960xi32, #tpu.memory_space<vmem>>, vector<16xi32>,
      %ge3A_507 = arith.cmpi sge, %get3A_506, %broadcast_in_dim3A_13 : vector<16xi32>
      %all_reduce_population_count3A_508 = tpu.all_reduce %ge3A_507 {dim = 0 : i64, kind = #tpu.reduction_kind<sum>} : vector<16xi1> -> vector<16xi32>
      %add3A_509 = arith.addi %add3A_502, %all_reduce_population_count3A_508 : vector<16xi32>
      scf.yield %add3A_509 : vector<16xi32>
    }
    %scan3A_21 = arith.constant 70 : i32
    %ge3A = arith.cmpi sge, %scan3A_20, %convert_element_type3A : vector<16xi32>
    %jit3A = arith.constant 0 : i32
    %jit3A_22 = arith.constant -2147483648 : i32
    %broadcast_in_dim3A_23 = vector.broadcast %jit3A : i32 to vector<16xi32>
    %broadcast_in_dim3A_24 = vector.broadcast %jit3A_22 : i32 to vector<16xi32>
    %select_n3A = arith.select %ge3A, %broadcast_in_dim3A_23, %broadcast_in_dim3A_24 : vector<16xi1>, vector<16xi32>
    %or3A = arith.constant 1073741824 : i32
    %or3A_25 = vector.broadcast %or3A : i32 to vector<16xi32>
    %or3A_26 = arith.ori %select_n3A, %or3A_25 : vector<16xi32>
    %broadcast_in_dim3A_27 = arith.constant 0 : i32
    %broadcast_in_dim3A_28 = vector.broadcast %broadcast_in_dim3A_27 : i32 to vector<16xi32>
    %scan3A_29 = arith.constant 0 : i32
    %scan3A_30 = arith.constant 70 : i32
    %scan3A_31 = arith.addi %scan3A_29, %scan3A_30 : i32
    %scan3A_32 = arith.constant 1 : i32
    %scan3A_33 = scf.for %scan3A_451 = %scan3A_29 to %scan3A_31 step %scan3A_32 iter_args(%scan3A_452 = %broadcast_in_dim3A_28) -> (vector<16xi32>)  : i32 {
      %mul3A_453 = arith.constant 128 : i32
      %mul3A_454 = arith.muli %scan3A_451, %mul3A_453 : i32
      %add3A_455 = arith.constant 0 : i32
      %add3A_456 = arith.addi %mul3A_454, %add3A_455 : i32
      %get3A_457 = arith.index_cast %add3A_456 : i32 to index
      %get3A_458 = tpu.vector_load %arg5[%get3A_457] {strides = array<i32>} : memref<8960xi32, #tpu.memory_space<vmem>>, vector<16xi32>,
      %ge3A_459 = arith.cmpi sge, %get3A_458, %or3A_26 : vector<16xi32>
      %all_reduce_population_count3A = tpu.all_reduce %ge3A_459 {dim = 0 : i64, kind = #tpu.reduction_kind<sum>} : vector<16xi1> -> vector<16xi32>
      %add3A_460 = arith.addi %scan3A_452, %all_reduce_population_count3A : vector<16xi32>
      %add3A_461 = arith.constant 16 : i32
      %add3A_462 = arith.addi %mul3A_454, %add3A_461 : i32
      %get3A_463 = arith.index_cast %add3A_462 : i32 to index
      %get3A_464 = tpu.vector_load %arg5[%get3A_463] {strides = array<i32>} : memref<8960xi32, #tpu.memory_space<vmem>>, vector<16xi32>,
      %ge3A_465 = arith.cmpi sge, %get3A_464, %or3A_26 : vector<16xi32>
      %all_reduce_population_count3A_466 = tpu.all_reduce %ge3A_465 {dim = 0 : i64, kind = #tpu.reduction_kind<sum>} : vector<16xi1> -> vector<16xi32>
      %add3A_467 = arith.addi %add3A_460, %all_reduce_population_count3A_466 : vector<16xi32>
      %add3A_468 = arith.constant 32 : i32
      %add3A_469 = arith.addi %mul3A_454, %add3A_468 : i32
      %get3A_470 = arith.index_cast %add3A_469 : i32 to index
      %get3A_471 = tpu.vector_load %arg5[%get3A_470] {strides = array<i32>} : memref<8960xi32, #tpu.memory_space<vmem>>, vector<16xi32>,
      %ge3A_472 = arith.cmpi sge, %get3A_471, %or3A_26 : vector<16xi32>
      %all_reduce_population_count3A_473 = tpu.all_reduce %ge3A_472 {dim = 0 : i64, kind = #tpu.reduction_kind<sum>} : vector<16xi1> -> vector<16xi32>
      %add3A_474 = arith.addi %add3A_467, %all_reduce_population_count3A_473 : vector<16xi32>
      %add3A_475 = arith.constant 48 : i32
      %add3A_476 = arith.addi %mul3A_454, %add3A_475 : i32
      %get3A_477 = arith.index_cast %add3A_476 : i32 to index
      %get3A_478 = tpu.vector_load %arg5[%get3A_477] {strides = array<i32>} : memref<8960xi32, #tpu.memory_space<vmem>>, vector<16xi32>,
      %ge3A_479 = arith.cmpi sge, %get3A_478, %or3A_26 : vector<16xi32>
      %all_reduce_population_count3A_480 = tpu.all_reduce %ge3A_479 {dim = 0 : i64, kind = #tpu.reduction_kind<sum>} : vector<16xi1> -> vector<16xi32>
      %add3A_481 = arith.addi %add3A_474, %all_reduce_population_count3A_480 : vector<16xi32>
      %add3A_482 = arith.constant 64 : i32
      %add3A_483 = arith.addi %mul3A_454, %add3A_482 : i32
      %get3A_484 = arith.index_cast %add3A_483 : i32 to index
      %get3A_485 = tpu.vector_load %arg5[%get3A_484] {strides = array<i32>} : memref<8960xi32, #tpu.memory_space<vmem>>, vector<16xi32>,
      %ge3A_486 = arith.cmpi sge, %get3A_485, %or3A_26 : vector<16xi32>
      %all_reduce_population_count3A_487 = tpu.all_reduce %ge3A_486 {dim = 0 : i64, kind = #tpu.reduction_kind<sum>} : vector<16xi1> -> vector<16xi32>
      %add3A_488 = arith.addi %add3A_481, %all_reduce_population_count3A_487 : vector<16xi32>
      %add3A_489 = arith.constant 80 : i32
      %add3A_490 = arith.addi %mul3A_454, %add3A_489 : i32
      %get3A_491 = arith.index_cast %add3A_490 : i32 to index
      %get3A_492 = tpu.vector_load %arg5[%get3A_491] {strides = array<i32>} : memref<8960xi32, #tpu.memory_space<vmem>>, vector<16xi32>,
      %ge3A_493 = arith.cmpi sge, %get3A_492, %or3A_26 : vector<16xi32>
      %all_reduce_population_count3A_494 = tpu.all_reduce %ge3A_493 {dim = 0 : i64, kind = #tpu.reduction_kind<sum>} : vector<16xi1> -> vector<16xi32>
      %add3A_495 = arith.addi %add3A_488, %all_reduce_population_count3A_494 : vector<16xi32>
      %add3A_496 = arith.constant 96 : i32
      %add3A_497 = arith.addi %mul3A_454, %add3A_496 : i32
      %get3A_498 = arith.index_cast %add3A_497 : i32 to index
      %get3A_499 = tpu.vector_load %arg5[%get3A_498] {strides = array<i32>} : memref<8960xi32, #tpu.memory_space<vmem>>, vector<16xi32>,
      %ge3A_500 = arith.cmpi sge, %get3A_499, %or3A_26 : vector<16xi32>
      %all_reduce_population_count3A_501 = tpu.all_reduce %ge3A_500 {dim = 0 : i64, kind = #tpu.reduction_kind<sum>} : vector<16xi1> -> vector<16xi32>
      %add3A_502 = arith.addi %add3A_495, %all_reduce_population_count3A_501 : vector<16xi32>
      %add3A_503 = arith.constant 112 : i32
      %add3A_504 = arith.addi %mul3A_454, %add3A_503 : i32
      %get3A_505 = arith.index_cast %add3A_504 : i32 to index
      %get3A_506 = tpu.vector_load %arg5[%get3A_505] {strides = array<i32>} : memref<8960xi32, #tpu.memory_space<vmem>>, vector<16xi32>,
      %ge3A_507 = arith.cmpi sge, %get3A_506, %or3A_26 : vector<16xi32>
      %all_reduce_population_count3A_508 = tpu.all_reduce %ge3A_507 {dim = 0 : i64, kind = #tpu.reduction_kind<sum>} : vector<16xi1> -> vector<16xi32>
      %add3A_509 = arith.addi %add3A_502, %all_reduce_population_count3A_508 : vector<16xi32>
      scf.yield %add3A_509 : vector<16xi32>
    }
    %scan3A_34 = arith.constant 70 : i32
    %ge3A_35 = arith.cmpi sge, %scan3A_33, %convert_element_type3A : vector<16xi32>
    %select_n3A_36 = arith.select %ge3A_35, %or3A_26, %select_n3A : vector<16xi1>, vector<16xi32>
    %or3A_37 = arith.constant 536870912 : i32
    %or3A_38 = vector.broadcast %or3A_37 : i32 to vector<16xi32>
    %or3A_39 = arith.ori %select_n3A_36, %or3A_38 : vector<16xi32>
    %broadcast_in_dim3A_40 = arith.constant 0 : i32
    %broadcast_in_dim3A_41 = vector.broadcast %broadcast_in_dim3A_40 : i32 to vector<16xi32>
    %scan3A_42 = arith.constant 0 : i32
    %scan3A_43 = arith.constant 70 : i32
    %scan3A_44 = arith.addi %scan3A_42, %scan3A_43 : i32
    %scan3A_45 = arith.constant 1 : i32
    %scan3A_46 = scf.for %scan3A_451 = %scan3A_42 to %scan3A_44 step %scan3A_45 iter_args(%scan3A_452 = %broadcast_in_dim3A_41) -> (vector<16xi32>)  : i32 {
      %mul3A_453 = arith.constant 128 : i32
      %mul3A_454 = arith.muli %scan3A_451, %mul3A_453 : i32
      %add3A_455 = arith.constant 0 : i32
      %add3A_456 = arith.addi %mul3A_454, %add3A_455 : i32
      %get3A_457 = arith.index_cast %add3A_456 : i32 to index
      %get3A_458 = tpu.vector_load %arg5[%get3A_457] {strides = array<i32>} : memref<8960xi32, #tpu.memory_space<vmem>>, vector<16xi32>,
      %ge3A_459 = arith.cmpi sge, %get3A_458, %or3A_39 : vector<16xi32>
      %all_reduce_population_count3A = tpu.all_reduce %ge3A_459 {dim = 0 : i64, kind = #tpu.reduction_kind<sum>} : vector<16xi1> -> vector<16xi32>
      %add3A_460 = arith.addi %scan3A_452, %all_reduce_population_count3A : vector<16xi32>
      %add3A_461 = arith.constant 16 : i32
      %add3A_462 = arith.addi %mul3A_454, %add3A_461 : i32
      %get3A_463 = arith.index_cast %add3A_462 : i32 to index
      %get3A_464 = tpu.vector_load %arg5[%get3A_463] {strides = array<i32>} : memref<8960xi32, #tpu.memory_space<vmem>>, vector<16xi32>,
      %ge3A_465 = arith.cmpi sge, %get3A_464, %or3A_39 : vector<16xi32>
      %all_reduce_population_count3A_466 = tpu.all_reduce %ge3A_465 {dim = 0 : i64, kind = #tpu.reduction_kind<sum>} : vector<16xi1> -> vector<16xi32>
      %add3A_467 = arith.addi %add3A_460, %all_reduce_population_count3A_466 : vector<16xi32>
      %add3A_468 = arith.constant 32 : i32
      %add3A_469 = arith.addi %mul3A_454, %add3A_468 : i32
      %get3A_470 = arith.index_cast %add3A_469 : i32 to index
      %get3A_471 = tpu.vector_load %arg5[%get3A_470] {strides = array<i32>} : memref<8960xi32, #tpu.memory_space<vmem>>, vector<16xi32>,
      %ge3A_472 = arith.cmpi sge, %get3A_471, %or3A_39 : vector<16xi32>
      %all_reduce_population_count3A_473 = tpu.all_reduce %ge3A_472 {dim = 0 : i64, kind = #tpu.reduction_kind<sum>} : vector<16xi1> -> vector<16xi32>
      %add3A_474 = arith.addi %add3A_467, %all_reduce_population_count3A_473 : vector<16xi32>
      %add3A_475 = arith.constant 48 : i32
      %add3A_476 = arith.addi %mul3A_454, %add3A_475 : i32
      %get3A_477 = arith.index_cast %add3A_476 : i32 to index
      %get3A_478 = tpu.vector_load %arg5[%get3A_477] {strides = array<i32>} : memref<8960xi32, #tpu.memory_space<vmem>>, vector<16xi32>,
      %ge3A_479 = arith.cmpi sge, %get3A_478, %or3A_39 : vector<16xi32>
      %all_reduce_population_count3A_480 = tpu.all_reduce %ge3A_479 {dim = 0 : i64, kind = #tpu.reduction_kind<sum>} : vector<16xi1> -> vector<16xi32>
      %add3A_481 = arith.addi %add3A_474, %all_reduce_population_count3A_480 : vector<16xi32>
      %add3A_482 = arith.constant 64 : i32
      %add3A_483 = arith.addi %mul3A_454, %add3A_482 : i32
      %get3A_484 = arith.index_cast %add3A_483 : i32 to index
      %get3A_485 = tpu.vector_load %arg5[%get3A_484] {strides = array<i32>} : memref<8960xi32, #tpu.memory_space<vmem>>, vector<16xi32>,
      %ge3A_486 = arith.cmpi sge, %get3A_485, %or3A_39 : vector<16xi32>
      %all_reduce_population_count3A_487 = tpu.all_reduce %ge3A_486 {dim = 0 : i64, kind = #tpu.reduction_kind<sum>} : vector<16xi1> -> vector<16xi32>
      %add3A_488 = arith.addi %add3A_481, %all_reduce_population_count3A_487 : vector<16xi32>
      %add3A_489 = arith.constant 80 : i32
      %add3A_490 = arith.addi %mul3A_454, %add3A_489 : i32
      %get3A_491 = arith.index_cast %add3A_490 : i32 to index
      %get3A_492 = tpu.vector_load %arg5[%get3A_491] {strides = array<i32>} : memref<8960xi32, #tpu.memory_space<vmem>>, vector<16xi32>,
      %ge3A_493 = arith.cmpi sge, %get3A_492, %or3A_39 : vector<16xi32>
      %all_reduce_population_count3A_494 = tpu.all_reduce %ge3A_493 {dim = 0 : i64, kind = #tpu.reduction_kind<sum>} : vector<16xi1> -> vector<16xi32>
      %add3A_495 = arith.addi %add3A_488, %all_reduce_population_count3A_494 : vector<16xi32>
      %add3A_496 = arith.constant 96 : i32
      %add3A_497 = arith.addi %mul3A_454, %add3A_496 : i32
      %get3A_498 = arith.index_cast %add3A_497 : i32 to index
      %get3A_499 = tpu.vector_load %arg5[%get3A_498] {strides = array<i32>} : memref<8960xi32, #tpu.memory_space<vmem>>, vector<16xi32>,
      %ge3A_500 = arith.cmpi sge, %get3A_499, %or3A_39 : vector<16xi32>
      %all_reduce_population_count3A_501 = tpu.all_reduce %ge3A_500 {dim = 0 : i64, kind = #tpu.reduction_kind<sum>} : vector<16xi1> -> vector<16xi32>
      %add3A_502 = arith.addi %add3A_495, %all_reduce_population_count3A_501 : vector<16xi32>
      %add3A_503 = arith.constant 112 : i32
      %add3A_504 = arith.addi %mul3A_454, %add3A_503 : i32
      %get3A_505 = arith.index_cast %add3A_504 : i32 to index
      %get3A_506 = tpu.vector_load %arg5[%get3A_505] {strides = array<i32>} : memref<8960xi32, #tpu.memory_space<vmem>>, vector<16xi32>,
      %ge3A_507 = arith.cmpi sge, %get3A_506, %or3A_39 : vector<16xi32>
      %all_reduce_population_count3A_508 = tpu.all_reduce %ge3A_507 {dim = 0 : i64, kind = #tpu.reduction_kind<sum>} : vector<16xi1> -> vector<16xi32>
      %add3A_509 = arith.addi %add3A_502, %all_reduce_population_count3A_508 : vector<16xi32>
      scf.yield %add3A_509 : vector<16xi32>
    }
    %scan3A_47 = arith.constant 70 : i32
    %ge3A_48 = arith.cmpi sge, %scan3A_46, %convert_element_type3A : vector<16xi32>
    %select_n3A_49 = arith.select %ge3A_48, %or3A_39, %select_n3A_36 : vector<16xi1>, vector<16xi32>
    %or3A_50 = arith.constant 268435456 : i32
    %or3A_51 = vector.broadcast %or3A_50 : i32 to vector<16xi32>
    %or3A_52 = arith.ori %select_n3A_49, %or3A_51 : vector<16xi32>
    %broadcast_in_dim3A_53 = arith.constant 0 : i32
    %broadcast_in_dim3A_54 = vector.broadcast %broadcast_in_dim3A_53 : i32 to vector<16xi32>
    %scan3A_55 = arith.constant 0 : i32
    %scan3A_56 = arith.constant 70 : i32
    %scan3A_57 = arith.addi %scan3A_55, %scan3A_56 : i32
    %scan3A_58 = arith.constant 1 : i32
    %scan3A_59 = scf.for %scan3A_451 = %scan3A_55 to %scan3A_57 step %scan3A_58 iter_args(%scan3A_452 = %broadcast_in_dim3A_54) -> (vector<16xi32>)  : i32 {
      %mul3A_453 = arith.constant 128 : i32
      %mul3A_454 = arith.muli %scan3A_451, %mul3A_453 : i32
      %add3A_455 = arith.constant 0 : i32
      %add3A_456 = arith.addi %mul3A_454, %add3A_455 : i32
      %get3A_457 = arith.index_cast %add3A_456 : i32 to index
      %get3A_458 = tpu.vector_load %arg5[%get3A_457] {strides = array<i32>} : memref<8960xi32, #tpu.memory_space<vmem>>, vector<16xi32>,
      %ge3A_459 = arith.cmpi sge, %get3A_458, %or3A_52 : vector<16xi32>
      %all_reduce_population_count3A = tpu.all_reduce %ge3A_459 {dim = 0 : i64, kind = #tpu.reduction_kind<sum>} : vector<16xi1> -> vector<16xi32>
      %add3A_460 = arith.addi %scan3A_452, %all_reduce_population_count3A : vector<16xi32>
      %add3A_461 = arith.constant 16 : i32
      %add3A_462 = arith.addi %mul3A_454, %add3A_461 : i32
      %get3A_463 = arith.index_cast %add3A_462 : i32 to index
      %get3A_464 = tpu.vector_load %arg5[%get3A_463] {strides = array<i32>} : memref<8960xi32, #tpu.memory_space<vmem>>, vector<16xi32>,
      %ge3A_465 = arith.cmpi sge, %get3A_464, %or3A_52 : vector<16xi32>
      %all_reduce_population_count3A_466 = tpu.all_reduce %ge3A_465 {dim = 0 : i64, kind = #tpu.reduction_kind<sum>} : vector<16xi1> -> vector<16xi32>
      %add3A_467 = arith.addi %add3A_460, %all_reduce_population_count3A_466 : vector<16xi32>
      %add3A_468 = arith.constant 32 : i32
      %add3A_469 = arith.addi %mul3A_454, %add3A_468 : i32
      %get3A_470 = arith.index_cast %add3A_469 : i32 to index
      %get3A_471 = tpu.vector_load %arg5[%get3A_470] {strides = array<i32>} : memref<8960xi32, #tpu.memory_space<vmem>>, vector<16xi32>,
      %ge3A_472 = arith.cmpi sge, %get3A_471, %or3A_52 : vector<16xi32>
      %all_reduce_population_count3A_473 = tpu.all_reduce %ge3A_472 {dim = 0 : i64, kind = #tpu.reduction_kind<sum>} : vector<16xi1> -> vector<16xi32>
      %add3A_474 = arith.addi %add3A_467, %all_reduce_population_count3A_473 : vector<16xi32>
      %add3A_475 = arith.constant 48 : i32
      %add3A_476 = arith.addi %mul3A_454, %add3A_475 : i32
      %get3A_477 = arith.index_cast %add3A_476 : i32 to index
      %get3A_478 = tpu.vector_load %arg5[%get3A_477] {strides = array<i32>} : memref<8960xi32, #tpu.memory_space<vmem>>, vector<16xi32>,
      %ge3A_479 = arith.cmpi sge, %get3A_478, %or3A_52 : vector<16xi32>
      %all_reduce_population_count3A_480 = tpu.all_reduce %ge3A_479 {dim = 0 : i64, kind = #tpu.reduction_kind<sum>} : vector<16xi1> -> vector<16xi32>
      %add3A_481 = arith.addi %add3A_474, %all_reduce_population_count3A_480 : vector<16xi32>
      %add3A_482 = arith.constant 64 : i32
      %add3A_483 = arith.addi %mul3A_454, %add3A_482 : i32
      %get3A_484 = arith.index_cast %add3A_483 : i32 to index
      %get3A_485 = tpu.vector_load %arg5[%get3A_484] {strides = array<i32>} : memref<8960xi32, #tpu.memory_space<vmem>>, vector<16xi32>,
      %ge3A_486 = arith.cmpi sge, %get3A_485, %or3A_52 : vector<16xi32>
      %all_reduce_population_count3A_487 = tpu.all_reduce %ge3A_486 {dim = 0 : i64, kind = #tpu.reduction_kind<sum>} : vector<16xi1> -> vector<16xi32>
      %add3A_488 = arith.addi %add3A_481, %all_reduce_population_count3A_487 : vector<16xi32>
      %add3A_489 = arith.constant 80 : i32
      %add3A_490 = arith.addi %mul3A_454, %add3A_489 : i32
      %get3A_491 = arith.index_cast %add3A_490 : i32 to index
      %get3A_492 = tpu.vector_load %arg5[%get3A_491] {strides = array<i32>} : memref<8960xi32, #tpu.memory_space<vmem>>, vector<16xi32>,
      %ge3A_493 = arith.cmpi sge, %get3A_492, %or3A_52 : vector<16xi32>
      %all_reduce_population_count3A_494 = tpu.all_reduce %ge3A_493 {dim = 0 : i64, kind = #tpu.reduction_kind<sum>} : vector<16xi1> -> vector<16xi32>
      %add3A_495 = arith.addi %add3A_488, %all_reduce_population_count3A_494 : vector<16xi32>
      %add3A_496 = arith.constant 96 : i32
      %add3A_497 = arith.addi %mul3A_454, %add3A_496 : i32
      %get3A_498 = arith.index_cast %add3A_497 : i32 to index
      %get3A_499 = tpu.vector_load %arg5[%get3A_498] {strides = array<i32>} : memref<8960xi32, #tpu.memory_space<vmem>>, vector<16xi32>,
      %ge3A_500 = arith.cmpi sge, %get3A_499, %or3A_52 : vector<16xi32>
      %all_reduce_population_count3A_501 = tpu.all_reduce %ge3A_500 {dim = 0 : i64, kind = #tpu.reduction_kind<sum>} : vector<16xi1> -> vector<16xi32>
      %add3A_502 = arith.addi %add3A_495, %all_reduce_population_count3A_501 : vector<16xi32>
      %add3A_503 = arith.constant 112 : i32
      %add3A_504 = arith.addi %mul3A_454, %add3A_503 : i32
      %get3A_505 = arith.index_cast %add3A_504 : i32 to index
      %get3A_506 = tpu.vector_load %arg5[%get3A_505] {strides = array<i32>} : memref<8960xi32, #tpu.memory_space<vmem>>, vector<16xi32>,
      %ge3A_507 = arith.cmpi sge, %get3A_506, %or3A_52 : vector<16xi32>
      %all_reduce_population_count3A_508 = tpu.all_reduce %ge3A_507 {dim = 0 : i64, kind = #tpu.reduction_kind<sum>} : vector<16xi1> -> vector<16xi32>
      %add3A_509 = arith.addi %add3A_502, %all_reduce_population_count3A_508 : vector<16xi32>
      scf.yield %add3A_509 : vector<16xi32>
    }
    %scan3A_60 = arith.constant 70 : i32
    %ge3A_61 = arith.cmpi sge, %scan3A_59, %convert_element_type3A : vector<16xi32>
    %select_n3A_62 = arith.select %ge3A_61, %or3A_52, %select_n3A_49 : vector<16xi1>, vector<16xi32>
    %or3A_63 = arith.constant 134217728 : i32
    %or3A_64 = vector.broadcast %or3A_63 : i32 to vector<16xi32>
    %or3A_65 = arith.ori %select_n3A_62, %or3A_64 : vector<16xi32>
    %broadcast_in_dim3A_66 = arith.constant 0 : i32
    %broadcast_in_dim3A_67 = vector.broadcast %broadcast_in_dim3A_66 : i32 to vector<16xi32>
    %scan3A_68 = arith.constant 0 : i32
    %scan3A_69 = arith.constant 70 : i32
    %scan3A_70 = arith.addi %scan3A_68, %scan3A_69 : i32
    %scan3A_71 = arith.constant 1 : i32
    %scan3A_72 = scf.for %scan3A_451 = %scan3A_68 to %scan3A_70 step %scan3A_71 iter_args(%scan3A_452 = %broadcast_in_dim3A_67) -> (vector<16xi32>)  : i32 {
      %mul3A_453 = arith.constant 128 : i32
      %mul3A_454 = arith.muli %scan3A_451, %mul3A_453 : i32
      %add3A_455 = arith.constant 0 : i32
      %add3A_456 = arith.addi %mul3A_454, %add3A_455 : i32
      %get3A_457 = arith.index_cast %add3A_456 : i32 to index
      %get3A_458 = tpu.vector_load %arg5[%get3A_457] {strides = array<i32>} : memref<8960xi32, #tpu.memory_space<vmem>>, vector<16xi32>,
      %ge3A_459 = arith.cmpi sge, %get3A_458, %or3A_65 : vector<16xi32>
      %all_reduce_population_count3A = tpu.all_reduce %ge3A_459 {dim = 0 : i64, kind = #tpu.reduction_kind<sum>} : vector<16xi1> -> vector<16xi32>
      %add3A_460 = arith.addi %scan3A_452, %all_reduce_population_count3A : vector<16xi32>
      %add3A_461 = arith.constant 16 : i32
      %add3A_462 = arith.addi %mul3A_454, %add3A_461 : i32
      %get3A_463 = arith.index_cast %add3A_462 : i32 to index
      %get3A_464 = tpu.vector_load %arg5[%get3A_463] {strides = array<i32>} : memref<8960xi32, #tpu.memory_space<vmem>>, vector<16xi32>,
      %ge3A_465 = arith.cmpi sge, %get3A_464, %or3A_65 : vector<16xi32>
      %all_reduce_population_count3A_466 = tpu.all_reduce %ge3A_465 {dim = 0 : i64, kind = #tpu.reduction_kind<sum>} : vector<16xi1> -> vector<16xi32>
      %add3A_467 = arith.addi %add3A_460, %all_reduce_population_count3A_466 : vector<16xi32>
      %add3A_468 = arith.constant 32 : i32
      %add3A_469 = arith.addi %mul3A_454, %add3A_468 : i32
      %get3A_470 = arith.index_cast %add3A_469 : i32 to index
      %get3A_471 = tpu.vector_load %arg5[%get3A_470] {strides = array<i32>} : memref<8960xi32, #tpu.memory_space<vmem>>, vector<16xi32>,
      %ge3A_472 = arith.cmpi sge, %get3A_471, %or3A_65 : vector<16xi32>
      %all_reduce_population_count3A_473 = tpu.all_reduce %ge3A_472 {dim = 0 : i64, kind = #tpu.reduction_kind<sum>} : vector<16xi1> -> vector<16xi32>
      %add3A_474 = arith.addi %add3A_467, %all_reduce_population_count3A_473 : vector<16xi32>
      %add3A_475 = arith.constant 48 : i32
      %add3A_476 = arith.addi %mul3A_454, %add3A_475 : i32
      %get3A_477 = arith.index_cast %add3A_476 : i32 to index
      %get3A_478 = tpu.vector_load %arg5[%get3A_477] {strides = array<i32>} : memref<8960xi32, #tpu.memory_space<vmem>>, vector<16xi32>,
      %ge3A_479 = arith.cmpi sge, %get3A_478, %or3A_65 : vector<16xi32>
      %all_reduce_population_count3A_480 = tpu.all_reduce %ge3A_479 {dim = 0 : i64, kind = #tpu.reduction_kind<sum>} : vector<16xi1> -> vector<16xi32>
      %add3A_481 = arith.addi %add3A_474, %all_reduce_population_count3A_480 : vector<16xi32>
      %add3A_482 = arith.constant 64 : i32
      %add3A_483 = arith.addi %mul3A_454, %add3A_482 : i32
      %get3A_484 = arith.index_cast %add3A_483 : i32 to index
      %get3A_485 = tpu.vector_load %arg5[%get3A_484] {strides = array<i32>} : memref<8960xi32, #tpu.memory_space<vmem>>, vector<16xi32>,
      %ge3A_486 = arith.cmpi sge, %get3A_485, %or3A_65 : vector<16xi32>
      %all_reduce_population_count3A_487 = tpu.all_reduce %ge3A_486 {dim = 0 : i64, kind = #tpu.reduction_kind<sum>} : vector<16xi1> -> vector<16xi32>
      %add3A_488 = arith.addi %add3A_481, %all_reduce_population_count3A_487 : vector<16xi32>
      %add3A_489 = arith.constant 80 : i32
      %add3A_490 = arith.addi %mul3A_454, %add3A_489 : i32
      %get3A_491 = arith.index_cast %add3A_490 : i32 to index
      %get3A_492 = tpu.vector_load %arg5[%get3A_491] {strides = array<i32>} : memref<8960xi32, #tpu.memory_space<vmem>>, vector<16xi32>,
      %ge3A_493 = arith.cmpi sge, %get3A_492, %or3A_65 : vector<16xi32>
      %all_reduce_population_count3A_494 = tpu.all_reduce %ge3A_493 {dim = 0 : i64, kind = #tpu.reduction_kind<sum>} : vector<16xi1> -> vector<16xi32>
      %add3A_495 = arith.addi %add3A_488, %all_reduce_population_count3A_494 : vector<16xi32>
      %add3A_496 = arith.constant 96 : i32
      %add3A_497 = arith.addi %mul3A_454, %add3A_496 : i32
      %get3A_498 = arith.index_cast %add3A_497 : i32 to index
      %get3A_499 = tpu.vector_load %arg5[%get3A_498] {strides = array<i32>} : memref<8960xi32, #tpu.memory_space<vmem>>, vector<16xi32>,
      %ge3A_500 = arith.cmpi sge, %get3A_499, %or3A_65 : vector<16xi32>
      %all_reduce_population_count3A_501 = tpu.all_reduce %ge3A_500 {dim = 0 : i64, kind = #tpu.reduction_kind<sum>} : vector<16xi1> -> vector<16xi32>
      %add3A_502 = arith.addi %add3A_495, %all_reduce_population_count3A_501 : vector<16xi32>
      %add3A_503 = arith.constant 112 : i32
      %add3A_504 = arith.addi %mul3A_454, %add3A_503 : i32
      %get3A_505 = arith.index_cast %add3A_504 : i32 to index
      %get3A_506 = tpu.vector_load %arg5[%get3A_505] {strides = array<i32>} : memref<8960xi32, #tpu.memory_space<vmem>>, vector<16xi32>,
      %ge3A_507 = arith.cmpi sge, %get3A_506, %or3A_65 : vector<16xi32>
      %all_reduce_population_count3A_508 = tpu.all_reduce %ge3A_507 {dim = 0 : i64, kind = #tpu.reduction_kind<sum>} : vector<16xi1> -> vector<16xi32>
      %add3A_509 = arith.addi %add3A_502, %all_reduce_population_count3A_508 : vector<16xi32>
      scf.yield %add3A_509 : vector<16xi32>
    }
    %scan3A_73 = arith.constant 70 : i32
    %ge3A_74 = arith.cmpi sge, %scan3A_72, %convert_element_type3A : vector<16xi32>
    %select_n3A_75 = arith.select %ge3A_74, %or3A_65, %select_n3A_62 : vector<16xi1>, vector<16xi32>
    %or3A_76 = arith.constant 67108864 : i32
    %or3A_77 = vector.broadcast %or3A_76 : i32 to vector<16xi32>
    %or3A_78 = arith.ori %select_n3A_75, %or3A_77 : vector<16xi32>
    %broadcast_in_dim3A_79 = arith.constant 0 : i32
    %broadcast_in_dim3A_80 = vector.broadcast %broadcast_in_dim3A_79 : i32 to vector<16xi32>
    %scan3A_81 = arith.constant 0 : i32
    %scan3A_82 = arith.constant 70 : i32
    %scan3A_83 = arith.addi %scan3A_81, %scan3A_82 : i32
    %scan3A_84 = arith.constant 1 : i32
    %scan3A_85 = scf.for %scan3A_451 = %scan3A_81 to %scan3A_83 step %scan3A_84 iter_args(%scan3A_452 = %broadcast_in_dim3A_80) -> (vector<16xi32>)  : i32 {
      %mul3A_453 = arith.constant 128 : i32
      %mul3A_454 = arith.muli %scan3A_451, %mul3A_453 : i32
      %add3A_455 = arith.constant 0 : i32
      %add3A_456 = arith.addi %mul3A_454, %add3A_455 : i32
      %get3A_457 = arith.index_cast %add3A_456 : i32 to index
      %get3A_458 = tpu.vector_load %arg5[%get3A_457] {strides = array<i32>} : memref<8960xi32, #tpu.memory_space<vmem>>, vector<16xi32>,
      %ge3A_459 = arith.cmpi sge, %get3A_458, %or3A_78 : vector<16xi32>
      %all_reduce_population_count3A = tpu.all_reduce %ge3A_459 {dim = 0 : i64, kind = #tpu.reduction_kind<sum>} : vector<16xi1> -> vector<16xi32>
      %add3A_460 = arith.addi %scan3A_452, %all_reduce_population_count3A : vector<16xi32>
      %add3A_461 = arith.constant 16 : i32
      %add3A_462 = arith.addi %mul3A_454, %add3A_461 : i32
      %get3A_463 = arith.index_cast %add3A_462 : i32 to index
      %get3A_464 = tpu.vector_load %arg5[%get3A_463] {strides = array<i32>} : memref<8960xi32, #tpu.memory_space<vmem>>, vector<16xi32>,
      %ge3A_465 = arith.cmpi sge, %get3A_464, %or3A_78 : vector<16xi32>
      %all_reduce_population_count3A_466 = tpu.all_reduce %ge3A_465 {dim = 0 : i64, kind = #tpu.reduction_kind<sum>} : vector<16xi1> -> vector<16xi32>
      %add3A_467 = arith.addi %add3A_460, %all_reduce_population_count3A_466 : vector<16xi32>
      %add3A_468 = arith.constant 32 : i32
      %add3A_469 = arith.addi %mul3A_454, %add3A_468 : i32
      %get3A_470 = arith.index_cast %add3A_469 : i32 to index
      %get3A_471 = tpu.vector_load %arg5[%get3A_470] {strides = array<i32>} : memref<8960xi32, #tpu.memory_space<vmem>>, vector<16xi32>,
      %ge3A_472 = arith.cmpi sge, %get3A_471, %or3A_78 : vector<16xi32>
      %all_reduce_population_count3A_473 = tpu.all_reduce %ge3A_472 {dim = 0 : i64, kind = #tpu.reduction_kind<sum>} : vector<16xi1> -> vector<16xi32>
      %add3A_474 = arith.addi %add3A_467, %all_reduce_population_count3A_473 : vector<16xi32>
      %add3A_475 = arith.constant 48 : i32
      %add3A_476 = arith.addi %mul3A_454, %add3A_475 : i32
      %get3A_477 = arith.index_cast %add3A_476 : i32 to index
      %get3A_478 = tpu.vector_load %arg5[%get3A_477] {strides = array<i32>} : memref<8960xi32, #tpu.memory_space<vmem>>, vector<16xi32>,
      %ge3A_479 = arith.cmpi sge, %get3A_478, %or3A_78 : vector<16xi32>
      %all_reduce_population_count3A_480 = tpu.all_reduce %ge3A_479 {dim = 0 : i64, kind = #tpu.reduction_kind<sum>} : vector<16xi1> -> vector<16xi32>
      %add3A_481 = arith.addi %add3A_474, %all_reduce_population_count3A_480 : vector<16xi32>
      %add3A_482 = arith.constant 64 : i32
      %add3A_483 = arith.addi %mul3A_454, %add3A_482 : i32
      %get3A_484 = arith.index_cast %add3A_483 : i32 to index
      %get3A_485 = tpu.vector_load %arg5[%get3A_484] {strides = array<i32>} : memref<8960xi32, #tpu.memory_space<vmem>>, vector<16xi32>,
      %ge3A_486 = arith.cmpi sge, %get3A_485, %or3A_78 : vector<16xi32>
      %all_reduce_population_count3A_487 = tpu.all_reduce %ge3A_486 {dim = 0 : i64, kind = #tpu.reduction_kind<sum>} : vector<16xi1> -> vector<16xi32>
      %add3A_488 = arith.addi %add3A_481, %all_reduce_population_count3A_487 : vector<16xi32>
      %add3A_489 = arith.constant 80 : i32
      %add3A_490 = arith.addi %mul3A_454, %add3A_489 : i32
      %get3A_491 = arith.index_cast %add3A_490 : i32 to index
      %get3A_492 = tpu.vector_load %arg5[%get3A_491] {strides = array<i32>} : memref<8960xi32, #tpu.memory_space<vmem>>, vector<16xi32>,
      %ge3A_493 = arith.cmpi sge, %get3A_492, %or3A_78 : vector<16xi32>
      %all_reduce_population_count3A_494 = tpu.all_reduce %ge3A_493 {dim = 0 : i64, kind = #tpu.reduction_kind<sum>} : vector<16xi1> -> vector<16xi32>
      %add3A_495 = arith.addi %add3A_488, %all_reduce_population_count3A_494 : vector<16xi32>
      %add3A_496 = arith.constant 96 : i32
      %add3A_497 = arith.addi %mul3A_454, %add3A_496 : i32
      %get3A_498 = arith.index_cast %add3A_497 : i32 to index
      %get3A_499 = tpu.vector_load %arg5[%get3A_498] {strides = array<i32>} : memref<8960xi32, #tpu.memory_space<vmem>>, vector<16xi32>,
      %ge3A_500 = arith.cmpi sge, %get3A_499, %or3A_78 : vector<16xi32>
      %all_reduce_population_count3A_501 = tpu.all_reduce %ge3A_500 {dim = 0 : i64, kind = #tpu.reduction_kind<sum>} : vector<16xi1> -> vector<16xi32>
      %add3A_502 = arith.addi %add3A_495, %all_reduce_population_count3A_501 : vector<16xi32>
      %add3A_503 = arith.constant 112 : i32
      %add3A_504 = arith.addi %mul3A_454, %add3A_503 : i32
      %get3A_505 = arith.index_cast %add3A_504 : i32 to index
      %get3A_506 = tpu.vector_load %arg5[%get3A_505] {strides = array<i32>} : memref<8960xi32, #tpu.memory_space<vmem>>, vector<16xi32>,
      %ge3A_507 = arith.cmpi sge, %get3A_506, %or3A_78 : vector<16xi32>
      %all_reduce_population_count3A_508 = tpu.all_reduce %ge3A_507 {dim = 0 : i64, kind = #tpu.reduction_kind<sum>} : vector<16xi1> -> vector<16xi32>
      %add3A_509 = arith.addi %add3A_502, %all_reduce_population_count3A_508 : vector<16xi32>
      scf.yield %add3A_509 : vector<16xi32>
    }
    %scan3A_86 = arith.constant 70 : i32
    %ge3A_87 = arith.cmpi sge, %scan3A_85, %convert_element_type3A : vector<16xi32>
    %select_n3A_88 = arith.select %ge3A_87, %or3A_78, %select_n3A_75 : vector<16xi1>, vector<16xi32>
    %or3A_89 = arith.constant 33554432 : i32
    %or3A_90 = vector.broadcast %or3A_89 : i32 to vector<16xi32>
    %or3A_91 = arith.ori %select_n3A_88, %or3A_90 : vector<16xi32>
    %broadcast_in_dim3A_92 = arith.constant 0 : i32
    %broadcast_in_dim3A_93 = vector.broadcast %broadcast_in_dim3A_92 : i32 to vector<16xi32>
    %scan3A_94 = arith.constant 0 : i32
    %scan3A_95 = arith.constant 70 : i32
    %scan3A_96 = arith.addi %scan3A_94, %scan3A_95 : i32
    %scan3A_97 = arith.constant 1 : i32
    %scan3A_98 = scf.for %scan3A_451 = %scan3A_94 to %scan3A_96 step %scan3A_97 iter_args(%scan3A_452 = %broadcast_in_dim3A_93) -> (vector<16xi32>)  : i32 {
      %mul3A_453 = arith.constant 128 : i32
      %mul3A_454 = arith.muli %scan3A_451, %mul3A_453 : i32
      %add3A_455 = arith.constant 0 : i32
      %add3A_456 = arith.addi %mul3A_454, %add3A_455 : i32
      %get3A_457 = arith.index_cast %add3A_456 : i32 to index
      %get3A_458 = tpu.vector_load %arg5[%get3A_457] {strides = array<i32>} : memref<8960xi32, #tpu.memory_space<vmem>>, vector<16xi32>,
      %ge3A_459 = arith.cmpi sge, %get3A_458, %or3A_91 : vector<16xi32>
      %all_reduce_population_count3A = tpu.all_reduce %ge3A_459 {dim = 0 : i64, kind = #tpu.reduction_kind<sum>} : vector<16xi1> -> vector<16xi32>
      %add3A_460 = arith.addi %scan3A_452, %all_reduce_population_count3A : vector<16xi32>
      %add3A_461 = arith.constant 16 : i32
      %add3A_462 = arith.addi %mul3A_454, %add3A_461 : i32
      %get3A_463 = arith.index_cast %add3A_462 : i32 to index
      %get3A_464 = tpu.vector_load %arg5[%get3A_463] {strides = array<i32>} : memref<8960xi32, #tpu.memory_space<vmem>>, vector<16xi32>,
      %ge3A_465 = arith.cmpi sge, %get3A_464, %or3A_91 : vector<16xi32>
      %all_reduce_population_count3A_466 = tpu.all_reduce %ge3A_465 {dim = 0 : i64, kind = #tpu.reduction_kind<sum>} : vector<16xi1> -> vector<16xi32>
      %add3A_467 = arith.addi %add3A_460, %all_reduce_population_count3A_466 : vector<16xi32>
      %add3A_468 = arith.constant 32 : i32
      %add3A_469 = arith.addi %mul3A_454, %add3A_468 : i32
      %get3A_470 = arith.index_cast %add3A_469 : i32 to index
      %get3A_471 = tpu.vector_load %arg5[%get3A_470] {strides = array<i32>} : memref<8960xi32, #tpu.memory_space<vmem>>, vector<16xi32>,
      %ge3A_472 = arith.cmpi sge, %get3A_471, %or3A_91 : vector<16xi32>
      %all_reduce_population_count3A_473 = tpu.all_reduce %ge3A_472 {dim = 0 : i64, kind = #tpu.reduction_kind<sum>} : vector<16xi1> -> vector<16xi32>
      %add3A_474 = arith.addi %add3A_467, %all_reduce_population_count3A_473 : vector<16xi32>
      %add3A_475 = arith.constant 48 : i32
      %add3A_476 = arith.addi %mul3A_454, %add3A_475 : i32
      %get3A_477 = arith.index_cast %add3A_476 : i32 to index
      %get3A_478 = tpu.vector_load %arg5[%get3A_477] {strides = array<i32>} : memref<8960xi32, #tpu.memory_space<vmem>>, vector<16xi32>,
      %ge3A_479 = arith.cmpi sge, %get3A_478, %or3A_91 : vector<16xi32>
      %all_reduce_population_count3A_480 = tpu.all_reduce %ge3A_479 {dim = 0 : i64, kind = #tpu.reduction_kind<sum>} : vector<16xi1> -> vector<16xi32>
      %add3A_481 = arith.addi %add3A_474, %all_reduce_population_count3A_480 : vector<16xi32>
      %add3A_482 = arith.constant 64 : i32
      %add3A_483 = arith.addi %mul3A_454, %add3A_482 : i32
      %get3A_484 = arith.index_cast %add3A_483 : i32 to index
      %get3A_485 = tpu.vector_load %arg5[%get3A_484] {strides = array<i32>} : memref<8960xi32, #tpu.memory_space<vmem>>, vector<16xi32>,
      %ge3A_486 = arith.cmpi sge, %get3A_485, %or3A_91 : vector<16xi32>
      %all_reduce_population_count3A_487 = tpu.all_reduce %ge3A_486 {dim = 0 : i64, kind = #tpu.reduction_kind<sum>} : vector<16xi1> -> vector<16xi32>
      %add3A_488 = arith.addi %add3A_481, %all_reduce_population_count3A_487 : vector<16xi32>
      %add3A_489 = arith.constant 80 : i32
      %add3A_490 = arith.addi %mul3A_454, %add3A_489 : i32
      %get3A_491 = arith.index_cast %add3A_490 : i32 to index
      %get3A_492 = tpu.vector_load %arg5[%get3A_491] {strides = array<i32>} : memref<8960xi32, #tpu.memory_space<vmem>>, vector<16xi32>,
      %ge3A_493 = arith.cmpi sge, %get3A_492, %or3A_91 : vector<16xi32>
      %all_reduce_population_count3A_494 = tpu.all_reduce %ge3A_493 {dim = 0 : i64, kind = #tpu.reduction_kind<sum>} : vector<16xi1> -> vector<16xi32>
      %add3A_495 = arith.addi %add3A_488, %all_reduce_population_count3A_494 : vector<16xi32>
      %add3A_496 = arith.constant 96 : i32
      %add3A_497 = arith.addi %mul3A_454, %add3A_496 : i32
      %get3A_498 = arith.index_cast %add3A_497 : i32 to index
      %get3A_499 = tpu.vector_load %arg5[%get3A_498] {strides = array<i32>} : memref<8960xi32, #tpu.memory_space<vmem>>, vector<16xi32>,
      %ge3A_500 = arith.cmpi sge, %get3A_499, %or3A_91 : vector<16xi32>
      %all_reduce_population_count3A_501 = tpu.all_reduce %ge3A_500 {dim = 0 : i64, kind = #tpu.reduction_kind<sum>} : vector<16xi1> -> vector<16xi32>
      %add3A_502 = arith.addi %add3A_495, %all_reduce_population_count3A_501 : vector<16xi32>
      %add3A_503 = arith.constant 112 : i32
      %add3A_504 = arith.addi %mul3A_454, %add3A_503 : i32
      %get3A_505 = arith.index_cast %add3A_504 : i32 to index
      %get3A_506 = tpu.vector_load %arg5[%get3A_505] {strides = array<i32>} : memref<8960xi32, #tpu.memory_space<vmem>>, vector<16xi32>,
      %ge3A_507 = arith.cmpi sge, %get3A_506, %or3A_91 : vector<16xi32>
      %all_reduce_population_count3A_508 = tpu.all_reduce %ge3A_507 {dim = 0 : i64, kind = #tpu.reduction_kind<sum>} : vector<16xi1> -> vector<16xi32>
      %add3A_509 = arith.addi %add3A_502, %all_reduce_population_count3A_508 : vector<16xi32>
      scf.yield %add3A_509 : vector<16xi32>
    }
    %scan3A_99 = arith.constant 70 : i32
    %ge3A_100 = arith.cmpi sge, %scan3A_98, %convert_element_type3A : vector<16xi32>
    %select_n3A_101 = arith.select %ge3A_100, %or3A_91, %select_n3A_88 : vector<16xi1>, vector<16xi32>
    %or3A_102 = arith.constant 16777216 : i32
    %or3A_103 = vector.broadcast %or3A_102 : i32 to vector<16xi32>
    %or3A_104 = arith.ori %select_n3A_101, %or3A_103 : vector<16xi32>
    %broadcast_in_dim3A_105 = arith.constant 0 : i32
    %broadcast_in_dim3A_106 = vector.broadcast %broadcast_in_dim3A_105 : i32 to vector<16xi32>
    %scan3A_107 = arith.constant 0 : i32
    %scan3A_108 = arith.constant 70 : i32
    %scan3A_109 = arith.addi %scan3A_107, %scan3A_108 : i32
    %scan3A_110 = arith.constant 1 : i32
    %scan3A_111 = scf.for %scan3A_451 = %scan3A_107 to %scan3A_109 step %scan3A_110 iter_args(%scan3A_452 = %broadcast_in_dim3A_106) -> (vector<16xi32>)  : i32 {
      %mul3A_453 = arith.constant 128 : i32
      %mul3A_454 = arith.muli %scan3A_451, %mul3A_453 : i32
      %add3A_455 = arith.constant 0 : i32
      %add3A_456 = arith.addi %mul3A_454, %add3A_455 : i32
      %get3A_457 = arith.index_cast %add3A_456 : i32 to index
      %get3A_458 = tpu.vector_load %arg5[%get3A_457] {strides = array<i32>} : memref<8960xi32, #tpu.memory_space<vmem>>, vector<16xi32>,
      %ge3A_459 = arith.cmpi sge, %get3A_458, %or3A_104 : vector<16xi32>
      %all_reduce_population_count3A = tpu.all_reduce %ge3A_459 {dim = 0 : i64, kind = #tpu.reduction_kind<sum>} : vector<16xi1> -> vector<16xi32>
      %add3A_460 = arith.addi %scan3A_452, %all_reduce_population_count3A : vector<16xi32>
      %add3A_461 = arith.constant 16 : i32
      %add3A_462 = arith.addi %mul3A_454, %add3A_461 : i32
      %get3A_463 = arith.index_cast %add3A_462 : i32 to index
      %get3A_464 = tpu.vector_load %arg5[%get3A_463] {strides = array<i32>} : memref<8960xi32, #tpu.memory_space<vmem>>, vector<16xi32>,
      %ge3A_465 = arith.cmpi sge, %get3A_464, %or3A_104 : vector<16xi32>
      %all_reduce_population_count3A_466 = tpu.all_reduce %ge3A_465 {dim = 0 : i64, kind = #tpu.reduction_kind<sum>} : vector<16xi1> -> vector<16xi32>
      %add3A_467 = arith.addi %add3A_460, %all_reduce_population_count3A_466 : vector<16xi32>
      %add3A_468 = arith.constant 32 : i32
      %add3A_469 = arith.addi %mul3A_454, %add3A_468 : i32
      %get3A_470 = arith.index_cast %add3A_469 : i32 to index
      %get3A_471 = tpu.vector_load %arg5[%get3A_470] {strides = array<i32>} : memref<8960xi32, #tpu.memory_space<vmem>>, vector<16xi32>,
      %ge3A_472 = arith.cmpi sge, %get3A_471, %or3A_104 : vector<16xi32>
      %all_reduce_population_count3A_473 = tpu.all_reduce %ge3A_472 {dim = 0 : i64, kind = #tpu.reduction_kind<sum>} : vector<16xi1> -> vector<16xi32>
      %add3A_474 = arith.addi %add3A_467, %all_reduce_population_count3A_473 : vector<16xi32>
      %add3A_475 = arith.constant 48 : i32
      %add3A_476 = arith.addi %mul3A_454, %add3A_475 : i32
      %get3A_477 = arith.index_cast %add3A_476 : i32 to index
      %get3A_478 = tpu.vector_load %arg5[%get3A_477] {strides = array<i32>} : memref<8960xi32, #tpu.memory_space<vmem>>, vector<16xi32>,
      %ge3A_479 = arith.cmpi sge, %get3A_478, %or3A_104 : vector<16xi32>
      %all_reduce_population_count3A_480 = tpu.all_reduce %ge3A_479 {dim = 0 : i64, kind = #tpu.reduction_kind<sum>} : vector<16xi1> -> vector<16xi32>
      %add3A_481 = arith.addi %add3A_474, %all_reduce_population_count3A_480 : vector<16xi32>
      %add3A_482 = arith.constant 64 : i32
      %add3A_483 = arith.addi %mul3A_454, %add3A_482 : i32
      %get3A_484 = arith.index_cast %add3A_483 : i32 to index
      %get3A_485 = tpu.vector_load %arg5[%get3A_484] {strides = array<i32>} : memref<8960xi32, #tpu.memory_space<vmem>>, vector<16xi32>,
      %ge3A_486 = arith.cmpi sge, %get3A_485, %or3A_104 : vector<16xi32>
      %all_reduce_population_count3A_487 = tpu.all_reduce %ge3A_486 {dim = 0 : i64, kind = #tpu.reduction_kind<sum>} : vector<16xi1> -> vector<16xi32>
      %add3A_488 = arith.addi %add3A_481, %all_reduce_population_count3A_487 : vector<16xi32>
      %add3A_489 = arith.constant 80 : i32
      %add3A_490 = arith.addi %mul3A_454, %add3A_489 : i32
      %get3A_491 = arith.index_cast %add3A_490 : i32 to index
      %get3A_492 = tpu.vector_load %arg5[%get3A_491] {strides = array<i32>} : memref<8960xi32, #tpu.memory_space<vmem>>, vector<16xi32>,
      %ge3A_493 = arith.cmpi sge, %get3A_492, %or3A_104 : vector<16xi32>
      %all_reduce_population_count3A_494 = tpu.all_reduce %ge3A_493 {dim = 0 : i64, kind = #tpu.reduction_kind<sum>} : vector<16xi1> -> vector<16xi32>
      %add3A_495 = arith.addi %add3A_488, %all_reduce_population_count3A_494 : vector<16xi32>
      %add3A_496 = arith.constant 96 : i32
      %add3A_497 = arith.addi %mul3A_454, %add3A_496 : i32
      %get3A_498 = arith.index_cast %add3A_497 : i32 to index
      %get3A_499 = tpu.vector_load %arg5[%get3A_498] {strides = array<i32>} : memref<8960xi32, #tpu.memory_space<vmem>>, vector<16xi32>,
      %ge3A_500 = arith.cmpi sge, %get3A_499, %or3A_104 : vector<16xi32>
      %all_reduce_population_count3A_501 = tpu.all_reduce %ge3A_500 {dim = 0 : i64, kind = #tpu.reduction_kind<sum>} : vector<16xi1> -> vector<16xi32>
      %add3A_502 = arith.addi %add3A_495, %all_reduce_population_count3A_501 : vector<16xi32>
      %add3A_503 = arith.constant 112 : i32
      %add3A_504 = arith.addi %mul3A_454, %add3A_503 : i32
      %get3A_505 = arith.index_cast %add3A_504 : i32 to index
      %get3A_506 = tpu.vector_load %arg5[%get3A_505] {strides = array<i32>} : memref<8960xi32, #tpu.memory_space<vmem>>, vector<16xi32>,
      %ge3A_507 = arith.cmpi sge, %get3A_506, %or3A_104 : vector<16xi32>
      %all_reduce_population_count3A_508 = tpu.all_reduce %ge3A_507 {dim = 0 : i64, kind = #tpu.reduction_kind<sum>} : vector<16xi1> -> vector<16xi32>
      %add3A_509 = arith.addi %add3A_502, %all_reduce_population_count3A_508 : vector<16xi32>
      scf.yield %add3A_509 : vector<16xi32>
    }
    %scan3A_112 = arith.constant 70 : i32
    %ge3A_113 = arith.cmpi sge, %scan3A_111, %convert_element_type3A : vector<16xi32>
    %select_n3A_114 = arith.select %ge3A_113, %or3A_104, %select_n3A_101 : vector<16xi1>, vector<16xi32>
    %or3A_115 = arith.constant 8388608 : i32
    %or3A_116 = vector.broadcast %or3A_115 : i32 to vector<16xi32>
    %or3A_117 = arith.ori %select_n3A_114, %or3A_116 : vector<16xi32>
    %broadcast_in_dim3A_118 = arith.constant 0 : i32
    %broadcast_in_dim3A_119 = vector.broadcast %broadcast_in_dim3A_118 : i32 to vector<16xi32>
    %scan3A_120 = arith.constant 0 : i32
    %scan3A_121 = arith.constant 70 : i32
    %scan3A_122 = arith.addi %scan3A_120, %scan3A_121 : i32
    %scan3A_123 = arith.constant 1 : i32
    %scan3A_124 = scf.for %scan3A_451 = %scan3A_120 to %scan3A_122 step %scan3A_123 iter_args(%scan3A_452 = %broadcast_in_dim3A_119) -> (vector<16xi32>)  : i32 {
      %mul3A_453 = arith.constant 128 : i32
      %mul3A_454 = arith.muli %scan3A_451, %mul3A_453 : i32
      %add3A_455 = arith.constant 0 : i32
      %add3A_456 = arith.addi %mul3A_454, %add3A_455 : i32
      %get3A_457 = arith.index_cast %add3A_456 : i32 to index
      %get3A_458 = tpu.vector_load %arg5[%get3A_457] {strides = array<i32>} : memref<8960xi32, #tpu.memory_space<vmem>>, vector<16xi32>,
      %ge3A_459 = arith.cmpi sge, %get3A_458, %or3A_117 : vector<16xi32>
      %all_reduce_population_count3A = tpu.all_reduce %ge3A_459 {dim = 0 : i64, kind = #tpu.reduction_kind<sum>} : vector<16xi1> -> vector<16xi32>
      %add3A_460 = arith.addi %scan3A_452, %all_reduce_population_count3A : vector<16xi32>
      %add3A_461 = arith.constant 16 : i32
      %add3A_462 = arith.addi %mul3A_454, %add3A_461 : i32
      %get3A_463 = arith.index_cast %add3A_462 : i32 to index
      %get3A_464 = tpu.vector_load %arg5[%get3A_463] {strides = array<i32>} : memref<8960xi32, #tpu.memory_space<vmem>>, vector<16xi32>,
      %ge3A_465 = arith.cmpi sge, %get3A_464, %or3A_117 : vector<16xi32>
      %all_reduce_population_count3A_466 = tpu.all_reduce %ge3A_465 {dim = 0 : i64, kind = #tpu.reduction_kind<sum>} : vector<16xi1> -> vector<16xi32>
      %add3A_467 = arith.addi %add3A_460, %all_reduce_population_count3A_466 : vector<16xi32>
      %add3A_468 = arith.constant 32 : i32
      %add3A_469 = arith.addi %mul3A_454, %add3A_468 : i32
      %get3A_470 = arith.index_cast %add3A_469 : i32 to index
      %get3A_471 = tpu.vector_load %arg5[%get3A_470] {strides = array<i32>} : memref<8960xi32, #tpu.memory_space<vmem>>, vector<16xi32>,
      %ge3A_472 = arith.cmpi sge, %get3A_471, %or3A_117 : vector<16xi32>
      %all_reduce_population_count3A_473 = tpu.all_reduce %ge3A_472 {dim = 0 : i64, kind = #tpu.reduction_kind<sum>} : vector<16xi1> -> vector<16xi32>
      %add3A_474 = arith.addi %add3A_467, %all_reduce_population_count3A_473 : vector<16xi32>
      %add3A_475 = arith.constant 48 : i32
      %add3A_476 = arith.addi %mul3A_454, %add3A_475 : i32
      %get3A_477 = arith.index_cast %add3A_476 : i32 to index
      %get3A_478 = tpu.vector_load %arg5[%get3A_477] {strides = array<i32>} : memref<8960xi32, #tpu.memory_space<vmem>>, vector<16xi32>,
      %ge3A_479 = arith.cmpi sge, %get3A_478, %or3A_117 : vector<16xi32>
      %all_reduce_population_count3A_480 = tpu.all_reduce %ge3A_479 {dim = 0 : i64, kind = #tpu.reduction_kind<sum>} : vector<16xi1> -> vector<16xi32>
      %add3A_481 = arith.addi %add3A_474, %all_reduce_population_count3A_480 : vector<16xi32>
      %add3A_482 = arith.constant 64 : i32
      %add3A_483 = arith.addi %mul3A_454, %add3A_482 : i32
      %get3A_484 = arith.index_cast %add3A_483 : i32 to index
      %get3A_485 = tpu.vector_load %arg5[%get3A_484] {strides = array<i32>} : memref<8960xi32, #tpu.memory_space<vmem>>, vector<16xi32>,
      %ge3A_486 = arith.cmpi sge, %get3A_485, %or3A_117 : vector<16xi32>
      %all_reduce_population_count3A_487 = tpu.all_reduce %ge3A_486 {dim = 0 : i64, kind = #tpu.reduction_kind<sum>} : vector<16xi1> -> vector<16xi32>
      %add3A_488 = arith.addi %add3A_481, %all_reduce_population_count3A_487 : vector<16xi32>
      %add3A_489 = arith.constant 80 : i32
      %add3A_490 = arith.addi %mul3A_454, %add3A_489 : i32
      %get3A_491 = arith.index_cast %add3A_490 : i32 to index
      %get3A_492 = tpu.vector_load %arg5[%get3A_491] {strides = array<i32>} : memref<8960xi32, #tpu.memory_space<vmem>>, vector<16xi32>,
      %ge3A_493 = arith.cmpi sge, %get3A_492, %or3A_117 : vector<16xi32>
      %all_reduce_population_count3A_494 = tpu.all_reduce %ge3A_493 {dim = 0 : i64, kind = #tpu.reduction_kind<sum>} : vector<16xi1> -> vector<16xi32>
      %add3A_495 = arith.addi %add3A_488, %all_reduce_population_count3A_494 : vector<16xi32>
      %add3A_496 = arith.constant 96 : i32
      %add3A_497 = arith.addi %mul3A_454, %add3A_496 : i32
      %get3A_498 = arith.index_cast %add3A_497 : i32 to index
      %get3A_499 = tpu.vector_load %arg5[%get3A_498] {strides = array<i32>} : memref<8960xi32, #tpu.memory_space<vmem>>, vector<16xi32>,
      %ge3A_500 = arith.cmpi sge, %get3A_499, %or3A_117 : vector<16xi32>
      %all_reduce_population_count3A_501 = tpu.all_reduce %ge3A_500 {dim = 0 : i64, kind = #tpu.reduction_kind<sum>} : vector<16xi1> -> vector<16xi32>
      %add3A_502 = arith.addi %add3A_495, %all_reduce_population_count3A_501 : vector<16xi32>
      %add3A_503 = arith.constant 112 : i32
      %add3A_504 = arith.addi %mul3A_454, %add3A_503 : i32
      %get3A_505 = arith.index_cast %add3A_504 : i32 to index
      %get3A_506 = tpu.vector_load %arg5[%get3A_505] {strides = array<i32>} : memref<8960xi32, #tpu.memory_space<vmem>>, vector<16xi32>,
      %ge3A_507 = arith.cmpi sge, %get3A_506, %or3A_117 : vector<16xi32>
      %all_reduce_population_count3A_508 = tpu.all_reduce %ge3A_507 {dim = 0 : i64, kind = #tpu.reduction_kind<sum>} : vector<16xi1> -> vector<16xi32>
      %add3A_509 = arith.addi %add3A_502, %all_reduce_population_count3A_508 : vector<16xi32>
      scf.yield %add3A_509 : vector<16xi32>
    }
    %scan3A_125 = arith.constant 70 : i32
    %ge3A_126 = arith.cmpi sge, %scan3A_124, %convert_element_type3A : vector<16xi32>
    %select_n3A_127 = arith.select %ge3A_126, %or3A_117, %select_n3A_114 : vector<16xi1>, vector<16xi32>
    %or3A_128 = arith.constant 4194304 : i32
    %or3A_129 = vector.broadcast %or3A_128 : i32 to vector<16xi32>
    %or3A_130 = arith.ori %select_n3A_127, %or3A_129 : vector<16xi32>
    %broadcast_in_dim3A_131 = arith.constant 0 : i32
    %broadcast_in_dim3A_132 = vector.broadcast %broadcast_in_dim3A_131 : i32 to vector<16xi32>
    %scan3A_133 = arith.constant 0 : i32
    %scan3A_134 = arith.constant 70 : i32
    %scan3A_135 = arith.addi %scan3A_133, %scan3A_134 : i32
    %scan3A_136 = arith.constant 1 : i32
    %scan3A_137 = scf.for %scan3A_451 = %scan3A_133 to %scan3A_135 step %scan3A_136 iter_args(%scan3A_452 = %broadcast_in_dim3A_132) -> (vector<16xi32>)  : i32 {
      %mul3A_453 = arith.constant 128 : i32
      %mul3A_454 = arith.muli %scan3A_451, %mul3A_453 : i32
      %add3A_455 = arith.constant 0 : i32
      %add3A_456 = arith.addi %mul3A_454, %add3A_455 : i32
      %get3A_457 = arith.index_cast %add3A_456 : i32 to index
      %get3A_458 = tpu.vector_load %arg5[%get3A_457] {strides = array<i32>} : memref<8960xi32, #tpu.memory_space<vmem>>, vector<16xi32>,
      %ge3A_459 = arith.cmpi sge, %get3A_458, %or3A_130 : vector<16xi32>
      %all_reduce_population_count3A = tpu.all_reduce %ge3A_459 {dim = 0 : i64, kind = #tpu.reduction_kind<sum>} : vector<16xi1> -> vector<16xi32>
      %add3A_460 = arith.addi %scan3A_452, %all_reduce_population_count3A : vector<16xi32>
      %add3A_461 = arith.constant 16 : i32
      %add3A_462 = arith.addi %mul3A_454, %add3A_461 : i32
      %get3A_463 = arith.index_cast %add3A_462 : i32 to index
      %get3A_464 = tpu.vector_load %arg5[%get3A_463] {strides = array<i32>} : memref<8960xi32, #tpu.memory_space<vmem>>, vector<16xi32>,
      %ge3A_465 = arith.cmpi sge, %get3A_464, %or3A_130 : vector<16xi32>
      %all_reduce_population_count3A_466 = tpu.all_reduce %ge3A_465 {dim = 0 : i64, kind = #tpu.reduction_kind<sum>} : vector<16xi1> -> vector<16xi32>
      %add3A_467 = arith.addi %add3A_460, %all_reduce_population_count3A_466 : vector<16xi32>
      %add3A_468 = arith.constant 32 : i32
      %add3A_469 = arith.addi %mul3A_454, %add3A_468 : i32
      %get3A_470 = arith.index_cast %add3A_469 : i32 to index
      %get3A_471 = tpu.vector_load %arg5[%get3A_470] {strides = array<i32>} : memref<8960xi32, #tpu.memory_space<vmem>>, vector<16xi32>,
      %ge3A_472 = arith.cmpi sge, %get3A_471, %or3A_130 : vector<16xi32>
      %all_reduce_population_count3A_473 = tpu.all_reduce %ge3A_472 {dim = 0 : i64, kind = #tpu.reduction_kind<sum>} : vector<16xi1> -> vector<16xi32>
      %add3A_474 = arith.addi %add3A_467, %all_reduce_population_count3A_473 : vector<16xi32>
      %add3A_475 = arith.constant 48 : i32
      %add3A_476 = arith.addi %mul3A_454, %add3A_475 : i32
      %get3A_477 = arith.index_cast %add3A_476 : i32 to index
      %get3A_478 = tpu.vector_load %arg5[%get3A_477] {strides = array<i32>} : memref<8960xi32, #tpu.memory_space<vmem>>, vector<16xi32>,
      %ge3A_479 = arith.cmpi sge, %get3A_478, %or3A_130 : vector<16xi32>
      %all_reduce_population_count3A_480 = tpu.all_reduce %ge3A_479 {dim = 0 : i64, kind = #tpu.reduction_kind<sum>} : vector<16xi1> -> vector<16xi32>
      %add3A_481 = arith.addi %add3A_474, %all_reduce_population_count3A_480 : vector<16xi32>
      %add3A_482 = arith.constant 64 : i32
      %add3A_483 = arith.addi %mul3A_454, %add3A_482 : i32
      %get3A_484 = arith.index_cast %add3A_483 : i32 to index
      %get3A_485 = tpu.vector_load %arg5[%get3A_484] {strides = array<i32>} : memref<8960xi32, #tpu.memory_space<vmem>>, vector<16xi32>,
      %ge3A_486 = arith.cmpi sge, %get3A_485, %or3A_130 : vector<16xi32>
      %all_reduce_population_count3A_487 = tpu.all_reduce %ge3A_486 {dim = 0 : i64, kind = #tpu.reduction_kind<sum>} : vector<16xi1> -> vector<16xi32>
      %add3A_488 = arith.addi %add3A_481, %all_reduce_population_count3A_487 : vector<16xi32>
      %add3A_489 = arith.constant 80 : i32
      %add3A_490 = arith.addi %mul3A_454, %add3A_489 : i32
      %get3A_491 = arith.index_cast %add3A_490 : i32 to index
      %get3A_492 = tpu.vector_load %arg5[%get3A_491] {strides = array<i32>} : memref<8960xi32, #tpu.memory_space<vmem>>, vector<16xi32>,
      %ge3A_493 = arith.cmpi sge, %get3A_492, %or3A_130 : vector<16xi32>
      %all_reduce_population_count3A_494 = tpu.all_reduce %ge3A_493 {dim = 0 : i64, kind = #tpu.reduction_kind<sum>} : vector<16xi1> -> vector<16xi32>
      %add3A_495 = arith.addi %add3A_488, %all_reduce_population_count3A_494 : vector<16xi32>
      %add3A_496 = arith.constant 96 : i32
      %add3A_497 = arith.addi %mul3A_454, %add3A_496 : i32
      %get3A_498 = arith.index_cast %add3A_497 : i32 to index
      %get3A_499 = tpu.vector_load %arg5[%get3A_498] {strides = array<i32>} : memref<8960xi32, #tpu.memory_space<vmem>>, vector<16xi32>,
      %ge3A_500 = arith.cmpi sge, %get3A_499, %or3A_130 : vector<16xi32>
      %all_reduce_population_count3A_501 = tpu.all_reduce %ge3A_500 {dim = 0 : i64, kind = #tpu.reduction_kind<sum>} : vector<16xi1> -> vector<16xi32>
      %add3A_502 = arith.addi %add3A_495, %all_reduce_population_count3A_501 : vector<16xi32>
      %add3A_503 = arith.constant 112 : i32
      %add3A_504 = arith.addi %mul3A_454, %add3A_503 : i32
      %get3A_505 = arith.index_cast %add3A_504 : i32 to index
      %get3A_506 = tpu.vector_load %arg5[%get3A_505] {strides = array<i32>} : memref<8960xi32, #tpu.memory_space<vmem>>, vector<16xi32>,
      %ge3A_507 = arith.cmpi sge, %get3A_506, %or3A_130 : vector<16xi32>
      %all_reduce_population_count3A_508 = tpu.all_reduce %ge3A_507 {dim = 0 : i64, kind = #tpu.reduction_kind<sum>} : vector<16xi1> -> vector<16xi32>
      %add3A_509 = arith.addi %add3A_502, %all_reduce_population_count3A_508 : vector<16xi32>
      scf.yield %add3A_509 : vector<16xi32>
    }
    %scan3A_138 = arith.constant 70 : i32
    %ge3A_139 = arith.cmpi sge, %scan3A_137, %convert_element_type3A : vector<16xi32>
    %select_n3A_140 = arith.select %ge3A_139, %or3A_130, %select_n3A_127 : vector<16xi1>, vector<16xi32>
    %or3A_141 = arith.constant 2097152 : i32
    %or3A_142 = vector.broadcast %or3A_141 : i32 to vector<16xi32>
    %or3A_143 = arith.ori %select_n3A_140, %or3A_142 : vector<16xi32>
    %broadcast_in_dim3A_144 = arith.constant 0 : i32
    %broadcast_in_dim3A_145 = vector.broadcast %broadcast_in_dim3A_144 : i32 to vector<16xi32>
    %scan3A_146 = arith.constant 0 : i32
    %scan3A_147 = arith.constant 70 : i32
    %scan3A_148 = arith.addi %scan3A_146, %scan3A_147 : i32
    %scan3A_149 = arith.constant 1 : i32
    %scan3A_150 = scf.for %scan3A_451 = %scan3A_146 to %scan3A_148 step %scan3A_149 iter_args(%scan3A_452 = %broadcast_in_dim3A_145) -> (vector<16xi32>)  : i32 {
      %mul3A_453 = arith.constant 128 : i32
      %mul3A_454 = arith.muli %scan3A_451, %mul3A_453 : i32
      %add3A_455 = arith.constant 0 : i32
      %add3A_456 = arith.addi %mul3A_454, %add3A_455 : i32
      %get3A_457 = arith.index_cast %add3A_456 : i32 to index
      %get3A_458 = tpu.vector_load %arg5[%get3A_457] {strides = array<i32>} : memref<8960xi32, #tpu.memory_space<vmem>>, vector<16xi32>,
      %ge3A_459 = arith.cmpi sge, %get3A_458, %or3A_143 : vector<16xi32>
      %all_reduce_population_count3A = tpu.all_reduce %ge3A_459 {dim = 0 : i64, kind = #tpu.reduction_kind<sum>} : vector<16xi1> -> vector<16xi32>
      %add3A_460 = arith.addi %scan3A_452, %all_reduce_population_count3A : vector<16xi32>
      %add3A_461 = arith.constant 16 : i32
      %add3A_462 = arith.addi %mul3A_454, %add3A_461 : i32
      %get3A_463 = arith.index_cast %add3A_462 : i32 to index
      %get3A_464 = tpu.vector_load %arg5[%get3A_463] {strides = array<i32>} : memref<8960xi32, #tpu.memory_space<vmem>>, vector<16xi32>,
      %ge3A_465 = arith.cmpi sge, %get3A_464, %or3A_143 : vector<16xi32>
      %all_reduce_population_count3A_466 = tpu.all_reduce %ge3A_465 {dim = 0 : i64, kind = #tpu.reduction_kind<sum>} : vector<16xi1> -> vector<16xi32>
      %add3A_467 = arith.addi %add3A_460, %all_reduce_population_count3A_466 : vector<16xi32>
      %add3A_468 = arith.constant 32 : i32
      %add3A_469 = arith.addi %mul3A_454, %add3A_468 : i32
      %get3A_470 = arith.index_cast %add3A_469 : i32 to index
      %get3A_471 = tpu.vector_load %arg5[%get3A_470] {strides = array<i32>} : memref<8960xi32, #tpu.memory_space<vmem>>, vector<16xi32>,
      %ge3A_472 = arith.cmpi sge, %get3A_471, %or3A_143 : vector<16xi32>
      %all_reduce_population_count3A_473 = tpu.all_reduce %ge3A_472 {dim = 0 : i64, kind = #tpu.reduction_kind<sum>} : vector<16xi1> -> vector<16xi32>
      %add3A_474 = arith.addi %add3A_467, %all_reduce_population_count3A_473 : vector<16xi32>
      %add3A_475 = arith.constant 48 : i32
      %add3A_476 = arith.addi %mul3A_454, %add3A_475 : i32
      %get3A_477 = arith.index_cast %add3A_476 : i32 to index
      %get3A_478 = tpu.vector_load %arg5[%get3A_477] {strides = array<i32>} : memref<8960xi32, #tpu.memory_space<vmem>>, vector<16xi32>,
      %ge3A_479 = arith.cmpi sge, %get3A_478, %or3A_143 : vector<16xi32>
      %all_reduce_population_count3A_480 = tpu.all_reduce %ge3A_479 {dim = 0 : i64, kind = #tpu.reduction_kind<sum>} : vector<16xi1> -> vector<16xi32>
      %add3A_481 = arith.addi %add3A_474, %all_reduce_population_count3A_480 : vector<16xi32>
      %add3A_482 = arith.constant 64 : i32
      %add3A_483 = arith.addi %mul3A_454, %add3A_482 : i32
      %get3A_484 = arith.index_cast %add3A_483 : i32 to index
      %get3A_485 = tpu.vector_load %arg5[%get3A_484] {strides = array<i32>} : memref<8960xi32, #tpu.memory_space<vmem>>, vector<16xi32>,
      %ge3A_486 = arith.cmpi sge, %get3A_485, %or3A_143 : vector<16xi32>
      %all_reduce_population_count3A_487 = tpu.all_reduce %ge3A_486 {dim = 0 : i64, kind = #tpu.reduction_kind<sum>} : vector<16xi1> -> vector<16xi32>
      %add3A_488 = arith.addi %add3A_481, %all_reduce_population_count3A_487 : vector<16xi32>
      %add3A_489 = arith.constant 80 : i32
      %add3A_490 = arith.addi %mul3A_454, %add3A_489 : i32
      %get3A_491 = arith.index_cast %add3A_490 : i32 to index
      %get3A_492 = tpu.vector_load %arg5[%get3A_491] {strides = array<i32>} : memref<8960xi32, #tpu.memory_space<vmem>>, vector<16xi32>,
      %ge3A_493 = arith.cmpi sge, %get3A_492, %or3A_143 : vector<16xi32>
      %all_reduce_population_count3A_494 = tpu.all_reduce %ge3A_493 {dim = 0 : i64, kind = #tpu.reduction_kind<sum>} : vector<16xi1> -> vector<16xi32>
      %add3A_495 = arith.addi %add3A_488, %all_reduce_population_count3A_494 : vector<16xi32>
      %add3A_496 = arith.constant 96 : i32
      %add3A_497 = arith.addi %mul3A_454, %add3A_496 : i32
      %get3A_498 = arith.index_cast %add3A_497 : i32 to index
      %get3A_499 = tpu.vector_load %arg5[%get3A_498] {strides = array<i32>} : memref<8960xi32, #tpu.memory_space<vmem>>, vector<16xi32>,
      %ge3A_500 = arith.cmpi sge, %get3A_499, %or3A_143 : vector<16xi32>
      %all_reduce_population_count3A_501 = tpu.all_reduce %ge3A_500 {dim = 0 : i64, kind = #tpu.reduction_kind<sum>} : vector<16xi1> -> vector<16xi32>
      %add3A_502 = arith.addi %add3A_495, %all_reduce_population_count3A_501 : vector<16xi32>
      %add3A_503 = arith.constant 112 : i32
      %add3A_504 = arith.addi %mul3A_454, %add3A_503 : i32
      %get3A_505 = arith.index_cast %add3A_504 : i32 to index
      %get3A_506 = tpu.vector_load %arg5[%get3A_505] {strides = array<i32>} : memref<8960xi32, #tpu.memory_space<vmem>>, vector<16xi32>,
      %ge3A_507 = arith.cmpi sge, %get3A_506, %or3A_143 : vector<16xi32>
      %all_reduce_population_count3A_508 = tpu.all_reduce %ge3A_507 {dim = 0 : i64, kind = #tpu.reduction_kind<sum>} : vector<16xi1> -> vector<16xi32>
      %add3A_509 = arith.addi %add3A_502, %all_reduce_population_count3A_508 : vector<16xi32>
      scf.yield %add3A_509 : vector<16xi32>
    }
    %scan3A_151 = arith.constant 70 : i32
    %ge3A_152 = arith.cmpi sge, %scan3A_150, %convert_element_type3A : vector<16xi32>
    %select_n3A_153 = arith.select %ge3A_152, %or3A_143, %select_n3A_140 : vector<16xi1>, vector<16xi32>
    %or3A_154 = arith.constant 1048576 : i32
    %or3A_155 = vector.broadcast %or3A_154 : i32 to vector<16xi32>
    %or3A_156 = arith.ori %select_n3A_153, %or3A_155 : vector<16xi32>
    %broadcast_in_dim3A_157 = arith.constant 0 : i32
    %broadcast_in_dim3A_158 = vector.broadcast %broadcast_in_dim3A_157 : i32 to vector<16xi32>
    %scan3A_159 = arith.constant 0 : i32
    %scan3A_160 = arith.constant 70 : i32
    %scan3A_161 = arith.addi %scan3A_159, %scan3A_160 : i32
    %scan3A_162 = arith.constant 1 : i32
    %scan3A_163 = scf.for %scan3A_451 = %scan3A_159 to %scan3A_161 step %scan3A_162 iter_args(%scan3A_452 = %broadcast_in_dim3A_158) -> (vector<16xi32>)  : i32 {
      %mul3A_453 = arith.constant 128 : i32
      %mul3A_454 = arith.muli %scan3A_451, %mul3A_453 : i32
      %add3A_455 = arith.constant 0 : i32
      %add3A_456 = arith.addi %mul3A_454, %add3A_455 : i32
      %get3A_457 = arith.index_cast %add3A_456 : i32 to index
      %get3A_458 = tpu.vector_load %arg5[%get3A_457] {strides = array<i32>} : memref<8960xi32, #tpu.memory_space<vmem>>, vector<16xi32>,
      %ge3A_459 = arith.cmpi sge, %get3A_458, %or3A_156 : vector<16xi32>
      %all_reduce_population_count3A = tpu.all_reduce %ge3A_459 {dim = 0 : i64, kind = #tpu.reduction_kind<sum>} : vector<16xi1> -> vector<16xi32>
      %add3A_460 = arith.addi %scan3A_452, %all_reduce_population_count3A : vector<16xi32>
      %add3A_461 = arith.constant 16 : i32
      %add3A_462 = arith.addi %mul3A_454, %add3A_461 : i32
      %get3A_463 = arith.index_cast %add3A_462 : i32 to index
      %get3A_464 = tpu.vector_load %arg5[%get3A_463] {strides = array<i32>} : memref<8960xi32, #tpu.memory_space<vmem>>, vector<16xi32>,
      %ge3A_465 = arith.cmpi sge, %get3A_464, %or3A_156 : vector<16xi32>
      %all_reduce_population_count3A_466 = tpu.all_reduce %ge3A_465 {dim = 0 : i64, kind = #tpu.reduction_kind<sum>} : vector<16xi1> -> vector<16xi32>
      %add3A_467 = arith.addi %add3A_460, %all_reduce_population_count3A_466 : vector<16xi32>
      %add3A_468 = arith.constant 32 : i32
      %add3A_469 = arith.addi %mul3A_454, %add3A_468 : i32
      %get3A_470 = arith.index_cast %add3A_469 : i32 to index
      %get3A_471 = tpu.vector_load %arg5[%get3A_470] {strides = array<i32>} : memref<8960xi32, #tpu.memory_space<vmem>>, vector<16xi32>,
      %ge3A_472 = arith.cmpi sge, %get3A_471, %or3A_156 : vector<16xi32>
      %all_reduce_population_count3A_473 = tpu.all_reduce %ge3A_472 {dim = 0 : i64, kind = #tpu.reduction_kind<sum>} : vector<16xi1> -> vector<16xi32>
      %add3A_474 = arith.addi %add3A_467, %all_reduce_population_count3A_473 : vector<16xi32>
      %add3A_475 = arith.constant 48 : i32
      %add3A_476 = arith.addi %mul3A_454, %add3A_475 : i32
      %get3A_477 = arith.index_cast %add3A_476 : i32 to index
      %get3A_478 = tpu.vector_load %arg5[%get3A_477] {strides = array<i32>} : memref<8960xi32, #tpu.memory_space<vmem>>, vector<16xi32>,
      %ge3A_479 = arith.cmpi sge, %get3A_478, %or3A_156 : vector<16xi32>
      %all_reduce_population_count3A_480 = tpu.all_reduce %ge3A_479 {dim = 0 : i64, kind = #tpu.reduction_kind<sum>} : vector<16xi1> -> vector<16xi32>
      %add3A_481 = arith.addi %add3A_474, %all_reduce_population_count3A_480 : vector<16xi32>
      %add3A_482 = arith.constant 64 : i32
      %add3A_483 = arith.addi %mul3A_454, %add3A_482 : i32
      %get3A_484 = arith.index_cast %add3A_483 : i32 to index
      %get3A_485 = tpu.vector_load %arg5[%get3A_484] {strides = array<i32>} : memref<8960xi32, #tpu.memory_space<vmem>>, vector<16xi32>,
      %ge3A_486 = arith.cmpi sge, %get3A_485, %or3A_156 : vector<16xi32>
      %all_reduce_population_count3A_487 = tpu.all_reduce %ge3A_486 {dim = 0 : i64, kind = #tpu.reduction_kind<sum>} : vector<16xi1> -> vector<16xi32>
      %add3A_488 = arith.addi %add3A_481, %all_reduce_population_count3A_487 : vector<16xi32>
      %add3A_489 = arith.constant 80 : i32
      %add3A_490 = arith.addi %mul3A_454, %add3A_489 : i32
      %get3A_491 = arith.index_cast %add3A_490 : i32 to index
      %get3A_492 = tpu.vector_load %arg5[%get3A_491] {strides = array<i32>} : memref<8960xi32, #tpu.memory_space<vmem>>, vector<16xi32>,
      %ge3A_493 = arith.cmpi sge, %get3A_492, %or3A_156 : vector<16xi32>
      %all_reduce_population_count3A_494 = tpu.all_reduce %ge3A_493 {dim = 0 : i64, kind = #tpu.reduction_kind<sum>} : vector<16xi1> -> vector<16xi32>
      %add3A_495 = arith.addi %add3A_488, %all_reduce_population_count3A_494 : vector<16xi32>
      %add3A_496 = arith.constant 96 : i32
      %add3A_497 = arith.addi %mul3A_454, %add3A_496 : i32
      %get3A_498 = arith.index_cast %add3A_497 : i32 to index
      %get3A_499 = tpu.vector_load %arg5[%get3A_498] {strides = array<i32>} : memref<8960xi32, #tpu.memory_space<vmem>>, vector<16xi32>,
      %ge3A_500 = arith.cmpi sge, %get3A_499, %or3A_156 : vector<16xi32>
      %all_reduce_population_count3A_501 = tpu.all_reduce %ge3A_500 {dim = 0 : i64, kind = #tpu.reduction_kind<sum>} : vector<16xi1> -> vector<16xi32>
      %add3A_502 = arith.addi %add3A_495, %all_reduce_population_count3A_501 : vector<16xi32>
      %add3A_503 = arith.constant 112 : i32
      %add3A_504 = arith.addi %mul3A_454, %add3A_503 : i32
      %get3A_505 = arith.index_cast %add3A_504 : i32 to index
      %get3A_506 = tpu.vector_load %arg5[%get3A_505] {strides = array<i32>} : memref<8960xi32, #tpu.memory_space<vmem>>, vector<16xi32>,
      %ge3A_507 = arith.cmpi sge, %get3A_506, %or3A_156 : vector<16xi32>
      %all_reduce_population_count3A_508 = tpu.all_reduce %ge3A_507 {dim = 0 : i64, kind = #tpu.reduction_kind<sum>} : vector<16xi1> -> vector<16xi32>
      %add3A_509 = arith.addi %add3A_502, %all_reduce_population_count3A_508 : vector<16xi32>
      scf.yield %add3A_509 : vector<16xi32>
    }
    %scan3A_164 = arith.constant 70 : i32
    %ge3A_165 = arith.cmpi sge, %scan3A_163, %convert_element_type3A : vector<16xi32>
    %select_n3A_166 = arith.select %ge3A_165, %or3A_156, %select_n3A_153 : vector<16xi1>, vector<16xi32>
    %or3A_167 = arith.constant 524288 : i32
    %or3A_168 = vector.broadcast %or3A_167 : i32 to vector<16xi32>
    %or3A_169 = arith.ori %select_n3A_166, %or3A_168 : vector<16xi32>
    %broadcast_in_dim3A_170 = arith.constant 0 : i32
    %broadcast_in_dim3A_171 = vector.broadcast %broadcast_in_dim3A_170 : i32 to vector<16xi32>
    %scan3A_172 = arith.constant 0 : i32
    %scan3A_173 = arith.constant 70 : i32
    %scan3A_174 = arith.addi %scan3A_172, %scan3A_173 : i32
    %scan3A_175 = arith.constant 1 : i32
    %scan3A_176 = scf.for %scan3A_451 = %scan3A_172 to %scan3A_174 step %scan3A_175 iter_args(%scan3A_452 = %broadcast_in_dim3A_171) -> (vector<16xi32>)  : i32 {
      %mul3A_453 = arith.constant 128 : i32
      %mul3A_454 = arith.muli %scan3A_451, %mul3A_453 : i32
      %add3A_455 = arith.constant 0 : i32
      %add3A_456 = arith.addi %mul3A_454, %add3A_455 : i32
      %get3A_457 = arith.index_cast %add3A_456 : i32 to index
      %get3A_458 = tpu.vector_load %arg5[%get3A_457] {strides = array<i32>} : memref<8960xi32, #tpu.memory_space<vmem>>, vector<16xi32>,
      %ge3A_459 = arith.cmpi sge, %get3A_458, %or3A_169 : vector<16xi32>
      %all_reduce_population_count3A = tpu.all_reduce %ge3A_459 {dim = 0 : i64, kind = #tpu.reduction_kind<sum>} : vector<16xi1> -> vector<16xi32>
      %add3A_460 = arith.addi %scan3A_452, %all_reduce_population_count3A : vector<16xi32>
      %add3A_461 = arith.constant 16 : i32
      %add3A_462 = arith.addi %mul3A_454, %add3A_461 : i32
      %get3A_463 = arith.index_cast %add3A_462 : i32 to index
      %get3A_464 = tpu.vector_load %arg5[%get3A_463] {strides = array<i32>} : memref<8960xi32, #tpu.memory_space<vmem>>, vector<16xi32>,
      %ge3A_465 = arith.cmpi sge, %get3A_464, %or3A_169 : vector<16xi32>
      %all_reduce_population_count3A_466 = tpu.all_reduce %ge3A_465 {dim = 0 : i64, kind = #tpu.reduction_kind<sum>} : vector<16xi1> -> vector<16xi32>
      %add3A_467 = arith.addi %add3A_460, %all_reduce_population_count3A_466 : vector<16xi32>
      %add3A_468 = arith.constant 32 : i32
      %add3A_469 = arith.addi %mul3A_454, %add3A_468 : i32
      %get3A_470 = arith.index_cast %add3A_469 : i32 to index
      %get3A_471 = tpu.vector_load %arg5[%get3A_470] {strides = array<i32>} : memref<8960xi32, #tpu.memory_space<vmem>>, vector<16xi32>,
      %ge3A_472 = arith.cmpi sge, %get3A_471, %or3A_169 : vector<16xi32>
      %all_reduce_population_count3A_473 = tpu.all_reduce %ge3A_472 {dim = 0 : i64, kind = #tpu.reduction_kind<sum>} : vector<16xi1> -> vector<16xi32>
      %add3A_474 = arith.addi %add3A_467, %all_reduce_population_count3A_473 : vector<16xi32>
      %add3A_475 = arith.constant 48 : i32
      %add3A_476 = arith.addi %mul3A_454, %add3A_475 : i32
      %get3A_477 = arith.index_cast %add3A_476 : i32 to index
      %get3A_478 = tpu.vector_load %arg5[%get3A_477] {strides = array<i32>} : memref<8960xi32, #tpu.memory_space<vmem>>, vector<16xi32>,
      %ge3A_479 = arith.cmpi sge, %get3A_478, %or3A_169 : vector<16xi32>
      %all_reduce_population_count3A_480 = tpu.all_reduce %ge3A_479 {dim = 0 : i64, kind = #tpu.reduction_kind<sum>} : vector<16xi1> -> vector<16xi32>
      %add3A_481 = arith.addi %add3A_474, %all_reduce_population_count3A_480 : vector<16xi32>
      %add3A_482 = arith.constant 64 : i32
      %add3A_483 = arith.addi %mul3A_454, %add3A_482 : i32
      %get3A_484 = arith.index_cast %add3A_483 : i32 to index
      %get3A_485 = tpu.vector_load %arg5[%get3A_484] {strides = array<i32>} : memref<8960xi32, #tpu.memory_space<vmem>>, vector<16xi32>,
      %ge3A_486 = arith.cmpi sge, %get3A_485, %or3A_169 : vector<16xi32>
      %all_reduce_population_count3A_487 = tpu.all_reduce %ge3A_486 {dim = 0 : i64, kind = #tpu.reduction_kind<sum>} : vector<16xi1> -> vector<16xi32>
      %add3A_488 = arith.addi %add3A_481, %all_reduce_population_count3A_487 : vector<16xi32>
      %add3A_489 = arith.constant 80 : i32
      %add3A_490 = arith.addi %mul3A_454, %add3A_489 : i32
      %get3A_491 = arith.index_cast %add3A_490 : i32 to index
      %get3A_492 = tpu.vector_load %arg5[%get3A_491] {strides = array<i32>} : memref<8960xi32, #tpu.memory_space<vmem>>, vector<16xi32>,
      %ge3A_493 = arith.cmpi sge, %get3A_492, %or3A_169 : vector<16xi32>
      %all_reduce_population_count3A_494 = tpu.all_reduce %ge3A_493 {dim = 0 : i64, kind = #tpu.reduction_kind<sum>} : vector<16xi1> -> vector<16xi32>
      %add3A_495 = arith.addi %add3A_488, %all_reduce_population_count3A_494 : vector<16xi32>
      %add3A_496 = arith.constant 96 : i32
      %add3A_497 = arith.addi %mul3A_454, %add3A_496 : i32
      %get3A_498 = arith.index_cast %add3A_497 : i32 to index
      %get3A_499 = tpu.vector_load %arg5[%get3A_498] {strides = array<i32>} : memref<8960xi32, #tpu.memory_space<vmem>>, vector<16xi32>,
      %ge3A_500 = arith.cmpi sge, %get3A_499, %or3A_169 : vector<16xi32>
      %all_reduce_population_count3A_501 = tpu.all_reduce %ge3A_500 {dim = 0 : i64, kind = #tpu.reduction_kind<sum>} : vector<16xi1> -> vector<16xi32>
      %add3A_502 = arith.addi %add3A_495, %all_reduce_population_count3A_501 : vector<16xi32>
      %add3A_503 = arith.constant 112 : i32
      %add3A_504 = arith.addi %mul3A_454, %add3A_503 : i32
      %get3A_505 = arith.index_cast %add3A_504 : i32 to index
      %get3A_506 = tpu.vector_load %arg5[%get3A_505] {strides = array<i32>} : memref<8960xi32, #tpu.memory_space<vmem>>, vector<16xi32>,
      %ge3A_507 = arith.cmpi sge, %get3A_506, %or3A_169 : vector<16xi32>
      %all_reduce_population_count3A_508 = tpu.all_reduce %ge3A_507 {dim = 0 : i64, kind = #tpu.reduction_kind<sum>} : vector<16xi1> -> vector<16xi32>
      %add3A_509 = arith.addi %add3A_502, %all_reduce_population_count3A_508 : vector<16xi32>
      scf.yield %add3A_509 : vector<16xi32>
    }
    %scan3A_177 = arith.constant 70 : i32
    %ge3A_178 = arith.cmpi sge, %scan3A_176, %convert_element_type3A : vector<16xi32>
    %select_n3A_179 = arith.select %ge3A_178, %or3A_169, %select_n3A_166 : vector<16xi1>, vector<16xi32>
    %or3A_180 = arith.constant 262144 : i32
    %or3A_181 = vector.broadcast %or3A_180 : i32 to vector<16xi32>
    %or3A_182 = arith.ori %select_n3A_179, %or3A_181 : vector<16xi32>
    %broadcast_in_dim3A_183 = arith.constant 0 : i32
    %broadcast_in_dim3A_184 = vector.broadcast %broadcast_in_dim3A_183 : i32 to vector<16xi32>
    %scan3A_185 = arith.constant 0 : i32
    %scan3A_186 = arith.constant 70 : i32
    %scan3A_187 = arith.addi %scan3A_185, %scan3A_186 : i32
    %scan3A_188 = arith.constant 1 : i32
    %scan3A_189 = scf.for %scan3A_451 = %scan3A_185 to %scan3A_187 step %scan3A_188 iter_args(%scan3A_452 = %broadcast_in_dim3A_184) -> (vector<16xi32>)  : i32 {
      %mul3A_453 = arith.constant 128 : i32
      %mul3A_454 = arith.muli %scan3A_451, %mul3A_453 : i32
      %add3A_455 = arith.constant 0 : i32
      %add3A_456 = arith.addi %mul3A_454, %add3A_455 : i32
      %get3A_457 = arith.index_cast %add3A_456 : i32 to index
      %get3A_458 = tpu.vector_load %arg5[%get3A_457] {strides = array<i32>} : memref<8960xi32, #tpu.memory_space<vmem>>, vector<16xi32>,
      %ge3A_459 = arith.cmpi sge, %get3A_458, %or3A_182 : vector<16xi32>
      %all_reduce_population_count3A = tpu.all_reduce %ge3A_459 {dim = 0 : i64, kind = #tpu.reduction_kind<sum>} : vector<16xi1> -> vector<16xi32>
      %add3A_460 = arith.addi %scan3A_452, %all_reduce_population_count3A : vector<16xi32>
      %add3A_461 = arith.constant 16 : i32
      %add3A_462 = arith.addi %mul3A_454, %add3A_461 : i32
      %get3A_463 = arith.index_cast %add3A_462 : i32 to index
      %get3A_464 = tpu.vector_load %arg5[%get3A_463] {strides = array<i32>} : memref<8960xi32, #tpu.memory_space<vmem>>, vector<16xi32>,
      %ge3A_465 = arith.cmpi sge, %get3A_464, %or3A_182 : vector<16xi32>
      %all_reduce_population_count3A_466 = tpu.all_reduce %ge3A_465 {dim = 0 : i64, kind = #tpu.reduction_kind<sum>} : vector<16xi1> -> vector<16xi32>
      %add3A_467 = arith.addi %add3A_460, %all_reduce_population_count3A_466 : vector<16xi32>
      %add3A_468 = arith.constant 32 : i32
      %add3A_469 = arith.addi %mul3A_454, %add3A_468 : i32
      %get3A_470 = arith.index_cast %add3A_469 : i32 to index
      %get3A_471 = tpu.vector_load %arg5[%get3A_470] {strides = array<i32>} : memref<8960xi32, #tpu.memory_space<vmem>>, vector<16xi32>,
      %ge3A_472 = arith.cmpi sge, %get3A_471, %or3A_182 : vector<16xi32>
      %all_reduce_population_count3A_473 = tpu.all_reduce %ge3A_472 {dim = 0 : i64, kind = #tpu.reduction_kind<sum>} : vector<16xi1> -> vector<16xi32>
      %add3A_474 = arith.addi %add3A_467, %all_reduce_population_count3A_473 : vector<16xi32>
      %add3A_475 = arith.constant 48 : i32
      %add3A_476 = arith.addi %mul3A_454, %add3A_475 : i32
      %get3A_477 = arith.index_cast %add3A_476 : i32 to index
      %get3A_478 = tpu.vector_load %arg5[%get3A_477] {strides = array<i32>} : memref<8960xi32, #tpu.memory_space<vmem>>, vector<16xi32>,
      %ge3A_479 = arith.cmpi sge, %get3A_478, %or3A_182 : vector<16xi32>
      %all_reduce_population_count3A_480 = tpu.all_reduce %ge3A_479 {dim = 0 : i64, kind = #tpu.reduction_kind<sum>} : vector<16xi1> -> vector<16xi32>
      %add3A_481 = arith.addi %add3A_474, %all_reduce_population_count3A_480 : vector<16xi32>
      %add3A_482 = arith.constant 64 : i32
      %add3A_483 = arith.addi %mul3A_454, %add3A_482 : i32
      %get3A_484 = arith.index_cast %add3A_483 : i32 to index
      %get3A_485 = tpu.vector_load %arg5[%get3A_484] {strides = array<i32>} : memref<8960xi32, #tpu.memory_space<vmem>>, vector<16xi32>,
      %ge3A_486 = arith.cmpi sge, %get3A_485, %or3A_182 : vector<16xi32>
      %all_reduce_population_count3A_487 = tpu.all_reduce %ge3A_486 {dim = 0 : i64, kind = #tpu.reduction_kind<sum>} : vector<16xi1> -> vector<16xi32>
      %add3A_488 = arith.addi %add3A_481, %all_reduce_population_count3A_487 : vector<16xi32>
      %add3A_489 = arith.constant 80 : i32
      %add3A_490 = arith.addi %mul3A_454, %add3A_489 : i32
      %get3A_491 = arith.index_cast %add3A_490 : i32 to index
      %get3A_492 = tpu.vector_load %arg5[%get3A_491] {strides = array<i32>} : memref<8960xi32, #tpu.memory_space<vmem>>, vector<16xi32>,
      %ge3A_493 = arith.cmpi sge, %get3A_492, %or3A_182 : vector<16xi32>
      %all_reduce_population_count3A_494 = tpu.all_reduce %ge3A_493 {dim = 0 : i64, kind = #tpu.reduction_kind<sum>} : vector<16xi1> -> vector<16xi32>
      %add3A_495 = arith.addi %add3A_488, %all_reduce_population_count3A_494 : vector<16xi32>
      %add3A_496 = arith.constant 96 : i32
      %add3A_497 = arith.addi %mul3A_454, %add3A_496 : i32
      %get3A_498 = arith.index_cast %add3A_497 : i32 to index
      %get3A_499 = tpu.vector_load %arg5[%get3A_498] {strides = array<i32>} : memref<8960xi32, #tpu.memory_space<vmem>>, vector<16xi32>,
      %ge3A_500 = arith.cmpi sge, %get3A_499, %or3A_182 : vector<16xi32>
      %all_reduce_population_count3A_501 = tpu.all_reduce %ge3A_500 {dim = 0 : i64, kind = #tpu.reduction_kind<sum>} : vector<16xi1> -> vector<16xi32>
      %add3A_502 = arith.addi %add3A_495, %all_reduce_population_count3A_501 : vector<16xi32>
      %add3A_503 = arith.constant 112 : i32
      %add3A_504 = arith.addi %mul3A_454, %add3A_503 : i32
      %get3A_505 = arith.index_cast %add3A_504 : i32 to index
      %get3A_506 = tpu.vector_load %arg5[%get3A_505] {strides = array<i32>} : memref<8960xi32, #tpu.memory_space<vmem>>, vector<16xi32>,
      %ge3A_507 = arith.cmpi sge, %get3A_506, %or3A_182 : vector<16xi32>
      %all_reduce_population_count3A_508 = tpu.all_reduce %ge3A_507 {dim = 0 : i64, kind = #tpu.reduction_kind<sum>} : vector<16xi1> -> vector<16xi32>
      %add3A_509 = arith.addi %add3A_502, %all_reduce_population_count3A_508 : vector<16xi32>
      scf.yield %add3A_509 : vector<16xi32>
    }
    %scan3A_190 = arith.constant 70 : i32
    %ge3A_191 = arith.cmpi sge, %scan3A_189, %convert_element_type3A : vector<16xi32>
    %select_n3A_192 = arith.select %ge3A_191, %or3A_182, %select_n3A_179 : vector<16xi1>, vector<16xi32>
    %or3A_193 = arith.constant 131072 : i32
    %or3A_194 = vector.broadcast %or3A_193 : i32 to vector<16xi32>
    %or3A_195 = arith.ori %select_n3A_192, %or3A_194 : vector<16xi32>
    %broadcast_in_dim3A_196 = arith.constant 0 : i32
    %broadcast_in_dim3A_197 = vector.broadcast %broadcast_in_dim3A_196 : i32 to vector<16xi32>
    %scan3A_198 = arith.constant 0 : i32
    %scan3A_199 = arith.constant 70 : i32
    %scan3A_200 = arith.addi %scan3A_198, %scan3A_199 : i32
    %scan3A_201 = arith.constant 1 : i32
    %scan3A_202 = scf.for %scan3A_451 = %scan3A_198 to %scan3A_200 step %scan3A_201 iter_args(%scan3A_452 = %broadcast_in_dim3A_197) -> (vector<16xi32>)  : i32 {
      %mul3A_453 = arith.constant 128 : i32
      %mul3A_454 = arith.muli %scan3A_451, %mul3A_453 : i32
      %add3A_455 = arith.constant 0 : i32
      %add3A_456 = arith.addi %mul3A_454, %add3A_455 : i32
      %get3A_457 = arith.index_cast %add3A_456 : i32 to index
      %get3A_458 = tpu.vector_load %arg5[%get3A_457] {strides = array<i32>} : memref<8960xi32, #tpu.memory_space<vmem>>, vector<16xi32>,
      %ge3A_459 = arith.cmpi sge, %get3A_458, %or3A_195 : vector<16xi32>
      %all_reduce_population_count3A = tpu.all_reduce %ge3A_459 {dim = 0 : i64, kind = #tpu.reduction_kind<sum>} : vector<16xi1> -> vector<16xi32>
      %add3A_460 = arith.addi %scan3A_452, %all_reduce_population_count3A : vector<16xi32>
      %add3A_461 = arith.constant 16 : i32
      %add3A_462 = arith.addi %mul3A_454, %add3A_461 : i32
      %get3A_463 = arith.index_cast %add3A_462 : i32 to index
      %get3A_464 = tpu.vector_load %arg5[%get3A_463] {strides = array<i32>} : memref<8960xi32, #tpu.memory_space<vmem>>, vector<16xi32>,
      %ge3A_465 = arith.cmpi sge, %get3A_464, %or3A_195 : vector<16xi32>
      %all_reduce_population_count3A_466 = tpu.all_reduce %ge3A_465 {dim = 0 : i64, kind = #tpu.reduction_kind<sum>} : vector<16xi1> -> vector<16xi32>
      %add3A_467 = arith.addi %add3A_460, %all_reduce_population_count3A_466 : vector<16xi32>
      %add3A_468 = arith.constant 32 : i32
      %add3A_469 = arith.addi %mul3A_454, %add3A_468 : i32
      %get3A_470 = arith.index_cast %add3A_469 : i32 to index
      %get3A_471 = tpu.vector_load %arg5[%get3A_470] {strides = array<i32>} : memref<8960xi32, #tpu.memory_space<vmem>>, vector<16xi32>,
      %ge3A_472 = arith.cmpi sge, %get3A_471, %or3A_195 : vector<16xi32>
      %all_reduce_population_count3A_473 = tpu.all_reduce %ge3A_472 {dim = 0 : i64, kind = #tpu.reduction_kind<sum>} : vector<16xi1> -> vector<16xi32>
      %add3A_474 = arith.addi %add3A_467, %all_reduce_population_count3A_473 : vector<16xi32>
      %add3A_475 = arith.constant 48 : i32
      %add3A_476 = arith.addi %mul3A_454, %add3A_475 : i32
      %get3A_477 = arith.index_cast %add3A_476 : i32 to index
      %get3A_478 = tpu.vector_load %arg5[%get3A_477] {strides = array<i32>} : memref<8960xi32, #tpu.memory_space<vmem>>, vector<16xi32>,
      %ge3A_479 = arith.cmpi sge, %get3A_478, %or3A_195 : vector<16xi32>
      %all_reduce_population_count3A_480 = tpu.all_reduce %ge3A_479 {dim = 0 : i64, kind = #tpu.reduction_kind<sum>} : vector<16xi1> -> vector<16xi32>
      %add3A_481 = arith.addi %add3A_474, %all_reduce_population_count3A_480 : vector<16xi32>
      %add3A_482 = arith.constant 64 : i32
      %add3A_483 = arith.addi %mul3A_454, %add3A_482 : i32
      %get3A_484 = arith.index_cast %add3A_483 : i32 to index
      %get3A_485 = tpu.vector_load %arg5[%get3A_484] {strides = array<i32>} : memref<8960xi32, #tpu.memory_space<vmem>>, vector<16xi32>,
      %ge3A_486 = arith.cmpi sge, %get3A_485, %or3A_195 : vector<16xi32>
      %all_reduce_population_count3A_487 = tpu.all_reduce %ge3A_486 {dim = 0 : i64, kind = #tpu.reduction_kind<sum>} : vector<16xi1> -> vector<16xi32>
      %add3A_488 = arith.addi %add3A_481, %all_reduce_population_count3A_487 : vector<16xi32>
      %add3A_489 = arith.constant 80 : i32
      %add3A_490 = arith.addi %mul3A_454, %add3A_489 : i32
      %get3A_491 = arith.index_cast %add3A_490 : i32 to index
      %get3A_492 = tpu.vector_load %arg5[%get3A_491] {strides = array<i32>} : memref<8960xi32, #tpu.memory_space<vmem>>, vector<16xi32>,
      %ge3A_493 = arith.cmpi sge, %get3A_492, %or3A_195 : vector<16xi32>
      %all_reduce_population_count3A_494 = tpu.all_reduce %ge3A_493 {dim = 0 : i64, kind = #tpu.reduction_kind<sum>} : vector<16xi1> -> vector<16xi32>
      %add3A_495 = arith.addi %add3A_488, %all_reduce_population_count3A_494 : vector<16xi32>
      %add3A_496 = arith.constant 96 : i32
      %add3A_497 = arith.addi %mul3A_454, %add3A_496 : i32
      %get3A_498 = arith.index_cast %add3A_497 : i32 to index
      %get3A_499 = tpu.vector_load %arg5[%get3A_498] {strides = array<i32>} : memref<8960xi32, #tpu.memory_space<vmem>>, vector<16xi32>,
      %ge3A_500 = arith.cmpi sge, %get3A_499, %or3A_195 : vector<16xi32>
      %all_reduce_population_count3A_501 = tpu.all_reduce %ge3A_500 {dim = 0 : i64, kind = #tpu.reduction_kind<sum>} : vector<16xi1> -> vector<16xi32>
      %add3A_502 = arith.addi %add3A_495, %all_reduce_population_count3A_501 : vector<16xi32>
      %add3A_503 = arith.constant 112 : i32
      %add3A_504 = arith.addi %mul3A_454, %add3A_503 : i32
      %get3A_505 = arith.index_cast %add3A_504 : i32 to index
      %get3A_506 = tpu.vector_load %arg5[%get3A_505] {strides = array<i32>} : memref<8960xi32, #tpu.memory_space<vmem>>, vector<16xi32>,
      %ge3A_507 = arith.cmpi sge, %get3A_506, %or3A_195 : vector<16xi32>
      %all_reduce_population_count3A_508 = tpu.all_reduce %ge3A_507 {dim = 0 : i64, kind = #tpu.reduction_kind<sum>} : vector<16xi1> -> vector<16xi32>
      %add3A_509 = arith.addi %add3A_502, %all_reduce_population_count3A_508 : vector<16xi32>
      scf.yield %add3A_509 : vector<16xi32>
    }
    %scan3A_203 = arith.constant 70 : i32
    %ge3A_204 = arith.cmpi sge, %scan3A_202, %convert_element_type3A : vector<16xi32>
    %select_n3A_205 = arith.select %ge3A_204, %or3A_195, %select_n3A_192 : vector<16xi1>, vector<16xi32>
    %or3A_206 = arith.constant 65536 : i32
    %or3A_207 = vector.broadcast %or3A_206 : i32 to vector<16xi32>
    %or3A_208 = arith.ori %select_n3A_205, %or3A_207 : vector<16xi32>
    %broadcast_in_dim3A_209 = arith.constant 0 : i32
    %broadcast_in_dim3A_210 = vector.broadcast %broadcast_in_dim3A_209 : i32 to vector<16xi32>
    %scan3A_211 = arith.constant 0 : i32
    %scan3A_212 = arith.constant 70 : i32
    %scan3A_213 = arith.addi %scan3A_211, %scan3A_212 : i32
    %scan3A_214 = arith.constant 1 : i32
    %scan3A_215 = scf.for %scan3A_451 = %scan3A_211 to %scan3A_213 step %scan3A_214 iter_args(%scan3A_452 = %broadcast_in_dim3A_210) -> (vector<16xi32>)  : i32 {
      %mul3A_453 = arith.constant 128 : i32
      %mul3A_454 = arith.muli %scan3A_451, %mul3A_453 : i32
      %add3A_455 = arith.constant 0 : i32
      %add3A_456 = arith.addi %mul3A_454, %add3A_455 : i32
      %get3A_457 = arith.index_cast %add3A_456 : i32 to index
      %get3A_458 = tpu.vector_load %arg5[%get3A_457] {strides = array<i32>} : memref<8960xi32, #tpu.memory_space<vmem>>, vector<16xi32>,
      %ge3A_459 = arith.cmpi sge, %get3A_458, %or3A_208 : vector<16xi32>
      %all_reduce_population_count3A = tpu.all_reduce %ge3A_459 {dim = 0 : i64, kind = #tpu.reduction_kind<sum>} : vector<16xi1> -> vector<16xi32>
      %add3A_460 = arith.addi %scan3A_452, %all_reduce_population_count3A : vector<16xi32>
      %add3A_461 = arith.constant 16 : i32
      %add3A_462 = arith.addi %mul3A_454, %add3A_461 : i32
      %get3A_463 = arith.index_cast %add3A_462 : i32 to index
      %get3A_464 = tpu.vector_load %arg5[%get3A_463] {strides = array<i32>} : memref<8960xi32, #tpu.memory_space<vmem>>, vector<16xi32>,
      %ge3A_465 = arith.cmpi sge, %get3A_464, %or3A_208 : vector<16xi32>
      %all_reduce_population_count3A_466 = tpu.all_reduce %ge3A_465 {dim = 0 : i64, kind = #tpu.reduction_kind<sum>} : vector<16xi1> -> vector<16xi32>
      %add3A_467 = arith.addi %add3A_460, %all_reduce_population_count3A_466 : vector<16xi32>
      %add3A_468 = arith.constant 32 : i32
      %add3A_469 = arith.addi %mul3A_454, %add3A_468 : i32
      %get3A_470 = arith.index_cast %add3A_469 : i32 to index
      %get3A_471 = tpu.vector_load %arg5[%get3A_470] {strides = array<i32>} : memref<8960xi32, #tpu.memory_space<vmem>>, vector<16xi32>,
      %ge3A_472 = arith.cmpi sge, %get3A_471, %or3A_208 : vector<16xi32>
      %all_reduce_population_count3A_473 = tpu.all_reduce %ge3A_472 {dim = 0 : i64, kind = #tpu.reduction_kind<sum>} : vector<16xi1> -> vector<16xi32>
      %add3A_474 = arith.addi %add3A_467, %all_reduce_population_count3A_473 : vector<16xi32>
      %add3A_475 = arith.constant 48 : i32
      %add3A_476 = arith.addi %mul3A_454, %add3A_475 : i32
      %get3A_477 = arith.index_cast %add3A_476 : i32 to index
      %get3A_478 = tpu.vector_load %arg5[%get3A_477] {strides = array<i32>} : memref<8960xi32, #tpu.memory_space<vmem>>, vector<16xi32>,
      %ge3A_479 = arith.cmpi sge, %get3A_478, %or3A_208 : vector<16xi32>
      %all_reduce_population_count3A_480 = tpu.all_reduce %ge3A_479 {dim = 0 : i64, kind = #tpu.reduction_kind<sum>} : vector<16xi1> -> vector<16xi32>
      %add3A_481 = arith.addi %add3A_474, %all_reduce_population_count3A_480 : vector<16xi32>
      %add3A_482 = arith.constant 64 : i32
      %add3A_483 = arith.addi %mul3A_454, %add3A_482 : i32
      %get3A_484 = arith.index_cast %add3A_483 : i32 to index
      %get3A_485 = tpu.vector_load %arg5[%get3A_484] {strides = array<i32>} : memref<8960xi32, #tpu.memory_space<vmem>>, vector<16xi32>,
      %ge3A_486 = arith.cmpi sge, %get3A_485, %or3A_208 : vector<16xi32>
      %all_reduce_population_count3A_487 = tpu.all_reduce %ge3A_486 {dim = 0 : i64, kind = #tpu.reduction_kind<sum>} : vector<16xi1> -> vector<16xi32>
      %add3A_488 = arith.addi %add3A_481, %all_reduce_population_count3A_487 : vector<16xi32>
      %add3A_489 = arith.constant 80 : i32
      %add3A_490 = arith.addi %mul3A_454, %add3A_489 : i32
      %get3A_491 = arith.index_cast %add3A_490 : i32 to index
      %get3A_492 = tpu.vector_load %arg5[%get3A_491] {strides = array<i32>} : memref<8960xi32, #tpu.memory_space<vmem>>, vector<16xi32>,
      %ge3A_493 = arith.cmpi sge, %get3A_492, %or3A_208 : vector<16xi32>
      %all_reduce_population_count3A_494 = tpu.all_reduce %ge3A_493 {dim = 0 : i64, kind = #tpu.reduction_kind<sum>} : vector<16xi1> -> vector<16xi32>
      %add3A_495 = arith.addi %add3A_488, %all_reduce_population_count3A_494 : vector<16xi32>
      %add3A_496 = arith.constant 96 : i32
      %add3A_497 = arith.addi %mul3A_454, %add3A_496 : i32
      %get3A_498 = arith.index_cast %add3A_497 : i32 to index
      %get3A_499 = tpu.vector_load %arg5[%get3A_498] {strides = array<i32>} : memref<8960xi32, #tpu.memory_space<vmem>>, vector<16xi32>,
      %ge3A_500 = arith.cmpi sge, %get3A_499, %or3A_208 : vector<16xi32>
      %all_reduce_population_count3A_501 = tpu.all_reduce %ge3A_500 {dim = 0 : i64, kind = #tpu.reduction_kind<sum>} : vector<16xi1> -> vector<16xi32>
      %add3A_502 = arith.addi %add3A_495, %all_reduce_population_count3A_501 : vector<16xi32>
      %add3A_503 = arith.constant 112 : i32
      %add3A_504 = arith.addi %mul3A_454, %add3A_503 : i32
      %get3A_505 = arith.index_cast %add3A_504 : i32 to index
      %get3A_506 = tpu.vector_load %arg5[%get3A_505] {strides = array<i32>} : memref<8960xi32, #tpu.memory_space<vmem>>, vector<16xi32>,
      %ge3A_507 = arith.cmpi sge, %get3A_506, %or3A_208 : vector<16xi32>
      %all_reduce_population_count3A_508 = tpu.all_reduce %ge3A_507 {dim = 0 : i64, kind = #tpu.reduction_kind<sum>} : vector<16xi1> -> vector<16xi32>
      %add3A_509 = arith.addi %add3A_502, %all_reduce_population_count3A_508 : vector<16xi32>
      scf.yield %add3A_509 : vector<16xi32>
    }
    %scan3A_216 = arith.constant 70 : i32
    %ge3A_217 = arith.cmpi sge, %scan3A_215, %convert_element_type3A : vector<16xi32>
    %select_n3A_218 = arith.select %ge3A_217, %or3A_208, %select_n3A_205 : vector<16xi1>, vector<16xi32>
    %or3A_219 = arith.constant 32768 : i32
    %or3A_220 = vector.broadcast %or3A_219 : i32 to vector<16xi32>
    %or3A_221 = arith.ori %select_n3A_218, %or3A_220 : vector<16xi32>
    %broadcast_in_dim3A_222 = arith.constant 0 : i32
    %broadcast_in_dim3A_223 = vector.broadcast %broadcast_in_dim3A_222 : i32 to vector<16xi32>
    %scan3A_224 = arith.constant 0 : i32
    %scan3A_225 = arith.constant 70 : i32
    %scan3A_226 = arith.addi %scan3A_224, %scan3A_225 : i32
    %scan3A_227 = arith.constant 1 : i32
    %scan3A_228 = scf.for %scan3A_451 = %scan3A_224 to %scan3A_226 step %scan3A_227 iter_args(%scan3A_452 = %broadcast_in_dim3A_223) -> (vector<16xi32>)  : i32 {
      %mul3A_453 = arith.constant 128 : i32
      %mul3A_454 = arith.muli %scan3A_451, %mul3A_453 : i32
      %add3A_455 = arith.constant 0 : i32
      %add3A_456 = arith.addi %mul3A_454, %add3A_455 : i32
      %get3A_457 = arith.index_cast %add3A_456 : i32 to index
      %get3A_458 = tpu.vector_load %arg5[%get3A_457] {strides = array<i32>} : memref<8960xi32, #tpu.memory_space<vmem>>, vector<16xi32>,
      %ge3A_459 = arith.cmpi sge, %get3A_458, %or3A_221 : vector<16xi32>
      %all_reduce_population_count3A = tpu.all_reduce %ge3A_459 {dim = 0 : i64, kind = #tpu.reduction_kind<sum>} : vector<16xi1> -> vector<16xi32>
      %add3A_460 = arith.addi %scan3A_452, %all_reduce_population_count3A : vector<16xi32>
      %add3A_461 = arith.constant 16 : i32
      %add3A_462 = arith.addi %mul3A_454, %add3A_461 : i32
      %get3A_463 = arith.index_cast %add3A_462 : i32 to index
      %get3A_464 = tpu.vector_load %arg5[%get3A_463] {strides = array<i32>} : memref<8960xi32, #tpu.memory_space<vmem>>, vector<16xi32>,
      %ge3A_465 = arith.cmpi sge, %get3A_464, %or3A_221 : vector<16xi32>
      %all_reduce_population_count3A_466 = tpu.all_reduce %ge3A_465 {dim = 0 : i64, kind = #tpu.reduction_kind<sum>} : vector<16xi1> -> vector<16xi32>
      %add3A_467 = arith.addi %add3A_460, %all_reduce_population_count3A_466 : vector<16xi32>
      %add3A_468 = arith.constant 32 : i32
      %add3A_469 = arith.addi %mul3A_454, %add3A_468 : i32
      %get3A_470 = arith.index_cast %add3A_469 : i32 to index
      %get3A_471 = tpu.vector_load %arg5[%get3A_470] {strides = array<i32>} : memref<8960xi32, #tpu.memory_space<vmem>>, vector<16xi32>,
      %ge3A_472 = arith.cmpi sge, %get3A_471, %or3A_221 : vector<16xi32>
      %all_reduce_population_count3A_473 = tpu.all_reduce %ge3A_472 {dim = 0 : i64, kind = #tpu.reduction_kind<sum>} : vector<16xi1> -> vector<16xi32>
      %add3A_474 = arith.addi %add3A_467, %all_reduce_population_count3A_473 : vector<16xi32>
      %add3A_475 = arith.constant 48 : i32
      %add3A_476 = arith.addi %mul3A_454, %add3A_475 : i32
      %get3A_477 = arith.index_cast %add3A_476 : i32 to index
      %get3A_478 = tpu.vector_load %arg5[%get3A_477] {strides = array<i32>} : memref<8960xi32, #tpu.memory_space<vmem>>, vector<16xi32>,
      %ge3A_479 = arith.cmpi sge, %get3A_478, %or3A_221 : vector<16xi32>
      %all_reduce_population_count3A_480 = tpu.all_reduce %ge3A_479 {dim = 0 : i64, kind = #tpu.reduction_kind<sum>} : vector<16xi1> -> vector<16xi32>
      %add3A_481 = arith.addi %add3A_474, %all_reduce_population_count3A_480 : vector<16xi32>
      %add3A_482 = arith.constant 64 : i32
      %add3A_483 = arith.addi %mul3A_454, %add3A_482 : i32
      %get3A_484 = arith.index_cast %add3A_483 : i32 to index
      %get3A_485 = tpu.vector_load %arg5[%get3A_484] {strides = array<i32>} : memref<8960xi32, #tpu.memory_space<vmem>>, vector<16xi32>,
      %ge3A_486 = arith.cmpi sge, %get3A_485, %or3A_221 : vector<16xi32>
      %all_reduce_population_count3A_487 = tpu.all_reduce %ge3A_486 {dim = 0 : i64, kind = #tpu.reduction_kind<sum>} : vector<16xi1> -> vector<16xi32>
      %add3A_488 = arith.addi %add3A_481, %all_reduce_population_count3A_487 : vector<16xi32>
      %add3A_489 = arith.constant 80 : i32
      %add3A_490 = arith.addi %mul3A_454, %add3A_489 : i32
      %get3A_491 = arith.index_cast %add3A_490 : i32 to index
      %get3A_492 = tpu.vector_load %arg5[%get3A_491] {strides = array<i32>} : memref<8960xi32, #tpu.memory_space<vmem>>, vector<16xi32>,
      %ge3A_493 = arith.cmpi sge, %get3A_492, %or3A_221 : vector<16xi32>
      %all_reduce_population_count3A_494 = tpu.all_reduce %ge3A_493 {dim = 0 : i64, kind = #tpu.reduction_kind<sum>} : vector<16xi1> -> vector<16xi32>
      %add3A_495 = arith.addi %add3A_488, %all_reduce_population_count3A_494 : vector<16xi32>
      %add3A_496 = arith.constant 96 : i32
      %add3A_497 = arith.addi %mul3A_454, %add3A_496 : i32
      %get3A_498 = arith.index_cast %add3A_497 : i32 to index
      %get3A_499 = tpu.vector_load %arg5[%get3A_498] {strides = array<i32>} : memref<8960xi32, #tpu.memory_space<vmem>>, vector<16xi32>,
      %ge3A_500 = arith.cmpi sge, %get3A_499, %or3A_221 : vector<16xi32>
      %all_reduce_population_count3A_501 = tpu.all_reduce %ge3A_500 {dim = 0 : i64, kind = #tpu.reduction_kind<sum>} : vector<16xi1> -> vector<16xi32>
      %add3A_502 = arith.addi %add3A_495, %all_reduce_population_count3A_501 : vector<16xi32>
      %add3A_503 = arith.constant 112 : i32
      %add3A_504 = arith.addi %mul3A_454, %add3A_503 : i32
      %get3A_505 = arith.index_cast %add3A_504 : i32 to index
      %get3A_506 = tpu.vector_load %arg5[%get3A_505] {strides = array<i32>} : memref<8960xi32, #tpu.memory_space<vmem>>, vector<16xi32>,
      %ge3A_507 = arith.cmpi sge, %get3A_506, %or3A_221 : vector<16xi32>
      %all_reduce_population_count3A_508 = tpu.all_reduce %ge3A_507 {dim = 0 : i64, kind = #tpu.reduction_kind<sum>} : vector<16xi1> -> vector<16xi32>
      %add3A_509 = arith.addi %add3A_502, %all_reduce_population_count3A_508 : vector<16xi32>
      scf.yield %add3A_509 : vector<16xi32>
    }
    %scan3A_229 = arith.constant 70 : i32
    %ge3A_230 = arith.cmpi sge, %scan3A_228, %convert_element_type3A : vector<16xi32>
    %select_n3A_231 = arith.select %ge3A_230, %or3A_221, %select_n3A_218 : vector<16xi1>, vector<16xi32>
    %or3A_232 = arith.constant 16384 : i32
    %or3A_233 = vector.broadcast %or3A_232 : i32 to vector<16xi32>
    %or3A_234 = arith.ori %select_n3A_231, %or3A_233 : vector<16xi32>
    %broadcast_in_dim3A_235 = arith.constant 0 : i32
    %broadcast_in_dim3A_236 = vector.broadcast %broadcast_in_dim3A_235 : i32 to vector<16xi32>
    %scan3A_237 = arith.constant 0 : i32
    %scan3A_238 = arith.constant 70 : i32
    %scan3A_239 = arith.addi %scan3A_237, %scan3A_238 : i32
    %scan3A_240 = arith.constant 1 : i32
    %scan3A_241 = scf.for %scan3A_451 = %scan3A_237 to %scan3A_239 step %scan3A_240 iter_args(%scan3A_452 = %broadcast_in_dim3A_236) -> (vector<16xi32>)  : i32 {
      %mul3A_453 = arith.constant 128 : i32
      %mul3A_454 = arith.muli %scan3A_451, %mul3A_453 : i32
      %add3A_455 = arith.constant 0 : i32
      %add3A_456 = arith.addi %mul3A_454, %add3A_455 : i32
      %get3A_457 = arith.index_cast %add3A_456 : i32 to index
      %get3A_458 = tpu.vector_load %arg5[%get3A_457] {strides = array<i32>} : memref<8960xi32, #tpu.memory_space<vmem>>, vector<16xi32>,
      %ge3A_459 = arith.cmpi sge, %get3A_458, %or3A_234 : vector<16xi32>
      %all_reduce_population_count3A = tpu.all_reduce %ge3A_459 {dim = 0 : i64, kind = #tpu.reduction_kind<sum>} : vector<16xi1> -> vector<16xi32>
      %add3A_460 = arith.addi %scan3A_452, %all_reduce_population_count3A : vector<16xi32>
      %add3A_461 = arith.constant 16 : i32
      %add3A_462 = arith.addi %mul3A_454, %add3A_461 : i32
      %get3A_463 = arith.index_cast %add3A_462 : i32 to index
      %get3A_464 = tpu.vector_load %arg5[%get3A_463] {strides = array<i32>} : memref<8960xi32, #tpu.memory_space<vmem>>, vector<16xi32>,
      %ge3A_465 = arith.cmpi sge, %get3A_464, %or3A_234 : vector<16xi32>
      %all_reduce_population_count3A_466 = tpu.all_reduce %ge3A_465 {dim = 0 : i64, kind = #tpu.reduction_kind<sum>} : vector<16xi1> -> vector<16xi32>
      %add3A_467 = arith.addi %add3A_460, %all_reduce_population_count3A_466 : vector<16xi32>
      %add3A_468 = arith.constant 32 : i32
      %add3A_469 = arith.addi %mul3A_454, %add3A_468 : i32
      %get3A_470 = arith.index_cast %add3A_469 : i32 to index
      %get3A_471 = tpu.vector_load %arg5[%get3A_470] {strides = array<i32>} : memref<8960xi32, #tpu.memory_space<vmem>>, vector<16xi32>,
      %ge3A_472 = arith.cmpi sge, %get3A_471, %or3A_234 : vector<16xi32>
      %all_reduce_population_count3A_473 = tpu.all_reduce %ge3A_472 {dim = 0 : i64, kind = #tpu.reduction_kind<sum>} : vector<16xi1> -> vector<16xi32>
      %add3A_474 = arith.addi %add3A_467, %all_reduce_population_count3A_473 : vector<16xi32>
      %add3A_475 = arith.constant 48 : i32
      %add3A_476 = arith.addi %mul3A_454, %add3A_475 : i32
      %get3A_477 = arith.index_cast %add3A_476 : i32 to index
      %get3A_478 = tpu.vector_load %arg5[%get3A_477] {strides = array<i32>} : memref<8960xi32, #tpu.memory_space<vmem>>, vector<16xi32>,
      %ge3A_479 = arith.cmpi sge, %get3A_478, %or3A_234 : vector<16xi32>
      %all_reduce_population_count3A_480 = tpu.all_reduce %ge3A_479 {dim = 0 : i64, kind = #tpu.reduction_kind<sum>} : vector<16xi1> -> vector<16xi32>
      %add3A_481 = arith.addi %add3A_474, %all_reduce_population_count3A_480 : vector<16xi32>
      %add3A_482 = arith.constant 64 : i32
      %add3A_483 = arith.addi %mul3A_454, %add3A_482 : i32
      %get3A_484 = arith.index_cast %add3A_483 : i32 to index
      %get3A_485 = tpu.vector_load %arg5[%get3A_484] {strides = array<i32>} : memref<8960xi32, #tpu.memory_space<vmem>>, vector<16xi32>,
      %ge3A_486 = arith.cmpi sge, %get3A_485, %or3A_234 : vector<16xi32>
      %all_reduce_population_count3A_487 = tpu.all_reduce %ge3A_486 {dim = 0 : i64, kind = #tpu.reduction_kind<sum>} : vector<16xi1> -> vector<16xi32>
      %add3A_488 = arith.addi %add3A_481, %all_reduce_population_count3A_487 : vector<16xi32>
      %add3A_489 = arith.constant 80 : i32
      %add3A_490 = arith.addi %mul3A_454, %add3A_489 : i32
      %get3A_491 = arith.index_cast %add3A_490 : i32 to index
      %get3A_492 = tpu.vector_load %arg5[%get3A_491] {strides = array<i32>} : memref<8960xi32, #tpu.memory_space<vmem>>, vector<16xi32>,
      %ge3A_493 = arith.cmpi sge, %get3A_492, %or3A_234 : vector<16xi32>
      %all_reduce_population_count3A_494 = tpu.all_reduce %ge3A_493 {dim = 0 : i64, kind = #tpu.reduction_kind<sum>} : vector<16xi1> -> vector<16xi32>
      %add3A_495 = arith.addi %add3A_488, %all_reduce_population_count3A_494 : vector<16xi32>
      %add3A_496 = arith.constant 96 : i32
      %add3A_497 = arith.addi %mul3A_454, %add3A_496 : i32
      %get3A_498 = arith.index_cast %add3A_497 : i32 to index
      %get3A_499 = tpu.vector_load %arg5[%get3A_498] {strides = array<i32>} : memref<8960xi32, #tpu.memory_space<vmem>>, vector<16xi32>,
      %ge3A_500 = arith.cmpi sge, %get3A_499, %or3A_234 : vector<16xi32>
      %all_reduce_population_count3A_501 = tpu.all_reduce %ge3A_500 {dim = 0 : i64, kind = #tpu.reduction_kind<sum>} : vector<16xi1> -> vector<16xi32>
      %add3A_502 = arith.addi %add3A_495, %all_reduce_population_count3A_501 : vector<16xi32>
      %add3A_503 = arith.constant 112 : i32
      %add3A_504 = arith.addi %mul3A_454, %add3A_503 : i32
      %get3A_505 = arith.index_cast %add3A_504 : i32 to index
      %get3A_506 = tpu.vector_load %arg5[%get3A_505] {strides = array<i32>} : memref<8960xi32, #tpu.memory_space<vmem>>, vector<16xi32>,
      %ge3A_507 = arith.cmpi sge, %get3A_506, %or3A_234 : vector<16xi32>
      %all_reduce_population_count3A_508 = tpu.all_reduce %ge3A_507 {dim = 0 : i64, kind = #tpu.reduction_kind<sum>} : vector<16xi1> -> vector<16xi32>
      %add3A_509 = arith.addi %add3A_502, %all_reduce_population_count3A_508 : vector<16xi32>
      scf.yield %add3A_509 : vector<16xi32>
    }
    %scan3A_242 = arith.constant 70 : i32
    %ge3A_243 = arith.cmpi sge, %scan3A_241, %convert_element_type3A : vector<16xi32>
    %select_n3A_244 = arith.select %ge3A_243, %or3A_234, %select_n3A_231 : vector<16xi1>, vector<16xi32>
    %or3A_245 = arith.constant 8192 : i32
    %or3A_246 = vector.broadcast %or3A_245 : i32 to vector<16xi32>
    %or3A_247 = arith.ori %select_n3A_244, %or3A_246 : vector<16xi32>
    %broadcast_in_dim3A_248 = arith.constant 0 : i32
    %broadcast_in_dim3A_249 = vector.broadcast %broadcast_in_dim3A_248 : i32 to vector<16xi32>
    %scan3A_250 = arith.constant 0 : i32
    %scan3A_251 = arith.constant 70 : i32
    %scan3A_252 = arith.addi %scan3A_250, %scan3A_251 : i32
    %scan3A_253 = arith.constant 1 : i32
    %scan3A_254 = scf.for %scan3A_451 = %scan3A_250 to %scan3A_252 step %scan3A_253 iter_args(%scan3A_452 = %broadcast_in_dim3A_249) -> (vector<16xi32>)  : i32 {
      %mul3A_453 = arith.constant 128 : i32
      %mul3A_454 = arith.muli %scan3A_451, %mul3A_453 : i32
      %add3A_455 = arith.constant 0 : i32
      %add3A_456 = arith.addi %mul3A_454, %add3A_455 : i32
      %get3A_457 = arith.index_cast %add3A_456 : i32 to index
      %get3A_458 = tpu.vector_load %arg5[%get3A_457] {strides = array<i32>} : memref<8960xi32, #tpu.memory_space<vmem>>, vector<16xi32>,
      %ge3A_459 = arith.cmpi sge, %get3A_458, %or3A_247 : vector<16xi32>
      %all_reduce_population_count3A = tpu.all_reduce %ge3A_459 {dim = 0 : i64, kind = #tpu.reduction_kind<sum>} : vector<16xi1> -> vector<16xi32>
      %add3A_460 = arith.addi %scan3A_452, %all_reduce_population_count3A : vector<16xi32>
      %add3A_461 = arith.constant 16 : i32
      %add3A_462 = arith.addi %mul3A_454, %add3A_461 : i32
      %get3A_463 = arith.index_cast %add3A_462 : i32 to index
      %get3A_464 = tpu.vector_load %arg5[%get3A_463] {strides = array<i32>} : memref<8960xi32, #tpu.memory_space<vmem>>, vector<16xi32>,
      %ge3A_465 = arith.cmpi sge, %get3A_464, %or3A_247 : vector<16xi32>
      %all_reduce_population_count3A_466 = tpu.all_reduce %ge3A_465 {dim = 0 : i64, kind = #tpu.reduction_kind<sum>} : vector<16xi1> -> vector<16xi32>
      %add3A_467 = arith.addi %add3A_460, %all_reduce_population_count3A_466 : vector<16xi32>
      %add3A_468 = arith.constant 32 : i32
      %add3A_469 = arith.addi %mul3A_454, %add3A_468 : i32
      %get3A_470 = arith.index_cast %add3A_469 : i32 to index
      %get3A_471 = tpu.vector_load %arg5[%get3A_470] {strides = array<i32>} : memref<8960xi32, #tpu.memory_space<vmem>>, vector<16xi32>,
      %ge3A_472 = arith.cmpi sge, %get3A_471, %or3A_247 : vector<16xi32>
      %all_reduce_population_count3A_473 = tpu.all_reduce %ge3A_472 {dim = 0 : i64, kind = #tpu.reduction_kind<sum>} : vector<16xi1> -> vector<16xi32>
      %add3A_474 = arith.addi %add3A_467, %all_reduce_population_count3A_473 : vector<16xi32>
      %add3A_475 = arith.constant 48 : i32
      %add3A_476 = arith.addi %mul3A_454, %add3A_475 : i32
      %get3A_477 = arith.index_cast %add3A_476 : i32 to index
      %get3A_478 = tpu.vector_load %arg5[%get3A_477] {strides = array<i32>} : memref<8960xi32, #tpu.memory_space<vmem>>, vector<16xi32>,
      %ge3A_479 = arith.cmpi sge, %get3A_478, %or3A_247 : vector<16xi32>
      %all_reduce_population_count3A_480 = tpu.all_reduce %ge3A_479 {dim = 0 : i64, kind = #tpu.reduction_kind<sum>} : vector<16xi1> -> vector<16xi32>
      %add3A_481 = arith.addi %add3A_474, %all_reduce_population_count3A_480 : vector<16xi32>
      %add3A_482 = arith.constant 64 : i32
      %add3A_483 = arith.addi %mul3A_454, %add3A_482 : i32
      %get3A_484 = arith.index_cast %add3A_483 : i32 to index
      %get3A_485 = tpu.vector_load %arg5[%get3A_484] {strides = array<i32>} : memref<8960xi32, #tpu.memory_space<vmem>>, vector<16xi32>,
      %ge3A_486 = arith.cmpi sge, %get3A_485, %or3A_247 : vector<16xi32>
      %all_reduce_population_count3A_487 = tpu.all_reduce %ge3A_486 {dim = 0 : i64, kind = #tpu.reduction_kind<sum>} : vector<16xi1> -> vector<16xi32>
      %add3A_488 = arith.addi %add3A_481, %all_reduce_population_count3A_487 : vector<16xi32>
      %add3A_489 = arith.constant 80 : i32
      %add3A_490 = arith.addi %mul3A_454, %add3A_489 : i32
      %get3A_491 = arith.index_cast %add3A_490 : i32 to index
      %get3A_492 = tpu.vector_load %arg5[%get3A_491] {strides = array<i32>} : memref<8960xi32, #tpu.memory_space<vmem>>, vector<16xi32>,
      %ge3A_493 = arith.cmpi sge, %get3A_492, %or3A_247 : vector<16xi32>
      %all_reduce_population_count3A_494 = tpu.all_reduce %ge3A_493 {dim = 0 : i64, kind = #tpu.reduction_kind<sum>} : vector<16xi1> -> vector<16xi32>
      %add3A_495 = arith.addi %add3A_488, %all_reduce_population_count3A_494 : vector<16xi32>
      %add3A_496 = arith.constant 96 : i32
      %add3A_497 = arith.addi %mul3A_454, %add3A_496 : i32
      %get3A_498 = arith.index_cast %add3A_497 : i32 to index
      %get3A_499 = tpu.vector_load %arg5[%get3A_498] {strides = array<i32>} : memref<8960xi32, #tpu.memory_space<vmem>>, vector<16xi32>,
      %ge3A_500 = arith.cmpi sge, %get3A_499, %or3A_247 : vector<16xi32>
      %all_reduce_population_count3A_501 = tpu.all_reduce %ge3A_500 {dim = 0 : i64, kind = #tpu.reduction_kind<sum>} : vector<16xi1> -> vector<16xi32>
      %add3A_502 = arith.addi %add3A_495, %all_reduce_population_count3A_501 : vector<16xi32>
      %add3A_503 = arith.constant 112 : i32
      %add3A_504 = arith.addi %mul3A_454, %add3A_503 : i32
      %get3A_505 = arith.index_cast %add3A_504 : i32 to index
      %get3A_506 = tpu.vector_load %arg5[%get3A_505] {strides = array<i32>} : memref<8960xi32, #tpu.memory_space<vmem>>, vector<16xi32>,
      %ge3A_507 = arith.cmpi sge, %get3A_506, %or3A_247 : vector<16xi32>
      %all_reduce_population_count3A_508 = tpu.all_reduce %ge3A_507 {dim = 0 : i64, kind = #tpu.reduction_kind<sum>} : vector<16xi1> -> vector<16xi32>
      %add3A_509 = arith.addi %add3A_502, %all_reduce_population_count3A_508 : vector<16xi32>
      scf.yield %add3A_509 : vector<16xi32>
    }
    %scan3A_255 = arith.constant 70 : i32
    %ge3A_256 = arith.cmpi sge, %scan3A_254, %convert_element_type3A : vector<16xi32>
    %select_n3A_257 = arith.select %ge3A_256, %or3A_247, %select_n3A_244 : vector<16xi1>, vector<16xi32>
    %or3A_258 = arith.constant 4096 : i32
    %or3A_259 = vector.broadcast %or3A_258 : i32 to vector<16xi32>
    %or3A_260 = arith.ori %select_n3A_257, %or3A_259 : vector<16xi32>
    %broadcast_in_dim3A_261 = arith.constant 0 : i32
    %broadcast_in_dim3A_262 = vector.broadcast %broadcast_in_dim3A_261 : i32 to vector<16xi32>
    %scan3A_263 = arith.constant 0 : i32
    %scan3A_264 = arith.constant 70 : i32
    %scan3A_265 = arith.addi %scan3A_263, %scan3A_264 : i32
    %scan3A_266 = arith.constant 1 : i32
    %scan3A_267 = scf.for %scan3A_451 = %scan3A_263 to %scan3A_265 step %scan3A_266 iter_args(%scan3A_452 = %broadcast_in_dim3A_262) -> (vector<16xi32>)  : i32 {
      %mul3A_453 = arith.constant 128 : i32
      %mul3A_454 = arith.muli %scan3A_451, %mul3A_453 : i32
      %add3A_455 = arith.constant 0 : i32
      %add3A_456 = arith.addi %mul3A_454, %add3A_455 : i32
      %get3A_457 = arith.index_cast %add3A_456 : i32 to index
      %get3A_458 = tpu.vector_load %arg5[%get3A_457] {strides = array<i32>} : memref<8960xi32, #tpu.memory_space<vmem>>, vector<16xi32>,
      %ge3A_459 = arith.cmpi sge, %get3A_458, %or3A_260 : vector<16xi32>
      %all_reduce_population_count3A = tpu.all_reduce %ge3A_459 {dim = 0 : i64, kind = #tpu.reduction_kind<sum>} : vector<16xi1> -> vector<16xi32>
      %add3A_460 = arith.addi %scan3A_452, %all_reduce_population_count3A : vector<16xi32>
      %add3A_461 = arith.constant 16 : i32
      %add3A_462 = arith.addi %mul3A_454, %add3A_461 : i32
      %get3A_463 = arith.index_cast %add3A_462 : i32 to index
      %get3A_464 = tpu.vector_load %arg5[%get3A_463] {strides = array<i32>} : memref<8960xi32, #tpu.memory_space<vmem>>, vector<16xi32>,
      %ge3A_465 = arith.cmpi sge, %get3A_464, %or3A_260 : vector<16xi32>
      %all_reduce_population_count3A_466 = tpu.all_reduce %ge3A_465 {dim = 0 : i64, kind = #tpu.reduction_kind<sum>} : vector<16xi1> -> vector<16xi32>
      %add3A_467 = arith.addi %add3A_460, %all_reduce_population_count3A_466 : vector<16xi32>
      %add3A_468 = arith.constant 32 : i32
      %add3A_469 = arith.addi %mul3A_454, %add3A_468 : i32
      %get3A_470 = arith.index_cast %add3A_469 : i32 to index
      %get3A_471 = tpu.vector_load %arg5[%get3A_470] {strides = array<i32>} : memref<8960xi32, #tpu.memory_space<vmem>>, vector<16xi32>,
      %ge3A_472 = arith.cmpi sge, %get3A_471, %or3A_260 : vector<16xi32>
      %all_reduce_population_count3A_473 = tpu.all_reduce %ge3A_472 {dim = 0 : i64, kind = #tpu.reduction_kind<sum>} : vector<16xi1> -> vector<16xi32>
      %add3A_474 = arith.addi %add3A_467, %all_reduce_population_count3A_473 : vector<16xi32>
      %add3A_475 = arith.constant 48 : i32
      %add3A_476 = arith.addi %mul3A_454, %add3A_475 : i32
      %get3A_477 = arith.index_cast %add3A_476 : i32 to index
      %get3A_478 = tpu.vector_load %arg5[%get3A_477] {strides = array<i32>} : memref<8960xi32, #tpu.memory_space<vmem>>, vector<16xi32>,
      %ge3A_479 = arith.cmpi sge, %get3A_478, %or3A_260 : vector<16xi32>
      %all_reduce_population_count3A_480 = tpu.all_reduce %ge3A_479 {dim = 0 : i64, kind = #tpu.reduction_kind<sum>} : vector<16xi1> -> vector<16xi32>
      %add3A_481 = arith.addi %add3A_474, %all_reduce_population_count3A_480 : vector<16xi32>
      %add3A_482 = arith.constant 64 : i32
      %add3A_483 = arith.addi %mul3A_454, %add3A_482 : i32
      %get3A_484 = arith.index_cast %add3A_483 : i32 to index
      %get3A_485 = tpu.vector_load %arg5[%get3A_484] {strides = array<i32>} : memref<8960xi32, #tpu.memory_space<vmem>>, vector<16xi32>,
      %ge3A_486 = arith.cmpi sge, %get3A_485, %or3A_260 : vector<16xi32>
      %all_reduce_population_count3A_487 = tpu.all_reduce %ge3A_486 {dim = 0 : i64, kind = #tpu.reduction_kind<sum>} : vector<16xi1> -> vector<16xi32>
      %add3A_488 = arith.addi %add3A_481, %all_reduce_population_count3A_487 : vector<16xi32>
      %add3A_489 = arith.constant 80 : i32
      %add3A_490 = arith.addi %mul3A_454, %add3A_489 : i32
      %get3A_491 = arith.index_cast %add3A_490 : i32 to index
      %get3A_492 = tpu.vector_load %arg5[%get3A_491] {strides = array<i32>} : memref<8960xi32, #tpu.memory_space<vmem>>, vector<16xi32>,
      %ge3A_493 = arith.cmpi sge, %get3A_492, %or3A_260 : vector<16xi32>
      %all_reduce_population_count3A_494 = tpu.all_reduce %ge3A_493 {dim = 0 : i64, kind = #tpu.reduction_kind<sum>} : vector<16xi1> -> vector<16xi32>
      %add3A_495 = arith.addi %add3A_488, %all_reduce_population_count3A_494 : vector<16xi32>
      %add3A_496 = arith.constant 96 : i32
      %add3A_497 = arith.addi %mul3A_454, %add3A_496 : i32
      %get3A_498 = arith.index_cast %add3A_497 : i32 to index
      %get3A_499 = tpu.vector_load %arg5[%get3A_498] {strides = array<i32>} : memref<8960xi32, #tpu.memory_space<vmem>>, vector<16xi32>,
      %ge3A_500 = arith.cmpi sge, %get3A_499, %or3A_260 : vector<16xi32>
      %all_reduce_population_count3A_501 = tpu.all_reduce %ge3A_500 {dim = 0 : i64, kind = #tpu.reduction_kind<sum>} : vector<16xi1> -> vector<16xi32>
      %add3A_502 = arith.addi %add3A_495, %all_reduce_population_count3A_501 : vector<16xi32>
      %add3A_503 = arith.constant 112 : i32
      %add3A_504 = arith.addi %mul3A_454, %add3A_503 : i32
      %get3A_505 = arith.index_cast %add3A_504 : i32 to index
      %get3A_506 = tpu.vector_load %arg5[%get3A_505] {strides = array<i32>} : memref<8960xi32, #tpu.memory_space<vmem>>, vector<16xi32>,
      %ge3A_507 = arith.cmpi sge, %get3A_506, %or3A_260 : vector<16xi32>
      %all_reduce_population_count3A_508 = tpu.all_reduce %ge3A_507 {dim = 0 : i64, kind = #tpu.reduction_kind<sum>} : vector<16xi1> -> vector<16xi32>
      %add3A_509 = arith.addi %add3A_502, %all_reduce_population_count3A_508 : vector<16xi32>
      scf.yield %add3A_509 : vector<16xi32>
    }
    %scan3A_268 = arith.constant 70 : i32
    %ge3A_269 = arith.cmpi sge, %scan3A_267, %convert_element_type3A : vector<16xi32>
    %select_n3A_270 = arith.select %ge3A_269, %or3A_260, %select_n3A_257 : vector<16xi1>, vector<16xi32>
    %or3A_271 = arith.constant 2048 : i32
    %or3A_272 = vector.broadcast %or3A_271 : i32 to vector<16xi32>
    %or3A_273 = arith.ori %select_n3A_270, %or3A_272 : vector<16xi32>
    %broadcast_in_dim3A_274 = arith.constant 0 : i32
    %broadcast_in_dim3A_275 = vector.broadcast %broadcast_in_dim3A_274 : i32 to vector<16xi32>
    %scan3A_276 = arith.constant 0 : i32
    %scan3A_277 = arith.constant 70 : i32
    %scan3A_278 = arith.addi %scan3A_276, %scan3A_277 : i32
    %scan3A_279 = arith.constant 1 : i32
    %scan3A_280 = scf.for %scan3A_451 = %scan3A_276 to %scan3A_278 step %scan3A_279 iter_args(%scan3A_452 = %broadcast_in_dim3A_275) -> (vector<16xi32>)  : i32 {
      %mul3A_453 = arith.constant 128 : i32
      %mul3A_454 = arith.muli %scan3A_451, %mul3A_453 : i32
      %add3A_455 = arith.constant 0 : i32
      %add3A_456 = arith.addi %mul3A_454, %add3A_455 : i32
      %get3A_457 = arith.index_cast %add3A_456 : i32 to index
      %get3A_458 = tpu.vector_load %arg5[%get3A_457] {strides = array<i32>} : memref<8960xi32, #tpu.memory_space<vmem>>, vector<16xi32>,
      %ge3A_459 = arith.cmpi sge, %get3A_458, %or3A_273 : vector<16xi32>
      %all_reduce_population_count3A = tpu.all_reduce %ge3A_459 {dim = 0 : i64, kind = #tpu.reduction_kind<sum>} : vector<16xi1> -> vector<16xi32>
      %add3A_460 = arith.addi %scan3A_452, %all_reduce_population_count3A : vector<16xi32>
      %add3A_461 = arith.constant 16 : i32
      %add3A_462 = arith.addi %mul3A_454, %add3A_461 : i32
      %get3A_463 = arith.index_cast %add3A_462 : i32 to index
      %get3A_464 = tpu.vector_load %arg5[%get3A_463] {strides = array<i32>} : memref<8960xi32, #tpu.memory_space<vmem>>, vector<16xi32>,
      %ge3A_465 = arith.cmpi sge, %get3A_464, %or3A_273 : vector<16xi32>
      %all_reduce_population_count3A_466 = tpu.all_reduce %ge3A_465 {dim = 0 : i64, kind = #tpu.reduction_kind<sum>} : vector<16xi1> -> vector<16xi32>
      %add3A_467 = arith.addi %add3A_460, %all_reduce_population_count3A_466 : vector<16xi32>
      %add3A_468 = arith.constant 32 : i32
      %add3A_469 = arith.addi %mul3A_454, %add3A_468 : i32
      %get3A_470 = arith.index_cast %add3A_469 : i32 to index
      %get3A_471 = tpu.vector_load %arg5[%get3A_470] {strides = array<i32>} : memref<8960xi32, #tpu.memory_space<vmem>>, vector<16xi32>,
      %ge3A_472 = arith.cmpi sge, %get3A_471, %or3A_273 : vector<16xi32>
      %all_reduce_population_count3A_473 = tpu.all_reduce %ge3A_472 {dim = 0 : i64, kind = #tpu.reduction_kind<sum>} : vector<16xi1> -> vector<16xi32>
      %add3A_474 = arith.addi %add3A_467, %all_reduce_population_count3A_473 : vector<16xi32>
      %add3A_475 = arith.constant 48 : i32
      %add3A_476 = arith.addi %mul3A_454, %add3A_475 : i32
      %get3A_477 = arith.index_cast %add3A_476 : i32 to index
      %get3A_478 = tpu.vector_load %arg5[%get3A_477] {strides = array<i32>} : memref<8960xi32, #tpu.memory_space<vmem>>, vector<16xi32>,
      %ge3A_479 = arith.cmpi sge, %get3A_478, %or3A_273 : vector<16xi32>
      %all_reduce_population_count3A_480 = tpu.all_reduce %ge3A_479 {dim = 0 : i64, kind = #tpu.reduction_kind<sum>} : vector<16xi1> -> vector<16xi32>
      %add3A_481 = arith.addi %add3A_474, %all_reduce_population_count3A_480 : vector<16xi32>
      %add3A_482 = arith.constant 64 : i32
      %add3A_483 = arith.addi %mul3A_454, %add3A_482 : i32
      %get3A_484 = arith.index_cast %add3A_483 : i32 to index
      %get3A_485 = tpu.vector_load %arg5[%get3A_484] {strides = array<i32>} : memref<8960xi32, #tpu.memory_space<vmem>>, vector<16xi32>,
      %ge3A_486 = arith.cmpi sge, %get3A_485, %or3A_273 : vector<16xi32>
      %all_reduce_population_count3A_487 = tpu.all_reduce %ge3A_486 {dim = 0 : i64, kind = #tpu.reduction_kind<sum>} : vector<16xi1> -> vector<16xi32>
      %add3A_488 = arith.addi %add3A_481, %all_reduce_population_count3A_487 : vector<16xi32>
      %add3A_489 = arith.constant 80 : i32
      %add3A_490 = arith.addi %mul3A_454, %add3A_489 : i32
      %get3A_491 = arith.index_cast %add3A_490 : i32 to index
      %get3A_492 = tpu.vector_load %arg5[%get3A_491] {strides = array<i32>} : memref<8960xi32, #tpu.memory_space<vmem>>, vector<16xi32>,
      %ge3A_493 = arith.cmpi sge, %get3A_492, %or3A_273 : vector<16xi32>
      %all_reduce_population_count3A_494 = tpu.all_reduce %ge3A_493 {dim = 0 : i64, kind = #tpu.reduction_kind<sum>} : vector<16xi1> -> vector<16xi32>
      %add3A_495 = arith.addi %add3A_488, %all_reduce_population_count3A_494 : vector<16xi32>
      %add3A_496 = arith.constant 96 : i32
      %add3A_497 = arith.addi %mul3A_454, %add3A_496 : i32
      %get3A_498 = arith.index_cast %add3A_497 : i32 to index
      %get3A_499 = tpu.vector_load %arg5[%get3A_498] {strides = array<i32>} : memref<8960xi32, #tpu.memory_space<vmem>>, vector<16xi32>,
      %ge3A_500 = arith.cmpi sge, %get3A_499, %or3A_273 : vector<16xi32>
      %all_reduce_population_count3A_501 = tpu.all_reduce %ge3A_500 {dim = 0 : i64, kind = #tpu.reduction_kind<sum>} : vector<16xi1> -> vector<16xi32>
      %add3A_502 = arith.addi %add3A_495, %all_reduce_population_count3A_501 : vector<16xi32>
      %add3A_503 = arith.constant 112 : i32
      %add3A_504 = arith.addi %mul3A_454, %add3A_503 : i32
      %get3A_505 = arith.index_cast %add3A_504 : i32 to index
      %get3A_506 = tpu.vector_load %arg5[%get3A_505] {strides = array<i32>} : memref<8960xi32, #tpu.memory_space<vmem>>, vector<16xi32>,
      %ge3A_507 = arith.cmpi sge, %get3A_506, %or3A_273 : vector<16xi32>
      %all_reduce_population_count3A_508 = tpu.all_reduce %ge3A_507 {dim = 0 : i64, kind = #tpu.reduction_kind<sum>} : vector<16xi1> -> vector<16xi32>
      %add3A_509 = arith.addi %add3A_502, %all_reduce_population_count3A_508 : vector<16xi32>
      scf.yield %add3A_509 : vector<16xi32>
    }
    %scan3A_281 = arith.constant 70 : i32
    %ge3A_282 = arith.cmpi sge, %scan3A_280, %convert_element_type3A : vector<16xi32>
    %select_n3A_283 = arith.select %ge3A_282, %or3A_273, %select_n3A_270 : vector<16xi1>, vector<16xi32>
    %or3A_284 = arith.constant 1024 : i32
    %or3A_285 = vector.broadcast %or3A_284 : i32 to vector<16xi32>
    %or3A_286 = arith.ori %select_n3A_283, %or3A_285 : vector<16xi32>
    %broadcast_in_dim3A_287 = arith.constant 0 : i32
    %broadcast_in_dim3A_288 = vector.broadcast %broadcast_in_dim3A_287 : i32 to vector<16xi32>
    %scan3A_289 = arith.constant 0 : i32
    %scan3A_290 = arith.constant 70 : i32
    %scan3A_291 = arith.addi %scan3A_289, %scan3A_290 : i32
    %scan3A_292 = arith.constant 1 : i32
    %scan3A_293 = scf.for %scan3A_451 = %scan3A_289 to %scan3A_291 step %scan3A_292 iter_args(%scan3A_452 = %broadcast_in_dim3A_288) -> (vector<16xi32>)  : i32 {
      %mul3A_453 = arith.constant 128 : i32
      %mul3A_454 = arith.muli %scan3A_451, %mul3A_453 : i32
      %add3A_455 = arith.constant 0 : i32
      %add3A_456 = arith.addi %mul3A_454, %add3A_455 : i32
      %get3A_457 = arith.index_cast %add3A_456 : i32 to index
      %get3A_458 = tpu.vector_load %arg5[%get3A_457] {strides = array<i32>} : memref<8960xi32, #tpu.memory_space<vmem>>, vector<16xi32>,
      %ge3A_459 = arith.cmpi sge, %get3A_458, %or3A_286 : vector<16xi32>
      %all_reduce_population_count3A = tpu.all_reduce %ge3A_459 {dim = 0 : i64, kind = #tpu.reduction_kind<sum>} : vector<16xi1> -> vector<16xi32>
      %add3A_460 = arith.addi %scan3A_452, %all_reduce_population_count3A : vector<16xi32>
      %add3A_461 = arith.constant 16 : i32
      %add3A_462 = arith.addi %mul3A_454, %add3A_461 : i32
      %get3A_463 = arith.index_cast %add3A_462 : i32 to index
      %get3A_464 = tpu.vector_load %arg5[%get3A_463] {strides = array<i32>} : memref<8960xi32, #tpu.memory_space<vmem>>, vector<16xi32>,
      %ge3A_465 = arith.cmpi sge, %get3A_464, %or3A_286 : vector<16xi32>
      %all_reduce_population_count3A_466 = tpu.all_reduce %ge3A_465 {dim = 0 : i64, kind = #tpu.reduction_kind<sum>} : vector<16xi1> -> vector<16xi32>
      %add3A_467 = arith.addi %add3A_460, %all_reduce_population_count3A_466 : vector<16xi32>
      %add3A_468 = arith.constant 32 : i32
      %add3A_469 = arith.addi %mul3A_454, %add3A_468 : i32
      %get3A_470 = arith.index_cast %add3A_469 : i32 to index
      %get3A_471 = tpu.vector_load %arg5[%get3A_470] {strides = array<i32>} : memref<8960xi32, #tpu.memory_space<vmem>>, vector<16xi32>,
      %ge3A_472 = arith.cmpi sge, %get3A_471, %or3A_286 : vector<16xi32>
      %all_reduce_population_count3A_473 = tpu.all_reduce %ge3A_472 {dim = 0 : i64, kind = #tpu.reduction_kind<sum>} : vector<16xi1> -> vector<16xi32>
      %add3A_474 = arith.addi %add3A_467, %all_reduce_population_count3A_473 : vector<16xi32>
      %add3A_475 = arith.constant 48 : i32
      %add3A_476 = arith.addi %mul3A_454, %add3A_475 : i32
      %get3A_477 = arith.index_cast %add3A_476 : i32 to index
      %get3A_478 = tpu.vector_load %arg5[%get3A_477] {strides = array<i32>} : memref<8960xi32, #tpu.memory_space<vmem>>, vector<16xi32>,
      %ge3A_479 = arith.cmpi sge, %get3A_478, %or3A_286 : vector<16xi32>
      %all_reduce_population_count3A_480 = tpu.all_reduce %ge3A_479 {dim = 0 : i64, kind = #tpu.reduction_kind<sum>} : vector<16xi1> -> vector<16xi32>
      %add3A_481 = arith.addi %add3A_474, %all_reduce_population_count3A_480 : vector<16xi32>
      %add3A_482 = arith.constant 64 : i32
      %add3A_483 = arith.addi %mul3A_454, %add3A_482 : i32
      %get3A_484 = arith.index_cast %add3A_483 : i32 to index
      %get3A_485 = tpu.vector_load %arg5[%get3A_484] {strides = array<i32>} : memref<8960xi32, #tpu.memory_space<vmem>>, vector<16xi32>,
      %ge3A_486 = arith.cmpi sge, %get3A_485, %or3A_286 : vector<16xi32>
      %all_reduce_population_count3A_487 = tpu.all_reduce %ge3A_486 {dim = 0 : i64, kind = #tpu.reduction_kind<sum>} : vector<16xi1> -> vector<16xi32>
      %add3A_488 = arith.addi %add3A_481, %all_reduce_population_count3A_487 : vector<16xi32>
      %add3A_489 = arith.constant 80 : i32
      %add3A_490 = arith.addi %mul3A_454, %add3A_489 : i32
      %get3A_491 = arith.index_cast %add3A_490 : i32 to index
      %get3A_492 = tpu.vector_load %arg5[%get3A_491] {strides = array<i32>} : memref<8960xi32, #tpu.memory_space<vmem>>, vector<16xi32>,
      %ge3A_493 = arith.cmpi sge, %get3A_492, %or3A_286 : vector<16xi32>
      %all_reduce_population_count3A_494 = tpu.all_reduce %ge3A_493 {dim = 0 : i64, kind = #tpu.reduction_kind<sum>} : vector<16xi1> -> vector<16xi32>
      %add3A_495 = arith.addi %add3A_488, %all_reduce_population_count3A_494 : vector<16xi32>
      %add3A_496 = arith.constant 96 : i32
      %add3A_497 = arith.addi %mul3A_454, %add3A_496 : i32
      %get3A_498 = arith.index_cast %add3A_497 : i32 to index
      %get3A_499 = tpu.vector_load %arg5[%get3A_498] {strides = array<i32>} : memref<8960xi32, #tpu.memory_space<vmem>>, vector<16xi32>,
      %ge3A_500 = arith.cmpi sge, %get3A_499, %or3A_286 : vector<16xi32>
      %all_reduce_population_count3A_501 = tpu.all_reduce %ge3A_500 {dim = 0 : i64, kind = #tpu.reduction_kind<sum>} : vector<16xi1> -> vector<16xi32>
      %add3A_502 = arith.addi %add3A_495, %all_reduce_population_count3A_501 : vector<16xi32>
      %add3A_503 = arith.constant 112 : i32
      %add3A_504 = arith.addi %mul3A_454, %add3A_503 : i32
      %get3A_505 = arith.index_cast %add3A_504 : i32 to index
      %get3A_506 = tpu.vector_load %arg5[%get3A_505] {strides = array<i32>} : memref<8960xi32, #tpu.memory_space<vmem>>, vector<16xi32>,
      %ge3A_507 = arith.cmpi sge, %get3A_506, %or3A_286 : vector<16xi32>
      %all_reduce_population_count3A_508 = tpu.all_reduce %ge3A_507 {dim = 0 : i64, kind = #tpu.reduction_kind<sum>} : vector<16xi1> -> vector<16xi32>
      %add3A_509 = arith.addi %add3A_502, %all_reduce_population_count3A_508 : vector<16xi32>
      scf.yield %add3A_509 : vector<16xi32>
    }
    %scan3A_294 = arith.constant 70 : i32
    %ge3A_295 = arith.cmpi sge, %scan3A_293, %convert_element_type3A : vector<16xi32>
    %select_n3A_296 = arith.select %ge3A_295, %or3A_286, %select_n3A_283 : vector<16xi1>, vector<16xi32>
    %or3A_297 = arith.constant 512 : i32
    %or3A_298 = vector.broadcast %or3A_297 : i32 to vector<16xi32>
    %or3A_299 = arith.ori %select_n3A_296, %or3A_298 : vector<16xi32>
    %broadcast_in_dim3A_300 = arith.constant 0 : i32
    %broadcast_in_dim3A_301 = vector.broadcast %broadcast_in_dim3A_300 : i32 to vector<16xi32>
    %scan3A_302 = arith.constant 0 : i32
    %scan3A_303 = arith.constant 70 : i32
    %scan3A_304 = arith.addi %scan3A_302, %scan3A_303 : i32
    %scan3A_305 = arith.constant 1 : i32
    %scan3A_306 = scf.for %scan3A_451 = %scan3A_302 to %scan3A_304 step %scan3A_305 iter_args(%scan3A_452 = %broadcast_in_dim3A_301) -> (vector<16xi32>)  : i32 {
      %mul3A_453 = arith.constant 128 : i32
      %mul3A_454 = arith.muli %scan3A_451, %mul3A_453 : i32
      %add3A_455 = arith.constant 0 : i32
      %add3A_456 = arith.addi %mul3A_454, %add3A_455 : i32
      %get3A_457 = arith.index_cast %add3A_456 : i32 to index
      %get3A_458 = tpu.vector_load %arg5[%get3A_457] {strides = array<i32>} : memref<8960xi32, #tpu.memory_space<vmem>>, vector<16xi32>,
      %ge3A_459 = arith.cmpi sge, %get3A_458, %or3A_299 : vector<16xi32>
      %all_reduce_population_count3A = tpu.all_reduce %ge3A_459 {dim = 0 : i64, kind = #tpu.reduction_kind<sum>} : vector<16xi1> -> vector<16xi32>
      %add3A_460 = arith.addi %scan3A_452, %all_reduce_population_count3A : vector<16xi32>
      %add3A_461 = arith.constant 16 : i32
      %add3A_462 = arith.addi %mul3A_454, %add3A_461 : i32
      %get3A_463 = arith.index_cast %add3A_462 : i32 to index
      %get3A_464 = tpu.vector_load %arg5[%get3A_463] {strides = array<i32>} : memref<8960xi32, #tpu.memory_space<vmem>>, vector<16xi32>,
      %ge3A_465 = arith.cmpi sge, %get3A_464, %or3A_299 : vector<16xi32>
      %all_reduce_population_count3A_466 = tpu.all_reduce %ge3A_465 {dim = 0 : i64, kind = #tpu.reduction_kind<sum>} : vector<16xi1> -> vector<16xi32>
      %add3A_467 = arith.addi %add3A_460, %all_reduce_population_count3A_466 : vector<16xi32>
      %add3A_468 = arith.constant 32 : i32
      %add3A_469 = arith.addi %mul3A_454, %add3A_468 : i32
      %get3A_470 = arith.index_cast %add3A_469 : i32 to index
      %get3A_471 = tpu.vector_load %arg5[%get3A_470] {strides = array<i32>} : memref<8960xi32, #tpu.memory_space<vmem>>, vector<16xi32>,
      %ge3A_472 = arith.cmpi sge, %get3A_471, %or3A_299 : vector<16xi32>
      %all_reduce_population_count3A_473 = tpu.all_reduce %ge3A_472 {dim = 0 : i64, kind = #tpu.reduction_kind<sum>} : vector<16xi1> -> vector<16xi32>
      %add3A_474 = arith.addi %add3A_467, %all_reduce_population_count3A_473 : vector<16xi32>
      %add3A_475 = arith.constant 48 : i32
      %add3A_476 = arith.addi %mul3A_454, %add3A_475 : i32
      %get3A_477 = arith.index_cast %add3A_476 : i32 to index
      %get3A_478 = tpu.vector_load %arg5[%get3A_477] {strides = array<i32>} : memref<8960xi32, #tpu.memory_space<vmem>>, vector<16xi32>,
      %ge3A_479 = arith.cmpi sge, %get3A_478, %or3A_299 : vector<16xi32>
      %all_reduce_population_count3A_480 = tpu.all_reduce %ge3A_479 {dim = 0 : i64, kind = #tpu.reduction_kind<sum>} : vector<16xi1> -> vector<16xi32>
      %add3A_481 = arith.addi %add3A_474, %all_reduce_population_count3A_480 : vector<16xi32>
      %add3A_482 = arith.constant 64 : i32
      %add3A_483 = arith.addi %mul3A_454, %add3A_482 : i32
      %get3A_484 = arith.index_cast %add3A_483 : i32 to index
      %get3A_485 = tpu.vector_load %arg5[%get3A_484] {strides = array<i32>} : memref<8960xi32, #tpu.memory_space<vmem>>, vector<16xi32>,
      %ge3A_486 = arith.cmpi sge, %get3A_485, %or3A_299 : vector<16xi32>
      %all_reduce_population_count3A_487 = tpu.all_reduce %ge3A_486 {dim = 0 : i64, kind = #tpu.reduction_kind<sum>} : vector<16xi1> -> vector<16xi32>
      %add3A_488 = arith.addi %add3A_481, %all_reduce_population_count3A_487 : vector<16xi32>
      %add3A_489 = arith.constant 80 : i32
      %add3A_490 = arith.addi %mul3A_454, %add3A_489 : i32
      %get3A_491 = arith.index_cast %add3A_490 : i32 to index
      %get3A_492 = tpu.vector_load %arg5[%get3A_491] {strides = array<i32>} : memref<8960xi32, #tpu.memory_space<vmem>>, vector<16xi32>,
      %ge3A_493 = arith.cmpi sge, %get3A_492, %or3A_299 : vector<16xi32>
      %all_reduce_population_count3A_494 = tpu.all_reduce %ge3A_493 {dim = 0 : i64, kind = #tpu.reduction_kind<sum>} : vector<16xi1> -> vector<16xi32>
      %add3A_495 = arith.addi %add3A_488, %all_reduce_population_count3A_494 : vector<16xi32>
      %add3A_496 = arith.constant 96 : i32
      %add3A_497 = arith.addi %mul3A_454, %add3A_496 : i32
      %get3A_498 = arith.index_cast %add3A_497 : i32 to index
      %get3A_499 = tpu.vector_load %arg5[%get3A_498] {strides = array<i32>} : memref<8960xi32, #tpu.memory_space<vmem>>, vector<16xi32>,
      %ge3A_500 = arith.cmpi sge, %get3A_499, %or3A_299 : vector<16xi32>
      %all_reduce_population_count3A_501 = tpu.all_reduce %ge3A_500 {dim = 0 : i64, kind = #tpu.reduction_kind<sum>} : vector<16xi1> -> vector<16xi32>
      %add3A_502 = arith.addi %add3A_495, %all_reduce_population_count3A_501 : vector<16xi32>
      %add3A_503 = arith.constant 112 : i32
      %add3A_504 = arith.addi %mul3A_454, %add3A_503 : i32
      %get3A_505 = arith.index_cast %add3A_504 : i32 to index
      %get3A_506 = tpu.vector_load %arg5[%get3A_505] {strides = array<i32>} : memref<8960xi32, #tpu.memory_space<vmem>>, vector<16xi32>,
      %ge3A_507 = arith.cmpi sge, %get3A_506, %or3A_299 : vector<16xi32>
      %all_reduce_population_count3A_508 = tpu.all_reduce %ge3A_507 {dim = 0 : i64, kind = #tpu.reduction_kind<sum>} : vector<16xi1> -> vector<16xi32>
      %add3A_509 = arith.addi %add3A_502, %all_reduce_population_count3A_508 : vector<16xi32>
      scf.yield %add3A_509 : vector<16xi32>
    }
    %scan3A_307 = arith.constant 70 : i32
    %ge3A_308 = arith.cmpi sge, %scan3A_306, %convert_element_type3A : vector<16xi32>
    %select_n3A_309 = arith.select %ge3A_308, %or3A_299, %select_n3A_296 : vector<16xi1>, vector<16xi32>
    %or3A_310 = arith.constant 256 : i32
    %or3A_311 = vector.broadcast %or3A_310 : i32 to vector<16xi32>
    %or3A_312 = arith.ori %select_n3A_309, %or3A_311 : vector<16xi32>
    %broadcast_in_dim3A_313 = arith.constant 0 : i32
    %broadcast_in_dim3A_314 = vector.broadcast %broadcast_in_dim3A_313 : i32 to vector<16xi32>
    %scan3A_315 = arith.constant 0 : i32
    %scan3A_316 = arith.constant 70 : i32
    %scan3A_317 = arith.addi %scan3A_315, %scan3A_316 : i32
    %scan3A_318 = arith.constant 1 : i32
    %scan3A_319 = scf.for %scan3A_451 = %scan3A_315 to %scan3A_317 step %scan3A_318 iter_args(%scan3A_452 = %broadcast_in_dim3A_314) -> (vector<16xi32>)  : i32 {
      %mul3A_453 = arith.constant 128 : i32
      %mul3A_454 = arith.muli %scan3A_451, %mul3A_453 : i32
      %add3A_455 = arith.constant 0 : i32
      %add3A_456 = arith.addi %mul3A_454, %add3A_455 : i32
      %get3A_457 = arith.index_cast %add3A_456 : i32 to index
      %get3A_458 = tpu.vector_load %arg5[%get3A_457] {strides = array<i32>} : memref<8960xi32, #tpu.memory_space<vmem>>, vector<16xi32>,
      %ge3A_459 = arith.cmpi sge, %get3A_458, %or3A_312 : vector<16xi32>
      %all_reduce_population_count3A = tpu.all_reduce %ge3A_459 {dim = 0 : i64, kind = #tpu.reduction_kind<sum>} : vector<16xi1> -> vector<16xi32>
      %add3A_460 = arith.addi %scan3A_452, %all_reduce_population_count3A : vector<16xi32>
      %add3A_461 = arith.constant 16 : i32
      %add3A_462 = arith.addi %mul3A_454, %add3A_461 : i32
      %get3A_463 = arith.index_cast %add3A_462 : i32 to index
      %get3A_464 = tpu.vector_load %arg5[%get3A_463] {strides = array<i32>} : memref<8960xi32, #tpu.memory_space<vmem>>, vector<16xi32>,
      %ge3A_465 = arith.cmpi sge, %get3A_464, %or3A_312 : vector<16xi32>
      %all_reduce_population_count3A_466 = tpu.all_reduce %ge3A_465 {dim = 0 : i64, kind = #tpu.reduction_kind<sum>} : vector<16xi1> -> vector<16xi32>
      %add3A_467 = arith.addi %add3A_460, %all_reduce_population_count3A_466 : vector<16xi32>
      %add3A_468 = arith.constant 32 : i32
      %add3A_469 = arith.addi %mul3A_454, %add3A_468 : i32
      %get3A_470 = arith.index_cast %add3A_469 : i32 to index
      %get3A_471 = tpu.vector_load %arg5[%get3A_470] {strides = array<i32>} : memref<8960xi32, #tpu.memory_space<vmem>>, vector<16xi32>,
      %ge3A_472 = arith.cmpi sge, %get3A_471, %or3A_312 : vector<16xi32>
      %all_reduce_population_count3A_473 = tpu.all_reduce %ge3A_472 {dim = 0 : i64, kind = #tpu.reduction_kind<sum>} : vector<16xi1> -> vector<16xi32>
      %add3A_474 = arith.addi %add3A_467, %all_reduce_population_count3A_473 : vector<16xi32>
      %add3A_475 = arith.constant 48 : i32
      %add3A_476 = arith.addi %mul3A_454, %add3A_475 : i32
      %get3A_477 = arith.index_cast %add3A_476 : i32 to index
      %get3A_478 = tpu.vector_load %arg5[%get3A_477] {strides = array<i32>} : memref<8960xi32, #tpu.memory_space<vmem>>, vector<16xi32>,
      %ge3A_479 = arith.cmpi sge, %get3A_478, %or3A_312 : vector<16xi32>
      %all_reduce_population_count3A_480 = tpu.all_reduce %ge3A_479 {dim = 0 : i64, kind = #tpu.reduction_kind<sum>} : vector<16xi1> -> vector<16xi32>
      %add3A_481 = arith.addi %add3A_474, %all_reduce_population_count3A_480 : vector<16xi32>
      %add3A_482 = arith.constant 64 : i32
      %add3A_483 = arith.addi %mul3A_454, %add3A_482 : i32
      %get3A_484 = arith.index_cast %add3A_483 : i32 to index
      %get3A_485 = tpu.vector_load %arg5[%get3A_484] {strides = array<i32>} : memref<8960xi32, #tpu.memory_space<vmem>>, vector<16xi32>,
      %ge3A_486 = arith.cmpi sge, %get3A_485, %or3A_312 : vector<16xi32>
      %all_reduce_population_count3A_487 = tpu.all_reduce %ge3A_486 {dim = 0 : i64, kind = #tpu.reduction_kind<sum>} : vector<16xi1> -> vector<16xi32>
      %add3A_488 = arith.addi %add3A_481, %all_reduce_population_count3A_487 : vector<16xi32>
      %add3A_489 = arith.constant 80 : i32
      %add3A_490 = arith.addi %mul3A_454, %add3A_489 : i32
      %get3A_491 = arith.index_cast %add3A_490 : i32 to index
      %get3A_492 = tpu.vector_load %arg5[%get3A_491] {strides = array<i32>} : memref<8960xi32, #tpu.memory_space<vmem>>, vector<16xi32>,
      %ge3A_493 = arith.cmpi sge, %get3A_492, %or3A_312 : vector<16xi32>
      %all_reduce_population_count3A_494 = tpu.all_reduce %ge3A_493 {dim = 0 : i64, kind = #tpu.reduction_kind<sum>} : vector<16xi1> -> vector<16xi32>
      %add3A_495 = arith.addi %add3A_488, %all_reduce_population_count3A_494 : vector<16xi32>
      %add3A_496 = arith.constant 96 : i32
      %add3A_497 = arith.addi %mul3A_454, %add3A_496 : i32
      %get3A_498 = arith.index_cast %add3A_497 : i32 to index
      %get3A_499 = tpu.vector_load %arg5[%get3A_498] {strides = array<i32>} : memref<8960xi32, #tpu.memory_space<vmem>>, vector<16xi32>,
      %ge3A_500 = arith.cmpi sge, %get3A_499, %or3A_312 : vector<16xi32>
      %all_reduce_population_count3A_501 = tpu.all_reduce %ge3A_500 {dim = 0 : i64, kind = #tpu.reduction_kind<sum>} : vector<16xi1> -> vector<16xi32>
      %add3A_502 = arith.addi %add3A_495, %all_reduce_population_count3A_501 : vector<16xi32>
      %add3A_503 = arith.constant 112 : i32
      %add3A_504 = arith.addi %mul3A_454, %add3A_503 : i32
      %get3A_505 = arith.index_cast %add3A_504 : i32 to index
      %get3A_506 = tpu.vector_load %arg5[%get3A_505] {strides = array<i32>} : memref<8960xi32, #tpu.memory_space<vmem>>, vector<16xi32>,
      %ge3A_507 = arith.cmpi sge, %get3A_506, %or3A_312 : vector<16xi32>
      %all_reduce_population_count3A_508 = tpu.all_reduce %ge3A_507 {dim = 0 : i64, kind = #tpu.reduction_kind<sum>} : vector<16xi1> -> vector<16xi32>
      %add3A_509 = arith.addi %add3A_502, %all_reduce_population_count3A_508 : vector<16xi32>
      scf.yield %add3A_509 : vector<16xi32>
    }
    %scan3A_320 = arith.constant 70 : i32
    %ge3A_321 = arith.cmpi sge, %scan3A_319, %convert_element_type3A : vector<16xi32>
    %select_n3A_322 = arith.select %ge3A_321, %or3A_312, %select_n3A_309 : vector<16xi1>, vector<16xi32>
    %or3A_323 = arith.constant 128 : i32
    %or3A_324 = vector.broadcast %or3A_323 : i32 to vector<16xi32>
    %or3A_325 = arith.ori %select_n3A_322, %or3A_324 : vector<16xi32>
    %broadcast_in_dim3A_326 = arith.constant 0 : i32
    %broadcast_in_dim3A_327 = vector.broadcast %broadcast_in_dim3A_326 : i32 to vector<16xi32>
    %scan3A_328 = arith.constant 0 : i32
    %scan3A_329 = arith.constant 70 : i32
    %scan3A_330 = arith.addi %scan3A_328, %scan3A_329 : i32
    %scan3A_331 = arith.constant 1 : i32
    %scan3A_332 = scf.for %scan3A_451 = %scan3A_328 to %scan3A_330 step %scan3A_331 iter_args(%scan3A_452 = %broadcast_in_dim3A_327) -> (vector<16xi32>)  : i32 {
      %mul3A_453 = arith.constant 128 : i32
      %mul3A_454 = arith.muli %scan3A_451, %mul3A_453 : i32
      %add3A_455 = arith.constant 0 : i32
      %add3A_456 = arith.addi %mul3A_454, %add3A_455 : i32
      %get3A_457 = arith.index_cast %add3A_456 : i32 to index
      %get3A_458 = tpu.vector_load %arg5[%get3A_457] {strides = array<i32>} : memref<8960xi32, #tpu.memory_space<vmem>>, vector<16xi32>,
      %ge3A_459 = arith.cmpi sge, %get3A_458, %or3A_325 : vector<16xi32>
      %all_reduce_population_count3A = tpu.all_reduce %ge3A_459 {dim = 0 : i64, kind = #tpu.reduction_kind<sum>} : vector<16xi1> -> vector<16xi32>
      %add3A_460 = arith.addi %scan3A_452, %all_reduce_population_count3A : vector<16xi32>
      %add3A_461 = arith.constant 16 : i32
      %add3A_462 = arith.addi %mul3A_454, %add3A_461 : i32
      %get3A_463 = arith.index_cast %add3A_462 : i32 to index
      %get3A_464 = tpu.vector_load %arg5[%get3A_463] {strides = array<i32>} : memref<8960xi32, #tpu.memory_space<vmem>>, vector<16xi32>,
      %ge3A_465 = arith.cmpi sge, %get3A_464, %or3A_325 : vector<16xi32>
      %all_reduce_population_count3A_466 = tpu.all_reduce %ge3A_465 {dim = 0 : i64, kind = #tpu.reduction_kind<sum>} : vector<16xi1> -> vector<16xi32>
      %add3A_467 = arith.addi %add3A_460, %all_reduce_population_count3A_466 : vector<16xi32>
      %add3A_468 = arith.constant 32 : i32
      %add3A_469 = arith.addi %mul3A_454, %add3A_468 : i32
      %get3A_470 = arith.index_cast %add3A_469 : i32 to index
      %get3A_471 = tpu.vector_load %arg5[%get3A_470] {strides = array<i32>} : memref<8960xi32, #tpu.memory_space<vmem>>, vector<16xi32>,
      %ge3A_472 = arith.cmpi sge, %get3A_471, %or3A_325 : vector<16xi32>
      %all_reduce_population_count3A_473 = tpu.all_reduce %ge3A_472 {dim = 0 : i64, kind = #tpu.reduction_kind<sum>} : vector<16xi1> -> vector<16xi32>
      %add3A_474 = arith.addi %add3A_467, %all_reduce_population_count3A_473 : vector<16xi32>
      %add3A_475 = arith.constant 48 : i32
      %add3A_476 = arith.addi %mul3A_454, %add3A_475 : i32
      %get3A_477 = arith.index_cast %add3A_476 : i32 to index
      %get3A_478 = tpu.vector_load %arg5[%get3A_477] {strides = array<i32>} : memref<8960xi32, #tpu.memory_space<vmem>>, vector<16xi32>,
      %ge3A_479 = arith.cmpi sge, %get3A_478, %or3A_325 : vector<16xi32>
      %all_reduce_population_count3A_480 = tpu.all_reduce %ge3A_479 {dim = 0 : i64, kind = #tpu.reduction_kind<sum>} : vector<16xi1> -> vector<16xi32>
      %add3A_481 = arith.addi %add3A_474, %all_reduce_population_count3A_480 : vector<16xi32>
      %add3A_482 = arith.constant 64 : i32
      %add3A_483 = arith.addi %mul3A_454, %add3A_482 : i32
      %get3A_484 = arith.index_cast %add3A_483 : i32 to index
      %get3A_485 = tpu.vector_load %arg5[%get3A_484] {strides = array<i32>} : memref<8960xi32, #tpu.memory_space<vmem>>, vector<16xi32>,
      %ge3A_486 = arith.cmpi sge, %get3A_485, %or3A_325 : vector<16xi32>
      %all_reduce_population_count3A_487 = tpu.all_reduce %ge3A_486 {dim = 0 : i64, kind = #tpu.reduction_kind<sum>} : vector<16xi1> -> vector<16xi32>
      %add3A_488 = arith.addi %add3A_481, %all_reduce_population_count3A_487 : vector<16xi32>
      %add3A_489 = arith.constant 80 : i32
      %add3A_490 = arith.addi %mul3A_454, %add3A_489 : i32
      %get3A_491 = arith.index_cast %add3A_490 : i32 to index
      %get3A_492 = tpu.vector_load %arg5[%get3A_491] {strides = array<i32>} : memref<8960xi32, #tpu.memory_space<vmem>>, vector<16xi32>,
      %ge3A_493 = arith.cmpi sge, %get3A_492, %or3A_325 : vector<16xi32>
      %all_reduce_population_count3A_494 = tpu.all_reduce %ge3A_493 {dim = 0 : i64, kind = #tpu.reduction_kind<sum>} : vector<16xi1> -> vector<16xi32>
      %add3A_495 = arith.addi %add3A_488, %all_reduce_population_count3A_494 : vector<16xi32>
      %add3A_496 = arith.constant 96 : i32
      %add3A_497 = arith.addi %mul3A_454, %add3A_496 : i32
      %get3A_498 = arith.index_cast %add3A_497 : i32 to index
      %get3A_499 = tpu.vector_load %arg5[%get3A_498] {strides = array<i32>} : memref<8960xi32, #tpu.memory_space<vmem>>, vector<16xi32>,
      %ge3A_500 = arith.cmpi sge, %get3A_499, %or3A_325 : vector<16xi32>
      %all_reduce_population_count3A_501 = tpu.all_reduce %ge3A_500 {dim = 0 : i64, kind = #tpu.reduction_kind<sum>} : vector<16xi1> -> vector<16xi32>
      %add3A_502 = arith.addi %add3A_495, %all_reduce_population_count3A_501 : vector<16xi32>
      %add3A_503 = arith.constant 112 : i32
      %add3A_504 = arith.addi %mul3A_454, %add3A_503 : i32
      %get3A_505 = arith.index_cast %add3A_504 : i32 to index
      %get3A_506 = tpu.vector_load %arg5[%get3A_505] {strides = array<i32>} : memref<8960xi32, #tpu.memory_space<vmem>>, vector<16xi32>,
      %ge3A_507 = arith.cmpi sge, %get3A_506, %or3A_325 : vector<16xi32>
      %all_reduce_population_count3A_508 = tpu.all_reduce %ge3A_507 {dim = 0 : i64, kind = #tpu.reduction_kind<sum>} : vector<16xi1> -> vector<16xi32>
      %add3A_509 = arith.addi %add3A_502, %all_reduce_population_count3A_508 : vector<16xi32>
      scf.yield %add3A_509 : vector<16xi32>
    }
    %scan3A_333 = arith.constant 70 : i32
    %ge3A_334 = arith.cmpi sge, %scan3A_332, %convert_element_type3A : vector<16xi32>
    %select_n3A_335 = arith.select %ge3A_334, %or3A_325, %select_n3A_322 : vector<16xi1>, vector<16xi32>
    %or3A_336 = arith.constant 64 : i32
    %or3A_337 = vector.broadcast %or3A_336 : i32 to vector<16xi32>
    %or3A_338 = arith.ori %select_n3A_335, %or3A_337 : vector<16xi32>
    %broadcast_in_dim3A_339 = arith.constant 0 : i32
    %broadcast_in_dim3A_340 = vector.broadcast %broadcast_in_dim3A_339 : i32 to vector<16xi32>
    %scan3A_341 = arith.constant 0 : i32
    %scan3A_342 = arith.constant 70 : i32
    %scan3A_343 = arith.addi %scan3A_341, %scan3A_342 : i32
    %scan3A_344 = arith.constant 1 : i32
    %scan3A_345 = scf.for %scan3A_451 = %scan3A_341 to %scan3A_343 step %scan3A_344 iter_args(%scan3A_452 = %broadcast_in_dim3A_340) -> (vector<16xi32>)  : i32 {
      %mul3A_453 = arith.constant 128 : i32
      %mul3A_454 = arith.muli %scan3A_451, %mul3A_453 : i32
      %add3A_455 = arith.constant 0 : i32
      %add3A_456 = arith.addi %mul3A_454, %add3A_455 : i32
      %get3A_457 = arith.index_cast %add3A_456 : i32 to index
      %get3A_458 = tpu.vector_load %arg5[%get3A_457] {strides = array<i32>} : memref<8960xi32, #tpu.memory_space<vmem>>, vector<16xi32>,
      %ge3A_459 = arith.cmpi sge, %get3A_458, %or3A_338 : vector<16xi32>
      %all_reduce_population_count3A = tpu.all_reduce %ge3A_459 {dim = 0 : i64, kind = #tpu.reduction_kind<sum>} : vector<16xi1> -> vector<16xi32>
      %add3A_460 = arith.addi %scan3A_452, %all_reduce_population_count3A : vector<16xi32>
      %add3A_461 = arith.constant 16 : i32
      %add3A_462 = arith.addi %mul3A_454, %add3A_461 : i32
      %get3A_463 = arith.index_cast %add3A_462 : i32 to index
      %get3A_464 = tpu.vector_load %arg5[%get3A_463] {strides = array<i32>} : memref<8960xi32, #tpu.memory_space<vmem>>, vector<16xi32>,
      %ge3A_465 = arith.cmpi sge, %get3A_464, %or3A_338 : vector<16xi32>
      %all_reduce_population_count3A_466 = tpu.all_reduce %ge3A_465 {dim = 0 : i64, kind = #tpu.reduction_kind<sum>} : vector<16xi1> -> vector<16xi32>
      %add3A_467 = arith.addi %add3A_460, %all_reduce_population_count3A_466 : vector<16xi32>
      %add3A_468 = arith.constant 32 : i32
      %add3A_469 = arith.addi %mul3A_454, %add3A_468 : i32
      %get3A_470 = arith.index_cast %add3A_469 : i32 to index
      %get3A_471 = tpu.vector_load %arg5[%get3A_470] {strides = array<i32>} : memref<8960xi32, #tpu.memory_space<vmem>>, vector<16xi32>,
      %ge3A_472 = arith.cmpi sge, %get3A_471, %or3A_338 : vector<16xi32>
      %all_reduce_population_count3A_473 = tpu.all_reduce %ge3A_472 {dim = 0 : i64, kind = #tpu.reduction_kind<sum>} : vector<16xi1> -> vector<16xi32>
      %add3A_474 = arith.addi %add3A_467, %all_reduce_population_count3A_473 : vector<16xi32>
      %add3A_475 = arith.constant 48 : i32
      %add3A_476 = arith.addi %mul3A_454, %add3A_475 : i32
      %get3A_477 = arith.index_cast %add3A_476 : i32 to index
      %get3A_478 = tpu.vector_load %arg5[%get3A_477] {strides = array<i32>} : memref<8960xi32, #tpu.memory_space<vmem>>, vector<16xi32>,
      %ge3A_479 = arith.cmpi sge, %get3A_478, %or3A_338 : vector<16xi32>
      %all_reduce_population_count3A_480 = tpu.all_reduce %ge3A_479 {dim = 0 : i64, kind = #tpu.reduction_kind<sum>} : vector<16xi1> -> vector<16xi32>
      %add3A_481 = arith.addi %add3A_474, %all_reduce_population_count3A_480 : vector<16xi32>
      %add3A_482 = arith.constant 64 : i32
      %add3A_483 = arith.addi %mul3A_454, %add3A_482 : i32
      %get3A_484 = arith.index_cast %add3A_483 : i32 to index
      %get3A_485 = tpu.vector_load %arg5[%get3A_484] {strides = array<i32>} : memref<8960xi32, #tpu.memory_space<vmem>>, vector<16xi32>,
      %ge3A_486 = arith.cmpi sge, %get3A_485, %or3A_338 : vector<16xi32>
      %all_reduce_population_count3A_487 = tpu.all_reduce %ge3A_486 {dim = 0 : i64, kind = #tpu.reduction_kind<sum>} : vector<16xi1> -> vector<16xi32>
      %add3A_488 = arith.addi %add3A_481, %all_reduce_population_count3A_487 : vector<16xi32>
      %add3A_489 = arith.constant 80 : i32
      %add3A_490 = arith.addi %mul3A_454, %add3A_489 : i32
      %get3A_491 = arith.index_cast %add3A_490 : i32 to index
      %get3A_492 = tpu.vector_load %arg5[%get3A_491] {strides = array<i32>} : memref<8960xi32, #tpu.memory_space<vmem>>, vector<16xi32>,
      %ge3A_493 = arith.cmpi sge, %get3A_492, %or3A_338 : vector<16xi32>
      %all_reduce_population_count3A_494 = tpu.all_reduce %ge3A_493 {dim = 0 : i64, kind = #tpu.reduction_kind<sum>} : vector<16xi1> -> vector<16xi32>
      %add3A_495 = arith.addi %add3A_488, %all_reduce_population_count3A_494 : vector<16xi32>
      %add3A_496 = arith.constant 96 : i32
      %add3A_497 = arith.addi %mul3A_454, %add3A_496 : i32
      %get3A_498 = arith.index_cast %add3A_497 : i32 to index
      %get3A_499 = tpu.vector_load %arg5[%get3A_498] {strides = array<i32>} : memref<8960xi32, #tpu.memory_space<vmem>>, vector<16xi32>,
      %ge3A_500 = arith.cmpi sge, %get3A_499, %or3A_338 : vector<16xi32>
      %all_reduce_population_count3A_501 = tpu.all_reduce %ge3A_500 {dim = 0 : i64, kind = #tpu.reduction_kind<sum>} : vector<16xi1> -> vector<16xi32>
      %add3A_502 = arith.addi %add3A_495, %all_reduce_population_count3A_501 : vector<16xi32>
      %add3A_503 = arith.constant 112 : i32
      %add3A_504 = arith.addi %mul3A_454, %add3A_503 : i32
      %get3A_505 = arith.index_cast %add3A_504 : i32 to index
      %get3A_506 = tpu.vector_load %arg5[%get3A_505] {strides = array<i32>} : memref<8960xi32, #tpu.memory_space<vmem>>, vector<16xi32>,
      %ge3A_507 = arith.cmpi sge, %get3A_506, %or3A_338 : vector<16xi32>
      %all_reduce_population_count3A_508 = tpu.all_reduce %ge3A_507 {dim = 0 : i64, kind = #tpu.reduction_kind<sum>} : vector<16xi1> -> vector<16xi32>
      %add3A_509 = arith.addi %add3A_502, %all_reduce_population_count3A_508 : vector<16xi32>
      scf.yield %add3A_509 : vector<16xi32>
    }
    %scan3A_346 = arith.constant 70 : i32
    %ge3A_347 = arith.cmpi sge, %scan3A_345, %convert_element_type3A : vector<16xi32>
    %select_n3A_348 = arith.select %ge3A_347, %or3A_338, %select_n3A_335 : vector<16xi1>, vector<16xi32>
    %or3A_349 = arith.constant 32 : i32
    %or3A_350 = vector.broadcast %or3A_349 : i32 to vector<16xi32>
    %or3A_351 = arith.ori %select_n3A_348, %or3A_350 : vector<16xi32>
    %broadcast_in_dim3A_352 = arith.constant 0 : i32
    %broadcast_in_dim3A_353 = vector.broadcast %broadcast_in_dim3A_352 : i32 to vector<16xi32>
    %scan3A_354 = arith.constant 0 : i32
    %scan3A_355 = arith.constant 70 : i32
    %scan3A_356 = arith.addi %scan3A_354, %scan3A_355 : i32
    %scan3A_357 = arith.constant 1 : i32
    %scan3A_358 = scf.for %scan3A_451 = %scan3A_354 to %scan3A_356 step %scan3A_357 iter_args(%scan3A_452 = %broadcast_in_dim3A_353) -> (vector<16xi32>)  : i32 {
      %mul3A_453 = arith.constant 128 : i32
      %mul3A_454 = arith.muli %scan3A_451, %mul3A_453 : i32
      %add3A_455 = arith.constant 0 : i32
      %add3A_456 = arith.addi %mul3A_454, %add3A_455 : i32
      %get3A_457 = arith.index_cast %add3A_456 : i32 to index
      %get3A_458 = tpu.vector_load %arg5[%get3A_457] {strides = array<i32>} : memref<8960xi32, #tpu.memory_space<vmem>>, vector<16xi32>,
      %ge3A_459 = arith.cmpi sge, %get3A_458, %or3A_351 : vector<16xi32>
      %all_reduce_population_count3A = tpu.all_reduce %ge3A_459 {dim = 0 : i64, kind = #tpu.reduction_kind<sum>} : vector<16xi1> -> vector<16xi32>
      %add3A_460 = arith.addi %scan3A_452, %all_reduce_population_count3A : vector<16xi32>
      %add3A_461 = arith.constant 16 : i32
      %add3A_462 = arith.addi %mul3A_454, %add3A_461 : i32
      %get3A_463 = arith.index_cast %add3A_462 : i32 to index
      %get3A_464 = tpu.vector_load %arg5[%get3A_463] {strides = array<i32>} : memref<8960xi32, #tpu.memory_space<vmem>>, vector<16xi32>,
      %ge3A_465 = arith.cmpi sge, %get3A_464, %or3A_351 : vector<16xi32>
      %all_reduce_population_count3A_466 = tpu.all_reduce %ge3A_465 {dim = 0 : i64, kind = #tpu.reduction_kind<sum>} : vector<16xi1> -> vector<16xi32>
      %add3A_467 = arith.addi %add3A_460, %all_reduce_population_count3A_466 : vector<16xi32>
      %add3A_468 = arith.constant 32 : i32
      %add3A_469 = arith.addi %mul3A_454, %add3A_468 : i32
      %get3A_470 = arith.index_cast %add3A_469 : i32 to index
      %get3A_471 = tpu.vector_load %arg5[%get3A_470] {strides = array<i32>} : memref<8960xi32, #tpu.memory_space<vmem>>, vector<16xi32>,
      %ge3A_472 = arith.cmpi sge, %get3A_471, %or3A_351 : vector<16xi32>
      %all_reduce_population_count3A_473 = tpu.all_reduce %ge3A_472 {dim = 0 : i64, kind = #tpu.reduction_kind<sum>} : vector<16xi1> -> vector<16xi32>
      %add3A_474 = arith.addi %add3A_467, %all_reduce_population_count3A_473 : vector<16xi32>
      %add3A_475 = arith.constant 48 : i32
      %add3A_476 = arith.addi %mul3A_454, %add3A_475 : i32
      %get3A_477 = arith.index_cast %add3A_476 : i32 to index
      %get3A_478 = tpu.vector_load %arg5[%get3A_477] {strides = array<i32>} : memref<8960xi32, #tpu.memory_space<vmem>>, vector<16xi32>,
      %ge3A_479 = arith.cmpi sge, %get3A_478, %or3A_351 : vector<16xi32>
      %all_reduce_population_count3A_480 = tpu.all_reduce %ge3A_479 {dim = 0 : i64, kind = #tpu.reduction_kind<sum>} : vector<16xi1> -> vector<16xi32>
      %add3A_481 = arith.addi %add3A_474, %all_reduce_population_count3A_480 : vector<16xi32>
      %add3A_482 = arith.constant 64 : i32
      %add3A_483 = arith.addi %mul3A_454, %add3A_482 : i32
      %get3A_484 = arith.index_cast %add3A_483 : i32 to index
      %get3A_485 = tpu.vector_load %arg5[%get3A_484] {strides = array<i32>} : memref<8960xi32, #tpu.memory_space<vmem>>, vector<16xi32>,
      %ge3A_486 = arith.cmpi sge, %get3A_485, %or3A_351 : vector<16xi32>
      %all_reduce_population_count3A_487 = tpu.all_reduce %ge3A_486 {dim = 0 : i64, kind = #tpu.reduction_kind<sum>} : vector<16xi1> -> vector<16xi32>
      %add3A_488 = arith.addi %add3A_481, %all_reduce_population_count3A_487 : vector<16xi32>
      %add3A_489 = arith.constant 80 : i32
      %add3A_490 = arith.addi %mul3A_454, %add3A_489 : i32
      %get3A_491 = arith.index_cast %add3A_490 : i32 to index
      %get3A_492 = tpu.vector_load %arg5[%get3A_491] {strides = array<i32>} : memref<8960xi32, #tpu.memory_space<vmem>>, vector<16xi32>,
      %ge3A_493 = arith.cmpi sge, %get3A_492, %or3A_351 : vector<16xi32>
      %all_reduce_population_count3A_494 = tpu.all_reduce %ge3A_493 {dim = 0 : i64, kind = #tpu.reduction_kind<sum>} : vector<16xi1> -> vector<16xi32>
      %add3A_495 = arith.addi %add3A_488, %all_reduce_population_count3A_494 : vector<16xi32>
      %add3A_496 = arith.constant 96 : i32
      %add3A_497 = arith.addi %mul3A_454, %add3A_496 : i32
      %get3A_498 = arith.index_cast %add3A_497 : i32 to index
      %get3A_499 = tpu.vector_load %arg5[%get3A_498] {strides = array<i32>} : memref<8960xi32, #tpu.memory_space<vmem>>, vector<16xi32>,
      %ge3A_500 = arith.cmpi sge, %get3A_499, %or3A_351 : vector<16xi32>
      %all_reduce_population_count3A_501 = tpu.all_reduce %ge3A_500 {dim = 0 : i64, kind = #tpu.reduction_kind<sum>} : vector<16xi1> -> vector<16xi32>
      %add3A_502 = arith.addi %add3A_495, %all_reduce_population_count3A_501 : vector<16xi32>
      %add3A_503 = arith.constant 112 : i32
      %add3A_504 = arith.addi %mul3A_454, %add3A_503 : i32
      %get3A_505 = arith.index_cast %add3A_504 : i32 to index
      %get3A_506 = tpu.vector_load %arg5[%get3A_505] {strides = array<i32>} : memref<8960xi32, #tpu.memory_space<vmem>>, vector<16xi32>,
      %ge3A_507 = arith.cmpi sge, %get3A_506, %or3A_351 : vector<16xi32>
      %all_reduce_population_count3A_508 = tpu.all_reduce %ge3A_507 {dim = 0 : i64, kind = #tpu.reduction_kind<sum>} : vector<16xi1> -> vector<16xi32>
      %add3A_509 = arith.addi %add3A_502, %all_reduce_population_count3A_508 : vector<16xi32>
      scf.yield %add3A_509 : vector<16xi32>
    }
    %scan3A_359 = arith.constant 70 : i32
    %ge3A_360 = arith.cmpi sge, %scan3A_358, %convert_element_type3A : vector<16xi32>
    %select_n3A_361 = arith.select %ge3A_360, %or3A_351, %select_n3A_348 : vector<16xi1>, vector<16xi32>
    %or3A_362 = arith.constant 16 : i32
    %or3A_363 = vector.broadcast %or3A_362 : i32 to vector<16xi32>
    %or3A_364 = arith.ori %select_n3A_361, %or3A_363 : vector<16xi32>
    %broadcast_in_dim3A_365 = arith.constant 0 : i32
    %broadcast_in_dim3A_366 = vector.broadcast %broadcast_in_dim3A_365 : i32 to vector<16xi32>
    %scan3A_367 = arith.constant 0 : i32
    %scan3A_368 = arith.constant 70 : i32
    %scan3A_369 = arith.addi %scan3A_367, %scan3A_368 : i32
    %scan3A_370 = arith.constant 1 : i32
    %scan3A_371 = scf.for %scan3A_451 = %scan3A_367 to %scan3A_369 step %scan3A_370 iter_args(%scan3A_452 = %broadcast_in_dim3A_366) -> (vector<16xi32>)  : i32 {
      %mul3A_453 = arith.constant 128 : i32
      %mul3A_454 = arith.muli %scan3A_451, %mul3A_453 : i32
      %add3A_455 = arith.constant 0 : i32
      %add3A_456 = arith.addi %mul3A_454, %add3A_455 : i32
      %get3A_457 = arith.index_cast %add3A_456 : i32 to index
      %get3A_458 = tpu.vector_load %arg5[%get3A_457] {strides = array<i32>} : memref<8960xi32, #tpu.memory_space<vmem>>, vector<16xi32>,
      %ge3A_459 = arith.cmpi sge, %get3A_458, %or3A_364 : vector<16xi32>
      %all_reduce_population_count3A = tpu.all_reduce %ge3A_459 {dim = 0 : i64, kind = #tpu.reduction_kind<sum>} : vector<16xi1> -> vector<16xi32>
      %add3A_460 = arith.addi %scan3A_452, %all_reduce_population_count3A : vector<16xi32>
      %add3A_461 = arith.constant 16 : i32
      %add3A_462 = arith.addi %mul3A_454, %add3A_461 : i32
      %get3A_463 = arith.index_cast %add3A_462 : i32 to index
      %get3A_464 = tpu.vector_load %arg5[%get3A_463] {strides = array<i32>} : memref<8960xi32, #tpu.memory_space<vmem>>, vector<16xi32>,
      %ge3A_465 = arith.cmpi sge, %get3A_464, %or3A_364 : vector<16xi32>
      %all_reduce_population_count3A_466 = tpu.all_reduce %ge3A_465 {dim = 0 : i64, kind = #tpu.reduction_kind<sum>} : vector<16xi1> -> vector<16xi32>
      %add3A_467 = arith.addi %add3A_460, %all_reduce_population_count3A_466 : vector<16xi32>
      %add3A_468 = arith.constant 32 : i32
      %add3A_469 = arith.addi %mul3A_454, %add3A_468 : i32
      %get3A_470 = arith.index_cast %add3A_469 : i32 to index
      %get3A_471 = tpu.vector_load %arg5[%get3A_470] {strides = array<i32>} : memref<8960xi32, #tpu.memory_space<vmem>>, vector<16xi32>,
      %ge3A_472 = arith.cmpi sge, %get3A_471, %or3A_364 : vector<16xi32>
      %all_reduce_population_count3A_473 = tpu.all_reduce %ge3A_472 {dim = 0 : i64, kind = #tpu.reduction_kind<sum>} : vector<16xi1> -> vector<16xi32>
      %add3A_474 = arith.addi %add3A_467, %all_reduce_population_count3A_473 : vector<16xi32>
      %add3A_475 = arith.constant 48 : i32
      %add3A_476 = arith.addi %mul3A_454, %add3A_475 : i32
      %get3A_477 = arith.index_cast %add3A_476 : i32 to index
      %get3A_478 = tpu.vector_load %arg5[%get3A_477] {strides = array<i32>} : memref<8960xi32, #tpu.memory_space<vmem>>, vector<16xi32>,
      %ge3A_479 = arith.cmpi sge, %get3A_478, %or3A_364 : vector<16xi32>
      %all_reduce_population_count3A_480 = tpu.all_reduce %ge3A_479 {dim = 0 : i64, kind = #tpu.reduction_kind<sum>} : vector<16xi1> -> vector<16xi32>
      %add3A_481 = arith.addi %add3A_474, %all_reduce_population_count3A_480 : vector<16xi32>
      %add3A_482 = arith.constant 64 : i32
      %add3A_483 = arith.addi %mul3A_454, %add3A_482 : i32
      %get3A_484 = arith.index_cast %add3A_483 : i32 to index
      %get3A_485 = tpu.vector_load %arg5[%get3A_484] {strides = array<i32>} : memref<8960xi32, #tpu.memory_space<vmem>>, vector<16xi32>,
      %ge3A_486 = arith.cmpi sge, %get3A_485, %or3A_364 : vector<16xi32>
      %all_reduce_population_count3A_487 = tpu.all_reduce %ge3A_486 {dim = 0 : i64, kind = #tpu.reduction_kind<sum>} : vector<16xi1> -> vector<16xi32>
      %add3A_488 = arith.addi %add3A_481, %all_reduce_population_count3A_487 : vector<16xi32>
      %add3A_489 = arith.constant 80 : i32
      %add3A_490 = arith.addi %mul3A_454, %add3A_489 : i32
      %get3A_491 = arith.index_cast %add3A_490 : i32 to index
      %get3A_492 = tpu.vector_load %arg5[%get3A_491] {strides = array<i32>} : memref<8960xi32, #tpu.memory_space<vmem>>, vector<16xi32>,
      %ge3A_493 = arith.cmpi sge, %get3A_492, %or3A_364 : vector<16xi32>
      %all_reduce_population_count3A_494 = tpu.all_reduce %ge3A_493 {dim = 0 : i64, kind = #tpu.reduction_kind<sum>} : vector<16xi1> -> vector<16xi32>
      %add3A_495 = arith.addi %add3A_488, %all_reduce_population_count3A_494 : vector<16xi32>
      %add3A_496 = arith.constant 96 : i32
      %add3A_497 = arith.addi %mul3A_454, %add3A_496 : i32
      %get3A_498 = arith.index_cast %add3A_497 : i32 to index
      %get3A_499 = tpu.vector_load %arg5[%get3A_498] {strides = array<i32>} : memref<8960xi32, #tpu.memory_space<vmem>>, vector<16xi32>,
      %ge3A_500 = arith.cmpi sge, %get3A_499, %or3A_364 : vector<16xi32>
      %all_reduce_population_count3A_501 = tpu.all_reduce %ge3A_500 {dim = 0 : i64, kind = #tpu.reduction_kind<sum>} : vector<16xi1> -> vector<16xi32>
      %add3A_502 = arith.addi %add3A_495, %all_reduce_population_count3A_501 : vector<16xi32>
      %add3A_503 = arith.constant 112 : i32
      %add3A_504 = arith.addi %mul3A_454, %add3A_503 : i32
      %get3A_505 = arith.index_cast %add3A_504 : i32 to index
      %get3A_506 = tpu.vector_load %arg5[%get3A_505] {strides = array<i32>} : memref<8960xi32, #tpu.memory_space<vmem>>, vector<16xi32>,
      %ge3A_507 = arith.cmpi sge, %get3A_506, %or3A_364 : vector<16xi32>
      %all_reduce_population_count3A_508 = tpu.all_reduce %ge3A_507 {dim = 0 : i64, kind = #tpu.reduction_kind<sum>} : vector<16xi1> -> vector<16xi32>
      %add3A_509 = arith.addi %add3A_502, %all_reduce_population_count3A_508 : vector<16xi32>
      scf.yield %add3A_509 : vector<16xi32>
    }
    %scan3A_372 = arith.constant 70 : i32
    %ge3A_373 = arith.cmpi sge, %scan3A_371, %convert_element_type3A : vector<16xi32>
    %select_n3A_374 = arith.select %ge3A_373, %or3A_364, %select_n3A_361 : vector<16xi1>, vector<16xi32>
    %or3A_375 = arith.constant 8 : i32
    %or3A_376 = vector.broadcast %or3A_375 : i32 to vector<16xi32>
    %or3A_377 = arith.ori %select_n3A_374, %or3A_376 : vector<16xi32>
    %broadcast_in_dim3A_378 = arith.constant 0 : i32
    %broadcast_in_dim3A_379 = vector.broadcast %broadcast_in_dim3A_378 : i32 to vector<16xi32>
    %scan3A_380 = arith.constant 0 : i32
    %scan3A_381 = arith.constant 70 : i32
    %scan3A_382 = arith.addi %scan3A_380, %scan3A_381 : i32
    %scan3A_383 = arith.constant 1 : i32
    %scan3A_384 = scf.for %scan3A_451 = %scan3A_380 to %scan3A_382 step %scan3A_383 iter_args(%scan3A_452 = %broadcast_in_dim3A_379) -> (vector<16xi32>)  : i32 {
      %mul3A_453 = arith.constant 128 : i32
      %mul3A_454 = arith.muli %scan3A_451, %mul3A_453 : i32
      %add3A_455 = arith.constant 0 : i32
      %add3A_456 = arith.addi %mul3A_454, %add3A_455 : i32
      %get3A_457 = arith.index_cast %add3A_456 : i32 to index
      %get3A_458 = tpu.vector_load %arg5[%get3A_457] {strides = array<i32>} : memref<8960xi32, #tpu.memory_space<vmem>>, vector<16xi32>,
      %ge3A_459 = arith.cmpi sge, %get3A_458, %or3A_377 : vector<16xi32>
      %all_reduce_population_count3A = tpu.all_reduce %ge3A_459 {dim = 0 : i64, kind = #tpu.reduction_kind<sum>} : vector<16xi1> -> vector<16xi32>
      %add3A_460 = arith.addi %scan3A_452, %all_reduce_population_count3A : vector<16xi32>
      %add3A_461 = arith.constant 16 : i32
      %add3A_462 = arith.addi %mul3A_454, %add3A_461 : i32
      %get3A_463 = arith.index_cast %add3A_462 : i32 to index
      %get3A_464 = tpu.vector_load %arg5[%get3A_463] {strides = array<i32>} : memref<8960xi32, #tpu.memory_space<vmem>>, vector<16xi32>,
      %ge3A_465 = arith.cmpi sge, %get3A_464, %or3A_377 : vector<16xi32>
      %all_reduce_population_count3A_466 = tpu.all_reduce %ge3A_465 {dim = 0 : i64, kind = #tpu.reduction_kind<sum>} : vector<16xi1> -> vector<16xi32>
      %add3A_467 = arith.addi %add3A_460, %all_reduce_population_count3A_466 : vector<16xi32>
      %add3A_468 = arith.constant 32 : i32
      %add3A_469 = arith.addi %mul3A_454, %add3A_468 : i32
      %get3A_470 = arith.index_cast %add3A_469 : i32 to index
      %get3A_471 = tpu.vector_load %arg5[%get3A_470] {strides = array<i32>} : memref<8960xi32, #tpu.memory_space<vmem>>, vector<16xi32>,
      %ge3A_472 = arith.cmpi sge, %get3A_471, %or3A_377 : vector<16xi32>
      %all_reduce_population_count3A_473 = tpu.all_reduce %ge3A_472 {dim = 0 : i64, kind = #tpu.reduction_kind<sum>} : vector<16xi1> -> vector<16xi32>
      %add3A_474 = arith.addi %add3A_467, %all_reduce_population_count3A_473 : vector<16xi32>
      %add3A_475 = arith.constant 48 : i32
      %add3A_476 = arith.addi %mul3A_454, %add3A_475 : i32
      %get3A_477 = arith.index_cast %add3A_476 : i32 to index
      %get3A_478 = tpu.vector_load %arg5[%get3A_477] {strides = array<i32>} : memref<8960xi32, #tpu.memory_space<vmem>>, vector<16xi32>,
      %ge3A_479 = arith.cmpi sge, %get3A_478, %or3A_377 : vector<16xi32>
      %all_reduce_population_count3A_480 = tpu.all_reduce %ge3A_479 {dim = 0 : i64, kind = #tpu.reduction_kind<sum>} : vector<16xi1> -> vector<16xi32>
      %add3A_481 = arith.addi %add3A_474, %all_reduce_population_count3A_480 : vector<16xi32>
      %add3A_482 = arith.constant 64 : i32
      %add3A_483 = arith.addi %mul3A_454, %add3A_482 : i32
      %get3A_484 = arith.index_cast %add3A_483 : i32 to index
      %get3A_485 = tpu.vector_load %arg5[%get3A_484] {strides = array<i32>} : memref<8960xi32, #tpu.memory_space<vmem>>, vector<16xi32>,
      %ge3A_486 = arith.cmpi sge, %get3A_485, %or3A_377 : vector<16xi32>
      %all_reduce_population_count3A_487 = tpu.all_reduce %ge3A_486 {dim = 0 : i64, kind = #tpu.reduction_kind<sum>} : vector<16xi1> -> vector<16xi32>
      %add3A_488 = arith.addi %add3A_481, %all_reduce_population_count3A_487 : vector<16xi32>
      %add3A_489 = arith.constant 80 : i32
      %add3A_490 = arith.addi %mul3A_454, %add3A_489 : i32
      %get3A_491 = arith.index_cast %add3A_490 : i32 to index
      %get3A_492 = tpu.vector_load %arg5[%get3A_491] {strides = array<i32>} : memref<8960xi32, #tpu.memory_space<vmem>>, vector<16xi32>,
      %ge3A_493 = arith.cmpi sge, %get3A_492, %or3A_377 : vector<16xi32>
      %all_reduce_population_count3A_494 = tpu.all_reduce %ge3A_493 {dim = 0 : i64, kind = #tpu.reduction_kind<sum>} : vector<16xi1> -> vector<16xi32>
      %add3A_495 = arith.addi %add3A_488, %all_reduce_population_count3A_494 : vector<16xi32>
      %add3A_496 = arith.constant 96 : i32
      %add3A_497 = arith.addi %mul3A_454, %add3A_496 : i32
      %get3A_498 = arith.index_cast %add3A_497 : i32 to index
      %get3A_499 = tpu.vector_load %arg5[%get3A_498] {strides = array<i32>} : memref<8960xi32, #tpu.memory_space<vmem>>, vector<16xi32>,
      %ge3A_500 = arith.cmpi sge, %get3A_499, %or3A_377 : vector<16xi32>
      %all_reduce_population_count3A_501 = tpu.all_reduce %ge3A_500 {dim = 0 : i64, kind = #tpu.reduction_kind<sum>} : vector<16xi1> -> vector<16xi32>
      %add3A_502 = arith.addi %add3A_495, %all_reduce_population_count3A_501 : vector<16xi32>
      %add3A_503 = arith.constant 112 : i32
      %add3A_504 = arith.addi %mul3A_454, %add3A_503 : i32
      %get3A_505 = arith.index_cast %add3A_504 : i32 to index
      %get3A_506 = tpu.vector_load %arg5[%get3A_505] {strides = array<i32>} : memref<8960xi32, #tpu.memory_space<vmem>>, vector<16xi32>,
      %ge3A_507 = arith.cmpi sge, %get3A_506, %or3A_377 : vector<16xi32>
      %all_reduce_population_count3A_508 = tpu.all_reduce %ge3A_507 {dim = 0 : i64, kind = #tpu.reduction_kind<sum>} : vector<16xi1> -> vector<16xi32>
      %add3A_509 = arith.addi %add3A_502, %all_reduce_population_count3A_508 : vector<16xi32>
      scf.yield %add3A_509 : vector<16xi32>
    }
    %scan3A_385 = arith.constant 70 : i32
    %ge3A_386 = arith.cmpi sge, %scan3A_384, %convert_element_type3A : vector<16xi32>
    %select_n3A_387 = arith.select %ge3A_386, %or3A_377, %select_n3A_374 : vector<16xi1>, vector<16xi32>
    %or3A_388 = arith.constant 4 : i32
    %or3A_389 = vector.broadcast %or3A_388 : i32 to vector<16xi32>
    %or3A_390 = arith.ori %select_n3A_387, %or3A_389 : vector<16xi32>
    %broadcast_in_dim3A_391 = arith.constant 0 : i32
    %broadcast_in_dim3A_392 = vector.broadcast %broadcast_in_dim3A_391 : i32 to vector<16xi32>
    %scan3A_393 = arith.constant 0 : i32
    %scan3A_394 = arith.constant 70 : i32
    %scan3A_395 = arith.addi %scan3A_393, %scan3A_394 : i32
    %scan3A_396 = arith.constant 1 : i32
    %scan3A_397 = scf.for %scan3A_451 = %scan3A_393 to %scan3A_395 step %scan3A_396 iter_args(%scan3A_452 = %broadcast_in_dim3A_392) -> (vector<16xi32>)  : i32 {
      %mul3A_453 = arith.constant 128 : i32
      %mul3A_454 = arith.muli %scan3A_451, %mul3A_453 : i32
      %add3A_455 = arith.constant 0 : i32
      %add3A_456 = arith.addi %mul3A_454, %add3A_455 : i32
      %get3A_457 = arith.index_cast %add3A_456 : i32 to index
      %get3A_458 = tpu.vector_load %arg5[%get3A_457] {strides = array<i32>} : memref<8960xi32, #tpu.memory_space<vmem>>, vector<16xi32>,
      %ge3A_459 = arith.cmpi sge, %get3A_458, %or3A_390 : vector<16xi32>
      %all_reduce_population_count3A = tpu.all_reduce %ge3A_459 {dim = 0 : i64, kind = #tpu.reduction_kind<sum>} : vector<16xi1> -> vector<16xi32>
      %add3A_460 = arith.addi %scan3A_452, %all_reduce_population_count3A : vector<16xi32>
      %add3A_461 = arith.constant 16 : i32
      %add3A_462 = arith.addi %mul3A_454, %add3A_461 : i32
      %get3A_463 = arith.index_cast %add3A_462 : i32 to index
      %get3A_464 = tpu.vector_load %arg5[%get3A_463] {strides = array<i32>} : memref<8960xi32, #tpu.memory_space<vmem>>, vector<16xi32>,
      %ge3A_465 = arith.cmpi sge, %get3A_464, %or3A_390 : vector<16xi32>
      %all_reduce_population_count3A_466 = tpu.all_reduce %ge3A_465 {dim = 0 : i64, kind = #tpu.reduction_kind<sum>} : vector<16xi1> -> vector<16xi32>
      %add3A_467 = arith.addi %add3A_460, %all_reduce_population_count3A_466 : vector<16xi32>
      %add3A_468 = arith.constant 32 : i32
      %add3A_469 = arith.addi %mul3A_454, %add3A_468 : i32
      %get3A_470 = arith.index_cast %add3A_469 : i32 to index
      %get3A_471 = tpu.vector_load %arg5[%get3A_470] {strides = array<i32>} : memref<8960xi32, #tpu.memory_space<vmem>>, vector<16xi32>,
      %ge3A_472 = arith.cmpi sge, %get3A_471, %or3A_390 : vector<16xi32>
      %all_reduce_population_count3A_473 = tpu.all_reduce %ge3A_472 {dim = 0 : i64, kind = #tpu.reduction_kind<sum>} : vector<16xi1> -> vector<16xi32>
      %add3A_474 = arith.addi %add3A_467, %all_reduce_population_count3A_473 : vector<16xi32>
      %add3A_475 = arith.constant 48 : i32
      %add3A_476 = arith.addi %mul3A_454, %add3A_475 : i32
      %get3A_477 = arith.index_cast %add3A_476 : i32 to index
      %get3A_478 = tpu.vector_load %arg5[%get3A_477] {strides = array<i32>} : memref<8960xi32, #tpu.memory_space<vmem>>, vector<16xi32>,
      %ge3A_479 = arith.cmpi sge, %get3A_478, %or3A_390 : vector<16xi32>
      %all_reduce_population_count3A_480 = tpu.all_reduce %ge3A_479 {dim = 0 : i64, kind = #tpu.reduction_kind<sum>} : vector<16xi1> -> vector<16xi32>
      %add3A_481 = arith.addi %add3A_474, %all_reduce_population_count3A_480 : vector<16xi32>
      %add3A_482 = arith.constant 64 : i32
      %add3A_483 = arith.addi %mul3A_454, %add3A_482 : i32
      %get3A_484 = arith.index_cast %add3A_483 : i32 to index
      %get3A_485 = tpu.vector_load %arg5[%get3A_484] {strides = array<i32>} : memref<8960xi32, #tpu.memory_space<vmem>>, vector<16xi32>,
      %ge3A_486 = arith.cmpi sge, %get3A_485, %or3A_390 : vector<16xi32>
      %all_reduce_population_count3A_487 = tpu.all_reduce %ge3A_486 {dim = 0 : i64, kind = #tpu.reduction_kind<sum>} : vector<16xi1> -> vector<16xi32>
      %add3A_488 = arith.addi %add3A_481, %all_reduce_population_count3A_487 : vector<16xi32>
      %add3A_489 = arith.constant 80 : i32
      %add3A_490 = arith.addi %mul3A_454, %add3A_489 : i32
      %get3A_491 = arith.index_cast %add3A_490 : i32 to index
      %get3A_492 = tpu.vector_load %arg5[%get3A_491] {strides = array<i32>} : memref<8960xi32, #tpu.memory_space<vmem>>, vector<16xi32>,
      %ge3A_493 = arith.cmpi sge, %get3A_492, %or3A_390 : vector<16xi32>
      %all_reduce_population_count3A_494 = tpu.all_reduce %ge3A_493 {dim = 0 : i64, kind = #tpu.reduction_kind<sum>} : vector<16xi1> -> vector<16xi32>
      %add3A_495 = arith.addi %add3A_488, %all_reduce_population_count3A_494 : vector<16xi32>
      %add3A_496 = arith.constant 96 : i32
      %add3A_497 = arith.addi %mul3A_454, %add3A_496 : i32
      %get3A_498 = arith.index_cast %add3A_497 : i32 to index
      %get3A_499 = tpu.vector_load %arg5[%get3A_498] {strides = array<i32>} : memref<8960xi32, #tpu.memory_space<vmem>>, vector<16xi32>,
      %ge3A_500 = arith.cmpi sge, %get3A_499, %or3A_390 : vector<16xi32>
      %all_reduce_population_count3A_501 = tpu.all_reduce %ge3A_500 {dim = 0 : i64, kind = #tpu.reduction_kind<sum>} : vector<16xi1> -> vector<16xi32>
      %add3A_502 = arith.addi %add3A_495, %all_reduce_population_count3A_501 : vector<16xi32>
      %add3A_503 = arith.constant 112 : i32
      %add3A_504 = arith.addi %mul3A_454, %add3A_503 : i32
      %get3A_505 = arith.index_cast %add3A_504 : i32 to index
      %get3A_506 = tpu.vector_load %arg5[%get3A_505] {strides = array<i32>} : memref<8960xi32, #tpu.memory_space<vmem>>, vector<16xi32>,
      %ge3A_507 = arith.cmpi sge, %get3A_506, %or3A_390 : vector<16xi32>
      %all_reduce_population_count3A_508 = tpu.all_reduce %ge3A_507 {dim = 0 : i64, kind = #tpu.reduction_kind<sum>} : vector<16xi1> -> vector<16xi32>
      %add3A_509 = arith.addi %add3A_502, %all_reduce_population_count3A_508 : vector<16xi32>
      scf.yield %add3A_509 : vector<16xi32>
    }
    %scan3A_398 = arith.constant 70 : i32
    %ge3A_399 = arith.cmpi sge, %scan3A_397, %convert_element_type3A : vector<16xi32>
    %select_n3A_400 = arith.select %ge3A_399, %or3A_390, %select_n3A_387 : vector<16xi1>, vector<16xi32>
    %or3A_401 = arith.constant 2 : i32
    %or3A_402 = vector.broadcast %or3A_401 : i32 to vector<16xi32>
    %or3A_403 = arith.ori %select_n3A_400, %or3A_402 : vector<16xi32>
    %broadcast_in_dim3A_404 = arith.constant 0 : i32
    %broadcast_in_dim3A_405 = vector.broadcast %broadcast_in_dim3A_404 : i32 to vector<16xi32>
    %scan3A_406 = arith.constant 0 : i32
    %scan3A_407 = arith.constant 70 : i32
    %scan3A_408 = arith.addi %scan3A_406, %scan3A_407 : i32
    %scan3A_409 = arith.constant 1 : i32
    %scan3A_410 = scf.for %scan3A_451 = %scan3A_406 to %scan3A_408 step %scan3A_409 iter_args(%scan3A_452 = %broadcast_in_dim3A_405) -> (vector<16xi32>)  : i32 {
      %mul3A_453 = arith.constant 128 : i32
      %mul3A_454 = arith.muli %scan3A_451, %mul3A_453 : i32
      %add3A_455 = arith.constant 0 : i32
      %add3A_456 = arith.addi %mul3A_454, %add3A_455 : i32
      %get3A_457 = arith.index_cast %add3A_456 : i32 to index
      %get3A_458 = tpu.vector_load %arg5[%get3A_457] {strides = array<i32>} : memref<8960xi32, #tpu.memory_space<vmem>>, vector<16xi32>,
      %ge3A_459 = arith.cmpi sge, %get3A_458, %or3A_403 : vector<16xi32>
      %all_reduce_population_count3A = tpu.all_reduce %ge3A_459 {dim = 0 : i64, kind = #tpu.reduction_kind<sum>} : vector<16xi1> -> vector<16xi32>
      %add3A_460 = arith.addi %scan3A_452, %all_reduce_population_count3A : vector<16xi32>
      %add3A_461 = arith.constant 16 : i32
      %add3A_462 = arith.addi %mul3A_454, %add3A_461 : i32
      %get3A_463 = arith.index_cast %add3A_462 : i32 to index
      %get3A_464 = tpu.vector_load %arg5[%get3A_463] {strides = array<i32>} : memref<8960xi32, #tpu.memory_space<vmem>>, vector<16xi32>,
      %ge3A_465 = arith.cmpi sge, %get3A_464, %or3A_403 : vector<16xi32>
      %all_reduce_population_count3A_466 = tpu.all_reduce %ge3A_465 {dim = 0 : i64, kind = #tpu.reduction_kind<sum>} : vector<16xi1> -> vector<16xi32>
      %add3A_467 = arith.addi %add3A_460, %all_reduce_population_count3A_466 : vector<16xi32>
      %add3A_468 = arith.constant 32 : i32
      %add3A_469 = arith.addi %mul3A_454, %add3A_468 : i32
      %get3A_470 = arith.index_cast %add3A_469 : i32 to index
      %get3A_471 = tpu.vector_load %arg5[%get3A_470] {strides = array<i32>} : memref<8960xi32, #tpu.memory_space<vmem>>, vector<16xi32>,
      %ge3A_472 = arith.cmpi sge, %get3A_471, %or3A_403 : vector<16xi32>
      %all_reduce_population_count3A_473 = tpu.all_reduce %ge3A_472 {dim = 0 : i64, kind = #tpu.reduction_kind<sum>} : vector<16xi1> -> vector<16xi32>
      %add3A_474 = arith.addi %add3A_467, %all_reduce_population_count3A_473 : vector<16xi32>
      %add3A_475 = arith.constant 48 : i32
      %add3A_476 = arith.addi %mul3A_454, %add3A_475 : i32
      %get3A_477 = arith.index_cast %add3A_476 : i32 to index
      %get3A_478 = tpu.vector_load %arg5[%get3A_477] {strides = array<i32>} : memref<8960xi32, #tpu.memory_space<vmem>>, vector<16xi32>,
      %ge3A_479 = arith.cmpi sge, %get3A_478, %or3A_403 : vector<16xi32>
      %all_reduce_population_count3A_480 = tpu.all_reduce %ge3A_479 {dim = 0 : i64, kind = #tpu.reduction_kind<sum>} : vector<16xi1> -> vector<16xi32>
      %add3A_481 = arith.addi %add3A_474, %all_reduce_population_count3A_480 : vector<16xi32>
      %add3A_482 = arith.constant 64 : i32
      %add3A_483 = arith.addi %mul3A_454, %add3A_482 : i32
      %get3A_484 = arith.index_cast %add3A_483 : i32 to index
      %get3A_485 = tpu.vector_load %arg5[%get3A_484] {strides = array<i32>} : memref<8960xi32, #tpu.memory_space<vmem>>, vector<16xi32>,
      %ge3A_486 = arith.cmpi sge, %get3A_485, %or3A_403 : vector<16xi32>
      %all_reduce_population_count3A_487 = tpu.all_reduce %ge3A_486 {dim = 0 : i64, kind = #tpu.reduction_kind<sum>} : vector<16xi1> -> vector<16xi32>
      %add3A_488 = arith.addi %add3A_481, %all_reduce_population_count3A_487 : vector<16xi32>
      %add3A_489 = arith.constant 80 : i32
      %add3A_490 = arith.addi %mul3A_454, %add3A_489 : i32
      %get3A_491 = arith.index_cast %add3A_490 : i32 to index
      %get3A_492 = tpu.vector_load %arg5[%get3A_491] {strides = array<i32>} : memref<8960xi32, #tpu.memory_space<vmem>>, vector<16xi32>,
      %ge3A_493 = arith.cmpi sge, %get3A_492, %or3A_403 : vector<16xi32>
      %all_reduce_population_count3A_494 = tpu.all_reduce %ge3A_493 {dim = 0 : i64, kind = #tpu.reduction_kind<sum>} : vector<16xi1> -> vector<16xi32>
      %add3A_495 = arith.addi %add3A_488, %all_reduce_population_count3A_494 : vector<16xi32>
      %add3A_496 = arith.constant 96 : i32
      %add3A_497 = arith.addi %mul3A_454, %add3A_496 : i32
      %get3A_498 = arith.index_cast %add3A_497 : i32 to index
      %get3A_499 = tpu.vector_load %arg5[%get3A_498] {strides = array<i32>} : memref<8960xi32, #tpu.memory_space<vmem>>, vector<16xi32>,
      %ge3A_500 = arith.cmpi sge, %get3A_499, %or3A_403 : vector<16xi32>
      %all_reduce_population_count3A_501 = tpu.all_reduce %ge3A_500 {dim = 0 : i64, kind = #tpu.reduction_kind<sum>} : vector<16xi1> -> vector<16xi32>
      %add3A_502 = arith.addi %add3A_495, %all_reduce_population_count3A_501 : vector<16xi32>
      %add3A_503 = arith.constant 112 : i32
      %add3A_504 = arith.addi %mul3A_454, %add3A_503 : i32
      %get3A_505 = arith.index_cast %add3A_504 : i32 to index
      %get3A_506 = tpu.vector_load %arg5[%get3A_505] {strides = array<i32>} : memref<8960xi32, #tpu.memory_space<vmem>>, vector<16xi32>,
      %ge3A_507 = arith.cmpi sge, %get3A_506, %or3A_403 : vector<16xi32>
      %all_reduce_population_count3A_508 = tpu.all_reduce %ge3A_507 {dim = 0 : i64, kind = #tpu.reduction_kind<sum>} : vector<16xi1> -> vector<16xi32>
      %add3A_509 = arith.addi %add3A_502, %all_reduce_population_count3A_508 : vector<16xi32>
      scf.yield %add3A_509 : vector<16xi32>
    }
    %scan3A_411 = arith.constant 70 : i32
    %ge3A_412 = arith.cmpi sge, %scan3A_410, %convert_element_type3A : vector<16xi32>
    %select_n3A_413 = arith.select %ge3A_412, %or3A_403, %select_n3A_400 : vector<16xi1>, vector<16xi32>
    %or3A_414 = arith.constant 1 : i32
    %or3A_415 = vector.broadcast %or3A_414 : i32 to vector<16xi32>
    %or3A_416 = arith.ori %select_n3A_413, %or3A_415 : vector<16xi32>
    %broadcast_in_dim3A_417 = arith.constant 0 : i32
    %broadcast_in_dim3A_418 = vector.broadcast %broadcast_in_dim3A_417 : i32 to vector<16xi32>
    %scan3A_419 = arith.constant 0 : i32
    %scan3A_420 = arith.constant 70 : i32
    %scan3A_421 = arith.addi %scan3A_419, %scan3A_420 : i32
    %scan3A_422 = arith.constant 1 : i32
    %scan3A_423 = scf.for %scan3A_451 = %scan3A_419 to %scan3A_421 step %scan3A_422 iter_args(%scan3A_452 = %broadcast_in_dim3A_418) -> (vector<16xi32>)  : i32 {
      %mul3A_453 = arith.constant 128 : i32
      %mul3A_454 = arith.muli %scan3A_451, %mul3A_453 : i32
      %add3A_455 = arith.constant 0 : i32
      %add3A_456 = arith.addi %mul3A_454, %add3A_455 : i32
      %get3A_457 = arith.index_cast %add3A_456 : i32 to index
      %get3A_458 = tpu.vector_load %arg5[%get3A_457] {strides = array<i32>} : memref<8960xi32, #tpu.memory_space<vmem>>, vector<16xi32>,
      %ge3A_459 = arith.cmpi sge, %get3A_458, %or3A_416 : vector<16xi32>
      %all_reduce_population_count3A = tpu.all_reduce %ge3A_459 {dim = 0 : i64, kind = #tpu.reduction_kind<sum>} : vector<16xi1> -> vector<16xi32>
      %add3A_460 = arith.addi %scan3A_452, %all_reduce_population_count3A : vector<16xi32>
      %add3A_461 = arith.constant 16 : i32
      %add3A_462 = arith.addi %mul3A_454, %add3A_461 : i32
      %get3A_463 = arith.index_cast %add3A_462 : i32 to index
      %get3A_464 = tpu.vector_load %arg5[%get3A_463] {strides = array<i32>} : memref<8960xi32, #tpu.memory_space<vmem>>, vector<16xi32>,
      %ge3A_465 = arith.cmpi sge, %get3A_464, %or3A_416 : vector<16xi32>
      %all_reduce_population_count3A_466 = tpu.all_reduce %ge3A_465 {dim = 0 : i64, kind = #tpu.reduction_kind<sum>} : vector<16xi1> -> vector<16xi32>
      %add3A_467 = arith.addi %add3A_460, %all_reduce_population_count3A_466 : vector<16xi32>
      %add3A_468 = arith.constant 32 : i32
      %add3A_469 = arith.addi %mul3A_454, %add3A_468 : i32
      %get3A_470 = arith.index_cast %add3A_469 : i32 to index
      %get3A_471 = tpu.vector_load %arg5[%get3A_470] {strides = array<i32>} : memref<8960xi32, #tpu.memory_space<vmem>>, vector<16xi32>,
      %ge3A_472 = arith.cmpi sge, %get3A_471, %or3A_416 : vector<16xi32>
      %all_reduce_population_count3A_473 = tpu.all_reduce %ge3A_472 {dim = 0 : i64, kind = #tpu.reduction_kind<sum>} : vector<16xi1> -> vector<16xi32>
      %add3A_474 = arith.addi %add3A_467, %all_reduce_population_count3A_473 : vector<16xi32>
      %add3A_475 = arith.constant 48 : i32
      %add3A_476 = arith.addi %mul3A_454, %add3A_475 : i32
      %get3A_477 = arith.index_cast %add3A_476 : i32 to index
      %get3A_478 = tpu.vector_load %arg5[%get3A_477] {strides = array<i32>} : memref<8960xi32, #tpu.memory_space<vmem>>, vector<16xi32>,
      %ge3A_479 = arith.cmpi sge, %get3A_478, %or3A_416 : vector<16xi32>
      %all_reduce_population_count3A_480 = tpu.all_reduce %ge3A_479 {dim = 0 : i64, kind = #tpu.reduction_kind<sum>} : vector<16xi1> -> vector<16xi32>
      %add3A_481 = arith.addi %add3A_474, %all_reduce_population_count3A_480 : vector<16xi32>
      %add3A_482 = arith.constant 64 : i32
      %add3A_483 = arith.addi %mul3A_454, %add3A_482 : i32
      %get3A_484 = arith.index_cast %add3A_483 : i32 to index
      %get3A_485 = tpu.vector_load %arg5[%get3A_484] {strides = array<i32>} : memref<8960xi32, #tpu.memory_space<vmem>>, vector<16xi32>,
      %ge3A_486 = arith.cmpi sge, %get3A_485, %or3A_416 : vector<16xi32>
      %all_reduce_population_count3A_487 = tpu.all_reduce %ge3A_486 {dim = 0 : i64, kind = #tpu.reduction_kind<sum>} : vector<16xi1> -> vector<16xi32>
      %add3A_488 = arith.addi %add3A_481, %all_reduce_population_count3A_487 : vector<16xi32>
      %add3A_489 = arith.constant 80 : i32
      %add3A_490 = arith.addi %mul3A_454, %add3A_489 : i32
      %get3A_491 = arith.index_cast %add3A_490 : i32 to index
      %get3A_492 = tpu.vector_load %arg5[%get3A_491] {strides = array<i32>} : memref<8960xi32, #tpu.memory_space<vmem>>, vector<16xi32>,
      %ge3A_493 = arith.cmpi sge, %get3A_492, %or3A_416 : vector<16xi32>
      %all_reduce_population_count3A_494 = tpu.all_reduce %ge3A_493 {dim = 0 : i64, kind = #tpu.reduction_kind<sum>} : vector<16xi1> -> vector<16xi32>
      %add3A_495 = arith.addi %add3A_488, %all_reduce_population_count3A_494 : vector<16xi32>
      %add3A_496 = arith.constant 96 : i32
      %add3A_497 = arith.addi %mul3A_454, %add3A_496 : i32
      %get3A_498 = arith.index_cast %add3A_497 : i32 to index
      %get3A_499 = tpu.vector_load %arg5[%get3A_498] {strides = array<i32>} : memref<8960xi32, #tpu.memory_space<vmem>>, vector<16xi32>,
      %ge3A_500 = arith.cmpi sge, %get3A_499, %or3A_416 : vector<16xi32>
      %all_reduce_population_count3A_501 = tpu.all_reduce %ge3A_500 {dim = 0 : i64, kind = #tpu.reduction_kind<sum>} : vector<16xi1> -> vector<16xi32>
      %add3A_502 = arith.addi %add3A_495, %all_reduce_population_count3A_501 : vector<16xi32>
      %add3A_503 = arith.constant 112 : i32
      %add3A_504 = arith.addi %mul3A_454, %add3A_503 : i32
      %get3A_505 = arith.index_cast %add3A_504 : i32 to index
      %get3A_506 = tpu.vector_load %arg5[%get3A_505] {strides = array<i32>} : memref<8960xi32, #tpu.memory_space<vmem>>, vector<16xi32>,
      %ge3A_507 = arith.cmpi sge, %get3A_506, %or3A_416 : vector<16xi32>
      %all_reduce_population_count3A_508 = tpu.all_reduce %ge3A_507 {dim = 0 : i64, kind = #tpu.reduction_kind<sum>} : vector<16xi1> -> vector<16xi32>
      %add3A_509 = arith.addi %add3A_502, %all_reduce_population_count3A_508 : vector<16xi32>
      scf.yield %add3A_509 : vector<16xi32>
    }
    %scan3A_424 = arith.constant 70 : i32
    %ge3A_425 = arith.cmpi sge, %scan3A_423, %convert_element_type3A : vector<16xi32>
    %select_n3A_426 = arith.select %ge3A_425, %or3A_416, %select_n3A_413 : vector<16xi1>, vector<16xi32>
    %broadcast_in_dim3A_427 = arith.constant 0.000000e+00 : f32
    %broadcast_in_dim3A_428 = vector.broadcast %broadcast_in_dim3A_427 : f32 to vector<16xf32>
    %broadcast_in_dim3A_429 = arith.constant 0.000000e+00 : f32
    %broadcast_in_dim3A_430 = vector.broadcast %broadcast_in_dim3A_429 : f32 to vector<16xf32>
    %broadcast_in_dim3A_431 = arith.constant 0 : i32
    %broadcast_in_dim3A_432 = vector.broadcast %broadcast_in_dim3A_431 : i32 to vector<16xi32>
    %broadcast_in_dim3A_433 = arith.constant 0 : i32
    %broadcast_in_dim3A_434 = vector.broadcast %broadcast_in_dim3A_433 : i32 to vector<16xi32>
    %scan3A_435 = arith.constant 0 : i32
    %scan3A_436 = arith.constant 70 : i32
    %scan3A_437 = arith.addi %scan3A_435, %scan3A_436 : i32
    %scan3A_438 = arith.constant 1 : i32
    %scan3A_439:4 = scf.for %scan3A_451 = %scan3A_435 to %scan3A_437 step %scan3A_438 iter_args(%scan3A_452 = %broadcast_in_dim3A_428, %scan3A_453 = %broadcast_in_dim3A_430, %scan3A_454 = %broadcast_in_dim3A_432, %scan3A_455 = %broadcast_in_dim3A_434) -> (vector<16xf32>, vector<16xf32>, vector<16xi32>, vector<16xi32>)  : i32 {
      %mul3A_456 = arith.constant 128 : i32
      %mul3A_457 = arith.muli %scan3A_451, %mul3A_456 : i32
      %add3A_458 = arith.constant 0 : i32
      %add3A_459 = arith.addi %mul3A_457, %add3A_458 : i32
      %get3A_460 = arith.index_cast %add3A_459 : i32 to index
      %get3A_461 = tpu.vector_load %arg5[%get3A_460] {strides = array<i32>} : memref<8960xi32, #tpu.memory_space<vmem>>, vector<16xi32>,
      %add3A_462 = arith.constant 0 : i32
      %add3A_463 = arith.addi %mul3A_457, %add3A_462 : i32
      %get3A_464 = arith.index_cast %add3A_463 : i32 to index
      %get3A_465 = tpu.vector_load %arg6[%get3A_464] {strides = array<i32>} : memref<8960xf32, #tpu.memory_space<vmem>>, vector<16xf32>,
      %gt3A_466 = arith.cmpi sgt, %get3A_461, %select_n3A_426 : vector<16xi32>
      %eq3A = arith.cmpi eq, %get3A_461, %select_n3A_426 : vector<16xi32>
      %jit3A_467 = arith.constant 0.000000e+00 : f32
      %broadcast_in_dim3A_468 = vector.broadcast %jit3A_467 : f32 to vector<16xf32>
      %select_n3A_469 = arith.select %gt3A_466, %get3A_465, %broadcast_in_dim3A_468 : vector<16xi1>, vector<16xf32>
      %add3A_470 = arith.addf %scan3A_452, %select_n3A_469 : vector<16xf32>
      %jit3A_471 = arith.constant 0.000000e+00 : f32
      %broadcast_in_dim3A_472 = vector.broadcast %jit3A_471 : f32 to vector<16xf32>
      %select_n3A_473 = arith.select %eq3A, %get3A_465, %broadcast_in_dim3A_472 : vector<16xi1>, vector<16xf32>
      %add3A_474 = arith.addf %scan3A_453, %select_n3A_473 : vector<16xf32>
      %all_reduce_population_count3A = tpu.all_reduce %gt3A_466 {dim = 0 : i64, kind = #tpu.reduction_kind<sum>} : vector<16xi1> -> vector<16xi32>
      %add3A_475 = arith.addi %scan3A_454, %all_reduce_population_count3A : vector<16xi32>
      %all_reduce_population_count3A_476 = tpu.all_reduce %eq3A {dim = 0 : i64, kind = #tpu.reduction_kind<sum>} : vector<16xi1> -> vector<16xi32>
      %add3A_477 = arith.addi %scan3A_455, %all_reduce_population_count3A_476 : vector<16xi32>
      %add3A_478 = arith.constant 16 : i32
      %add3A_479 = arith.addi %mul3A_457, %add3A_478 : i32
      %get3A_480 = arith.index_cast %add3A_479 : i32 to index
      %get3A_481 = tpu.vector_load %arg5[%get3A_480] {strides = array<i32>} : memref<8960xi32, #tpu.memory_space<vmem>>, vector<16xi32>,
      %add3A_482 = arith.constant 16 : i32
      %add3A_483 = arith.addi %mul3A_457, %add3A_482 : i32
      %get3A_484 = arith.index_cast %add3A_483 : i32 to index
      %get3A_485 = tpu.vector_load %arg6[%get3A_484] {strides = array<i32>} : memref<8960xf32, #tpu.memory_space<vmem>>, vector<16xf32>,
      %gt3A_486 = arith.cmpi sgt, %get3A_481, %select_n3A_426 : vector<16xi32>
      %eq3A_487 = arith.cmpi eq, %get3A_481, %select_n3A_426 : vector<16xi32>
      %jit3A_488 = arith.constant 0.000000e+00 : f32
      %broadcast_in_dim3A_489 = vector.broadcast %jit3A_488 : f32 to vector<16xf32>
      %select_n3A_490 = arith.select %gt3A_486, %get3A_485, %broadcast_in_dim3A_489 : vector<16xi1>, vector<16xf32>
      %add3A_491 = arith.addf %add3A_470, %select_n3A_490 : vector<16xf32>
      %jit3A_492 = arith.constant 0.000000e+00 : f32
      %broadcast_in_dim3A_493 = vector.broadcast %jit3A_492 : f32 to vector<16xf32>
      %select_n3A_494 = arith.select %eq3A_487, %get3A_485, %broadcast_in_dim3A_493 : vector<16xi1>, vector<16xf32>
      %add3A_495 = arith.addf %add3A_474, %select_n3A_494 : vector<16xf32>
      %all_reduce_population_count3A_496 = tpu.all_reduce %gt3A_486 {dim = 0 : i64, kind = #tpu.reduction_kind<sum>} : vector<16xi1> -> vector<16xi32>
      %add3A_497 = arith.addi %add3A_475, %all_reduce_population_count3A_496 : vector<16xi32>
      %all_reduce_population_count3A_498 = tpu.all_reduce %eq3A_487 {dim = 0 : i64, kind = #tpu.reduction_kind<sum>} : vector<16xi1> -> vector<16xi32>
      %add3A_499 = arith.addi %add3A_477, %all_reduce_population_count3A_498 : vector<16xi32>
      %add3A_500 = arith.constant 32 : i32
      %add3A_501 = arith.addi %mul3A_457, %add3A_500 : i32
      %get3A_502 = arith.index_cast %add3A_501 : i32 to index
      %get3A_503 = tpu.vector_load %arg5[%get3A_502] {strides = array<i32>} : memref<8960xi32, #tpu.memory_space<vmem>>, vector<16xi32>,
      %add3A_504 = arith.constant 32 : i32
      %add3A_505 = arith.addi %mul3A_457, %add3A_504 : i32
      %get3A_506 = arith.index_cast %add3A_505 : i32 to index
      %get3A_507 = tpu.vector_load %arg6[%get3A_506] {strides = array<i32>} : memref<8960xf32, #tpu.memory_space<vmem>>, vector<16xf32>,
      %gt3A_508 = arith.cmpi sgt, %get3A_503, %select_n3A_426 : vector<16xi32>
      %eq3A_509 = arith.cmpi eq, %get3A_503, %select_n3A_426 : vector<16xi32>
      %jit3A_510 = arith.constant 0.000000e+00 : f32
      %broadcast_in_dim3A_511 = vector.broadcast %jit3A_510 : f32 to vector<16xf32>
      %select_n3A_512 = arith.select %gt3A_508, %get3A_507, %broadcast_in_dim3A_511 : vector<16xi1>, vector<16xf32>
      %add3A_513 = arith.addf %add3A_491, %select_n3A_512 : vector<16xf32>
      %jit3A_514 = arith.constant 0.000000e+00 : f32
      %broadcast_in_dim3A_515 = vector.broadcast %jit3A_514 : f32 to vector<16xf32>
      %select_n3A_516 = arith.select %eq3A_509, %get3A_507, %broadcast_in_dim3A_515 : vector<16xi1>, vector<16xf32>
      %add3A_517 = arith.addf %add3A_495, %select_n3A_516 : vector<16xf32>
      %all_reduce_population_count3A_518 = tpu.all_reduce %gt3A_508 {dim = 0 : i64, kind = #tpu.reduction_kind<sum>} : vector<16xi1> -> vector<16xi32>
      %add3A_519 = arith.addi %add3A_497, %all_reduce_population_count3A_518 : vector<16xi32>
      %all_reduce_population_count3A_520 = tpu.all_reduce %eq3A_509 {dim = 0 : i64, kind = #tpu.reduction_kind<sum>} : vector<16xi1> -> vector<16xi32>
      %add3A_521 = arith.addi %add3A_499, %all_reduce_population_count3A_520 : vector<16xi32>
      %add3A_522 = arith.constant 48 : i32
      %add3A_523 = arith.addi %mul3A_457, %add3A_522 : i32
      %get3A_524 = arith.index_cast %add3A_523 : i32 to index
      %get3A_525 = tpu.vector_load %arg5[%get3A_524] {strides = array<i32>} : memref<8960xi32, #tpu.memory_space<vmem>>, vector<16xi32>,
      %add3A_526 = arith.constant 48 : i32
      %add3A_527 = arith.addi %mul3A_457, %add3A_526 : i32
      %get3A_528 = arith.index_cast %add3A_527 : i32 to index
      %get3A_529 = tpu.vector_load %arg6[%get3A_528] {strides = array<i32>} : memref<8960xf32, #tpu.memory_space<vmem>>, vector<16xf32>,
      %gt3A_530 = arith.cmpi sgt, %get3A_525, %select_n3A_426 : vector<16xi32>
      %eq3A_531 = arith.cmpi eq, %get3A_525, %select_n3A_426 : vector<16xi32>
      %jit3A_532 = arith.constant 0.000000e+00 : f32
      %broadcast_in_dim3A_533 = vector.broadcast %jit3A_532 : f32 to vector<16xf32>
      %select_n3A_534 = arith.select %gt3A_530, %get3A_529, %broadcast_in_dim3A_533 : vector<16xi1>, vector<16xf32>
      %add3A_535 = arith.addf %add3A_513, %select_n3A_534 : vector<16xf32>
      %jit3A_536 = arith.constant 0.000000e+00 : f32
      %broadcast_in_dim3A_537 = vector.broadcast %jit3A_536 : f32 to vector<16xf32>
      %select_n3A_538 = arith.select %eq3A_531, %get3A_529, %broadcast_in_dim3A_537 : vector<16xi1>, vector<16xf32>
      %add3A_539 = arith.addf %add3A_517, %select_n3A_538 : vector<16xf32>
      %all_reduce_population_count3A_540 = tpu.all_reduce %gt3A_530 {dim = 0 : i64, kind = #tpu.reduction_kind<sum>} : vector<16xi1> -> vector<16xi32>
      %add3A_541 = arith.addi %add3A_519, %all_reduce_population_count3A_540 : vector<16xi32>
      %all_reduce_population_count3A_542 = tpu.all_reduce %eq3A_531 {dim = 0 : i64, kind = #tpu.reduction_kind<sum>} : vector<16xi1> -> vector<16xi32>
      %add3A_543 = arith.addi %add3A_521, %all_reduce_population_count3A_542 : vector<16xi32>
      %add3A_544 = arith.constant 64 : i32
      %add3A_545 = arith.addi %mul3A_457, %add3A_544 : i32
      %get3A_546 = arith.index_cast %add3A_545 : i32 to index
      %get3A_547 = tpu.vector_load %arg5[%get3A_546] {strides = array<i32>} : memref<8960xi32, #tpu.memory_space<vmem>>, vector<16xi32>,
      %add3A_548 = arith.constant 64 : i32
      %add3A_549 = arith.addi %mul3A_457, %add3A_548 : i32
      %get3A_550 = arith.index_cast %add3A_549 : i32 to index
      %get3A_551 = tpu.vector_load %arg6[%get3A_550] {strides = array<i32>} : memref<8960xf32, #tpu.memory_space<vmem>>, vector<16xf32>,
      %gt3A_552 = arith.cmpi sgt, %get3A_547, %select_n3A_426 : vector<16xi32>
      %eq3A_553 = arith.cmpi eq, %get3A_547, %select_n3A_426 : vector<16xi32>
      %jit3A_554 = arith.constant 0.000000e+00 : f32
      %broadcast_in_dim3A_555 = vector.broadcast %jit3A_554 : f32 to vector<16xf32>
      %select_n3A_556 = arith.select %gt3A_552, %get3A_551, %broadcast_in_dim3A_555 : vector<16xi1>, vector<16xf32>
      %add3A_557 = arith.addf %add3A_535, %select_n3A_556 : vector<16xf32>
      %jit3A_558 = arith.constant 0.000000e+00 : f32
      %broadcast_in_dim3A_559 = vector.broadcast %jit3A_558 : f32 to vector<16xf32>
      %select_n3A_560 = arith.select %eq3A_553, %get3A_551, %broadcast_in_dim3A_559 : vector<16xi1>, vector<16xf32>
      %add3A_561 = arith.addf %add3A_539, %select_n3A_560 : vector<16xf32>
      %all_reduce_population_count3A_562 = tpu.all_reduce %gt3A_552 {dim = 0 : i64, kind = #tpu.reduction_kind<sum>} : vector<16xi1> -> vector<16xi32>
      %add3A_563 = arith.addi %add3A_541, %all_reduce_population_count3A_562 : vector<16xi32>
      %all_reduce_population_count3A_564 = tpu.all_reduce %eq3A_553 {dim = 0 : i64, kind = #tpu.reduction_kind<sum>} : vector<16xi1> -> vector<16xi32>
      %add3A_565 = arith.addi %add3A_543, %all_reduce_population_count3A_564 : vector<16xi32>
      %add3A_566 = arith.constant 80 : i32
      %add3A_567 = arith.addi %mul3A_457, %add3A_566 : i32
      %get3A_568 = arith.index_cast %add3A_567 : i32 to index
      %get3A_569 = tpu.vector_load %arg5[%get3A_568] {strides = array<i32>} : memref<8960xi32, #tpu.memory_space<vmem>>, vector<16xi32>,
      %add3A_570 = arith.constant 80 : i32
      %add3A_571 = arith.addi %mul3A_457, %add3A_570 : i32
      %get3A_572 = arith.index_cast %add3A_571 : i32 to index
      %get3A_573 = tpu.vector_load %arg6[%get3A_572] {strides = array<i32>} : memref<8960xf32, #tpu.memory_space<vmem>>, vector<16xf32>,
      %gt3A_574 = arith.cmpi sgt, %get3A_569, %select_n3A_426 : vector<16xi32>
      %eq3A_575 = arith.cmpi eq, %get3A_569, %select_n3A_426 : vector<16xi32>
      %jit3A_576 = arith.constant 0.000000e+00 : f32
      %broadcast_in_dim3A_577 = vector.broadcast %jit3A_576 : f32 to vector<16xf32>
      %select_n3A_578 = arith.select %gt3A_574, %get3A_573, %broadcast_in_dim3A_577 : vector<16xi1>, vector<16xf32>
      %add3A_579 = arith.addf %add3A_557, %select_n3A_578 : vector<16xf32>
      %jit3A_580 = arith.constant 0.000000e+00 : f32
      %broadcast_in_dim3A_581 = vector.broadcast %jit3A_580 : f32 to vector<16xf32>
      %select_n3A_582 = arith.select %eq3A_575, %get3A_573, %broadcast_in_dim3A_581 : vector<16xi1>, vector<16xf32>
      %add3A_583 = arith.addf %add3A_561, %select_n3A_582 : vector<16xf32>
      %all_reduce_population_count3A_584 = tpu.all_reduce %gt3A_574 {dim = 0 : i64, kind = #tpu.reduction_kind<sum>} : vector<16xi1> -> vector<16xi32>
      %add3A_585 = arith.addi %add3A_563, %all_reduce_population_count3A_584 : vector<16xi32>
      %all_reduce_population_count3A_586 = tpu.all_reduce %eq3A_575 {dim = 0 : i64, kind = #tpu.reduction_kind<sum>} : vector<16xi1> -> vector<16xi32>
      %add3A_587 = arith.addi %add3A_565, %all_reduce_population_count3A_586 : vector<16xi32>
      %add3A_588 = arith.constant 96 : i32
      %add3A_589 = arith.addi %mul3A_457, %add3A_588 : i32
      %get3A_590 = arith.index_cast %add3A_589 : i32 to index
      %get3A_591 = tpu.vector_load %arg5[%get3A_590] {strides = array<i32>} : memref<8960xi32, #tpu.memory_space<vmem>>, vector<16xi32>,
      %add3A_592 = arith.constant 96 : i32
      %add3A_593 = arith.addi %mul3A_457, %add3A_592 : i32
      %get3A_594 = arith.index_cast %add3A_593 : i32 to index
      %get3A_595 = tpu.vector_load %arg6[%get3A_594] {strides = array<i32>} : memref<8960xf32, #tpu.memory_space<vmem>>, vector<16xf32>,
      %gt3A_596 = arith.cmpi sgt, %get3A_591, %select_n3A_426 : vector<16xi32>
      %eq3A_597 = arith.cmpi eq, %get3A_591, %select_n3A_426 : vector<16xi32>
      %jit3A_598 = arith.constant 0.000000e+00 : f32
      %broadcast_in_dim3A_599 = vector.broadcast %jit3A_598 : f32 to vector<16xf32>
      %select_n3A_600 = arith.select %gt3A_596, %get3A_595, %broadcast_in_dim3A_599 : vector<16xi1>, vector<16xf32>
      %add3A_601 = arith.addf %add3A_579, %select_n3A_600 : vector<16xf32>
      %jit3A_602 = arith.constant 0.000000e+00 : f32
      %broadcast_in_dim3A_603 = vector.broadcast %jit3A_602 : f32 to vector<16xf32>
      %select_n3A_604 = arith.select %eq3A_597, %get3A_595, %broadcast_in_dim3A_603 : vector<16xi1>, vector<16xf32>
      %add3A_605 = arith.addf %add3A_583, %select_n3A_604 : vector<16xf32>
      %all_reduce_population_count3A_606 = tpu.all_reduce %gt3A_596 {dim = 0 : i64, kind = #tpu.reduction_kind<sum>} : vector<16xi1> -> vector<16xi32>
      %add3A_607 = arith.addi %add3A_585, %all_reduce_population_count3A_606 : vector<16xi32>
      %all_reduce_population_count3A_608 = tpu.all_reduce %eq3A_597 {dim = 0 : i64, kind = #tpu.reduction_kind<sum>} : vector<16xi1> -> vector<16xi32>
      %add3A_609 = arith.addi %add3A_587, %all_reduce_population_count3A_608 : vector<16xi32>
      %add3A_610 = arith.constant 112 : i32
      %add3A_611 = arith.addi %mul3A_457, %add3A_610 : i32
      %get3A_612 = arith.index_cast %add3A_611 : i32 to index
      %get3A_613 = tpu.vector_load %arg5[%get3A_612] {strides = array<i32>} : memref<8960xi32, #tpu.memory_space<vmem>>, vector<16xi32>,
      %add3A_614 = arith.constant 112 : i32
      %add3A_615 = arith.addi %mul3A_457, %add3A_614 : i32
      %get3A_616 = arith.index_cast %add3A_615 : i32 to index
      %get3A_617 = tpu.vector_load %arg6[%get3A_616] {strides = array<i32>} : memref<8960xf32, #tpu.memory_space<vmem>>, vector<16xf32>,
      %gt3A_618 = arith.cmpi sgt, %get3A_613, %select_n3A_426 : vector<16xi32>
      %eq3A_619 = arith.cmpi eq, %get3A_613, %select_n3A_426 : vector<16xi32>
      %jit3A_620 = arith.constant 0.000000e+00 : f32
      %broadcast_in_dim3A_621 = vector.broadcast %jit3A_620 : f32 to vector<16xf32>
      %select_n3A_622 = arith.select %gt3A_618, %get3A_617, %broadcast_in_dim3A_621 : vector<16xi1>, vector<16xf32>
      %add3A_623 = arith.addf %add3A_601, %select_n3A_622 : vector<16xf32>
      %jit3A_624 = arith.constant 0.000000e+00 : f32
      %broadcast_in_dim3A_625 = vector.broadcast %jit3A_624 : f32 to vector<16xf32>
      %select_n3A_626 = arith.select %eq3A_619, %get3A_617, %broadcast_in_dim3A_625 : vector<16xi1>, vector<16xf32>
      %add3A_627 = arith.addf %add3A_605, %select_n3A_626 : vector<16xf32>
      %all_reduce_population_count3A_628 = tpu.all_reduce %gt3A_618 {dim = 0 : i64, kind = #tpu.reduction_kind<sum>} : vector<16xi1> -> vector<16xi32>
      %add3A_629 = arith.addi %add3A_607, %all_reduce_population_count3A_628 : vector<16xi32>
      %all_reduce_population_count3A_630 = tpu.all_reduce %eq3A_619 {dim = 0 : i64, kind = #tpu.reduction_kind<sum>} : vector<16xi1> -> vector<16xi32>
      %add3A_631 = arith.addi %add3A_609, %all_reduce_population_count3A_630 : vector<16xi32>
      scf.yield %add3A_623, %add3A_627, %add3A_629, %add3A_631 : vector<16xf32>, vector<16xf32>, vector<16xi32>, vector<16xi32>
    }
    %scan3A_440 = arith.constant 70 : i32
    %sub3A = arith.subi %convert_element_type3A, %scan3A_439#2 : vector<16xi32>
    %convert_element_type3A_441 = arith.sitofp %sub3A : vector<16xi32> to vector<16xf32>
    %convert_element_type3A_442 = arith.sitofp %scan3A_439#3 : vector<16xi32> to vector<16xf32>
    %div3A = arith.divf %convert_element_type3A_441, %convert_element_type3A_442 : vector<16xf32>
    %gt3A = arith.constant 0 : i32
    %gt3A_443 = vector.broadcast %gt3A : i32 to vector<16xi32>
    %gt3A_444 = arith.cmpi sgt, %convert_element_type3A, %gt3A_443 : vector<16xi32>
    %mul3A_445 = arith.mulf %scan3A_439#1, %div3A : vector<16xf32>
    %add3A_446 = arith.addf %scan3A_439#0, %mul3A_445 : vector<16xf32>
    %jit3A_447 = arith.constant 0.000000e+00 : f32
    %broadcast_in_dim3A_448 = vector.broadcast %jit3A_447 : f32 to vector<16xf32>
    %select_n3A_449 = arith.select %gt3A_444, %add3A_446, %broadcast_in_dim3A_448 : vector<16xi1>, vector<16xf32>
    %swap3A = arith.constant 0 : index
    %swap3A_450 = tpu.vector_load %arg9[%swap3A] {strides = array<i32>} : memref<16xf32, #tpu.memory_space<vmem>>, vector<16xf32>,
    tpu.vector_store %arg9[%swap3A], %select_n3A_449 {strides = array<i32>} : memref<16xf32, #tpu.memory_space<vmem>>, vector<16xf32>,
    "tpu.region"() ({
      %run_scoped3A_451 = tpu.sem_alloc : memref<!tpu.dma_semaphore, #tpu.memory_space<semaphore_mem>>
      %dma_start3A = arith.constant 0 : i32
      %dma_start3A_452 = tpu.memref_slice %arg4[%add3A, %dma_start3A] : memref<32x16xf32, #tpu.memory_space<hbm>> -> memref<1x16xf32, #tpu.memory_space<hbm>>
      %dma_start3A_453 = tpu.memref_squeeze %dma_start3A_452 : memref<1x16xf32, #tpu.memory_space<hbm>> -> memref<16xf32, #tpu.memory_space<hbm>>
      %dma_start3A_454 = arith.constant 0 : i32
      %dma_start3A_455 = tpu.memref_slice %arg4[%add3A, %dma_start3A_454] : memref<32x16xf32, #tpu.memory_space<hbm>> -> memref<1x16xf32, #tpu.memory_space<hbm>>
      %dma_start3A_456 = tpu.memref_squeeze %dma_start3A_455 : memref<1x16xf32, #tpu.memory_space<hbm>> -> memref<16xf32, #tpu.memory_space<hbm>>
      tpu.enqueue_dma source(%arg9 : memref<16xf32, #tpu.memory_space<vmem>>) target(%dma_start3A_456 : memref<16xf32, #tpu.memory_space<hbm>>) target_semaphore(%run_scoped3A_451 : memref<!tpu.dma_semaphore, #tpu.memory_space<semaphore_mem>>)
      %dma_wait3A = arith.constant 0 : i32
      %dma_wait3A_457 = tpu.memref_slice %arg4[%add3A, %dma_wait3A] : memref<32x16xf32, #tpu.memory_space<hbm>> -> memref<1x16xf32, #tpu.memory_space<hbm>>
      %dma_wait3A_458 = tpu.memref_squeeze %dma_wait3A_457 : memref<1x16xf32, #tpu.memory_space<hbm>> -> memref<16xf32, #tpu.memory_space<hbm>>
      %dma_wait3A_459 = arith.constant 0 : i32
      %dma_wait3A_460 = tpu.memref_slice %arg4[%add3A, %dma_wait3A_459] : memref<32x16xf32, #tpu.memory_space<hbm>> -> memref<1x16xf32, #tpu.memory_space<hbm>>
      %dma_wait3A_461 = tpu.memref_squeeze %dma_wait3A_460 : memref<1x16xf32, #tpu.memory_space<hbm>> -> memref<16xf32, #tpu.memory_space<hbm>>
      tpu.wait_dma2 semaphore(%run_scoped3A_451 : memref<!tpu.dma_semaphore, #tpu.memory_space<semaphore_mem>>) src(%arg9 : memref<16xf32, #tpu.memory_space<vmem>>) dst(%dma_wait3A_461 : memref<16xf32, #tpu.memory_space<hbm>>)
      tpu.yield
    }) : () -> ()
    return
  }
}

module attributes {stable_mosaic.version = 14 : i64} {
  func.func @_dense_body(%arg0: i32, %arg1: memref<4x21x8960xf32, #tpu.memory_space<vmem>>, %arg2: memref<4x1x8960xi32, #tpu.memory_space<vmem>>, %arg3: memref<4x4x8960xf32, #tpu.memory_space<vmem>>, %arg4: memref<4x4x8960xf32, #tpu.memory_space<vmem>>, %arg5: memref<4x1x8960xf32, #tpu.memory_space<vmem>>, %arg6: memref<4x8x128xf32, #tpu.memory_space<vmem>>) attributes {dimension_semantics = [#tpu.dimension_semantics<arbitrary>], iteration_bounds = array<i64: 8>, scalar_prefetch = 0 : i64, scratch_operands = 0 : i64, tpu.core_type = #tpu.core_type<tc>, window_params = [{transform_indices = @transform_0, window_bounds = array<i64: 4, 21, 8960>}, {transform_indices = @transform_1, window_bounds = array<i64: 4, 1, 8960>}, {transform_indices = @transform_2, window_bounds = array<i64: 4, 4, 8960>}, {transform_indices = @transform_3, window_bounds = array<i64: 4, 4, 8960>}, {transform_indices = @transform_4, window_bounds = array<i64: 4, 1, 8960>}, {transform_indices = @transform_5, window_bounds = array<i64: 4, 8, 128>}]} {
    %get3A = arith.constant 0 : index
    %get3A_0 = arith.constant 0 : index
    %get3A_1 = arith.constant 0 : index
    %get3A_2 = vector.load %arg1[%get3A, %get3A_0, %get3A_1] : memref<4x21x8960xf32, #tpu.memory_space<vmem>>, vector<4x21x8960xf32>
    %get3A_3 = arith.constant 0 : index
    %get3A_4 = arith.constant 0 : index
    %get3A_5 = arith.constant 0 : index
    %get3A_6 = vector.load %arg2[%get3A_3, %get3A_4, %get3A_5] : memref<4x1x8960xi32, #tpu.memory_space<vmem>>, vector<4x1x8960xi32>
    %reduce_max3A = arith.constant dense<0xFF800000> : vector<4x8960xf32>
    %reduce_max3A_7 = vector.multi_reduction <maximumf>, %get3A_2, %reduce_max3A [1] : vector<4x21x8960xf32> to vector<4x8960xf32>
    %broadcast_in_dim3A = vector.shape_cast %reduce_max3A_7 : vector<4x8960xf32> to vector<4x1x8960xf32>
    %sub3A = vector.broadcast %broadcast_in_dim3A : vector<4x1x8960xf32> to vector<4x21x8960xf32>
    %sub3A_8 = arith.subf %get3A_2, %sub3A : vector<4x21x8960xf32>
    %exp3A = math.exp %sub3A_8 : vector<4x21x8960xf32>
    %reduce_sum3A = arith.constant dense<0.000000e+00> : vector<4x8960xf32>
    %reduce_sum3A_9 = vector.multi_reduction <add>, %exp3A, %reduce_sum3A [1] : vector<4x21x8960xf32> to vector<4x8960xf32>
    %broadcast_in_dim3A_10 = vector.shape_cast %reduce_sum3A_9 : vector<4x8960xf32> to vector<4x1x8960xf32>
    %log3A = math.log %broadcast_in_dim3A_10 : vector<4x1x8960xf32>
    %add3A = arith.addf %broadcast_in_dim3A, %log3A : vector<4x1x8960xf32>
    %slice3A = vector.extract_strided_slice %get3A_2 {offsets = [0, 0, 0], sizes = [4, 1, 8960], strides = [1, 1, 1]} : vector<4x21x8960xf32> to vector<4x1x8960xf32>
    %sub3A_11 = arith.subf %add3A, %slice3A : vector<4x1x8960xf32>
    %iota3A = tpu.iota {dimensions = array<i32: 1>} : vector<4x21x8960xi32>
    %eq3A = vector.broadcast %get3A_6 : vector<4x1x8960xi32> to vector<4x21x8960xi32>
    %eq3A_12 = arith.cmpi eq, %iota3A, %eq3A : vector<4x21x8960xi32>
    %jit3A = arith.constant 0.000000e+00 : f32
    %broadcast_in_dim3A_13 = vector.broadcast %jit3A : f32 to vector<4x21x8960xf32>
    %select_n3A = arith.select %eq3A_12, %get3A_2, %broadcast_in_dim3A_13 : vector<4x21x8960xi1>, vector<4x21x8960xf32>
    %reduce_sum3A_14 = arith.constant dense<0.000000e+00> : vector<4x8960xf32>
    %reduce_sum3A_15 = vector.multi_reduction <add>, %select_n3A, %reduce_sum3A_14 [1] : vector<4x21x8960xf32> to vector<4x8960xf32>
    %broadcast_in_dim3A_16 = vector.shape_cast %reduce_sum3A_15 : vector<4x8960xf32> to vector<4x1x8960xf32>
    %sub3A_17 = arith.subf %add3A, %broadcast_in_dim3A_16 : vector<4x1x8960xf32>
    %gt3A = arith.constant 0 : i32
    %gt3A_18 = vector.broadcast %gt3A : i32 to vector<4x1x8960xi32>
    %gt3A_19 = arith.cmpi sgt, %get3A_6, %gt3A_18 : vector<4x1x8960xi32>
    %eq3A_20 = arith.constant 0 : i32
    %eq3A_21 = vector.broadcast %eq3A_20 : i32 to vector<4x1x8960xi32>
    %eq3A_22 = arith.cmpi eq, %get3A_6, %eq3A_21 : vector<4x1x8960xi32>
    %jit3A_23 = arith.constant 0xFF800000 : f32
    %broadcast_in_dim3A_24 = vector.broadcast %jit3A_23 : f32 to vector<4x1x8960xf32>
    %select_n3A_25 = arith.select %eq3A_22, %sub3A_11, %broadcast_in_dim3A_24 : vector<4x1x8960xi1>, vector<4x1x8960xf32>
    %swap3A = arith.constant 0 : index
    %swap3A_26 = arith.constant 0 : index
    %swap3A_27 = arith.constant 0 : index
    %swap3A_28 = vector.load %arg5[%swap3A, %swap3A_26, %swap3A_27] : memref<4x1x8960xf32, #tpu.memory_space<vmem>>, vector<4x1x8960xf32>
    tpu.vector_store %arg5[%swap3A, %swap3A_26, %swap3A_27], %select_n3A_25 {strides = array<i32>} : memref<4x1x8960xf32, #tpu.memory_space<vmem>>, vector<4x1x8960xf32>,
    %jit3A_29 = arith.constant 0.000000e+00 : f32
    %broadcast_in_dim3A_30 = vector.broadcast %jit3A_29 : f32 to vector<4x1x8960xf32>
    %select_n3A_31 = arith.select %gt3A_19, %sub3A_17, %broadcast_in_dim3A_30 : vector<4x1x8960xi1>, vector<4x1x8960xf32>
    %reduce_sum3A_32 = arith.constant dense<0.000000e+00> : vector<4xf32>
    %reduce_sum3A_33 = vector.multi_reduction <add>, %select_n3A_31, %reduce_sum3A_32 [1, 2] : vector<4x1x8960xf32> to vector<4xf32>
    %broadcast_in_dim3A_34 = vector.shape_cast %reduce_sum3A_33 : vector<4xf32> to vector<4x1x1xf32>
    %jit3A_35 = arith.constant 1.000000e+00 : f32
    %jit3A_36 = arith.constant 0.000000e+00 : f32
    %broadcast_in_dim3A_37 = vector.broadcast %jit3A_35 : f32 to vector<4x1x8960xf32>
    %broadcast_in_dim3A_38 = vector.broadcast %jit3A_36 : f32 to vector<4x1x8960xf32>
    %select_n3A_39 = arith.select %gt3A_19, %broadcast_in_dim3A_37, %broadcast_in_dim3A_38 : vector<4x1x8960xi1>, vector<4x1x8960xf32>
    %reduce_sum3A_40 = arith.constant dense<0.000000e+00> : vector<4xf32>
    %reduce_sum3A_41 = vector.multi_reduction <add>, %select_n3A_39, %reduce_sum3A_40 [1, 2] : vector<4x1x8960xf32> to vector<4xf32>
    %broadcast_in_dim3A_42 = vector.shape_cast %reduce_sum3A_41 : vector<4xf32> to vector<4x1x1xf32>
    %jit3A_43 = arith.constant 1.000000e+00 : f32
    %jit3A_44 = arith.constant 0.000000e+00 : f32
    %broadcast_in_dim3A_45 = vector.broadcast %jit3A_43 : f32 to vector<4x1x8960xf32>
    %broadcast_in_dim3A_46 = vector.broadcast %jit3A_44 : f32 to vector<4x1x8960xf32>
    %select_n3A_47 = arith.select %eq3A_22, %broadcast_in_dim3A_45, %broadcast_in_dim3A_46 : vector<4x1x8960xi1>, vector<4x1x8960xf32>
    %reduce_sum3A_48 = arith.constant dense<0.000000e+00> : vector<4xf32>
    %reduce_sum3A_49 = vector.multi_reduction <add>, %select_n3A_47, %reduce_sum3A_48 [1, 2] : vector<4x1x8960xf32> to vector<4xf32>
    %broadcast_in_dim3A_50 = vector.shape_cast %reduce_sum3A_49 : vector<4xf32> to vector<4x1x1xf32>
    %get3A_51 = arith.constant 0 : index
    %get3A_52 = arith.constant 0 : index
    %get3A_53 = arith.constant 0 : index
    %get3A_54 = vector.load %arg3[%get3A_51, %get3A_52, %get3A_53] : memref<4x4x8960xf32, #tpu.memory_space<vmem>>, vector<4x4x8960xf32>
    %get3A_55 = arith.constant 0 : index
    %get3A_56 = arith.constant 0 : index
    %get3A_57 = arith.constant 0 : index
    %get3A_58 = vector.load %arg4[%get3A_55, %get3A_56, %get3A_57] : memref<4x4x8960xf32, #tpu.memory_space<vmem>>, vector<4x4x8960xf32>
    %sub3A_59 = arith.subf %get3A_54, %get3A_58 : vector<4x4x8960xf32>
    %abs3A = math.absf %sub3A_59 : vector<4x4x8960xf32>
    %lt3A = arith.constant 1.000000e+00 : f32
    %lt3A_60 = vector.broadcast %lt3A : f32 to vector<4x4x8960xf32>
    %lt3A_61 = arith.cmpf olt, %abs3A, %lt3A_60 : vector<4x4x8960xf32>
    %mul3A = arith.constant 5.000000e-01 : f32
    %mul3A_62 = vector.broadcast %mul3A : f32 to vector<4x4x8960xf32>
    %mul3A_63 = arith.mulf %mul3A_62, %sub3A_59 : vector<4x4x8960xf32>
    %mul3A_64 = arith.mulf %mul3A_63, %sub3A_59 : vector<4x4x8960xf32>
    %sub3A_65 = arith.constant 5.000000e-01 : f32
    %sub3A_66 = vector.broadcast %sub3A_65 : f32 to vector<4x4x8960xf32>
    %sub3A_67 = arith.subf %abs3A, %sub3A_66 : vector<4x4x8960xf32>
    %select_n3A_68 = arith.select %lt3A_61, %mul3A_64, %sub3A_67 : vector<4x4x8960xi1>, vector<4x4x8960xf32>
    %jit3A_69 = arith.constant 0.000000e+00 : f32
    %broadcast_in_dim3A_70 = vector.shape_cast %gt3A_19 : vector<4x1x8960xi1> to vector<4x1x8960xi1>
    %broadcast_in_dim3A_71 = vector.broadcast %broadcast_in_dim3A_70 : vector<4x1x8960xi1> to vector<4x4x8960xi1>
    %broadcast_in_dim3A_72 = vector.broadcast %jit3A_69 : f32 to vector<4x4x8960xf32>
    %select_n3A_73 = arith.select %broadcast_in_dim3A_71, %select_n3A_68, %broadcast_in_dim3A_72 : vector<4x4x8960xi1>, vector<4x4x8960xf32>
    %reduce_sum3A_74 = arith.constant dense<0.000000e+00> : vector<4xf32>
    %reduce_sum3A_75 = vector.multi_reduction <add>, %select_n3A_73, %reduce_sum3A_74 [1, 2] : vector<4x4x8960xf32> to vector<4xf32>
    %broadcast_in_dim3A_76 = vector.shape_cast %reduce_sum3A_75 : vector<4xf32> to vector<4x1x1xf32>
    %iota3A_77 = tpu.iota {dimensions = array<i32: 1>} : vector<4x8x128xi32>
    %eq3A_78 = arith.constant 0 : i32
    %eq3A_79 = vector.broadcast %eq3A_78 : i32 to vector<4x8x128xi32>
    %eq3A_80 = arith.cmpi eq, %iota3A_77, %eq3A_79 : vector<4x8x128xi32>
    %eq3A_81 = arith.constant 1 : i32
    %eq3A_82 = vector.broadcast %eq3A_81 : i32 to vector<4x8x128xi32>
    %eq3A_83 = arith.cmpi eq, %iota3A_77, %eq3A_82 : vector<4x8x128xi32>
    %eq3A_84 = arith.constant 2 : i32
    %eq3A_85 = vector.broadcast %eq3A_84 : i32 to vector<4x8x128xi32>
    %eq3A_86 = arith.cmpi eq, %iota3A_77, %eq3A_85 : vector<4x8x128xi32>
    %eq3A_87 = arith.constant 3 : i32
    %eq3A_88 = vector.broadcast %eq3A_87 : i32 to vector<4x8x128xi32>
    %eq3A_89 = arith.cmpi eq, %iota3A_77, %eq3A_88 : vector<4x8x128xi32>
    %jit3A_90 = arith.constant 0.000000e+00 : f32
    %broadcast_in_dim3A_91 = vector.shape_cast %broadcast_in_dim3A_76 : vector<4x1x1xf32> to vector<4x1x1xf32>
    %broadcast_in_dim3A_92 = vector.broadcast %broadcast_in_dim3A_91 : vector<4x1x1xf32> to vector<4x8x128xf32>
    %broadcast_in_dim3A_93 = vector.broadcast %jit3A_90 : f32 to vector<4x8x128xf32>
    %select_n3A_94 = arith.select %eq3A_89, %broadcast_in_dim3A_92, %broadcast_in_dim3A_93 : vector<4x8x128xi1>, vector<4x8x128xf32>
    %broadcast_in_dim3A_95 = vector.shape_cast %broadcast_in_dim3A_50 : vector<4x1x1xf32> to vector<4x1x1xf32>
    %broadcast_in_dim3A_96 = vector.broadcast %broadcast_in_dim3A_95 : vector<4x1x1xf32> to vector<4x8x128xf32>
    %select_n3A_97 = arith.select %eq3A_86, %broadcast_in_dim3A_96, %select_n3A_94 : vector<4x8x128xi1>, vector<4x8x128xf32>
    %broadcast_in_dim3A_98 = vector.shape_cast %broadcast_in_dim3A_42 : vector<4x1x1xf32> to vector<4x1x1xf32>
    %broadcast_in_dim3A_99 = vector.broadcast %broadcast_in_dim3A_98 : vector<4x1x1xf32> to vector<4x8x128xf32>
    %select_n3A_100 = arith.select %eq3A_83, %broadcast_in_dim3A_99, %select_n3A_97 : vector<4x8x128xi1>, vector<4x8x128xf32>
    %broadcast_in_dim3A_101 = vector.shape_cast %broadcast_in_dim3A_34 : vector<4x1x1xf32> to vector<4x1x1xf32>
    %broadcast_in_dim3A_102 = vector.broadcast %broadcast_in_dim3A_101 : vector<4x1x1xf32> to vector<4x8x128xf32>
    %select_n3A_103 = arith.select %eq3A_80, %broadcast_in_dim3A_102, %select_n3A_100 : vector<4x8x128xi1>, vector<4x8x128xf32>
    %swap3A_104 = arith.constant 0 : index
    %swap3A_105 = arith.constant 0 : index
    %swap3A_106 = arith.constant 0 : index
    %swap3A_107 = vector.load %arg6[%swap3A_104, %swap3A_105, %swap3A_106] : memref<4x8x128xf32, #tpu.memory_space<vmem>>, vector<4x8x128xf32>
    tpu.vector_store %arg6[%swap3A_104, %swap3A_105, %swap3A_106], %select_n3A_103 {strides = array<i32>} : memref<4x8x128xf32, #tpu.memory_space<vmem>>, vector<4x8x128xf32>,
    return
  }
  func.func @transform_0(%arg0: i32) -> (i32, i32, i32) {
    %c0_i32 = arith.constant 0 : i32
    %c0_i32_0 = arith.constant 0 : i32
    %c0_i32_1 = arith.constant 0 : i32
    return %arg0, %c0_i32, %c0_i32_0 : i32, i32, i32
  }
  func.func @transform_1(%arg0: i32) -> (i32, i32, i32) {
    %c0_i32 = arith.constant 0 : i32
    %c0_i32_0 = arith.constant 0 : i32
    %c0_i32_1 = arith.constant 0 : i32
    return %arg0, %c0_i32, %c0_i32_0 : i32, i32, i32
  }
  func.func @transform_2(%arg0: i32) -> (i32, i32, i32) {
    %c0_i32 = arith.constant 0 : i32
    %c0_i32_0 = arith.constant 0 : i32
    %c0_i32_1 = arith.constant 0 : i32
    return %arg0, %c0_i32, %c0_i32_0 : i32, i32, i32
  }
  func.func @transform_3(%arg0: i32) -> (i32, i32, i32) {
    %c0_i32 = arith.constant 0 : i32
    %c0_i32_0 = arith.constant 0 : i32
    %c0_i32_1 = arith.constant 0 : i32
    return %arg0, %c0_i32, %c0_i32_0 : i32, i32, i32
  }
  func.func @transform_4(%arg0: i32) -> (i32, i32, i32) {
    %c0_i32 = arith.constant 0 : i32
    %c0_i32_0 = arith.constant 0 : i32
    %c0_i32_1 = arith.constant 0 : i32
    return %arg0, %c0_i32, %c0_i32_0 : i32, i32, i32
  }
  func.func @transform_5(%arg0: i32) -> (i32, i32, i32) {
    %c0_i32 = arith.constant 0 : i32
    %c0_i32_0 = arith.constant 0 : i32
    %c0_i32_1 = arith.constant 0 : i32
    return %arg0, %c0_i32, %c0_i32_0 : i32, i32, i32
  }
}

</mosaic_0001>

<sc_bundles>
// kernel: kernel.5.cloned.1.call-start
scs
__scs_entry_jumppad:
0x0: {  	(pc) =	sbr.rel $0x88, $3  }
0x1: {  	(tag) =	ssettag $0x0;
	lr =	simm.s32 $0x1  }
0x2: {  	[smem:$0x3F9D] =	sst lr;
	_ =	strace $0xD0000000  }
0x3: {  	_ = 	snop  }
0x4: {  	_ = 	snop  }
0x5: {  	_ = 	snop  }
0x6: {  	_ = 	snop  }
0x7: {  	_ = 	snop  }
__scs_overlays_trampoline_lowered:
0x8: {  	[smem:$0x3FAC] =	sst s0  }
0x9: {  	[smem:$0x3FAD] =	sst s1  }
0xa: {  	[smem:$0x3FAE] =	sst s2  }
0xb: {  	[smem:$0x3FAF] =	sst s3  }
0xc: {  	[smem:$0x3FB0] =	sst s4  }
0xd: {  	[smem:$0x3FB1] =	sst s5  }
0xe: {  	[smem:$0x3FB2] =	sst s6  }
0xf: {  	[smem:$0x3FB3] =	sst s7  }
0x10: {  	[smem:$0x3FB4] =	sst s8  }
0x11: {  	[smem:$0x3FB5] =	sst s9;
	s0 =	simm.s32 @!p0 $0x0  }
0x12: {  	s1 =	sld [smem:$0x3F9B];
	s0 =	simm.s32 @p0 $0x1  }
0x13: {  	[smem:$0x3FB6] =	sst s0;
	s0 =	simm.s32 @!p1 $0x0  }
0x14: {  	s2 =	sld [smem:$0x3F9A];
	s0 =	simm.s32 @p1 $0x1  }
0x15: {  	[smem:$0x3FB7] =	sst s0;
	s0 =	simm.s32 @!p2 $0x0  }
0x16: {  	s3 =	sld [smem:$0x3FDB];
	s0 =	simm.s32 @p2 $0x1  }
0x17: {  	s4 =	simm.s32 $0x1BF5;
	[smem:$0x3FB9] =	sst s0  }
0x18: {  	s0 =	sld [smem:$0x3F9C];
	_ =	swait.ge [sflag:s4], $0x0  }
0x19: {  	s7 =	sld [smem:$0x3F9D]  }
0x1a: {  	s8 =	sadd.s32 $0xFFFFE003, lr  }
0x1b: {  	s9 =	sadd.s32 $0xFFFFFEF7, lr;
	s5 =	simm.s32 $0xFFFFFFFF;
	p2 =	slt.u32 s8, $0xFFFFF086  }
0x1c: {  	p1 =	slt.u32 s9, $0xF7A;
	s5 =	simm.s32 @!p2 $0x0  }
0x1d: {  	s5 =	simm.s32 @p1 $0x1;
	p0 =	seq.s32 s7, s2  }
0x1e: {  	s7 =	smul.u32 @!p0 $0xF7A, s2;
	p2 =	seq.s32 @!p0 s5, $0x0  }
0x1f: {  	s9 =	smul.u32 $0xF7A, s1;
	s8 =	simm.s32 @!p0 $0x1BF5;
	p2 =	por !p2, p0  }
0x20: {  	[sflag:s8] =	ssyncset.s32 @!p0 $0xFFFFF086;
	s6 =	sadd.s32 @!p0 s3, s7;
	s7 =	simm.s32 @!p0 $0x108  }
0x21: {  	s3 =	sadd.s32 s3, s9;
	s6 =	sadd.s32 @!p0 $0x88, s6;
	s7 =	simm.s32 @p2 $0x1082  }
0x22: {  	[simem:s7], [sflag:s8] =	dma.local @!p0 [hbm:s6], $0xF7A  }
0x23: {  	s9 =	sor.u32 $0xD0000000, s2;
	s6 =	simm.s32 $0x108;
	_ =	swait.ge @!p0 [sflag:s8], $0x0  }
0x24: {  	s3 =	sadd.s32 $0x88, s3;
	s6 =	simm.s32 @!p1 $0x1082;
	[sflag:s4] =	ssyncset.s32 $0xFFFFF086  }
0x25: {  	[simem:s6], [sflag:s4] =	dma.local [hbm:s3], $0xF7A  }
0x26: {  	[smem:$0x3F9D] =	sst s1;
	(tag) =	ssettag s2;
	_ =	strace s9  }
0x27: {  	s1 =	sld [smem:$0x3FAD]  }
0x28: {  	s2 =	sld [smem:$0x3FAE]  }
0x29: {  	s4 =	sld [smem:$0x3FB0]  }
0x2a: {  	p0 =	seq.s32 s5, $0x0;
	s5 =	sld [smem:$0x3FB1]  }
0x2b: {  	s6 =	sld [smem:$0x3FB2]  }
0x2c: {  	s7 =	sld [smem:$0x3FB3]  }
0x2d: {  	s3 =	simm.s32 $0x108;
	s8 =	sld [smem:$0x3FB4]  }
0x2e: {  	s3 =	simm.s32 @!p0 $0x1082;
	s9 =	sld [smem:$0x3FB5]  }
0x2f: {  	lr =	sadd.s32 s0, s3;
	s0 =	sld [smem:$0x3FAC]  }
0x30: {  	s3 =	sld [smem:$0x3FAF]  }
0x31: {  	[smem:$0x3FB8] =	sst s10  }
0x32: {  	s10 =	sld [smem:$0x3FB6];
	_ =	sdelay $0x3  }
0x33: {  	p0 =	seq.s32 s10, $0x1;
	s10 =	sld [smem:$0x3FB8];
	_ =	sdelay $0x3  }
0x34: {  	[smem:$0x3FB8] =	sst s10  }
0x35: {  	s10 =	sld [smem:$0x3FB7];
	_ =	sdelay $0x3  }
0x36: {  	p1 =	seq.s32 s10, $0x1;
	s10 =	sld [smem:$0x3FB8];
	_ =	sdelay $0x3  }
0x37: {  	[smem:$0x3FB8] =	sst s10  }
0x38: {  	s10 =	sld [smem:$0x3FB9]  }
0x39: {  	_ = 	snop;
	(pc) =	sbr.ind lr, $3  }
0x3a: {  	_ = 	snop  }
0x3b: {  	_ = 	snop  }
0x3c: {  	p2 =	seq.s32 s10, $0x1;
	s10 =	sld [smem:$0x3FB8]  }
0x3d: {  	_ =	shalt  }
0x3e: {  	_ =	shalt  }
0x3f: {  	_ =	shalt  }
0x40: {  	_ =	shalt  }
0x41: {  	_ =	shalt  }
0x42: {  	_ =	shalt  }
0x43: {  	_ =	shalt  }
0x44: {  	_ =	shalt  }
0x45: {  	_ =	shalt  }
0x46: {  	_ =	shalt  }
0x47: {  	_ =	shalt  }
0x48: {  	_ =	shalt  }
0x49: {  	_ =	shalt  }
0x4a: {  	_ =	shalt  }
0x4b: {  	_ =	shalt  }
0x4c: {  	_ =	shalt  }
0x4d: {  	_ =	shalt  }
0x4e: {  	_ =	shalt  }
0x4f: {  	_ =	shalt  }
0x50: {  	_ =	shalt  }
0x51: {  	_ =	shalt  }
0x52: {  	_ =	shalt  }
0x53: {  	_ =	shalt  }
0x54: {  	_ =	shalt  }
0x55: {  	_ =	shalt  }
0x56: {  	_ =	shalt  }
0x57: {  	_ =	shalt  }
0x58: {  	_ =	shalt  }
0x59: {  	_ =	shalt  }
0x5a: {  	_ =	shalt  }
0x5b: {  	_ =	shalt  }
0x5c: {  	_ =	shalt  }
0x5d: {  	_ =	shalt  }
0x5e: {  	_ =	shalt  }
0x5f: {  	_ =	shalt  }
0x60: {  	_ =	shalt  }
0x61: {  	_ =	shalt  }
0x62: {  	_ =	shalt  }
0x63: {  	_ =	shalt  }
0x64: {  	_ =	shalt  }
0x65: {  	_ =	shalt  }
0x66: {  	_ =	shalt  }
0x67: {  	_ =	shalt  }
0x68: {  	_ =	shalt  }
0x69: {  	_ =	shalt  }
0x6a: {  	_ =	shalt  }
0x6b: {  	_ =	shalt  }
0x6c: {  	_ =	shalt  }
0x6d: {  	_ =	shalt  }
0x6e: {  	_ =	shalt  }
0x6f: {  	_ =	shalt  }
0x70: {  	_ =	shalt  }
0x71: {  	_ =	shalt  }
0x72: {  	_ =	shalt  }
0x73: {  	_ =	shalt  }
0x74: {  	_ =	shalt  }
0x75: {  	_ =	shalt  }
0x76: {  	_ =	shalt  }
0x77: {  	_ =	shalt  }
0x78: {  	_ =	shalt  }
0x79: {  	_ =	shalt  }
0x7a: {  	_ =	shalt  }
0x7b: {  	_ =	shalt  }
0x7c: {  	_ =	shalt  }
0x7d: {  	_ =	shalt  }
0x7e: {  	_ =	shalt  }
0x7f: {  	_ =	shalt  }
0x80: {  	_ =	shalt  }
0x81: {  	_ =	shalt  }
0x82: {  	_ =	shalt  }
0x83: {  	_ =	shalt  }
0x84: {  	_ =	shalt  }
0x85: {  	_ =	shalt  }
0x86: {  	_ =	shalt  }
0x87: {  	_ =	shalt  }
.Lfunc_end0:
.L_simem_size_0:
called_computation_lowered:
.L_overlay_start_0:
0x88: {  	s2 =	sld [smem:$0x3FD9]  }
0x89: {  	s3 =	sld [smem:$0x3FFE];
	_ =	sdelay $0x1  }
0x8a: {  	s1 =	srdreg.scid  }
0x8b: {  	s0 =	sand.u32 $0x1, s1  }
0x8c: {  	s16 =	sshll.u32 s0, $0xA;
	s2 =	sadd.s32 s3, s2  }
0x8d: {  	s2 =	sadd.s32 s2, s16  }
0x8e: {  	[smem:$0x3FC4] =	sst s2  }
0x8f: {  	_ = 	snop  }
0x90: {  	(tm) =	ssettm $0x1  }
0x91: {  	s17 =	sld [smem:$0x3FFB];
	_ =	sdelay $0x3  }
0x92: {  	_ =	strace s17  }
0x93: {  	s2 =	sld [smem:$0x3FFC];
	_ =	sdelay $0x3  }
0x94: {  	_ =	strace s2  }
0x95: {  	s2 =	sld [smem:$0x3FFD];
	_ =	sdelay $0x3  }
0x96: {  	_ =	strace s2  }
0x97: {  	_ =	strace $0x8FFFFFFF  }
0x98: {  	s18 =	sld [smem:$0x3FDB];
	_ =	sdelay $0x1  }
0x99: {  	s19 =	simm.s32 $_scs_section_size  }
0x9a: {  	s4 =	simm.s32 $_size__tile_overlayer_lowered;
	s5 =	simm.s32 $_tile_overlayer_lowered  }
0x9b: {  	s22 =	simm.s32 $0x1BFF;
	s21 =	sshll.u32 s5, $0x1;
	s2 =	sadd.s32 s19, s18  }
0x9c: {  	s6 =	simm.s32 $0x0;
	s20 =	sshll.u32 s4, $0x1;
	s4 =	sadd.s32 s21, s2  }
0x9d: {  	[timem:s6], [sflag:s22] =	dma.local [hbm:s4], s20  }
0x9e: {  	_ =	swait.ge [sflag:s22], s20  }
0x9f: {  	s3 =	ssub.s32 $0x0, s20;
	[sflag:s22] =	ssyncset.done $0x0  }
0xa0: {  	[sflag:s22] =	ssyncadd.s32 s3;
	_ =	sdelay $0x1  }
0xa1: {  	s23 =	simm.s32 $0x1B8B  }
0xa2: {  	_ =	swait.ge [sflag:s23], $0x1  }
0xa3: {  	[sflag:s23] =	ssyncset.done $0x0  }
0xa4: {  	s25 =	simm.s32 $0x1B8E;
	s24 =	sld [smem:$0x3FFE];
	[sflag:s23] =	ssyncadd.s32 $0xFFFFFFFF  }
0xa5: {  	s26 =	simm.s32 $execute0_lowered;
	[smem:$0x3FD2] =	sst s25  }
0xa6: {  	s4 =	sshll.u32 s26, $0x1;
	_ =	strace $0x80000046;
	[dreg:$0x1] =	wrdreg $0xFFFFFFFF  }
0xa7: {  	s28 =	simm.s32 $_size_execute0_lowered;
	s2 =	sadd.s32 s2, s4;
	[dreg:$0x0] =	wrdreg $0x0  }
0xa8: {  	s4 =	sshll.u32 s28, $0x1;
	[dreg:$0x2] =	wrdreg s2  }
0xa9: {  	[dreg:$0x3] =	wrdreg s4  }
0xaa: {  	[dreg:$0x4] =	wrdreg $0xC0  }
0xab: {  	_ =	task [dreg:s6], $0x5FFFF  }
0xac: {  	[dreg:$0x1] =	wrdreg $0xFFFFFFFF  }
0xad: {  	[dreg:$0x0] =	wrdreg $0x60  }
0xae: {  	[dreg:$0x2] =	wrdreg s24  }
0xaf: {  	[dreg:$0x3] =	wrdreg $0x9  }
0xb0: {  	_ =	task.clear_ibuf [dreg:s6], $0x4FFFF;
	_ =	strace $0x90000046  }
0xb1: {  	s29 =	simm.s32 $0x9;
	_ =	strace $0x80000048  }
0xb2: {  	_ =	swait.ge [sflag:s29], $0x1  }
0xb3: {  	[sflag:s29] =	ssyncadd.s32 $0xFFFFFFFF  }
0xb4: {  	_ =	strace $0x90000048  }
0xb5: {  	_ =	sfence  }
0xb6: {  	s30 =	sld [smem:$0x0];
	_ =	sdelay $0x2  }
0xb7: {  	s31 =	sshll.u32 s1, $0xD;
	s1 =	sshrl.u32 s1, $0x2  }
0xb8: {  	s3 =	sand.u32 $0x4000, s31;
	s1 =	sadd.s32 s1, s30  }
0xb9: {  	s0 =	sor.u32 s3, s0;
	s1 =	sshll.u32 s1, $0x11  }
0xba: {  	s0 =	sor.u32 s1, s0  }
0xbb: {  	s0 =	sadd.s32 $0x8F2B, s0  }
0xbc: {  	[sflag:s0] =	ssyncadd.remote.s32 $0x1  }
0xbd: {  	_ =	sfence.sel $0xFFFF  }
0xbe: {  	[dreg:$0x0] =	wrdreg $0xFFFFFFFF;
	(pc) =	sbr.abs _section_cstart, $3  }
0xbf: {  	[dreg:$0x1] =	wrdreg $0xFFFFFFFF  }
0xc0: {  	_ =	task.clear_ibuf [dreg:s6], $0x2FFFF;
	_ =	strace $0x9FFFFFFF  }
0xc1: {  	(tm) =	ssettm $0x7FFFFFFF  }
tec
execute0_lowered:
.L_overlay_start_1:
0x0: {  	(tag) =	ssettag $0x1  }
0x1: {  	s1 =	srdreg.scid  }
0x2: {  	s0 =	stileid.u32;
	s6 =	rddreg [dreg:$0x0];
	s10 =	simm.s32 $0x2300  }
0x3: {  	s11 =	simm.s32 $0x1;
	s12 =	simm.s32 $0x4600;
	s13 =	simm.s32 $0x4680  }
0x4: {  	s14 =	simm.s32 $0x4700;
	s15 =	simm.s32 $0x0;
	s3 =	sand.u32 $0x1, s1  }
0x5: {  	s4 =	sshrl.u32 s0, $0x2;
	s29 =	sshll.u32 s0, $0x8;
	s1 =	rddreg [dreg:$0x1]  }
0x6: {  	s2 =	sshll.u32 s3, $0x7;
	s7 =	smul.u32 $0x11800, s4;
	s3 =	ssub.s32 $0x2, s3  }
0x7: {  	s4 =	sshll.u32 s4, $0xA;
	s5 =	sor.u32 s2, s29;
	s2 =	simm.s32 $0x0  }
0x8: {  	s9 =	sshrl.u32 s3, $0x1;
	s8 =	sand.u32 $0x380, s5;
	[smem:$0x7FF] =	sst s2  }
0x9: {  	s5 =	sadd.s32 s5, s6;
	s30 =	ssub.s32 s3, s9;
	s9 =	simm.s32 $0x400  }
0xa: {  	s7 =	sor.u32 s7, s8;
	_ =	strace $0x80000047;
	s4 =	sor.u32 s4, s8  }
0xb: {  	s8 =	simm.s32 $0x80;
	s7 =	sshrl.u32 s7, $0x3;
	s31 =	sshrl.u32 s4, $0x3  }
0xc: {  	s4 =	sadd.s32 $0x8C10, s5;
	s5 =	sadd.s32 $0x8C20, s5;
	s7 =	sadd.s32 s7, s6  }
0xd: {  	s6 =	sadd.s32 s6, s31;
	s3 =	sadd.s32 $0x9C00, s7;
	s7 =	smax.u32 s30, $0x1  }
.LBB2_1:
0xe: {  	[tilespmem:s10], [sflag:$0x1] =	stream.strided.gather [hbm4b:s3+s8], $0x2300, s9, s8, $0x38;
	[tilespmem:$0x4780] =	vst v63  }
0xf: {  	_ =	swait.ge [sflag:s11], $0x2300  }
0x10: {  	[sflag:s11] =	ssyncset.done $0x0  }
0x11: {  	[sflag:s11] =	ssyncadd.s32 $0xFFFFDD00  }
0x12: {  	[tilespmem:s12], [sflag:$0x1] =	stream.linear.gather [hbm4b:s4+s2], $0x10, $0x38;
	[tilespmem:$0x4780] =	vst v63  }
0x13: {  	_ =	swait.ge [sflag:s11], $0x10  }
0x14: {  	[sflag:s11] =	ssyncset.done $0x0  }
0x15: {  	[sflag:s11] =	ssyncadd.s32 $0xFFFFFFF0  }
0x16: {  	[tilespmem:s13], [sflag:$0x1] =	stream.linear.gather [hbm4b:s5+s2], $0x10, $0x38;
	[tilespmem:$0x4780] =	vst v63  }
0x17: {  	_ =	swait.ge [sflag:s11], $0x10  }
0x18: {  	[sflag:s11] =	ssyncset.done $0x0  }
0x19: {  	[sflag:s11] =	ssyncadd.s32 $0xFFFFFFF0  }
0x1a: {  	v1 =	vld [tilespmem:$0x4600]  }
0x1b: {  	s17 =	simm.s32 $0x0;
	v0 =	vld [tilespmem:$0x4680]  }
0x1c: {  	v4 =	vld [tilespmem:s17+$0x2370]  }
0x1d: {  	v8 =	vld [tilespmem:s17+$0x2300]  }
0x1e: {  	v7 =	vld [tilespmem:s17+$0x2310]  }
0x1f: {  	v6 =	vld [tilespmem:s17+$0x2320]  }
0x20: {  	v5 =	vld [tilespmem:s17+$0x2330]  }
0x21: {  	v2 =	vld [tilespmem:s17+$0x2340];
	vm0 =	vlt.s32 v4, $0x0;
	v9 =	vxor.u32 $0x7FFFFFFF, v4  }
0x22: {  	v3 =	vld [tilespmem:s17+$0x2350];
	vm1 =	vlt.s32 v8, $0x0;
	v10 =	vxor.u32 $0x7FFFFFFF, v8;
	v11 =	vsel vm0, v9, v4  }
0x23: {  	s16 =	simm.s32 $0x80;
	s18 =	simm.s32 $0x400;
	v4 =	vld [tilespmem:s17+$0x2360];
	v8 =	vsel vm1, v10, v8;
	vm0 =	vlt.s32 v7, $0x0;
	v9 =	vxor.u32 $0x7FFFFFFF, v7;
	[tilespmem:s17+$0x70] =	vst v11  }
.LBB2_2:
0x24: {  	p0 =	sne.s32 s18, $0x8A00;
	v10 =	vld [tilespmem:s16+$0x2370];
	[tilespmem:s17+$0x0] =	vst v8;
	v7 =	vsel vm0, v9, v7;
	vm0 =	vlt.s32 v6, $0x0;
	v8 =	vxor.u32 $0x7FFFFFFF, v6  }
0x25: {  	v9 =	vld [tilespmem:s16+$0x2300];
	[tilespmem:s17+$0x10] =	vst v7;
	v6 =	vsel vm0, v8, v6;
	vm0 =	vlt.s32 v5, $0x0;
	v8 =	vxor.u32 $0x7FFFFFFF, v5  }
0x26: {  	v7 =	vld [tilespmem:s16+$0x2310];
	[tilespmem:s17+$0x20] =	vst v6;
	v5 =	vsel vm0, v8, v5;
	vm0 =	vlt.s32 v2, $0x0;
	v8 =	vxor.u32 $0x7FFFFFFF, v2  }
.Ltmp0:
0x27: {  	v6 =	vld [tilespmem:s16+$0x2320];
	[tilespmem:s17+$0x30] =	vst v5;
	v2 =	vsel vm0, v8, v2;
	vm0 =	vlt.s32 v3, $0x0;
	v8 =	vxor.u32 $0x7FFFFFFF, v3;
	(pc) =	sbr.rel @p0 .LBB2_2-.Ltmp0, $4  }
0x28: {  	v5 =	vld [tilespmem:s16+$0x2330];
	[tilespmem:s17+$0x40] =	vst v2;
	v3 =	vsel vm0, v8, v3;
	vm0 =	vlt.s32 v4, $0x0;
	v8 =	vxor.u32 $0x7FFFFFFF, v4  }
0x29: {  	v2 =	vld [tilespmem:s16+$0x2340];
	vm1 =	vlt.s32 v10, $0x0;
	v11 =	vxor.u32 $0x7FFFFFFF, v10;
	[tilespmem:s17+$0x50] =	vst v3;
	v4 =	vsel vm0, v8, v4  }
0x2a: {  	vm0 =	vlt.s32 v9, $0x0;
	v8 =	vxor.u32 $0x7FFFFFFF, v9;
	v3 =	vld [tilespmem:s16+$0x2350];
	v10 =	vsel vm1, v11, v10;
	[tilespmem:s17+$0x60] =	vst v4;
	s17 =	smov.u32 s16  }
0x2b: {  	s16 =	sshra.s32 s18, $0x2;
	s18 =	sadd.s32 $0x200, s18;
	v8 =	vsel vm0, v8, v9;
	vm0 =	vlt.s32 v7, $0x0;
	v9 =	vxor.u32 $0x7FFFFFFF, v7;
	v4 =	vld [tilespmem:s17+$0x2360];
	[tilespmem:s17+$0x70] =	vst v10  }
0x2c: {  	v10 =	vld [tilespmem:s16+$0x2370];
	[tilespmem:s17+$0x0] =	vst v8;
	v7 =	vsel vm0, v9, v7;
	vm0 =	vlt.s32 v6, $0x0;
	v9 =	vxor.u32 $0x7FFFFFFF, v6  }
0x2d: {  	v8 =	vld [tilespmem:s16+$0x2300];
	[tilespmem:s17+$0x10] =	vst v7;
	v6 =	vsel vm0, v9, v6;
	vm0 =	vlt.s32 v5, $0x0;
	v9 =	vxor.u32 $0x7FFFFFFF, v5  }
0x2e: {  	v7 =	vld [tilespmem:s16+$0x2310];
	[tilespmem:s17+$0x20] =	vst v6;
	v5 =	vsel vm0, v9, v5;
	vm0 =	vlt.s32 v2, $0x0;
	v9 =	vxor.u32 $0x7FFFFFFF, v2  }
0x2f: {  	v6 =	vld [tilespmem:s16+$0x2320];
	[tilespmem:s17+$0x30] =	vst v5;
	v2 =	vsel vm0, v9, v2;
	vm0 =	vlt.s32 v3, $0x0;
	v9 =	vxor.u32 $0x7FFFFFFF, v3  }
0x30: {  	v5 =	vld [tilespmem:s16+$0x2330];
	[tilespmem:s17+$0x40] =	vst v2;
	v2 =	vsel vm0, v9, v3;
	vm0 =	vlt.s32 v4, $0x0;
	v9 =	vxor.u32 $0x7FFFFFFF, v4  }
0x31: {  	v3 =	vld [tilespmem:s16+$0x2340];
	[tilespmem:s17+$0x50] =	vst v2;
	v2 =	vsel vm0, v9, v4;
	vm0 =	vlt.s32 v10, $0x0;
	v9 =	vxor.u32 $0x7FFFFFFF, v10  }
0x32: {  	v4 =	vld [tilespmem:s16+$0x2350];
	[tilespmem:s17+$0x60] =	vst v2;
	vm1 =	vlt.s32 v8, $0x0;
	v2 =	vxor.u32 $0x7FFFFFFF, v8;
	v9 =	vsel vm0, v9, v10  }
0x33: {  	v10 =	vld [tilespmem:s16+$0x2360];
	v2 =	vsel vm1, v2, v8;
	vm0 =	vlt.s32 v7, $0x0;
	v8 =	vxor.u32 $0x7FFFFFFF, v7;
	[tilespmem:s16+$0x70] =	vst v9  }
0x34: {  	[tilespmem:s16+$0x0] =	vst v2;
	v2 =	vsel vm0, v8, v7;
	vm0 =	vlt.s32 v6, $0x0;
	v7 =	vxor.u32 $0x7FFFFFFF, v6  }
0x35: {  	[tilespmem:s16+$0x10] =	vst v2;
	v2 =	vsel vm0, v7, v6;
	vm0 =	vlt.s32 v5, $0x0;
	v6 =	vxor.u32 $0x7FFFFFFF, v5  }
0x36: {  	[tilespmem:s16+$0x20] =	vst v2;
	v2 =	vsel vm0, v6, v5;
	vm0 =	vlt.s32 v3, $0x0;
	v5 =	vxor.u32 $0x7FFFFFFF, v3  }
0x37: {  	[tilespmem:s16+$0x30] =	vst v2;
	v2 =	vsel vm0, v5, v3;
	vm0 =	vlt.s32 v4, $0x0;
	v3 =	vxor.u32 $0x7FFFFFFF, v4  }
0x38: {  	[tilespmem:s16+$0x40] =	vst v2;
	v2 =	vsel vm0, v3, v4;
	vm0 =	vlt.s32 v10, $0x0;
	v3 =	vxor.u32 $0x7FFFFFFF, v10  }
0x39: {  	[tilespmem:s16+$0x50] =	vst v2;
	v2 =	vsel vm0, v3, v10  }
0x3a: {  	s18 =	simm.s32 $0x0;
	[tilespmem:s16+$0x60] =	vst v2  }
0x3b: {  	v3 =	vld [tilespmem:s18+$0x0]  }
0x3c: {  	v5 =	vld [tilespmem:s18+$0x10]  }
0x3d: {  	v10 =	vld [tilespmem:s18+$0x20]  }
0x3e: {  	v6 =	vld [tilespmem:s18+$0x30]  }
0x3f: {  	v4 =	vld [tilespmem:s18+$0x40]  }
0x40: {  	v2 =	vld [tilespmem:s18+$0x50];
	vm0 =	vgt.s32 v3, $0xFFFFFFFF  }
0x41: {  	vm1 =	vgt.s32 v5, $0xFFFFFFFF;
	v3 =	vld [tilespmem:s18+$0x60];
	v8 =	vmpcnt.ones.xlane vm0  }
0x42: {  	s17 =	simm.s32 $0x400;
	v9 =	vimm.s32 $0x0;
	s16 =	simm.s32 $0x80;
	v5 =	vld [tilespmem:s18+$0x70];
	v7 =	vmpcnt.ones.xlane vm1;
	vm0 =	vgt.s32 v10, $0xFFFFFFFF  }
.LBB2_4:
0x43: {  	p0 =	sne.s32 s17, $0x8A00;
	v10 =	vld [tilespmem:s16+$0x0];
	v8 =	vadd.s32 v9, v8;
	v9 =	vmpcnt.ones.xlane vm0;
	vm0 =	vgt.s32 v6, $0xFFFFFFFF  }
0x44: {  	v11 =	vld [tilespmem:s16+$0x10];
	v6 =	vadd.s32 v7, v8;
	v7 =	vmpcnt.ones.xlane vm0;
	vm0 =	vgt.s32 v4, $0xFFFFFFFF  }
0x45: {  	v12 =	vld [tilespmem:s16+$0x20];
	v4 =	vadd.s32 v9, v6;
	v8 =	vmpcnt.ones.xlane vm0;
	vm0 =	vgt.s32 v2, $0xFFFFFFFF  }
.Ltmp1:
0x46: {  	v6 =	vld [tilespmem:s16+$0x30];
	v2 =	vadd.s32 v7, v4;
	v7 =	vmpcnt.ones.xlane vm0;
	vm0 =	vgt.s32 v3, $0xFFFFFFFF;
	(pc) =	sbr.rel @p0 .LBB2_4-.Ltmp1, $4  }
0x47: {  	v4 =	vld [tilespmem:s16+$0x40];
	v3 =	vadd.s32 v8, v2;
	v9 =	vmpcnt.ones.xlane vm0;
	vm0 =	vgt.s32 v5, $0xFFFFFFFF  }
0x48: {  	vm1 =	vgt.s32 v10, $0xFFFFFFFF;
	v2 =	vld [tilespmem:s16+$0x50];
	v5 =	vadd.s32 v7, v3;
	v10 =	vmpcnt.ones.xlane vm0  }
0x49: {  	v8 =	vmpcnt.ones.xlane vm1;
	vm0 =	vgt.s32 v11, $0xFFFFFFFF;
	v3 =	vld [tilespmem:s16+$0x60];
	v9 =	vadd.s32 v9, v5  }
0x4a: {  	v7 =	vmpcnt.ones.xlane vm0;
	vm0 =	vgt.s32 v12, $0xFFFFFFFF;
	v5 =	vld [tilespmem:s16+$0x70];
	s16 =	sshra.s32 s17, $0x2;
	s17 =	sadd.s32 $0x200, s17;
	v9 =	vadd.s32 v10, v9  }
0x4b: {  	v8 =	vadd.s32 v9, v8;
	v9 =	vmpcnt.ones.xlane vm0  }
0x4c: {  	v10 =	vld [tilespmem:s16+$0x0];
	vm0 =	vgt.s32 v6, $0xFFFFFFFF;
	v1 =	vmul.f32 $3.000000000e+00, v1;
	v7 =	vadd.s32 v7, v8  }
0x4d: {  	v6 =	vld [tilespmem:s16+$0x10];
	v8 =	vmpcnt.ones.xlane vm0;
	vm0 =	vgt.s32 v4, $0xFFFFFFFF;
	v7 =	vadd.s32 v9, v7  }
0x4e: {  	v4 =	vld [tilespmem:s16+$0x20];
	v9 =	vmpcnt.ones.xlane vm0;
	vm0 =	vgt.s32 v2, $0xFFFFFFFF;
	v0 =	vmin.f32 v1, v0  }
0x4f: {  	v2 =	vld [tilespmem:s16+$0x30];
	v7 =	vadd.s32 v8, v7;
	v8 =	vmpcnt.ones.xlane vm0;
	vm0 =	vgt.s32 v3, $0xFFFFFFFF  }
0x50: {  	v3 =	vld [tilespmem:s16+$0x40];
	v7 =	vadd.s32 v9, v7;
	v9 =	vmpcnt.ones.xlane vm0;
	vm0 =	vgt.s32 v5, $0xFFFFFFFF  }
0x51: {  	vm1 =	vgt.s32 v10, $0xFFFFFFFF;
	v5 =	vadd.s32 v8, v7;
	v7 =	vmpcnt.ones.xlane vm0;
	v8 =	vld [tilespmem:s16+$0x50]  }
0x52: {  	vm0 =	vgt.s32 v6, $0xFFFFFFFF;
	v6 =	vld [tilespmem:s16+$0x60];
	v10 =	vmpcnt.ones.xlane vm1;
	v5 =	vadd.s32 v9, v5  }
0x53: {  	v9 =	vmpcnt.ones.xlane vm0;
	vm0 =	vgt.s32 v4, $0xFFFFFFFF;
	v4 =	vadd.s32 v7, v5;
	v5 =	vld [tilespmem:s16+$0x70]  }
0x54: {  	v7 =	vmpcnt.ones.xlane vm0;
	vm0 =	vgt.s32 v2, $0xFFFFFFFF;
	v4 =	vadd.s32 v4, v10  }
0x55: {  	v2 =	vadd.s32 v9, v4;
	v4 =	vmpcnt.ones.xlane vm0;
	vm0 =	vgt.s32 v3, $0xFFFFFFFF  }
0x56: {  	v2 =	vadd.s32 v7, v2;
	v3 =	vmpcnt.ones.xlane vm0;
	vm0 =	vgt.s32 v8, $0xFFFFFFFF  }
0x57: {  	v2 =	vadd.s32 v4, v2;
	v4 =	vmpcnt.ones.xlane vm0;
	vm0 =	vgt.s32 v6, $0xFFFFFFFF  }
0x58: {  	v2 =	vadd.s32 v3, v2;
	v3 =	vmpcnt.ones.xlane vm0;
	vm0 =	vgt.s32 v5, $0xFFFFFFFF  }
0x59: {  	s18 =	simm.s32 $0x0;
	v0 =	vtrunc.f32 v0;
	v1 =	vadd.s32 v4, v2;
	v2 =	vmpcnt.ones.xlane vm0  }
0x5a: {  	v0 =	vcvt.f32.s32 v0;
	v4 =	vld [tilespmem:s18+$0x0];
	v1 =	vadd.s32 v3, v1  }
0x5b: {  	v6 =	vld [tilespmem:s18+$0x10];
	v1 =	vadd.s32 v2, v1  }
0x5c: {  	v11 =	vld [tilespmem:s18+$0x20];
	v10 =	vimm.s32 $0x0;
	vm0 =	vlt.s32 v1, v0  }
0x5d: {  	v7 =	vld [tilespmem:s18+$0x30];
	v1 =	vsel vm0, $0x80000000, v10  }
0x5e: {  	v5 =	vld [tilespmem:s18+$0x40];
	v2 =	vor.u32 $0x40000000, v1  }
0x5f: {  	v3 =	vld [tilespmem:s18+$0x50];
	vm0 =	vge.s32 v4, v2  }
0x60: {  	vm1 =	vge.s32 v6, v2;
	v4 =	vld [tilespmem:s18+$0x60];
	v9 =	vmpcnt.ones.xlane vm0  }
0x61: {  	s17 =	simm.s32 $0x400;
	s16 =	simm.s32 $0x80;
	v6 =	vld [tilespmem:s18+$0x70];
	v8 =	vmpcnt.ones.xlane vm1;
	vm0 =	vge.s32 v11, v2  }
.LBB2_6:
0x62: {  	p0 =	sne.s32 s17, $0x8A00;
	v11 =	vld [tilespmem:s16+$0x0];
	v9 =	vadd.s32 v10, v9;
	v10 =	vmpcnt.ones.xlane vm0;
	vm0 =	vge.s32 v7, v2  }
0x63: {  	v12 =	vld [tilespmem:s16+$0x10];
	v7 =	vadd.s32 v8, v9;
	v8 =	vmpcnt.ones.xlane vm0;
	vm0 =	vge.s32 v5, v2  }
0x64: {  	v13 =	vld [tilespmem:s16+$0x20];
	v5 =	vadd.s32 v10, v7;
	v9 =	vmpcnt.ones.xlane vm0;
	vm0 =	vge.s32 v3, v2  }
.Ltmp2:
0x65: {  	v7 =	vld [tilespmem:s16+$0x30];
	v3 =	vadd.s32 v8, v5;
	v8 =	vmpcnt.ones.xlane vm0;
	vm0 =	vge.s32 v4, v2;
	(pc) =	sbr.rel @p0 .LBB2_6-.Ltmp2, $4  }
0x66: {  	v5 =	vld [tilespmem:s16+$0x40];
	v4 =	vadd.s32 v9, v3;
	v10 =	vmpcnt.ones.xlane vm0;
	vm0 =	vge.s32 v6, v2  }
0x67: {  	vm1 =	vge.s32 v11, v2;
	v3 =	vld [tilespmem:s16+$0x50];
	v6 =	vadd.s32 v8, v4;
	v11 =	vmpcnt.ones.xlane vm0  }
0x68: {  	v9 =	vmpcnt.ones.xlane vm1;
	vm0 =	vge.s32 v12, v2;
	v4 =	vld [tilespmem:s16+$0x60];
	v10 =	vadd.s32 v10, v6  }
0x69: {  	v8 =	vmpcnt.ones.xlane vm0;
	vm0 =	vge.s32 v13, v2;
	v6 =	vld [tilespmem:s16+$0x70];
	s16 =	sshra.s32 s17, $0x2;
	s17 =	sadd.s32 $0x200, s17;
	v10 =	vadd.s32 v11, v10  }
0x6a: {  	v11 =	vld [tilespmem:s16+$0x0];
	v9 =	vadd.s32 v10, v9;
	v10 =	vmpcnt.ones.xlane vm0;
	vm0 =	vge.s32 v7, v2  }
0x6b: {  	v7 =	vld [tilespmem:s16+$0x10];
	v8 =	vadd.s32 v8, v9;
	v9 =	vmpcnt.ones.xlane vm0;
	vm0 =	vge.s32 v5, v2  }
0x6c: {  	v5 =	vld [tilespmem:s16+$0x20];
	v8 =	vadd.s32 v10, v8;
	v10 =	vmpcnt.ones.xlane vm0;
	vm0 =	vge.s32 v3, v2  }
0x6d: {  	v3 =	vld [tilespmem:s16+$0x30];
	v8 =	vadd.s32 v9, v8;
	v9 =	vmpcnt.ones.xlane vm0;
	vm0 =	vge.s32 v4, v2  }
0x6e: {  	v4 =	vld [tilespmem:s16+$0x40];
	v8 =	vadd.s32 v10, v8;
	v10 =	vmpcnt.ones.xlane vm0;
	vm0 =	vge.s32 v6, v2  }
0x6f: {  	v6 =	vld [tilespmem:s16+$0x50];
	vm1 =	vge.s32 v11, v2;
	v8 =	vadd.s32 v9, v8;
	v9 =	vmpcnt.ones.xlane vm0  }
0x70: {  	vm0 =	vge.s32 v7, v2;
	v7 =	vld [tilespmem:s16+$0x60];
	v11 =	vmpcnt.ones.xlane vm1;
	v8 =	vadd.s32 v10, v8  }
0x71: {  	v10 =	vmpcnt.ones.xlane vm0;
	vm0 =	vge.s32 v5, v2;
	v5 =	vld [tilespmem:s16+$0x70];
	v8 =	vadd.s32 v9, v8  }
0x72: {  	v9 =	vmpcnt.ones.xlane vm0;
	vm0 =	vge.s32 v3, v2;
	v8 =	vadd.s32 v8, v11  }
0x73: {  	v3 =	vadd.s32 v10, v8;
	v8 =	vmpcnt.ones.xlane vm0;
	vm0 =	vge.s32 v4, v2  }
0x74: {  	v3 =	vadd.s32 v9, v3;
	v4 =	vmpcnt.ones.xlane vm0;
	vm0 =	vge.s32 v6, v2  }
0x75: {  	v3 =	vadd.s32 v8, v3;
	v6 =	vmpcnt.ones.xlane vm0;
	vm0 =	vge.s32 v7, v2  }
0x76: {  	v3 =	vadd.s32 v4, v3;
	v4 =	vmpcnt.ones.xlane vm0;
	vm0 =	vge.s32 v5, v2  }
0x77: {  	s18 =	simm.s32 $0x0;
	v3 =	vadd.s32 v6, v3;
	v5 =	vmpcnt.ones.xlane vm0  }
0x78: {  	v7 =	vld [tilespmem:s18+$0x0];
	v3 =	vadd.s32 v4, v3  }
0x79: {  	v8 =	vld [tilespmem:s18+$0x10];
	v3 =	vadd.s32 v5, v3  }
0x7a: {  	v11 =	vld [tilespmem:s18+$0x20];
	vm0 =	vlt.s32 v3, v0  }
0x7b: {  	v6 =	vld [tilespmem:s18+$0x30];
	v1 =	vsel vm0, v1, v2  }
0x7c: {  	v4 =	vld [tilespmem:s18+$0x40];
	v2 =	vor.u32 $0x20000000, v1  }
0x7d: {  	v3 =	vld [tilespmem:s18+$0x50];
	vm0 =	vge.s32 v7, v2  }
0x7e: {  	v5 =	vld [tilespmem:s18+$0x60];
	vm1 =	vge.s32 v8, v2;
	v9 =	vmpcnt.ones.xlane vm0  }
0x7f: {  	s17 =	simm.s32 $0x400;
	s16 =	simm.s32 $0x80;
	v10 =	vimm.s32 $0x0;
	v7 =	vld [tilespmem:s18+$0x70];
	v8 =	vmpcnt.ones.xlane vm1;
	vm0 =	vge.s32 v11, v2  }
.LBB2_8:
0x80: {  	p0 =	sne.s32 s17, $0x8A00;
	v11 =	vld [tilespmem:s16+$0x0];
	v9 =	vadd.s32 v10, v9;
	v10 =	vmpcnt.ones.xlane vm0;
	vm0 =	vge.s32 v6, v2  }
0x81: {  	v12 =	vld [tilespmem:s16+$0x10];
	v6 =	vadd.s32 v8, v9;
	v8 =	vmpcnt.ones.xlane vm0;
	vm0 =	vge.s32 v4, v2  }
0x82: {  	v13 =	vld [tilespmem:s16+$0x20];
	v4 =	vadd.s32 v10, v6;
	v9 =	vmpcnt.ones.xlane vm0;
	vm0 =	vge.s32 v3, v2  }
.Ltmp3:
0x83: {  	v6 =	vld [tilespmem:s16+$0x30];
	v3 =	vadd.s32 v8, v4;
	v8 =	vmpcnt.ones.xlane vm0;
	vm0 =	vge.s32 v5, v2;
	(pc) =	sbr.rel @p0 .LBB2_8-.Ltmp3, $4  }
0x84: {  	v4 =	vld [tilespmem:s16+$0x40];
	v5 =	vadd.s32 v9, v3;
	v10 =	vmpcnt.ones.xlane vm0;
	vm0 =	vge.s32 v7, v2  }
0x85: {  	vm1 =	vge.s32 v11, v2;
	v3 =	vld [tilespmem:s16+$0x50];
	v7 =	vadd.s32 v8, v5;
	v11 =	vmpcnt.ones.xlane vm0  }
0x86: {  	v9 =	vmpcnt.ones.xlane vm1;
	vm0 =	vge.s32 v12, v2;
	v5 =	vld [tilespmem:s16+$0x60];
	v10 =	vadd.s32 v10, v7  }
0x87: {  	v8 =	vmpcnt.ones.xlane vm0;
	vm0 =	vge.s32 v13, v2;
	v7 =	vld [tilespmem:s16+$0x70];
	s16 =	sshra.s32 s17, $0x2;
	s17 =	sadd.s32 $0x200, s17;
	v10 =	vadd.s32 v11, v10  }
0x88: {  	v11 =	vld [tilespmem:s16+$0x0];
	v9 =	vadd.s32 v10, v9;
	v10 =	vmpcnt.ones.xlane vm0;
	vm0 =	vge.s32 v6, v2  }
0x89: {  	v6 =	vld [tilespmem:s16+$0x10];
	v8 =	vadd.s32 v8, v9;
	v9 =	vmpcnt.ones.xlane vm0;
	vm0 =	vge.s32 v4, v2  }
0x8a: {  	v4 =	vld [tilespmem:s16+$0x20];
	v8 =	vadd.s32 v10, v8;
	v10 =	vmpcnt.ones.xlane vm0;
	vm0 =	vge.s32 v3, v2  }
0x8b: {  	v3 =	vld [tilespmem:s16+$0x30];
	v8 =	vadd.s32 v9, v8;
	v9 =	vmpcnt.ones.xlane vm0;
	vm0 =	vge.s32 v5, v2  }
0x8c: {  	v5 =	vld [tilespmem:s16+$0x40];
	v8 =	vadd.s32 v10, v8;
	v10 =	vmpcnt.ones.xlane vm0;
	vm0 =	vge.s32 v7, v2  }
0x8d: {  	v7 =	vld [tilespmem:s16+$0x50];
	vm1 =	vge.s32 v11, v2;
	v8 =	vadd.s32 v9, v8;
	v9 =	vmpcnt.ones.xlane vm0  }
0x8e: {  	vm0 =	vge.s32 v6, v2;
	v6 =	vld [tilespmem:s16+$0x60];
	v11 =	vmpcnt.ones.xlane vm1;
	v8 =	vadd.s32 v10, v8  }
0x8f: {  	v10 =	vmpcnt.ones.xlane vm0;
	vm0 =	vge.s32 v4, v2;
	v4 =	vld [tilespmem:s16+$0x70];
	v8 =	vadd.s32 v9, v8  }
0x90: {  	v9 =	vmpcnt.ones.xlane vm0;
	vm0 =	vge.s32 v3, v2;
	v8 =	vadd.s32 v8, v11  }
0x91: {  	v3 =	vadd.s32 v10, v8;
	v8 =	vmpcnt.ones.xlane vm0;
	vm0 =	vge.s32 v5, v2  }
0x92: {  	v3 =	vadd.s32 v9, v3;
	v5 =	vmpcnt.ones.xlane vm0;
	vm0 =	vge.s32 v7, v2  }
0x93: {  	v3 =	vadd.s32 v8, v3;
	v7 =	vmpcnt.ones.xlane vm0;
	vm0 =	vge.s32 v6, v2  }
0x94: {  	v3 =	vadd.s32 v5, v3;
	v5 =	vmpcnt.ones.xlane vm0;
	vm0 =	vge.s32 v4, v2  }
0x95: {  	s18 =	simm.s32 $0x0;
	v3 =	vadd.s32 v7, v3;
	v4 =	vmpcnt.ones.xlane vm0  }
0x96: {  	v7 =	vld [tilespmem:s18+$0x0];
	v3 =	vadd.s32 v5, v3  }
0x97: {  	v5 =	vld [tilespmem:s18+$0x10];
	v3 =	vadd.s32 v4, v3  }
0x98: {  	v11 =	vld [tilespmem:s18+$0x20];
	vm0 =	vlt.s32 v3, v0  }
0x99: {  	v6 =	vld [tilespmem:s18+$0x30];
	v1 =	vsel vm0, v1, v2  }
0x9a: {  	v4 =	vld [tilespmem:s18+$0x40];
	v2 =	vor.u32 $0x10000000, v1  }
0x9b: {  	v3 =	vld [tilespmem:s18+$0x50];
	vm0 =	vge.s32 v7, v2  }
0x9c: {  	vm1 =	vge.s32 v5, v2;
	v5 =	vld [tilespmem:s18+$0x60];
	v9 =	vmpcnt.ones.xlane vm0  }
0x9d: {  	s17 =	simm.s32 $0x400;
	s16 =	simm.s32 $0x80;
	v10 =	vimm.s32 $0x0;
	v7 =	vld [tilespmem:s18+$0x70];
	v8 =	vmpcnt.ones.xlane vm1;
	vm0 =	vge.s32 v11, v2  }
.LBB2_10:
0x9e: {  	p0 =	sne.s32 s17, $0x8A00;
	v11 =	vld [tilespmem:s16+$0x0];
	v9 =	vadd.s32 v10, v9;
	v10 =	vmpcnt.ones.xlane vm0;
	vm0 =	vge.s32 v6, v2  }
0x9f: {  	v12 =	vld [tilespmem:s16+$0x10];
	v6 =	vadd.s32 v8, v9;
	v8 =	vmpcnt.ones.xlane vm0;
	vm0 =	vge.s32 v4, v2  }
0xa0: {  	v13 =	vld [tilespmem:s16+$0x20];
	v4 =	vadd.s32 v10, v6;
	v9 =	vmpcnt.ones.xlane vm0;
	vm0 =	vge.s32 v3, v2  }
.Ltmp4:
0xa1: {  	v6 =	vld [tilespmem:s16+$0x30];
	v3 =	vadd.s32 v8, v4;
	v8 =	vmpcnt.ones.xlane vm0;
	vm0 =	vge.s32 v5, v2;
	(pc) =	sbr.rel @p0 .LBB2_10-.Ltmp4, $4  }
0xa2: {  	v4 =	vld [tilespmem:s16+$0x40];
	v5 =	vadd.s32 v9, v3;
	v10 =	vmpcnt.ones.xlane vm0;
	vm0 =	vge.s32 v7, v2  }
0xa3: {  	vm1 =	vge.s32 v11, v2;
	v3 =	vld [tilespmem:s16+$0x50];
	v7 =	vadd.s32 v8, v5;
	v11 =	vmpcnt.ones.xlane vm0  }
0xa4: {  	v9 =	vmpcnt.ones.xlane vm1;
	vm0 =	vge.s32 v12, v2;
	v5 =	vld [tilespmem:s16+$0x60];
	v10 =	vadd.s32 v10, v7  }
0xa5: {  	v8 =	vmpcnt.ones.xlane vm0;
	vm0 =	vge.s32 v13, v2;
	v7 =	vld [tilespmem:s16+$0x70];
	s16 =	sshra.s32 s17, $0x2;
	s17 =	sadd.s32 $0x200, s17;
	v10 =	vadd.s32 v11, v10  }
0xa6: {  	v11 =	vld [tilespmem:s16+$0x0];
	v9 =	vadd.s32 v10, v9;
	v10 =	vmpcnt.ones.xlane vm0;
	vm0 =	vge.s32 v6, v2  }
0xa7: {  	v6 =	vld [tilespmem:s16+$0x10];
	v8 =	vadd.s32 v8, v9;
	v9 =	vmpcnt.ones.xlane vm0;
	vm0 =	vge.s32 v4, v2  }
0xa8: {  	v4 =	vld [tilespmem:s16+$0x20];
	v8 =	vadd.s32 v10, v8;
	v10 =	vmpcnt.ones.xlane vm0;
	vm0 =	vge.s32 v3, v2  }
0xa9: {  	v3 =	vld [tilespmem:s16+$0x30];
	v8 =	vadd.s32 v9, v8;
	v9 =	vmpcnt.ones.xlane vm0;
	vm0 =	vge.s32 v5, v2  }
0xaa: {  	v5 =	vld [tilespmem:s16+$0x40];
	v8 =	vadd.s32 v10, v8;
	v10 =	vmpcnt.ones.xlane vm0;
	vm0 =	vge.s32 v7, v2  }
0xab: {  	v7 =	vld [tilespmem:s16+$0x50];
	vm1 =	vge.s32 v11, v2;
	v8 =	vadd.s32 v9, v8;
	v9 =	vmpcnt.ones.xlane vm0  }
0xac: {  	vm0 =	vge.s32 v6, v2;
	v6 =	vld [tilespmem:s16+$0x60];
	v11 =	vmpcnt.ones.xlane vm1;
	v8 =	vadd.s32 v10, v8  }
0xad: {  	v10 =	vmpcnt.ones.xlane vm0;
	vm0 =	vge.s32 v4, v2;
	v4 =	vld [tilespmem:s16+$0x70];
	v8 =	vadd.s32 v9, v8  }
0xae: {  	v9 =	vmpcnt.ones.xlane vm0;
	vm0 =	vge.s32 v3, v2;
	v8 =	vadd.s32 v8, v11  }
0xaf: {  	v3 =	vadd.s32 v10, v8;
	v8 =	vmpcnt.ones.xlane vm0;
	vm0 =	vge.s32 v5, v2  }
0xb0: {  	v3 =	vadd.s32 v9, v3;
	v5 =	vmpcnt.ones.xlane vm0;
	vm0 =	vge.s32 v7, v2  }
0xb1: {  	v3 =	vadd.s32 v8, v3;
	v7 =	vmpcnt.ones.xlane vm0;
	vm0 =	vge.s32 v6, v2  }
0xb2: {  	v3 =	vadd.s32 v5, v3;
	v5 =	vmpcnt.ones.xlane vm0;
	vm0 =	vge.s32 v4, v2  }
0xb3: {  	s18 =	simm.s32 $0x0;
	v3 =	vadd.s32 v7, v3;
	v4 =	vmpcnt.ones.xlane vm0  }
0xb4: {  	v7 =	vld [tilespmem:s18+$0x0];
	v3 =	vadd.s32 v5, v3  }
0xb5: {  	v5 =	vld [tilespmem:s18+$0x10];
	v3 =	vadd.s32 v4, v3  }
0xb6: {  	v11 =	vld [tilespmem:s18+$0x20];
	vm0 =	vlt.s32 v3, v0  }
0xb7: {  	v6 =	vld [tilespmem:s18+$0x30];
	v1 =	vsel vm0, v1, v2  }
0xb8: {  	v4 =	vld [tilespmem:s18+$0x40];
	v2 =	vor.u32 $0x8000000, v1  }
0xb9: {  	v3 =	vld [tilespmem:s18+$0x50];
	vm0 =	vge.s32 v7, v2  }
0xba: {  	vm1 =	vge.s32 v5, v2;
	v5 =	vld [tilespmem:s18+$0x60];
	v9 =	vmpcnt.ones.xlane vm0  }
0xbb: {  	s17 =	simm.s32 $0x400;
	s16 =	simm.s32 $0x80;
	v10 =	vimm.s32 $0x0;
	v7 =	vld [tilespmem:s18+$0x70];
	v8 =	vmpcnt.ones.xlane vm1;
	vm0 =	vge.s32 v11, v2  }
.LBB2_12:
0xbc: {  	p0 =	sne.s32 s17, $0x8A00;
	v11 =	vld [tilespmem:s16+$0x0];
	v9 =	vadd.s32 v10, v9;
	v10 =	vmpcnt.ones.xlane vm0;
	vm0 =	vge.s32 v6, v2  }
0xbd: {  	v12 =	vld [tilespmem:s16+$0x10];
	v6 =	vadd.s32 v8, v9;
	v8 =	vmpcnt.ones.xlane vm0;
	vm0 =	vge.s32 v4, v2  }
0xbe: {  	v13 =	vld [tilespmem:s16+$0x20];
	v4 =	vadd.s32 v10, v6;
	v9 =	vmpcnt.ones.xlane vm0;
	vm0 =	vge.s32 v3, v2  }
.Ltmp5:
0xbf: {  	v6 =	vld [tilespmem:s16+$0x30];
	v3 =	vadd.s32 v8, v4;
	v8 =	vmpcnt.ones.xlane vm0;
	vm0 =	vge.s32 v5, v2;
	(pc) =	sbr.rel @p0 .LBB2_12-.Ltmp5, $4  }
0xc0: {  	v4 =	vld [tilespmem:s16+$0x40];
	v5 =	vadd.s32 v9, v3;
	v10 =	vmpcnt.ones.xlane vm0;
	vm0 =	vge.s32 v7, v2  }
0xc1: {  	vm1 =	vge.s32 v11, v2;
	v3 =	vld [tilespmem:s16+$0x50];
	v7 =	vadd.s32 v8, v5;
	v11 =	vmpcnt.ones.xlane vm0  }
0xc2: {  	v9 =	vmpcnt.ones.xlane vm1;
	vm0 =	vge.s32 v12, v2;
	v5 =	vld [tilespmem:s16+$0x60];
	v10 =	vadd.s32 v10, v7  }
0xc3: {  	v8 =	vmpcnt.ones.xlane vm0;
	vm0 =	vge.s32 v13, v2;
	v7 =	vld [tilespmem:s16+$0x70];
	s16 =	sshra.s32 s17, $0x2;
	s17 =	sadd.s32 $0x200, s17;
	v10 =	vadd.s32 v11, v10  }
0xc4: {  	v11 =	vld [tilespmem:s16+$0x0];
	v9 =	vadd.s32 v10, v9;
	v10 =	vmpcnt.ones.xlane vm0;
	vm0 =	vge.s32 v6, v2  }
0xc5: {  	v6 =	vld [tilespmem:s16+$0x10];
	v8 =	vadd.s32 v8, v9;
	v9 =	vmpcnt.ones.xlane vm0;
	vm0 =	vge.s32 v4, v2  }
0xc6: {  	v4 =	vld [tilespmem:s16+$0x20];
	v8 =	vadd.s32 v10, v8;
	v10 =	vmpcnt.ones.xlane vm0;
	vm0 =	vge.s32 v3, v2  }
0xc7: {  	v3 =	vld [tilespmem:s16+$0x30];
	v8 =	vadd.s32 v9, v8;
	v9 =	vmpcnt.ones.xlane vm0;
	vm0 =	vge.s32 v5, v2  }
0xc8: {  	v5 =	vld [tilespmem:s16+$0x40];
	v8 =	vadd.s32 v10, v8;
	v10 =	vmpcnt.ones.xlane vm0;
	vm0 =	vge.s32 v7, v2  }
0xc9: {  	v7 =	vld [tilespmem:s16+$0x50];
	vm1 =	vge.s32 v11, v2;
	v8 =	vadd.s32 v9, v8;
	v9 =	vmpcnt.ones.xlane vm0  }
0xca: {  	vm0 =	vge.s32 v6, v2;
	v6 =	vld [tilespmem:s16+$0x60];
	v11 =	vmpcnt.ones.xlane vm1;
	v8 =	vadd.s32 v10, v8  }
0xcb: {  	v10 =	vmpcnt.ones.xlane vm0;
	vm0 =	vge.s32 v4, v2;
	v4 =	vld [tilespmem:s16+$0x70];
	v8 =	vadd.s32 v9, v8  }
0xcc: {  	v9 =	vmpcnt.ones.xlane vm0;
	vm0 =	vge.s32 v3, v2;
	v8 =	vadd.s32 v8, v11  }
0xcd: {  	v3 =	vadd.s32 v10, v8;
	v8 =	vmpcnt.ones.xlane vm0;
	vm0 =	vge.s32 v5, v2  }
0xce: {  	v3 =	vadd.s32 v9, v3;
	v5 =	vmpcnt.ones.xlane vm0;
	vm0 =	vge.s32 v7, v2  }
0xcf: {  	v3 =	vadd.s32 v8, v3;
	v7 =	vmpcnt.ones.xlane vm0;
	vm0 =	vge.s32 v6, v2  }
0xd0: {  	v3 =	vadd.s32 v5, v3;
	v5 =	vmpcnt.ones.xlane vm0;
	vm0 =	vge.s32 v4, v2  }
0xd1: {  	s18 =	simm.s32 $0x0;
	v3 =	vadd.s32 v7, v3;
	v4 =	vmpcnt.ones.xlane vm0  }
0xd2: {  	v7 =	vld [tilespmem:s18+$0x0];
	v3 =	vadd.s32 v5, v3  }
0xd3: {  	v5 =	vld [tilespmem:s18+$0x10];
	v3 =	vadd.s32 v4, v3  }
0xd4: {  	v11 =	vld [tilespmem:s18+$0x20];
	vm0 =	vlt.s32 v3, v0  }
0xd5: {  	v6 =	vld [tilespmem:s18+$0x30];
	v1 =	vsel vm0, v1, v2  }
0xd6: {  	v4 =	vld [tilespmem:s18+$0x40];
	v2 =	vor.u32 $0x4000000, v1  }
0xd7: {  	v3 =	vld [tilespmem:s18+$0x50];
	vm0 =	vge.s32 v7, v2  }
0xd8: {  	vm1 =	vge.s32 v5, v2;
	v5 =	vld [tilespmem:s18+$0x60];
	v9 =	vmpcnt.ones.xlane vm0  }
0xd9: {  	s17 =	simm.s32 $0x400;
	s16 =	simm.s32 $0x80;
	v10 =	vimm.s32 $0x0;
	v7 =	vld [tilespmem:s18+$0x70];
	v8 =	vmpcnt.ones.xlane vm1;
	vm0 =	vge.s32 v11, v2  }
.LBB2_14:
0xda: {  	p0 =	sne.s32 s17, $0x8A00;
	v11 =	vld [tilespmem:s16+$0x0];
	v9 =	vadd.s32 v10, v9;
	v10 =	vmpcnt.ones.xlane vm0;
	vm0 =	vge.s32 v6, v2  }
0xdb: {  	v12 =	vld [tilespmem:s16+$0x10];
	v6 =	vadd.s32 v8, v9;
	v8 =	vmpcnt.ones.xlane vm0;
	vm0 =	vge.s32 v4, v2  }
0xdc: {  	v13 =	vld [tilespmem:s16+$0x20];
	v4 =	vadd.s32 v10, v6;
	v9 =	vmpcnt.ones.xlane vm0;
	vm0 =	vge.s32 v3, v2  }
.Ltmp6:
0xdd: {  	v6 =	vld [tilespmem:s16+$0x30];
	v3 =	vadd.s32 v8, v4;
	v8 =	vmpcnt.ones.xlane vm0;
	vm0 =	vge.s32 v5, v2;
	(pc) =	sbr.rel @p0 .LBB2_14-.Ltmp6, $4  }
0xde: {  	v4 =	vld [tilespmem:s16+$0x40];
	v5 =	vadd.s32 v9, v3;
	v10 =	vmpcnt.ones.xlane vm0;
	vm0 =	vge.s32 v7, v2  }
0xdf: {  	vm1 =	vge.s32 v11, v2;
	v3 =	vld [tilespmem:s16+$0x50];
	v7 =	vadd.s32 v8, v5;
	v11 =	vmpcnt.ones.xlane vm0  }
0xe0: {  	v9 =	vmpcnt.ones.xlane vm1;
	vm0 =	vge.s32 v12, v2;
	v5 =	vld [tilespmem:s16+$0x60];
	v10 =	vadd.s32 v10, v7  }
0xe1: {  	v8 =	vmpcnt.ones.xlane vm0;
	vm0 =	vge.s32 v13, v2;
	v7 =	vld [tilespmem:s16+$0x70];
	s16 =	sshra.s32 s17, $0x2;
	s17 =	sadd.s32 $0x200, s17;
	v10 =	vadd.s32 v11, v10  }
0xe2: {  	v11 =	vld [tilespmem:s16+$0x0];
	v9 =	vadd.s32 v10, v9;
	v10 =	vmpcnt.ones.xlane vm0;
	vm0 =	vge.s32 v6, v2  }
0xe3: {  	v6 =	vld [tilespmem:s16+$0x10];
	v8 =	vadd.s32 v8, v9;
	v9 =	vmpcnt.ones.xlane vm0;
	vm0 =	vge.s32 v4, v2  }
0xe4: {  	v4 =	vld [tilespmem:s16+$0x20];
	v8 =	vadd.s32 v10, v8;
	v10 =	vmpcnt.ones.xlane vm0;
	vm0 =	vge.s32 v3, v2  }
0xe5: {  	v3 =	vld [tilespmem:s16+$0x30];
	v8 =	vadd.s32 v9, v8;
	v9 =	vmpcnt.ones.xlane vm0;
	vm0 =	vge.s32 v5, v2  }
0xe6: {  	v5 =	vld [tilespmem:s16+$0x40];
	v8 =	vadd.s32 v10, v8;
	v10 =	vmpcnt.ones.xlane vm0;
	vm0 =	vge.s32 v7, v2  }
0xe7: {  	v7 =	vld [tilespmem:s16+$0x50];
	vm1 =	vge.s32 v11, v2;
	v8 =	vadd.s32 v9, v8;
	v9 =	vmpcnt.ones.xlane vm0  }
0xe8: {  	vm0 =	vge.s32 v6, v2;
	v6 =	vld [tilespmem:s16+$0x60];
	v11 =	vmpcnt.ones.xlane vm1;
	v8 =	vadd.s32 v10, v8  }
0xe9: {  	v10 =	vmpcnt.ones.xlane vm0;
	vm0 =	vge.s32 v4, v2;
	v4 =	vld [tilespmem:s16+$0x70];
	v8 =	vadd.s32 v9, v8  }
0xea: {  	v9 =	vmpcnt.ones.xlane vm0;
	vm0 =	vge.s32 v3, v2;
	v8 =	vadd.s32 v8, v11  }
0xeb: {  	v3 =	vadd.s32 v10, v8;
	v8 =	vmpcnt.ones.xlane vm0;
	vm0 =	vge.s32 v5, v2  }
0xec: {  	v3 =	vadd.s32 v9, v3;
	v5 =	vmpcnt.ones.xlane vm0;
	vm0 =	vge.s32 v7, v2  }
0xed: {  	v3 =	vadd.s32 v8, v3;
	v7 =	vmpcnt.ones.xlane vm0;
	vm0 =	vge.s32 v6, v2  }
0xee: {  	v3 =	vadd.s32 v5, v3;
	v5 =	vmpcnt.ones.xlane vm0;
	vm0 =	vge.s32 v4, v2  }
0xef: {  	s18 =	simm.s32 $0x0;
	v3 =	vadd.s32 v7, v3;
	v4 =	vmpcnt.ones.xlane vm0  }
0xf0: {  	v7 =	vld [tilespmem:s18+$0x0];
	v3 =	vadd.s32 v5, v3  }
0xf1: {  	v5 =	vld [tilespmem:s18+$0x10];
	v3 =	vadd.s32 v4, v3  }
0xf2: {  	v11 =	vld [tilespmem:s18+$0x20];
	vm0 =	vlt.s32 v3, v0  }
0xf3: {  	v6 =	vld [tilespmem:s18+$0x30];
	v1 =	vsel vm0, v1, v2  }
0xf4: {  	v4 =	vld [tilespmem:s18+$0x40];
	v2 =	vor.u32 $0x2000000, v1  }
0xf5: {  	v3 =	vld [tilespmem:s18+$0x50];
	vm0 =	vge.s32 v7, v2  }
0xf6: {  	vm1 =	vge.s32 v5, v2;
	v5 =	vld [tilespmem:s18+$0x60];
	v9 =	vmpcnt.ones.xlane vm0  }
0xf7: {  	s17 =	simm.s32 $0x400;
	s16 =	simm.s32 $0x80;
	v10 =	vimm.s32 $0x0;
	v7 =	vld [tilespmem:s18+$0x70];
	v8 =	vmpcnt.ones.xlane vm1;
	vm0 =	vge.s32 v11, v2  }
.LBB2_16:
0xf8: {  	p0 =	sne.s32 s17, $0x8A00;
	v11 =	vld [tilespmem:s16+$0x0];
	v9 =	vadd.s32 v10, v9;
	v10 =	vmpcnt.ones.xlane vm0;
	vm0 =	vge.s32 v6, v2  }
0xf9: {  	v12 =	vld [tilespmem:s16+$0x10];
	v6 =	vadd.s32 v8, v9;
	v8 =	vmpcnt.ones.xlane vm0;
	vm0 =	vge.s32 v4, v2  }
0xfa: {  	v13 =	vld [tilespmem:s16+$0x20];
	v4 =	vadd.s32 v10, v6;
	v9 =	vmpcnt.ones.xlane vm0;
	vm0 =	vge.s32 v3, v2  }
.Ltmp7:
0xfb: {  	v6 =	vld [tilespmem:s16+$0x30];
	v3 =	vadd.s32 v8, v4;
	v8 =	vmpcnt.ones.xlane vm0;
	vm0 =	vge.s32 v5, v2;
	(pc) =	sbr.rel @p0 .LBB2_16-.Ltmp7, $4  }
0xfc: {  	v4 =	vld [tilespmem:s16+$0x40];
	v5 =	vadd.s32 v9, v3;
	v10 =	vmpcnt.ones.xlane vm0;
	vm0 =	vge.s32 v7, v2  }
0xfd: {  	vm1 =	vge.s32 v11, v2;
	v3 =	vld [tilespmem:s16+$0x50];
	v7 =	vadd.s32 v8, v5;
	v11 =	vmpcnt.ones.xlane vm0  }
0xfe: {  	v9 =	vmpcnt.ones.xlane vm1;
	vm0 =	vge.s32 v12, v2;
	v5 =	vld [tilespmem:s16+$0x60];
	v10 =	vadd.s32 v10, v7  }
0xff: {  	v8 =	vmpcnt.ones.xlane vm0;
	vm0 =	vge.s32 v13, v2;
	v7 =	vld [tilespmem:s16+$0x70];
	s16 =	sshra.s32 s17, $0x2;
	s17 =	sadd.s32 $0x200, s17;
	v10 =	vadd.s32 v11, v10  }
0x100: {  	v11 =	vld [tilespmem:s16+$0x0];
	v9 =	vadd.s32 v10, v9;
	v10 =	vmpcnt.ones.xlane vm0;
	vm0 =	vge.s32 v6, v2  }
0x101: {  	v6 =	vld [tilespmem:s16+$0x10];
	v8 =	vadd.s32 v8, v9;
	v9 =	vmpcnt.ones.xlane vm0;
	vm0 =	vge.s32 v4, v2  }
0x102: {  	v4 =	vld [tilespmem:s16+$0x20];
	v8 =	vadd.s32 v10, v8;
	v10 =	vmpcnt.ones.xlane vm0;
	vm0 =	vge.s32 v3, v2  }
0x103: {  	v3 =	vld [tilespmem:s16+$0x30];
	v8 =	vadd.s32 v9, v8;
	v9 =	vmpcnt.ones.xlane vm0;
	vm0 =	vge.s32 v5, v2  }
0x104: {  	v5 =	vld [tilespmem:s16+$0x40];
	v8 =	vadd.s32 v10, v8;
	v10 =	vmpcnt.ones.xlane vm0;
	vm0 =	vge.s32 v7, v2  }
0x105: {  	v7 =	vld [tilespmem:s16+$0x50];
	vm1 =	vge.s32 v11, v2;
	v8 =	vadd.s32 v9, v8;
	v9 =	vmpcnt.ones.xlane vm0  }
0x106: {  	vm0 =	vge.s32 v6, v2;
	v6 =	vld [tilespmem:s16+$0x60];
	v11 =	vmpcnt.ones.xlane vm1;
	v8 =	vadd.s32 v10, v8  }
0x107: {  	v10 =	vmpcnt.ones.xlane vm0;
	vm0 =	vge.s32 v4, v2;
	v4 =	vld [tilespmem:s16+$0x70];
	v8 =	vadd.s32 v9, v8  }
0x108: {  	v9 =	vmpcnt.ones.xlane vm0;
	vm0 =	vge.s32 v3, v2;
	v8 =	vadd.s32 v8, v11  }
0x109: {  	v3 =	vadd.s32 v10, v8;
	v8 =	vmpcnt.ones.xlane vm0;
	vm0 =	vge.s32 v5, v2  }
0x10a: {  	v3 =	vadd.s32 v9, v3;
	v5 =	vmpcnt.ones.xlane vm0;
	vm0 =	vge.s32 v7, v2  }
0x10b: {  	v3 =	vadd.s32 v8, v3;
	v7 =	vmpcnt.ones.xlane vm0;
	vm0 =	vge.s32 v6, v2  }
0x10c: {  	v3 =	vadd.s32 v5, v3;
	v5 =	vmpcnt.ones.xlane vm0;
	vm0 =	vge.s32 v4, v2  }
0x10d: {  	s18 =	simm.s32 $0x0;
	v3 =	vadd.s32 v7, v3;
	v4 =	vmpcnt.ones.xlane vm0  }
0x10e: {  	v7 =	vld [tilespmem:s18+$0x0];
	v3 =	vadd.s32 v5, v3  }
0x10f: {  	v5 =	vld [tilespmem:s18+$0x10];
	v3 =	vadd.s32 v4, v3  }
0x110: {  	v11 =	vld [tilespmem:s18+$0x20];
	vm0 =	vlt.s32 v3, v0  }
0x111: {  	v6 =	vld [tilespmem:s18+$0x30];
	v1 =	vsel vm0, v1, v2  }
0x112: {  	v4 =	vld [tilespmem:s18+$0x40];
	v2 =	vor.u32 $0x1000000, v1  }
0x113: {  	v3 =	vld [tilespmem:s18+$0x50];
	vm0 =	vge.s32 v7, v2  }
0x114: {  	vm1 =	vge.s32 v5, v2;
	v5 =	vld [tilespmem:s18+$0x60];
	v9 =	vmpcnt.ones.xlane vm0  }
0x115: {  	s17 =	simm.s32 $0x400;
	s16 =	simm.s32 $0x80;
	v10 =	vimm.s32 $0x0;
	v7 =	vld [tilespmem:s18+$0x70];
	v8 =	vmpcnt.ones.xlane vm1;
	vm0 =	vge.s32 v11, v2  }
.LBB2_18:
0x116: {  	p0 =	sne.s32 s17, $0x8A00;
	v11 =	vld [tilespmem:s16+$0x0];
	v9 =	vadd.s32 v10, v9;
	v10 =	vmpcnt.ones.xlane vm0;
	vm0 =	vge.s32 v6, v2  }
0x117: {  	v12 =	vld [tilespmem:s16+$0x10];
	v6 =	vadd.s32 v8, v9;
	v8 =	vmpcnt.ones.xlane vm0;
	vm0 =	vge.s32 v4, v2  }
0x118: {  	v13 =	vld [tilespmem:s16+$0x20];
	v4 =	vadd.s32 v10, v6;
	v9 =	vmpcnt.ones.xlane vm0;
	vm0 =	vge.s32 v3, v2  }
.Ltmp8:
0x119: {  	v6 =	vld [tilespmem:s16+$0x30];
	v3 =	vadd.s32 v8, v4;
	v8 =	vmpcnt.ones.xlane vm0;
	vm0 =	vge.s32 v5, v2;
	(pc) =	sbr.rel @p0 .LBB2_18-.Ltmp8, $4  }
0x11a: {  	v4 =	vld [tilespmem:s16+$0x40];
	v5 =	vadd.s32 v9, v3;
	v10 =	vmpcnt.ones.xlane vm0;
	vm0 =	vge.s32 v7, v2  }
0x11b: {  	vm1 =	vge.s32 v11, v2;
	v3 =	vld [tilespmem:s16+$0x50];
	v7 =	vadd.s32 v8, v5;
	v11 =	vmpcnt.ones.xlane vm0  }
0x11c: {  	v9 =	vmpcnt.ones.xlane vm1;
	vm0 =	vge.s32 v12, v2;
	v5 =	vld [tilespmem:s16+$0x60];
	v10 =	vadd.s32 v10, v7  }
0x11d: {  	v8 =	vmpcnt.ones.xlane vm0;
	vm0 =	vge.s32 v13, v2;
	v7 =	vld [tilespmem:s16+$0x70];
	s16 =	sshra.s32 s17, $0x2;
	s17 =	sadd.s32 $0x200, s17;
	v10 =	vadd.s32 v11, v10  }
0x11e: {  	v11 =	vld [tilespmem:s16+$0x0];
	v9 =	vadd.s32 v10, v9;
	v10 =	vmpcnt.ones.xlane vm0;
	vm0 =	vge.s32 v6, v2  }
0x11f: {  	v6 =	vld [tilespmem:s16+$0x10];
	v8 =	vadd.s32 v8, v9;
	v9 =	vmpcnt.ones.xlane vm0;
	vm0 =	vge.s32 v4, v2  }
0x120: {  	v4 =	vld [tilespmem:s16+$0x20];
	v8 =	vadd.s32 v10, v8;
	v10 =	vmpcnt.ones.xlane vm0;
	vm0 =	vge.s32 v3, v2  }
0x121: {  	v3 =	vld [tilespmem:s16+$0x30];
	v8 =	vadd.s32 v9, v8;
	v9 =	vmpcnt.ones.xlane vm0;
	vm0 =	vge.s32 v5, v2  }
0x122: {  	v5 =	vld [tilespmem:s16+$0x40];
	v8 =	vadd.s32 v10, v8;
	v10 =	vmpcnt.ones.xlane vm0;
	vm0 =	vge.s32 v7, v2  }
0x123: {  	v7 =	vld [tilespmem:s16+$0x50];
	vm1 =	vge.s32 v11, v2;
	v8 =	vadd.s32 v9, v8;
	v9 =	vmpcnt.ones.xlane vm0  }
0x124: {  	vm0 =	vge.s32 v6, v2;
	v6 =	vld [tilespmem:s16+$0x60];
	v11 =	vmpcnt.ones.xlane vm1;
	v8 =	vadd.s32 v10, v8  }
0x125: {  	v10 =	vmpcnt.ones.xlane vm0;
	vm0 =	vge.s32 v4, v2;
	v4 =	vld [tilespmem:s16+$0x70];
	v8 =	vadd.s32 v9, v8  }
0x126: {  	v9 =	vmpcnt.ones.xlane vm0;
	vm0 =	vge.s32 v3, v2;
	v8 =	vadd.s32 v8, v11  }
0x127: {  	v3 =	vadd.s32 v10, v8;
	v8 =	vmpcnt.ones.xlane vm0;
	vm0 =	vge.s32 v5, v2  }
0x128: {  	v3 =	vadd.s32 v9, v3;
	v5 =	vmpcnt.ones.xlane vm0;
	vm0 =	vge.s32 v7, v2  }
0x129: {  	v3 =	vadd.s32 v8, v3;
	v7 =	vmpcnt.ones.xlane vm0;
	vm0 =	vge.s32 v6, v2  }
0x12a: {  	v3 =	vadd.s32 v5, v3;
	v5 =	vmpcnt.ones.xlane vm0;
	vm0 =	vge.s32 v4, v2  }
0x12b: {  	s18 =	simm.s32 $0x0;
	v3 =	vadd.s32 v7, v3;
	v4 =	vmpcnt.ones.xlane vm0  }
0x12c: {  	v7 =	vld [tilespmem:s18+$0x0];
	v3 =	vadd.s32 v5, v3  }
0x12d: {  	v5 =	vld [tilespmem:s18+$0x10];
	v3 =	vadd.s32 v4, v3  }
0x12e: {  	v11 =	vld [tilespmem:s18+$0x20];
	vm0 =	vlt.s32 v3, v0  }
0x12f: {  	v6 =	vld [tilespmem:s18+$0x30];
	v1 =	vsel vm0, v1, v2  }
0x130: {  	v4 =	vld [tilespmem:s18+$0x40];
	v2 =	vor.u32 $0x800000, v1  }
0x131: {  	v3 =	vld [tilespmem:s18+$0x50];
	vm0 =	vge.s32 v7, v2  }
0x132: {  	vm1 =	vge.s32 v5, v2;
	v5 =	vld [tilespmem:s18+$0x60];
	v9 =	vmpcnt.ones.xlane vm0  }
0x133: {  	s17 =	simm.s32 $0x400;
	s16 =	simm.s32 $0x80;
	v10 =	vimm.s32 $0x0;
	v7 =	vld [tilespmem:s18+$0x70];
	v8 =	vmpcnt.ones.xlane vm1;
	vm0 =	vge.s32 v11, v2  }
.LBB2_20:
0x134: {  	p0 =	sne.s32 s17, $0x8A00;
	v11 =	vld [tilespmem:s16+$0x0];
	v9 =	vadd.s32 v10, v9;
	v10 =	vmpcnt.ones.xlane vm0;
	vm0 =	vge.s32 v6, v2  }
0x135: {  	v12 =	vld [tilespmem:s16+$0x10];
	v6 =	vadd.s32 v8, v9;
	v8 =	vmpcnt.ones.xlane vm0;
	vm0 =	vge.s32 v4, v2  }
0x136: {  	v13 =	vld [tilespmem:s16+$0x20];
	v4 =	vadd.s32 v10, v6;
	v9 =	vmpcnt.ones.xlane vm0;
	vm0 =	vge.s32 v3, v2  }
.Ltmp9:
0x137: {  	v6 =	vld [tilespmem:s16+$0x30];
	v3 =	vadd.s32 v8, v4;
	v8 =	vmpcnt.ones.xlane vm0;
	vm0 =	vge.s32 v5, v2;
	(pc) =	sbr.rel @p0 .LBB2_20-.Ltmp9, $4  }
0x138: {  	v4 =	vld [tilespmem:s16+$0x40];
	v5 =	vadd.s32 v9, v3;
	v10 =	vmpcnt.ones.xlane vm0;
	vm0 =	vge.s32 v7, v2  }
0x139: {  	vm1 =	vge.s32 v11, v2;
	v3 =	vld [tilespmem:s16+$0x50];
	v7 =	vadd.s32 v8, v5;
	v11 =	vmpcnt.ones.xlane vm0  }
0x13a: {  	v9 =	vmpcnt.ones.xlane vm1;
	vm0 =	vge.s32 v12, v2;
	v5 =	vld [tilespmem:s16+$0x60];
	v10 =	vadd.s32 v10, v7  }
0x13b: {  	v8 =	vmpcnt.ones.xlane vm0;
	vm0 =	vge.s32 v13, v2;
	v7 =	vld [tilespmem:s16+$0x70];
	s16 =	sshra.s32 s17, $0x2;
	s17 =	sadd.s32 $0x200, s17;
	v10 =	vadd.s32 v11, v10  }
0x13c: {  	v11 =	vld [tilespmem:s16+$0x0];
	v9 =	vadd.s32 v10, v9;
	v10 =	vmpcnt.ones.xlane vm0;
	vm0 =	vge.s32 v6, v2  }
0x13d: {  	v6 =	vld [tilespmem:s16+$0x10];
	v8 =	vadd.s32 v8, v9;
	v9 =	vmpcnt.ones.xlane vm0;
	vm0 =	vge.s32 v4, v2  }
0x13e: {  	v4 =	vld [tilespmem:s16+$0x20];
	v8 =	vadd.s32 v10, v8;
	v10 =	vmpcnt.ones.xlane vm0;
	vm0 =	vge.s32 v3, v2  }
0x13f: {  	v3 =	vld [tilespmem:s16+$0x30];
	v8 =	vadd.s32 v9, v8;
	v9 =	vmpcnt.ones.xlane vm0;
	vm0 =	vge.s32 v5, v2  }
0x140: {  	v5 =	vld [tilespmem:s16+$0x40];
	v8 =	vadd.s32 v10, v8;
	v10 =	vmpcnt.ones.xlane vm0;
	vm0 =	vge.s32 v7, v2  }
0x141: {  	v7 =	vld [tilespmem:s16+$0x50];
	vm1 =	vge.s32 v11, v2;
	v8 =	vadd.s32 v9, v8;
	v9 =	vmpcnt.ones.xlane vm0  }
0x142: {  	vm0 =	vge.s32 v6, v2;
	v6 =	vld [tilespmem:s16+$0x60];
	v11 =	vmpcnt.ones.xlane vm1;
	v8 =	vadd.s32 v10, v8  }
0x143: {  	v10 =	vmpcnt.ones.xlane vm0;
	vm0 =	vge.s32 v4, v2;
	v4 =	vld [tilespmem:s16+$0x70];
	v8 =	vadd.s32 v9, v8  }
0x144: {  	v9 =	vmpcnt.ones.xlane vm0;
	vm0 =	vge.s32 v3, v2;
	v8 =	vadd.s32 v8, v11  }
0x145: {  	v3 =	vadd.s32 v10, v8;
	v8 =	vmpcnt.ones.xlane vm0;
	vm0 =	vge.s32 v5, v2  }
0x146: {  	v3 =	vadd.s32 v9, v3;
	v5 =	vmpcnt.ones.xlane vm0;
	vm0 =	vge.s32 v7, v2  }
0x147: {  	v3 =	vadd.s32 v8, v3;
	v7 =	vmpcnt.ones.xlane vm0;
	vm0 =	vge.s32 v6, v2  }
0x148: {  	v3 =	vadd.s32 v5, v3;
	v5 =	vmpcnt.ones.xlane vm0;
	vm0 =	vge.s32 v4, v2  }
0x149: {  	s18 =	simm.s32 $0x0;
	v3 =	vadd.s32 v7, v3;
	v4 =	vmpcnt.ones.xlane vm0  }
0x14a: {  	v7 =	vld [tilespmem:s18+$0x0];
	v3 =	vadd.s32 v5, v3  }
0x14b: {  	v5 =	vld [tilespmem:s18+$0x10];
	v3 =	vadd.s32 v4, v3  }
0x14c: {  	v11 =	vld [tilespmem:s18+$0x20];
	vm0 =	vlt.s32 v3, v0  }
0x14d: {  	v6 =	vld [tilespmem:s18+$0x30];
	v1 =	vsel vm0, v1, v2  }
0x14e: {  	v4 =	vld [tilespmem:s18+$0x40];
	v2 =	vor.u32 $0x400000, v1  }
0x14f: {  	v3 =	vld [tilespmem:s18+$0x50];
	vm0 =	vge.s32 v7, v2  }
0x150: {  	vm1 =	vge.s32 v5, v2;
	v5 =	vld [tilespmem:s18+$0x60];
	v9 =	vmpcnt.ones.xlane vm0  }
0x151: {  	s17 =	simm.s32 $0x400;
	s16 =	simm.s32 $0x80;
	v10 =	vimm.s32 $0x0;
	v7 =	vld [tilespmem:s18+$0x70];
	v8 =	vmpcnt.ones.xlane vm1;
	vm0 =	vge.s32 v11, v2  }
.LBB2_22:
0x152: {  	p0 =	sne.s32 s17, $0x8A00;
	v11 =	vld [tilespmem:s16+$0x0];
	v9 =	vadd.s32 v10, v9;
	v10 =	vmpcnt.ones.xlane vm0;
	vm0 =	vge.s32 v6, v2  }
0x153: {  	v12 =	vld [tilespmem:s16+$0x10];
	v6 =	vadd.s32 v8, v9;
	v8 =	vmpcnt.ones.xlane vm0;
	vm0 =	vge.s32 v4, v2  }
0x154: {  	v13 =	vld [tilespmem:s16+$0x20];
	v4 =	vadd.s32 v10, v6;
	v9 =	vmpcnt.ones.xlane vm0;
	vm0 =	vge.s32 v3, v2  }
.Ltmp10:
0x155: {  	v6 =	vld [tilespmem:s16+$0x30];
	v3 =	vadd.s32 v8, v4;
	v8 =	vmpcnt.ones.xlane vm0;
	vm0 =	vge.s32 v5, v2;
	(pc) =	sbr.rel @p0 .LBB2_22-.Ltmp10, $4  }
0x156: {  	v4 =	vld [tilespmem:s16+$0x40];
	v5 =	vadd.s32 v9, v3;
	v10 =	vmpcnt.ones.xlane vm0;
	vm0 =	vge.s32 v7, v2  }
0x157: {  	vm1 =	vge.s32 v11, v2;
	v3 =	vld [tilespmem:s16+$0x50];
	v7 =	vadd.s32 v8, v5;
	v11 =	vmpcnt.ones.xlane vm0  }
0x158: {  	v9 =	vmpcnt.ones.xlane vm1;
	vm0 =	vge.s32 v12, v2;
	v5 =	vld [tilespmem:s16+$0x60];
	v10 =	vadd.s32 v10, v7  }
0x159: {  	v8 =	vmpcnt.ones.xlane vm0;
	vm0 =	vge.s32 v13, v2;
	v7 =	vld [tilespmem:s16+$0x70];
	s16 =	sshra.s32 s17, $0x2;
	s17 =	sadd.s32 $0x200, s17;
	v10 =	vadd.s32 v11, v10  }
0x15a: {  	v11 =	vld [tilespmem:s16+$0x0];
	v9 =	vadd.s32 v10, v9;
	v10 =	vmpcnt.ones.xlane vm0;
	vm0 =	vge.s32 v6, v2  }
0x15b: {  	v6 =	vld [tilespmem:s16+$0x10];
	v8 =	vadd.s32 v8, v9;
	v9 =	vmpcnt.ones.xlane vm0;
	vm0 =	vge.s32 v4, v2  }
0x15c: {  	v4 =	vld [tilespmem:s16+$0x20];
	v8 =	vadd.s32 v10, v8;
	v10 =	vmpcnt.ones.xlane vm0;
	vm0 =	vge.s32 v3, v2  }
0x15d: {  	v3 =	vld [tilespmem:s16+$0x30];
	v8 =	vadd.s32 v9, v8;
	v9 =	vmpcnt.ones.xlane vm0;
	vm0 =	vge.s32 v5, v2  }
0x15e: {  	v5 =	vld [tilespmem:s16+$0x40];
	v8 =	vadd.s32 v10, v8;
	v10 =	vmpcnt.ones.xlane vm0;
	vm0 =	vge.s32 v7, v2  }
0x15f: {  	v7 =	vld [tilespmem:s16+$0x50];
	vm1 =	vge.s32 v11, v2;
	v8 =	vadd.s32 v9, v8;
	v9 =	vmpcnt.ones.xlane vm0  }
0x160: {  	vm0 =	vge.s32 v6, v2;
	v6 =	vld [tilespmem:s16+$0x60];
	v11 =	vmpcnt.ones.xlane vm1;
	v8 =	vadd.s32 v10, v8  }
0x161: {  	v10 =	vmpcnt.ones.xlane vm0;
	vm0 =	vge.s32 v4, v2;
	v4 =	vld [tilespmem:s16+$0x70];
	v8 =	vadd.s32 v9, v8  }
0x162: {  	v9 =	vmpcnt.ones.xlane vm0;
	vm0 =	vge.s32 v3, v2;
	v8 =	vadd.s32 v8, v11  }
0x163: {  	v3 =	vadd.s32 v10, v8;
	v8 =	vmpcnt.ones.xlane vm0;
	vm0 =	vge.s32 v5, v2  }
0x164: {  	v3 =	vadd.s32 v9, v3;
	v5 =	vmpcnt.ones.xlane vm0;
	vm0 =	vge.s32 v7, v2  }
0x165: {  	v3 =	vadd.s32 v8, v3;
	v7 =	vmpcnt.ones.xlane vm0;
	vm0 =	vge.s32 v6, v2  }
0x166: {  	v3 =	vadd.s32 v5, v3;
	v5 =	vmpcnt.ones.xlane vm0;
	vm0 =	vge.s32 v4, v2  }
0x167: {  	s18 =	simm.s32 $0x0;
	v3 =	vadd.s32 v7, v3;
	v4 =	vmpcnt.ones.xlane vm0  }
0x168: {  	v7 =	vld [tilespmem:s18+$0x0];
	v3 =	vadd.s32 v5, v3  }
0x169: {  	v5 =	vld [tilespmem:s18+$0x10];
	v3 =	vadd.s32 v4, v3  }
0x16a: {  	v11 =	vld [tilespmem:s18+$0x20];
	vm0 =	vlt.s32 v3, v0  }
0x16b: {  	v6 =	vld [tilespmem:s18+$0x30];
	v1 =	vsel vm0, v1, v2  }
0x16c: {  	v4 =	vld [tilespmem:s18+$0x40];
	v2 =	vor.u32 $0x200000, v1  }
0x16d: {  	v3 =	vld [tilespmem:s18+$0x50];
	vm0 =	vge.s32 v7, v2  }
0x16e: {  	vm1 =	vge.s32 v5, v2;
	v5 =	vld [tilespmem:s18+$0x60];
	v9 =	vmpcnt.ones.xlane vm0  }
0x16f: {  	s17 =	simm.s32 $0x400;
	s16 =	simm.s32 $0x80;
	v10 =	vimm.s32 $0x0;
	v7 =	vld [tilespmem:s18+$0x70];
	v8 =	vmpcnt.ones.xlane vm1;
	vm0 =	vge.s32 v11, v2  }
.LBB2_24:
0x170: {  	p0 =	sne.s32 s17, $0x8A00;
	v11 =	vld [tilespmem:s16+$0x0];
	v9 =	vadd.s32 v10, v9;
	v10 =	vmpcnt.ones.xlane vm0;
	vm0 =	vge.s32 v6, v2  }
0x171: {  	v12 =	vld [tilespmem:s16+$0x10];
	v6 =	vadd.s32 v8, v9;
	v8 =	vmpcnt.ones.xlane vm0;
	vm0 =	vge.s32 v4, v2  }
0x172: {  	v13 =	vld [tilespmem:s16+$0x20];
	v4 =	vadd.s32 v10, v6;
	v9 =	vmpcnt.ones.xlane vm0;
	vm0 =	vge.s32 v3, v2  }
.Ltmp11:
0x173: {  	v6 =	vld [tilespmem:s16+$0x30];
	v3 =	vadd.s32 v8, v4;
	v8 =	vmpcnt.ones.xlane vm0;
	vm0 =	vge.s32 v5, v2;
	(pc) =	sbr.rel @p0 .LBB2_24-.Ltmp11, $4  }
0x174: {  	v4 =	vld [tilespmem:s16+$0x40];
	v5 =	vadd.s32 v9, v3;
	v10 =	vmpcnt.ones.xlane vm0;
	vm0 =	vge.s32 v7, v2  }
0x175: {  	vm1 =	vge.s32 v11, v2;
	v3 =	vld [tilespmem:s16+$0x50];
	v7 =	vadd.s32 v8, v5;
	v11 =	vmpcnt.ones.xlane vm0  }
0x176: {  	v9 =	vmpcnt.ones.xlane vm1;
	vm0 =	vge.s32 v12, v2;
	v5 =	vld [tilespmem:s16+$0x60];
	v10 =	vadd.s32 v10, v7  }
0x177: {  	v8 =	vmpcnt.ones.xlane vm0;
	vm0 =	vge.s32 v13, v2;
	v7 =	vld [tilespmem:s16+$0x70];
	s16 =	sshra.s32 s17, $0x2;
	s17 =	sadd.s32 $0x200, s17;
	v10 =	vadd.s32 v11, v10  }
0x178: {  	v11 =	vld [tilespmem:s16+$0x0];
	v9 =	vadd.s32 v10, v9;
	v10 =	vmpcnt.ones.xlane vm0;
	vm0 =	vge.s32 v6, v2  }
0x179: {  	v6 =	vld [tilespmem:s16+$0x10];
	v8 =	vadd.s32 v8, v9;
	v9 =	vmpcnt.ones.xlane vm0;
	vm0 =	vge.s32 v4, v2  }
0x17a: {  	v4 =	vld [tilespmem:s16+$0x20];
	v8 =	vadd.s32 v10, v8;
	v10 =	vmpcnt.ones.xlane vm0;
	vm0 =	vge.s32 v3, v2  }
0x17b: {  	v3 =	vld [tilespmem:s16+$0x30];
	v8 =	vadd.s32 v9, v8;
	v9 =	vmpcnt.ones.xlane vm0;
	vm0 =	vge.s32 v5, v2  }
0x17c: {  	v5 =	vld [tilespmem:s16+$0x40];
	v8 =	vadd.s32 v10, v8;
	v10 =	vmpcnt.ones.xlane vm0;
	vm0 =	vge.s32 v7, v2  }
0x17d: {  	v7 =	vld [tilespmem:s16+$0x50];
	vm1 =	vge.s32 v11, v2;
	v8 =	vadd.s32 v9, v8;
	v9 =	vmpcnt.ones.xlane vm0  }
0x17e: {  	vm0 =	vge.s32 v6, v2;
	v6 =	vld [tilespmem:s16+$0x60];
	v11 =	vmpcnt.ones.xlane vm1;
	v8 =	vadd.s32 v10, v8  }
0x17f: {  	v10 =	vmpcnt.ones.xlane vm0;
	vm0 =	vge.s32 v4, v2;
	v4 =	vld [tilespmem:s16+$0x70];
	v8 =	vadd.s32 v9, v8  }
0x180: {  	v9 =	vmpcnt.ones.xlane vm0;
	vm0 =	vge.s32 v3, v2;
	v8 =	vadd.s32 v8, v11  }
0x181: {  	v3 =	vadd.s32 v10, v8;
	v8 =	vmpcnt.ones.xlane vm0;
	vm0 =	vge.s32 v5, v2  }
0x182: {  	v3 =	vadd.s32 v9, v3;
	v5 =	vmpcnt.ones.xlane vm0;
	vm0 =	vge.s32 v7, v2  }
0x183: {  	v3 =	vadd.s32 v8, v3;
	v7 =	vmpcnt.ones.xlane vm0;
	vm0 =	vge.s32 v6, v2  }
0x184: {  	v3 =	vadd.s32 v5, v3;
	v5 =	vmpcnt.ones.xlane vm0;
	vm0 =	vge.s32 v4, v2  }
0x185: {  	s18 =	simm.s32 $0x0;
	v3 =	vadd.s32 v7, v3;
	v4 =	vmpcnt.ones.xlane vm0  }
0x186: {  	v7 =	vld [tilespmem:s18+$0x0];
	v3 =	vadd.s32 v5, v3  }
0x187: {  	v5 =	vld [tilespmem:s18+$0x10];
	v3 =	vadd.s32 v4, v3  }
0x188: {  	v11 =	vld [tilespmem:s18+$0x20];
	vm0 =	vlt.s32 v3, v0  }
0x189: {  	v6 =	vld [tilespmem:s18+$0x30];
	v1 =	vsel vm0, v1, v2  }
0x18a: {  	v4 =	vld [tilespmem:s18+$0x40];
	v2 =	vor.u32 $0x100000, v1  }
0x18b: {  	v3 =	vld [tilespmem:s18+$0x50];
	vm0 =	vge.s32 v7, v2  }
0x18c: {  	vm1 =	vge.s32 v5, v2;
	v5 =	vld [tilespmem:s18+$0x60];
	v9 =	vmpcnt.ones.xlane vm0  }
0x18d: {  	s17 =	simm.s32 $0x400;
	s16 =	simm.s32 $0x80;
	v10 =	vimm.s32 $0x0;
	v7 =	vld [tilespmem:s18+$0x70];
	v8 =	vmpcnt.ones.xlane vm1;
	vm0 =	vge.s32 v11, v2  }
.LBB2_26:
0x18e: {  	p0 =	sne.s32 s17, $0x8A00;
	v11 =	vld [tilespmem:s16+$0x0];
	v9 =	vadd.s32 v10, v9;
	v10 =	vmpcnt.ones.xlane vm0;
	vm0 =	vge.s32 v6, v2  }
0x18f: {  	v12 =	vld [tilespmem:s16+$0x10];
	v6 =	vadd.s32 v8, v9;
	v8 =	vmpcnt.ones.xlane vm0;
	vm0 =	vge.s32 v4, v2  }
0x190: {  	v13 =	vld [tilespmem:s16+$0x20];
	v4 =	vadd.s32 v10, v6;
	v9 =	vmpcnt.ones.xlane vm0;
	vm0 =	vge.s32 v3, v2  }
.Ltmp12:
0x191: {  	v6 =	vld [tilespmem:s16+$0x30];
	v3 =	vadd.s32 v8, v4;
	v8 =	vmpcnt.ones.xlane vm0;
	vm0 =	vge.s32 v5, v2;
	(pc) =	sbr.rel @p0 .LBB2_26-.Ltmp12, $4  }
0x192: {  	v4 =	vld [tilespmem:s16+$0x40];
	v5 =	vadd.s32 v9, v3;
	v10 =	vmpcnt.ones.xlane vm0;
	vm0 =	vge.s32 v7, v2  }
0x193: {  	vm1 =	vge.s32 v11, v2;
	v3 =	vld [tilespmem:s16+$0x50];
	v7 =	vadd.s32 v8, v5;
	v11 =	vmpcnt.ones.xlane vm0  }
0x194: {  	v9 =	vmpcnt.ones.xlane vm1;
	vm0 =	vge.s32 v12, v2;
	v5 =	vld [tilespmem:s16+$0x60];
	v10 =	vadd.s32 v10, v7  }
0x195: {  	v8 =	vmpcnt.ones.xlane vm0;
	vm0 =	vge.s32 v13, v2;
	v7 =	vld [tilespmem:s16+$0x70];
	s16 =	sshra.s32 s17, $0x2;
	s17 =	sadd.s32 $0x200, s17;
	v10 =	vadd.s32 v11, v10  }
0x196: {  	v11 =	vld [tilespmem:s16+$0x0];
	v9 =	vadd.s32 v10, v9;
	v10 =	vmpcnt.ones.xlane vm0;
	vm0 =	vge.s32 v6, v2  }
0x197: {  	v6 =	vld [tilespmem:s16+$0x10];
	v8 =	vadd.s32 v8, v9;
	v9 =	vmpcnt.ones.xlane vm0;
	vm0 =	vge.s32 v4, v2  }
0x198: {  	v4 =	vld [tilespmem:s16+$0x20];
	v8 =	vadd.s32 v10, v8;
	v10 =	vmpcnt.ones.xlane vm0;
	vm0 =	vge.s32 v3, v2  }
0x199: {  	v3 =	vld [tilespmem:s16+$0x30];
	v8 =	vadd.s32 v9, v8;
	v9 =	vmpcnt.ones.xlane vm0;
	vm0 =	vge.s32 v5, v2  }
0x19a: {  	v5 =	vld [tilespmem:s16+$0x40];
	v8 =	vadd.s32 v10, v8;
	v10 =	vmpcnt.ones.xlane vm0;
	vm0 =	vge.s32 v7, v2  }
0x19b: {  	v7 =	vld [tilespmem:s16+$0x50];
	vm1 =	vge.s32 v11, v2;
	v8 =	vadd.s32 v9, v8;
	v9 =	vmpcnt.ones.xlane vm0  }
0x19c: {  	vm0 =	vge.s32 v6, v2;
	v6 =	vld [tilespmem:s16+$0x60];
	v11 =	vmpcnt.ones.xlane vm1;
	v8 =	vadd.s32 v10, v8  }
0x19d: {  	v10 =	vmpcnt.ones.xlane vm0;
	vm0 =	vge.s32 v4, v2;
	v4 =	vld [tilespmem:s16+$0x70];
	v8 =	vadd.s32 v9, v8  }
0x19e: {  	v9 =	vmpcnt.ones.xlane vm0;
	vm0 =	vge.s32 v3, v2;
	v8 =	vadd.s32 v8, v11  }
0x19f: {  	v3 =	vadd.s32 v10, v8;
	v8 =	vmpcnt.ones.xlane vm0;
	vm0 =	vge.s32 v5, v2  }
0x1a0: {  	v3 =	vadd.s32 v9, v3;
	v5 =	vmpcnt.ones.xlane vm0;
	vm0 =	vge.s32 v7, v2  }
0x1a1: {  	v3 =	vadd.s32 v8, v3;
	v7 =	vmpcnt.ones.xlane vm0;
	vm0 =	vge.s32 v6, v2  }
0x1a2: {  	v3 =	vadd.s32 v5, v3;
	v5 =	vmpcnt.ones.xlane vm0;
	vm0 =	vge.s32 v4, v2  }
0x1a3: {  	s18 =	simm.s32 $0x0;
	v3 =	vadd.s32 v7, v3;
	v4 =	vmpcnt.ones.xlane vm0  }
0x1a4: {  	v7 =	vld [tilespmem:s18+$0x0];
	v3 =	vadd.s32 v5, v3  }
0x1a5: {  	v5 =	vld [tilespmem:s18+$0x10];
	v3 =	vadd.s32 v4, v3  }
0x1a6: {  	v11 =	vld [tilespmem:s18+$0x20];
	vm0 =	vlt.s32 v3, v0  }
0x1a7: {  	v6 =	vld [tilespmem:s18+$0x30];
	v1 =	vsel vm0, v1, v2  }
0x1a8: {  	v4 =	vld [tilespmem:s18+$0x40];
	v2 =	vor.u32 $0x80000, v1  }
0x1a9: {  	v3 =	vld [tilespmem:s18+$0x50];
	vm0 =	vge.s32 v7, v2  }
0x1aa: {  	vm1 =	vge.s32 v5, v2;
	v5 =	vld [tilespmem:s18+$0x60];
	v9 =	vmpcnt.ones.xlane vm0  }
0x1ab: {  	s17 =	simm.s32 $0x400;
	s16 =	simm.s32 $0x80;
	v10 =	vimm.s32 $0x0;
	v7 =	vld [tilespmem:s18+$0x70];
	v8 =	vmpcnt.ones.xlane vm1;
	vm0 =	vge.s32 v11, v2  }
.LBB2_28:
0x1ac: {  	p0 =	sne.s32 s17, $0x8A00;
	v11 =	vld [tilespmem:s16+$0x0];
	v9 =	vadd.s32 v10, v9;
	v10 =	vmpcnt.ones.xlane vm0;
	vm0 =	vge.s32 v6, v2  }
0x1ad: {  	v12 =	vld [tilespmem:s16+$0x10];
	v6 =	vadd.s32 v8, v9;
	v8 =	vmpcnt.ones.xlane vm0;
	vm0 =	vge.s32 v4, v2  }
0x1ae: {  	v13 =	vld [tilespmem:s16+$0x20];
	v4 =	vadd.s32 v10, v6;
	v9 =	vmpcnt.ones.xlane vm0;
	vm0 =	vge.s32 v3, v2  }
.Ltmp13:
0x1af: {  	v6 =	vld [tilespmem:s16+$0x30];
	v3 =	vadd.s32 v8, v4;
	v8 =	vmpcnt.ones.xlane vm0;
	vm0 =	vge.s32 v5, v2;
	(pc) =	sbr.rel @p0 .LBB2_28-.Ltmp13, $4  }
0x1b0: {  	v4 =	vld [tilespmem:s16+$0x40];
	v5 =	vadd.s32 v9, v3;
	v10 =	vmpcnt.ones.xlane vm0;
	vm0 =	vge.s32 v7, v2  }
0x1b1: {  	vm1 =	vge.s32 v11, v2;
	v3 =	vld [tilespmem:s16+$0x50];
	v7 =	vadd.s32 v8, v5;
	v11 =	vmpcnt.ones.xlane vm0  }
0x1b2: {  	v9 =	vmpcnt.ones.xlane vm1;
	vm0 =	vge.s32 v12, v2;
	v5 =	vld [tilespmem:s16+$0x60];
	v10 =	vadd.s32 v10, v7  }
0x1b3: {  	v8 =	vmpcnt.ones.xlane vm0;
	vm0 =	vge.s32 v13, v2;
	v7 =	vld [tilespmem:s16+$0x70];
	s16 =	sshra.s32 s17, $0x2;
	s17 =	sadd.s32 $0x200, s17;
	v10 =	vadd.s32 v11, v10  }
0x1b4: {  	v11 =	vld [tilespmem:s16+$0x0];
	v9 =	vadd.s32 v10, v9;
	v10 =	vmpcnt.ones.xlane vm0;
	vm0 =	vge.s32 v6, v2  }
0x1b5: {  	v6 =	vld [tilespmem:s16+$0x10];
	v8 =	vadd.s32 v8, v9;
	v9 =	vmpcnt.ones.xlane vm0;
	vm0 =	vge.s32 v4, v2  }
0x1b6: {  	v4 =	vld [tilespmem:s16+$0x20];
	v8 =	vadd.s32 v10, v8;
	v10 =	vmpcnt.ones.xlane vm0;
	vm0 =	vge.s32 v3, v2  }
0x1b7: {  	v3 =	vld [tilespmem:s16+$0x30];
	v8 =	vadd.s32 v9, v8;
	v9 =	vmpcnt.ones.xlane vm0;
	vm0 =	vge.s32 v5, v2  }
0x1b8: {  	v5 =	vld [tilespmem:s16+$0x40];
	v8 =	vadd.s32 v10, v8;
	v10 =	vmpcnt.ones.xlane vm0;
	vm0 =	vge.s32 v7, v2  }
0x1b9: {  	v7 =	vld [tilespmem:s16+$0x50];
	vm1 =	vge.s32 v11, v2;
	v8 =	vadd.s32 v9, v8;
	v9 =	vmpcnt.ones.xlane vm0  }
0x1ba: {  	vm0 =	vge.s32 v6, v2;
	v6 =	vld [tilespmem:s16+$0x60];
	v11 =	vmpcnt.ones.xlane vm1;
	v8 =	vadd.s32 v10, v8  }
0x1bb: {  	v10 =	vmpcnt.ones.xlane vm0;
	vm0 =	vge.s32 v4, v2;
	v4 =	vld [tilespmem:s16+$0x70];
	v8 =	vadd.s32 v9, v8  }
0x1bc: {  	v9 =	vmpcnt.ones.xlane vm0;
	vm0 =	vge.s32 v3, v2;
	v8 =	vadd.s32 v8, v11  }
0x1bd: {  	v3 =	vadd.s32 v10, v8;
	v8 =	vmpcnt.ones.xlane vm0;
	vm0 =	vge.s32 v5, v2  }
0x1be: {  	v3 =	vadd.s32 v9, v3;
	v5 =	vmpcnt.ones.xlane vm0;
	vm0 =	vge.s32 v7, v2  }
0x1bf: {  	v3 =	vadd.s32 v8, v3;
	v7 =	vmpcnt.ones.xlane vm0;
	vm0 =	vge.s32 v6, v2  }
0x1c0: {  	v3 =	vadd.s32 v5, v3;
	v5 =	vmpcnt.ones.xlane vm0;
	vm0 =	vge.s32 v4, v2  }
0x1c1: {  	s18 =	simm.s32 $0x0;
	v3 =	vadd.s32 v7, v3;
	v4 =	vmpcnt.ones.xlane vm0  }
0x1c2: {  	v7 =	vld [tilespmem:s18+$0x0];
	v3 =	vadd.s32 v5, v3  }
0x1c3: {  	v5 =	vld [tilespmem:s18+$0x10];
	v3 =	vadd.s32 v4, v3  }
0x1c4: {  	v11 =	vld [tilespmem:s18+$0x20];
	vm0 =	vlt.s32 v3, v0  }
0x1c5: {  	v6 =	vld [tilespmem:s18+$0x30];
	v1 =	vsel vm0, v1, v2  }
0x1c6: {  	v4 =	vld [tilespmem:s18+$0x40];
	v2 =	vor.u32 $0x40000, v1  }
0x1c7: {  	v3 =	vld [tilespmem:s18+$0x50];
	vm0 =	vge.s32 v7, v2  }
0x1c8: {  	vm1 =	vge.s32 v5, v2;
	v5 =	vld [tilespmem:s18+$0x60];
	v9 =	vmpcnt.ones.xlane vm0  }
0x1c9: {  	s17 =	simm.s32 $0x400;
	s16 =	simm.s32 $0x80;
	v10 =	vimm.s32 $0x0;
	v7 =	vld [tilespmem:s18+$0x70];
	v8 =	vmpcnt.ones.xlane vm1;
	vm0 =	vge.s32 v11, v2  }
.LBB2_30:
0x1ca: {  	p0 =	sne.s32 s17, $0x8A00;
	v11 =	vld [tilespmem:s16+$0x0];
	v9 =	vadd.s32 v10, v9;
	v10 =	vmpcnt.ones.xlane vm0;
	vm0 =	vge.s32 v6, v2  }
0x1cb: {  	v12 =	vld [tilespmem:s16+$0x10];
	v6 =	vadd.s32 v8, v9;
	v8 =	vmpcnt.ones.xlane vm0;
	vm0 =	vge.s32 v4, v2  }
0x1cc: {  	v13 =	vld [tilespmem:s16+$0x20];
	v4 =	vadd.s32 v10, v6;
	v9 =	vmpcnt.ones.xlane vm0;
	vm0 =	vge.s32 v3, v2  }
.Ltmp14:
0x1cd: {  	v6 =	vld [tilespmem:s16+$0x30];
	v3 =	vadd.s32 v8, v4;
	v8 =	vmpcnt.ones.xlane vm0;
	vm0 =	vge.s32 v5, v2;
	(pc) =	sbr.rel @p0 .LBB2_30-.Ltmp14, $4  }
0x1ce: {  	v4 =	vld [tilespmem:s16+$0x40];
	v5 =	vadd.s32 v9, v3;
	v10 =	vmpcnt.ones.xlane vm0;
	vm0 =	vge.s32 v7, v2  }
0x1cf: {  	vm1 =	vge.s32 v11, v2;
	v3 =	vld [tilespmem:s16+$0x50];
	v7 =	vadd.s32 v8, v5;
	v11 =	vmpcnt.ones.xlane vm0  }
0x1d0: {  	v9 =	vmpcnt.ones.xlane vm1;
	vm0 =	vge.s32 v12, v2;
	v5 =	vld [tilespmem:s16+$0x60];
	v10 =	vadd.s32 v10, v7  }
0x1d1: {  	v8 =	vmpcnt.ones.xlane vm0;
	vm0 =	vge.s32 v13, v2;
	v7 =	vld [tilespmem:s16+$0x70];
	s16 =	sshra.s32 s17, $0x2;
	s17 =	sadd.s32 $0x200, s17;
	v10 =	vadd.s32 v11, v10  }
0x1d2: {  	v11 =	vld [tilespmem:s16+$0x0];
	v9 =	vadd.s32 v10, v9;
	v10 =	vmpcnt.ones.xlane vm0;
	vm0 =	vge.s32 v6, v2  }
0x1d3: {  	v6 =	vld [tilespmem:s16+$0x10];
	v8 =	vadd.s32 v8, v9;
	v9 =	vmpcnt.ones.xlane vm0;
	vm0 =	vge.s32 v4, v2  }
0x1d4: {  	v4 =	vld [tilespmem:s16+$0x20];
	v8 =	vadd.s32 v10, v8;
	v10 =	vmpcnt.ones.xlane vm0;
	vm0 =	vge.s32 v3, v2  }
0x1d5: {  	v3 =	vld [tilespmem:s16+$0x30];
	v8 =	vadd.s32 v9, v8;
	v9 =	vmpcnt.ones.xlane vm0;
	vm0 =	vge.s32 v5, v2  }
0x1d6: {  	v5 =	vld [tilespmem:s16+$0x40];
	v8 =	vadd.s32 v10, v8;
	v10 =	vmpcnt.ones.xlane vm0;
	vm0 =	vge.s32 v7, v2  }
0x1d7: {  	v7 =	vld [tilespmem:s16+$0x50];
	vm1 =	vge.s32 v11, v2;
	v8 =	vadd.s32 v9, v8;
	v9 =	vmpcnt.ones.xlane vm0  }
0x1d8: {  	vm0 =	vge.s32 v6, v2;
	v6 =	vld [tilespmem:s16+$0x60];
	v11 =	vmpcnt.ones.xlane vm1;
	v8 =	vadd.s32 v10, v8  }
0x1d9: {  	v10 =	vmpcnt.ones.xlane vm0;
	vm0 =	vge.s32 v4, v2;
	v4 =	vld [tilespmem:s16+$0x70];
	v8 =	vadd.s32 v9, v8  }
0x1da: {  	v9 =	vmpcnt.ones.xlane vm0;
	vm0 =	vge.s32 v3, v2;
	v8 =	vadd.s32 v8, v11  }
0x1db: {  	v3 =	vadd.s32 v10, v8;
	v8 =	vmpcnt.ones.xlane vm0;
	vm0 =	vge.s32 v5, v2  }
0x1dc: {  	v3 =	vadd.s32 v9, v3;
	v5 =	vmpcnt.ones.xlane vm0;
	vm0 =	vge.s32 v7, v2  }
0x1dd: {  	v3 =	vadd.s32 v8, v3;
	v7 =	vmpcnt.ones.xlane vm0;
	vm0 =	vge.s32 v6, v2  }
0x1de: {  	v3 =	vadd.s32 v5, v3;
	v5 =	vmpcnt.ones.xlane vm0;
	vm0 =	vge.s32 v4, v2  }
0x1df: {  	s18 =	simm.s32 $0x0;
	v3 =	vadd.s32 v7, v3;
	v4 =	vmpcnt.ones.xlane vm0  }
0x1e0: {  	v7 =	vld [tilespmem:s18+$0x0];
	v3 =	vadd.s32 v5, v3  }
0x1e1: {  	v5 =	vld [tilespmem:s18+$0x10];
	v3 =	vadd.s32 v4, v3  }
0x1e2: {  	v11 =	vld [tilespmem:s18+$0x20];
	vm0 =	vlt.s32 v3, v0  }
0x1e3: {  	v6 =	vld [tilespmem:s18+$0x30];
	v1 =	vsel vm0, v1, v2  }
0x1e4: {  	v4 =	vld [tilespmem:s18+$0x40];
	v2 =	vor.u32 $0x20000, v1  }
0x1e5: {  	v3 =	vld [tilespmem:s18+$0x50];
	vm0 =	vge.s32 v7, v2  }
0x1e6: {  	vm1 =	vge.s32 v5, v2;
	v5 =	vld [tilespmem:s18+$0x60];
	v9 =	vmpcnt.ones.xlane vm0  }
0x1e7: {  	s17 =	simm.s32 $0x400;
	s16 =	simm.s32 $0x80;
	v10 =	vimm.s32 $0x0;
	v7 =	vld [tilespmem:s18+$0x70];
	v8 =	vmpcnt.ones.xlane vm1;
	vm0 =	vge.s32 v11, v2  }
.LBB2_32:
0x1e8: {  	p0 =	sne.s32 s17, $0x8A00;
	v11 =	vld [tilespmem:s16+$0x0];
	v9 =	vadd.s32 v10, v9;
	v10 =	vmpcnt.ones.xlane vm0;
	vm0 =	vge.s32 v6, v2  }
0x1e9: {  	v12 =	vld [tilespmem:s16+$0x10];
	v6 =	vadd.s32 v8, v9;
	v8 =	vmpcnt.ones.xlane vm0;
	vm0 =	vge.s32 v4, v2  }
0x1ea: {  	v13 =	vld [tilespmem:s16+$0x20];
	v4 =	vadd.s32 v10, v6;
	v9 =	vmpcnt.ones.xlane vm0;
	vm0 =	vge.s32 v3, v2  }
.Ltmp15:
0x1eb: {  	v6 =	vld [tilespmem:s16+$0x30];
	v3 =	vadd.s32 v8, v4;
	v8 =	vmpcnt.ones.xlane vm0;
	vm0 =	vge.s32 v5, v2;
	(pc) =	sbr.rel @p0 .LBB2_32-.Ltmp15, $4  }
0x1ec: {  	v4 =	vld [tilespmem:s16+$0x40];
	v5 =	vadd.s32 v9, v3;
	v10 =	vmpcnt.ones.xlane vm0;
	vm0 =	vge.s32 v7, v2  }
0x1ed: {  	vm1 =	vge.s32 v11, v2;
	v3 =	vld [tilespmem:s16+$0x50];
	v7 =	vadd.s32 v8, v5;
	v11 =	vmpcnt.ones.xlane vm0  }
0x1ee: {  	v9 =	vmpcnt.ones.xlane vm1;
	vm0 =	vge.s32 v12, v2;
	v5 =	vld [tilespmem:s16+$0x60];
	v10 =	vadd.s32 v10, v7  }
0x1ef: {  	v8 =	vmpcnt.ones.xlane vm0;
	vm0 =	vge.s32 v13, v2;
	v7 =	vld [tilespmem:s16+$0x70];
	s16 =	sshra.s32 s17, $0x2;
	s17 =	sadd.s32 $0x200, s17;
	v10 =	vadd.s32 v11, v10  }
0x1f0: {  	v11 =	vld [tilespmem:s16+$0x0];
	v9 =	vadd.s32 v10, v9;
	v10 =	vmpcnt.ones.xlane vm0;
	vm0 =	vge.s32 v6, v2  }
0x1f1: {  	v6 =	vld [tilespmem:s16+$0x10];
	v8 =	vadd.s32 v8, v9;
	v9 =	vmpcnt.ones.xlane vm0;
	vm0 =	vge.s32 v4, v2  }
0x1f2: {  	v4 =	vld [tilespmem:s16+$0x20];
	v8 =	vadd.s32 v10, v8;
	v10 =	vmpcnt.ones.xlane vm0;
	vm0 =	vge.s32 v3, v2  }
0x1f3: {  	v3 =	vld [tilespmem:s16+$0x30];
	v8 =	vadd.s32 v9, v8;
	v9 =	vmpcnt.ones.xlane vm0;
	vm0 =	vge.s32 v5, v2  }
0x1f4: {  	v5 =	vld [tilespmem:s16+$0x40];
	v8 =	vadd.s32 v10, v8;
	v10 =	vmpcnt.ones.xlane vm0;
	vm0 =	vge.s32 v7, v2  }
0x1f5: {  	v7 =	vld [tilespmem:s16+$0x50];
	vm1 =	vge.s32 v11, v2;
	v8 =	vadd.s32 v9, v8;
	v9 =	vmpcnt.ones.xlane vm0  }
0x1f6: {  	vm0 =	vge.s32 v6, v2;
	v6 =	vld [tilespmem:s16+$0x60];
	v11 =	vmpcnt.ones.xlane vm1;
	v8 =	vadd.s32 v10, v8  }
0x1f7: {  	v10 =	vmpcnt.ones.xlane vm0;
	vm0 =	vge.s32 v4, v2;
	v4 =	vld [tilespmem:s16+$0x70];
	v8 =	vadd.s32 v9, v8  }
0x1f8: {  	v9 =	vmpcnt.ones.xlane vm0;
	vm0 =	vge.s32 v3, v2;
	v8 =	vadd.s32 v8, v11  }
0x1f9: {  	v3 =	vadd.s32 v10, v8;
	v8 =	vmpcnt.ones.xlane vm0;
	vm0 =	vge.s32 v5, v2  }
0x1fa: {  	v3 =	vadd.s32 v9, v3;
	v5 =	vmpcnt.ones.xlane vm0;
	vm0 =	vge.s32 v7, v2  }
0x1fb: {  	v3 =	vadd.s32 v8, v3;
	v7 =	vmpcnt.ones.xlane vm0;
	vm0 =	vge.s32 v6, v2  }
0x1fc: {  	v3 =	vadd.s32 v5, v3;
	v5 =	vmpcnt.ones.xlane vm0;
	vm0 =	vge.s32 v4, v2  }
0x1fd: {  	s18 =	simm.s32 $0x0;
	v3 =	vadd.s32 v7, v3;
	v4 =	vmpcnt.ones.xlane vm0  }
0x1fe: {  	v7 =	vld [tilespmem:s18+$0x0];
	v3 =	vadd.s32 v5, v3  }
0x1ff: {  	v5 =	vld [tilespmem:s18+$0x10];
	v3 =	vadd.s32 v4, v3  }
0x200: {  	v11 =	vld [tilespmem:s18+$0x20];
	vm0 =	vlt.s32 v3, v0  }
0x201: {  	v6 =	vld [tilespmem:s18+$0x30];
	v1 =	vsel vm0, v1, v2  }
0x202: {  	v4 =	vld [tilespmem:s18+$0x40];
	v2 =	vor.u32 $0x10000, v1  }
0x203: {  	v3 =	vld [tilespmem:s18+$0x50];
	vm0 =	vge.s32 v7, v2  }
0x204: {  	vm1 =	vge.s32 v5, v2;
	v5 =	vld [tilespmem:s18+$0x60];
	v9 =	vmpcnt.ones.xlane vm0  }
0x205: {  	s17 =	simm.s32 $0x400;
	s16 =	simm.s32 $0x80;
	v10 =	vimm.s32 $0x0;
	v7 =	vld [tilespmem:s18+$0x70];
	v8 =	vmpcnt.ones.xlane vm1;
	vm0 =	vge.s32 v11, v2  }
.LBB2_34:
0x206: {  	p0 =	sne.s32 s17, $0x8A00;
	v11 =	vld [tilespmem:s16+$0x0];
	v9 =	vadd.s32 v10, v9;
	v10 =	vmpcnt.ones.xlane vm0;
	vm0 =	vge.s32 v6, v2  }
0x207: {  	v12 =	vld [tilespmem:s16+$0x10];
	v6 =	vadd.s32 v8, v9;
	v8 =	vmpcnt.ones.xlane vm0;
	vm0 =	vge.s32 v4, v2  }
0x208: {  	v13 =	vld [tilespmem:s16+$0x20];
	v4 =	vadd.s32 v10, v6;
	v9 =	vmpcnt.ones.xlane vm0;
	vm0 =	vge.s32 v3, v2  }
.Ltmp16:
0x209: {  	v6 =	vld [tilespmem:s16+$0x30];
	v3 =	vadd.s32 v8, v4;
	v8 =	vmpcnt.ones.xlane vm0;
	vm0 =	vge.s32 v5, v2;
	(pc) =	sbr.rel @p0 .LBB2_34-.Ltmp16, $4  }
0x20a: {  	v4 =	vld [tilespmem:s16+$0x40];
	v5 =	vadd.s32 v9, v3;
	v10 =	vmpcnt.ones.xlane vm0;
	vm0 =	vge.s32 v7, v2  }
0x20b: {  	vm1 =	vge.s32 v11, v2;
	v3 =	vld [tilespmem:s16+$0x50];
	v7 =	vadd.s32 v8, v5;
	v11 =	vmpcnt.ones.xlane vm0  }
0x20c: {  	v9 =	vmpcnt.ones.xlane vm1;
	vm0 =	vge.s32 v12, v2;
	v5 =	vld [tilespmem:s16+$0x60];
	v10 =	vadd.s32 v10, v7  }
0x20d: {  	v8 =	vmpcnt.ones.xlane vm0;
	vm0 =	vge.s32 v13, v2;
	v7 =	vld [tilespmem:s16+$0x70];
	s16 =	sshra.s32 s17, $0x2;
	s17 =	sadd.s32 $0x200, s17;
	v10 =	vadd.s32 v11, v10  }
0x20e: {  	v11 =	vld [tilespmem:s16+$0x0];
	v9 =	vadd.s32 v10, v9;
	v10 =	vmpcnt.ones.xlane vm0;
	vm0 =	vge.s32 v6, v2  }
0x20f: {  	v6 =	vld [tilespmem:s16+$0x10];
	v8 =	vadd.s32 v8, v9;
	v9 =	vmpcnt.ones.xlane vm0;
	vm0 =	vge.s32 v4, v2  }
0x210: {  	v4 =	vld [tilespmem:s16+$0x20];
	v8 =	vadd.s32 v10, v8;
	v10 =	vmpcnt.ones.xlane vm0;
	vm0 =	vge.s32 v3, v2  }
0x211: {  	v3 =	vld [tilespmem:s16+$0x30];
	v8 =	vadd.s32 v9, v8;
	v9 =	vmpcnt.ones.xlane vm0;
	vm0 =	vge.s32 v5, v2  }
0x212: {  	v5 =	vld [tilespmem:s16+$0x40];
	v8 =	vadd.s32 v10, v8;
	v10 =	vmpcnt.ones.xlane vm0;
	vm0 =	vge.s32 v7, v2  }
0x213: {  	v7 =	vld [tilespmem:s16+$0x50];
	vm1 =	vge.s32 v11, v2;
	v8 =	vadd.s32 v9, v8;
	v9 =	vmpcnt.ones.xlane vm0  }
0x214: {  	vm0 =	vge.s32 v6, v2;
	v6 =	vld [tilespmem:s16+$0x60];
	v11 =	vmpcnt.ones.xlane vm1;
	v8 =	vadd.s32 v10, v8  }
0x215: {  	v10 =	vmpcnt.ones.xlane vm0;
	vm0 =	vge.s32 v4, v2;
	v4 =	vld [tilespmem:s16+$0x70];
	v8 =	vadd.s32 v9, v8  }
0x216: {  	v9 =	vmpcnt.ones.xlane vm0;
	vm0 =	vge.s32 v3, v2;
	v8 =	vadd.s32 v8, v11  }
0x217: {  	v3 =	vadd.s32 v10, v8;
	v8 =	vmpcnt.ones.xlane vm0;
	vm0 =	vge.s32 v5, v2  }
0x218: {  	v3 =	vadd.s32 v9, v3;
	v5 =	vmpcnt.ones.xlane vm0;
	vm0 =	vge.s32 v7, v2  }
0x219: {  	v3 =	vadd.s32 v8, v3;
	v7 =	vmpcnt.ones.xlane vm0;
	vm0 =	vge.s32 v6, v2  }
0x21a: {  	v3 =	vadd.s32 v5, v3;
	v5 =	vmpcnt.ones.xlane vm0;
	vm0 =	vge.s32 v4, v2  }
0x21b: {  	s18 =	simm.s32 $0x0;
	v3 =	vadd.s32 v7, v3;
	v4 =	vmpcnt.ones.xlane vm0  }
0x21c: {  	v7 =	vld [tilespmem:s18+$0x0];
	v3 =	vadd.s32 v5, v3  }
0x21d: {  	v5 =	vld [tilespmem:s18+$0x10];
	v3 =	vadd.s32 v4, v3  }
0x21e: {  	v11 =	vld [tilespmem:s18+$0x20];
	vm0 =	vlt.s32 v3, v0  }
0x21f: {  	v6 =	vld [tilespmem:s18+$0x30];
	v1 =	vsel vm0, v1, v2  }
0x220: {  	v4 =	vld [tilespmem:s18+$0x40];
	v2 =	vor.u32 $0x8000, v1  }
0x221: {  	v3 =	vld [tilespmem:s18+$0x50];
	vm0 =	vge.s32 v7, v2  }
0x222: {  	vm1 =	vge.s32 v5, v2;
	v5 =	vld [tilespmem:s18+$0x60];
	v9 =	vmpcnt.ones.xlane vm0  }
0x223: {  	s17 =	simm.s32 $0x400;
	s16 =	simm.s32 $0x80;
	v10 =	vimm.s32 $0x0;
	v7 =	vld [tilespmem:s18+$0x70];
	v8 =	vmpcnt.ones.xlane vm1;
	vm0 =	vge.s32 v11, v2  }
.LBB2_36:
0x224: {  	p0 =	sne.s32 s17, $0x8A00;
	v11 =	vld [tilespmem:s16+$0x0];
	v9 =	vadd.s32 v10, v9;
	v10 =	vmpcnt.ones.xlane vm0;
	vm0 =	vge.s32 v6, v2  }
0x225: {  	v12 =	vld [tilespmem:s16+$0x10];
	v6 =	vadd.s32 v8, v9;
	v8 =	vmpcnt.ones.xlane vm0;
	vm0 =	vge.s32 v4, v2  }
0x226: {  	v13 =	vld [tilespmem:s16+$0x20];
	v4 =	vadd.s32 v10, v6;
	v9 =	vmpcnt.ones.xlane vm0;
	vm0 =	vge.s32 v3, v2  }
.Ltmp17:
0x227: {  	v6 =	vld [tilespmem:s16+$0x30];
	v3 =	vadd.s32 v8, v4;
	v8 =	vmpcnt.ones.xlane vm0;
	vm0 =	vge.s32 v5, v2;
	(pc) =	sbr.rel @p0 .LBB2_36-.Ltmp17, $4  }
0x228: {  	v4 =	vld [tilespmem:s16+$0x40];
	v5 =	vadd.s32 v9, v3;
	v10 =	vmpcnt.ones.xlane vm0;
	vm0 =	vge.s32 v7, v2  }
0x229: {  	vm1 =	vge.s32 v11, v2;
	v3 =	vld [tilespmem:s16+$0x50];
	v7 =	vadd.s32 v8, v5;
	v11 =	vmpcnt.ones.xlane vm0  }
0x22a: {  	v9 =	vmpcnt.ones.xlane vm1;
	vm0 =	vge.s32 v12, v2;
	v5 =	vld [tilespmem:s16+$0x60];
	v10 =	vadd.s32 v10, v7  }
0x22b: {  	v8 =	vmpcnt.ones.xlane vm0;
	vm0 =	vge.s32 v13, v2;
	v7 =	vld [tilespmem:s16+$0x70];
	s16 =	sshra.s32 s17, $0x2;
	s17 =	sadd.s32 $0x200, s17;
	v10 =	vadd.s32 v11, v10  }
0x22c: {  	v11 =	vld [tilespmem:s16+$0x0];
	v9 =	vadd.s32 v10, v9;
	v10 =	vmpcnt.ones.xlane vm0;
	vm0 =	vge.s32 v6, v2  }
0x22d: {  	v6 =	vld [tilespmem:s16+$0x10];
	v8 =	vadd.s32 v8, v9;
	v9 =	vmpcnt.ones.xlane vm0;
	vm0 =	vge.s32 v4, v2  }
0x22e: {  	v4 =	vld [tilespmem:s16+$0x20];
	v8 =	vadd.s32 v10, v8;
	v10 =	vmpcnt.ones.xlane vm0;
	vm0 =	vge.s32 v3, v2  }
0x22f: {  	v3 =	vld [tilespmem:s16+$0x30];
	v8 =	vadd.s32 v9, v8;
	v9 =	vmpcnt.ones.xlane vm0;
	vm0 =	vge.s32 v5, v2  }
0x230: {  	v5 =	vld [tilespmem:s16+$0x40];
	v8 =	vadd.s32 v10, v8;
	v10 =	vmpcnt.ones.xlane vm0;
	vm0 =	vge.s32 v7, v2  }
0x231: {  	v7 =	vld [tilespmem:s16+$0x50];
	vm1 =	vge.s32 v11, v2;
	v8 =	vadd.s32 v9, v8;
	v9 =	vmpcnt.ones.xlane vm0  }
0x232: {  	vm0 =	vge.s32 v6, v2;
	v6 =	vld [tilespmem:s16+$0x60];
	v11 =	vmpcnt.ones.xlane vm1;
	v8 =	vadd.s32 v10, v8  }
0x233: {  	v10 =	vmpcnt.ones.xlane vm0;
	vm0 =	vge.s32 v4, v2;
	v4 =	vld [tilespmem:s16+$0x70];
	v8 =	vadd.s32 v9, v8  }
0x234: {  	v9 =	vmpcnt.ones.xlane vm0;
	vm0 =	vge.s32 v3, v2;
	v8 =	vadd.s32 v8, v11  }
0x235: {  	v3 =	vadd.s32 v10, v8;
	v8 =	vmpcnt.ones.xlane vm0;
	vm0 =	vge.s32 v5, v2  }
0x236: {  	v3 =	vadd.s32 v9, v3;
	v5 =	vmpcnt.ones.xlane vm0;
	vm0 =	vge.s32 v7, v2  }
0x237: {  	v3 =	vadd.s32 v8, v3;
	v7 =	vmpcnt.ones.xlane vm0;
	vm0 =	vge.s32 v6, v2  }
0x238: {  	v3 =	vadd.s32 v5, v3;
	v5 =	vmpcnt.ones.xlane vm0;
	vm0 =	vge.s32 v4, v2  }
0x239: {  	s18 =	simm.s32 $0x0;
	v3 =	vadd.s32 v7, v3;
	v4 =	vmpcnt.ones.xlane vm0  }
0x23a: {  	v7 =	vld [tilespmem:s18+$0x0];
	v3 =	vadd.s32 v5, v3  }
0x23b: {  	v5 =	vld [tilespmem:s18+$0x10];
	v3 =	vadd.s32 v4, v3  }
0x23c: {  	v11 =	vld [tilespmem:s18+$0x20];
	vm0 =	vlt.s32 v3, v0  }
0x23d: {  	v6 =	vld [tilespmem:s18+$0x30];
	v1 =	vsel vm0, v1, v2  }
0x23e: {  	v4 =	vld [tilespmem:s18+$0x40];
	v2 =	vor.u32 $0x4000, v1  }
0x23f: {  	v3 =	vld [tilespmem:s18+$0x50];
	vm0 =	vge.s32 v7, v2  }
0x240: {  	vm1 =	vge.s32 v5, v2;
	v5 =	vld [tilespmem:s18+$0x60];
	v9 =	vmpcnt.ones.xlane vm0  }
0x241: {  	s17 =	simm.s32 $0x400;
	s16 =	simm.s32 $0x80;
	v10 =	vimm.s32 $0x0;
	v7 =	vld [tilespmem:s18+$0x70];
	v8 =	vmpcnt.ones.xlane vm1;
	vm0 =	vge.s32 v11, v2  }
.LBB2_38:
0x242: {  	p0 =	sne.s32 s17, $0x8A00;
	v11 =	vld [tilespmem:s16+$0x0];
	v9 =	vadd.s32 v10, v9;
	v10 =	vmpcnt.ones.xlane vm0;
	vm0 =	vge.s32 v6, v2  }
0x243: {  	v12 =	vld [tilespmem:s16+$0x10];
	v6 =	vadd.s32 v8, v9;
	v8 =	vmpcnt.ones.xlane vm0;
	vm0 =	vge.s32 v4, v2  }
0x244: {  	v13 =	vld [tilespmem:s16+$0x20];
	v4 =	vadd.s32 v10, v6;
	v9 =	vmpcnt.ones.xlane vm0;
	vm0 =	vge.s32 v3, v2  }
.Ltmp18:
0x245: {  	v6 =	vld [tilespmem:s16+$0x30];
	v3 =	vadd.s32 v8, v4;
	v8 =	vmpcnt.ones.xlane vm0;
	vm0 =	vge.s32 v5, v2;
	(pc) =	sbr.rel @p0 .LBB2_38-.Ltmp18, $4  }
0x246: {  	v4 =	vld [tilespmem:s16+$0x40];
	v5 =	vadd.s32 v9, v3;
	v10 =	vmpcnt.ones.xlane vm0;
	vm0 =	vge.s32 v7, v2  }
0x247: {  	vm1 =	vge.s32 v11, v2;
	v3 =	vld [tilespmem:s16+$0x50];
	v7 =	vadd.s32 v8, v5;
	v11 =	vmpcnt.ones.xlane vm0  }
0x248: {  	v9 =	vmpcnt.ones.xlane vm1;
	vm0 =	vge.s32 v12, v2;
	v5 =	vld [tilespmem:s16+$0x60];
	v10 =	vadd.s32 v10, v7  }
0x249: {  	v8 =	vmpcnt.ones.xlane vm0;
	vm0 =	vge.s32 v13, v2;
	v7 =	vld [tilespmem:s16+$0x70];
	s16 =	sshra.s32 s17, $0x2;
	s17 =	sadd.s32 $0x200, s17;
	v10 =	vadd.s32 v11, v10  }
0x24a: {  	v11 =	vld [tilespmem:s16+$0x0];
	v9 =	vadd.s32 v10, v9;
	v10 =	vmpcnt.ones.xlane vm0;
	vm0 =	vge.s32 v6, v2  }
0x24b: {  	v6 =	vld [tilespmem:s16+$0x10];
	v8 =	vadd.s32 v8, v9;
	v9 =	vmpcnt.ones.xlane vm0;
	vm0 =	vge.s32 v4, v2  }
0x24c: {  	v4 =	vld [tilespmem:s16+$0x20];
	v8 =	vadd.s32 v10, v8;
	v10 =	vmpcnt.ones.xlane vm0;
	vm0 =	vge.s32 v3, v2  }
0x24d: {  	v3 =	vld [tilespmem:s16+$0x30];
	v8 =	vadd.s32 v9, v8;
	v9 =	vmpcnt.ones.xlane vm0;
	vm0 =	vge.s32 v5, v2  }
0x24e: {  	v5 =	vld [tilespmem:s16+$0x40];
	v8 =	vadd.s32 v10, v8;
	v10 =	vmpcnt.ones.xlane vm0;
	vm0 =	vge.s32 v7, v2  }
0x24f: {  	v7 =	vld [tilespmem:s16+$0x50];
	vm1 =	vge.s32 v11, v2;
	v8 =	vadd.s32 v9, v8;
	v9 =	vmpcnt.ones.xlane vm0  }
0x250: {  	vm0 =	vge.s32 v6, v2;
	v6 =	vld [tilespmem:s16+$0x60];
	v11 =	vmpcnt.ones.xlane vm1;
	v8 =	vadd.s32 v10, v8  }
0x251: {  	v10 =	vmpcnt.ones.xlane vm0;
	vm0 =	vge.s32 v4, v2;
	v4 =	vld [tilespmem:s16+$0x70];
	v8 =	vadd.s32 v9, v8  }
0x252: {  	v9 =	vmpcnt.ones.xlane vm0;
	vm0 =	vge.s32 v3, v2;
	v8 =	vadd.s32 v8, v11  }
0x253: {  	v3 =	vadd.s32 v10, v8;
	v8 =	vmpcnt.ones.xlane vm0;
	vm0 =	vge.s32 v5, v2  }
0x254: {  	v3 =	vadd.s32 v9, v3;
	v5 =	vmpcnt.ones.xlane vm0;
	vm0 =	vge.s32 v7, v2  }
0x255: {  	v3 =	vadd.s32 v8, v3;
	v7 =	vmpcnt.ones.xlane vm0;
	vm0 =	vge.s32 v6, v2  }
0x256: {  	v3 =	vadd.s32 v5, v3;
	v5 =	vmpcnt.ones.xlane vm0;
	vm0 =	vge.s32 v4, v2  }
0x257: {  	s18 =	simm.s32 $0x0;
	v3 =	vadd.s32 v7, v3;
	v4 =	vmpcnt.ones.xlane vm0  }
0x258: {  	v7 =	vld [tilespmem:s18+$0x0];
	v3 =	vadd.s32 v5, v3  }
0x259: {  	v5 =	vld [tilespmem:s18+$0x10];
	v3 =	vadd.s32 v4, v3  }
0x25a: {  	v11 =	vld [tilespmem:s18+$0x20];
	vm0 =	vlt.s32 v3, v0  }
0x25b: {  	v6 =	vld [tilespmem:s18+$0x30];
	v1 =	vsel vm0, v1, v2  }
0x25c: {  	v4 =	vld [tilespmem:s18+$0x40];
	v2 =	vor.u32 $0x2000, v1  }
0x25d: {  	v3 =	vld [tilespmem:s18+$0x50];
	vm0 =	vge.s32 v7, v2  }
0x25e: {  	vm1 =	vge.s32 v5, v2;
	v5 =	vld [tilespmem:s18+$0x60];
	v9 =	vmpcnt.ones.xlane vm0  }
0x25f: {  	s17 =	simm.s32 $0x400;
	s16 =	simm.s32 $0x80;
	v10 =	vimm.s32 $0x0;
	v7 =	vld [tilespmem:s18+$0x70];
	v8 =	vmpcnt.ones.xlane vm1;
	vm0 =	vge.s32 v11, v2  }
.LBB2_40:
0x260: {  	p0 =	sne.s32 s17, $0x8A00;
	v11 =	vld [tilespmem:s16+$0x0];
	v9 =	vadd.s32 v10, v9;
	v10 =	vmpcnt.ones.xlane vm0;
	vm0 =	vge.s32 v6, v2  }
0x261: {  	v12 =	vld [tilespmem:s16+$0x10];
	v6 =	vadd.s32 v8, v9;
	v8 =	vmpcnt.ones.xlane vm0;
	vm0 =	vge.s32 v4, v2  }
0x262: {  	v13 =	vld [tilespmem:s16+$0x20];
	v4 =	vadd.s32 v10, v6;
	v9 =	vmpcnt.ones.xlane vm0;
	vm0 =	vge.s32 v3, v2  }
.Ltmp19:
0x263: {  	v6 =	vld [tilespmem:s16+$0x30];
	v3 =	vadd.s32 v8, v4;
	v8 =	vmpcnt.ones.xlane vm0;
	vm0 =	vge.s32 v5, v2;
	(pc) =	sbr.rel @p0 .LBB2_40-.Ltmp19, $4  }
0x264: {  	v4 =	vld [tilespmem:s16+$0x40];
	v5 =	vadd.s32 v9, v3;
	v10 =	vmpcnt.ones.xlane vm0;
	vm0 =	vge.s32 v7, v2  }
0x265: {  	vm1 =	vge.s32 v11, v2;
	v3 =	vld [tilespmem:s16+$0x50];
	v7 =	vadd.s32 v8, v5;
	v11 =	vmpcnt.ones.xlane vm0  }
0x266: {  	v9 =	vmpcnt.ones.xlane vm1;
	vm0 =	vge.s32 v12, v2;
	v5 =	vld [tilespmem:s16+$0x60];
	v10 =	vadd.s32 v10, v7  }
0x267: {  	v8 =	vmpcnt.ones.xlane vm0;
	vm0 =	vge.s32 v13, v2;
	v7 =	vld [tilespmem:s16+$0x70];
	s16 =	sshra.s32 s17, $0x2;
	s17 =	sadd.s32 $0x200, s17;
	v10 =	vadd.s32 v11, v10  }
0x268: {  	v11 =	vld [tilespmem:s16+$0x0];
	v9 =	vadd.s32 v10, v9;
	v10 =	vmpcnt.ones.xlane vm0;
	vm0 =	vge.s32 v6, v2  }
0x269: {  	v6 =	vld [tilespmem:s16+$0x10];
	v8 =	vadd.s32 v8, v9;
	v9 =	vmpcnt.ones.xlane vm0;
	vm0 =	vge.s32 v4, v2  }
0x26a: {  	v4 =	vld [tilespmem:s16+$0x20];
	v8 =	vadd.s32 v10, v8;
	v10 =	vmpcnt.ones.xlane vm0;
	vm0 =	vge.s32 v3, v2  }
0x26b: {  	v3 =	vld [tilespmem:s16+$0x30];
	v8 =	vadd.s32 v9, v8;
	v9 =	vmpcnt.ones.xlane vm0;
	vm0 =	vge.s32 v5, v2  }
0x26c: {  	v5 =	vld [tilespmem:s16+$0x40];
	v8 =	vadd.s32 v10, v8;
	v10 =	vmpcnt.ones.xlane vm0;
	vm0 =	vge.s32 v7, v2  }
0x26d: {  	v7 =	vld [tilespmem:s16+$0x50];
	vm1 =	vge.s32 v11, v2;
	v8 =	vadd.s32 v9, v8;
	v9 =	vmpcnt.ones.xlane vm0  }
0x26e: {  	vm0 =	vge.s32 v6, v2;
	v6 =	vld [tilespmem:s16+$0x60];
	v11 =	vmpcnt.ones.xlane vm1;
	v8 =	vadd.s32 v10, v8  }
0x26f: {  	v10 =	vmpcnt.ones.xlane vm0;
	vm0 =	vge.s32 v4, v2;
	v4 =	vld [tilespmem:s16+$0x70];
	v8 =	vadd.s32 v9, v8  }
0x270: {  	v9 =	vmpcnt.ones.xlane vm0;
	vm0 =	vge.s32 v3, v2;
	v8 =	vadd.s32 v8, v11  }
0x271: {  	v3 =	vadd.s32 v10, v8;
	v8 =	vmpcnt.ones.xlane vm0;
	vm0 =	vge.s32 v5, v2  }
0x272: {  	v3 =	vadd.s32 v9, v3;
	v5 =	vmpcnt.ones.xlane vm0;
	vm0 =	vge.s32 v7, v2  }
0x273: {  	v3 =	vadd.s32 v8, v3;
	v7 =	vmpcnt.ones.xlane vm0;
	vm0 =	vge.s32 v6, v2  }
0x274: {  	v3 =	vadd.s32 v5, v3;
	v5 =	vmpcnt.ones.xlane vm0;
	vm0 =	vge.s32 v4, v2  }
0x275: {  	s18 =	simm.s32 $0x0;
	v3 =	vadd.s32 v7, v3;
	v4 =	vmpcnt.ones.xlane vm0  }
0x276: {  	v7 =	vld [tilespmem:s18+$0x0];
	v3 =	vadd.s32 v5, v3  }
0x277: {  	v5 =	vld [tilespmem:s18+$0x10];
	v3 =	vadd.s32 v4, v3  }
0x278: {  	v11 =	vld [tilespmem:s18+$0x20];
	vm0 =	vlt.s32 v3, v0  }
0x279: {  	v6 =	vld [tilespmem:s18+$0x30];
	v1 =	vsel vm0, v1, v2  }
0x27a: {  	v4 =	vld [tilespmem:s18+$0x40];
	v2 =	vor.u32 $0x1000, v1  }
0x27b: {  	v3 =	vld [tilespmem:s18+$0x50];
	vm0 =	vge.s32 v7, v2  }
0x27c: {  	vm1 =	vge.s32 v5, v2;
	v5 =	vld [tilespmem:s18+$0x60];
	v9 =	vmpcnt.ones.xlane vm0  }
0x27d: {  	s17 =	simm.s32 $0x400;
	s16 =	simm.s32 $0x80;
	v10 =	vimm.s32 $0x0;
	v7 =	vld [tilespmem:s18+$0x70];
	v8 =	vmpcnt.ones.xlane vm1;
	vm0 =	vge.s32 v11, v2  }
.LBB2_42:
0x27e: {  	p0 =	sne.s32 s17, $0x8A00;
	v11 =	vld [tilespmem:s16+$0x0];
	v9 =	vadd.s32 v10, v9;
	v10 =	vmpcnt.ones.xlane vm0;
	vm0 =	vge.s32 v6, v2  }
0x27f: {  	v12 =	vld [tilespmem:s16+$0x10];
	v6 =	vadd.s32 v8, v9;
	v8 =	vmpcnt.ones.xlane vm0;
	vm0 =	vge.s32 v4, v2  }
0x280: {  	v13 =	vld [tilespmem:s16+$0x20];
	v4 =	vadd.s32 v10, v6;
	v9 =	vmpcnt.ones.xlane vm0;
	vm0 =	vge.s32 v3, v2  }
.Ltmp20:
0x281: {  	v6 =	vld [tilespmem:s16+$0x30];
	v3 =	vadd.s32 v8, v4;
	v8 =	vmpcnt.ones.xlane vm0;
	vm0 =	vge.s32 v5, v2;
	(pc) =	sbr.rel @p0 .LBB2_42-.Ltmp20, $4  }
0x282: {  	v4 =	vld [tilespmem:s16+$0x40];
	v5 =	vadd.s32 v9, v3;
	v10 =	vmpcnt.ones.xlane vm0;
	vm0 =	vge.s32 v7, v2  }
0x283: {  	vm1 =	vge.s32 v11, v2;
	v3 =	vld [tilespmem:s16+$0x50];
	v7 =	vadd.s32 v8, v5;
	v11 =	vmpcnt.ones.xlane vm0  }
0x284: {  	v9 =	vmpcnt.ones.xlane vm1;
	vm0 =	vge.s32 v12, v2;
	v5 =	vld [tilespmem:s16+$0x60];
	v10 =	vadd.s32 v10, v7  }
0x285: {  	v8 =	vmpcnt.ones.xlane vm0;
	vm0 =	vge.s32 v13, v2;
	v7 =	vld [tilespmem:s16+$0x70];
	s16 =	sshra.s32 s17, $0x2;
	s17 =	sadd.s32 $0x200, s17;
	v10 =	vadd.s32 v11, v10  }
0x286: {  	v11 =	vld [tilespmem:s16+$0x0];
	v9 =	vadd.s32 v10, v9;
	v10 =	vmpcnt.ones.xlane vm0;
	vm0 =	vge.s32 v6, v2  }
0x287: {  	v6 =	vld [tilespmem:s16+$0x10];
	v8 =	vadd.s32 v8, v9;
	v9 =	vmpcnt.ones.xlane vm0;
	vm0 =	vge.s32 v4, v2  }
0x288: {  	v4 =	vld [tilespmem:s16+$0x20];
	v8 =	vadd.s32 v10, v8;
	v10 =	vmpcnt.ones.xlane vm0;
	vm0 =	vge.s32 v3, v2  }
0x289: {  	v3 =	vld [tilespmem:s16+$0x30];
	v8 =	vadd.s32 v9, v8;
	v9 =	vmpcnt.ones.xlane vm0;
	vm0 =	vge.s32 v5, v2  }
0x28a: {  	v5 =	vld [tilespmem:s16+$0x40];
	v8 =	vadd.s32 v10, v8;
	v10 =	vmpcnt.ones.xlane vm0;
	vm0 =	vge.s32 v7, v2  }
0x28b: {  	v7 =	vld [tilespmem:s16+$0x50];
	vm1 =	vge.s32 v11, v2;
	v8 =	vadd.s32 v9, v8;
	v9 =	vmpcnt.ones.xlane vm0  }
0x28c: {  	vm0 =	vge.s32 v6, v2;
	v6 =	vld [tilespmem:s16+$0x60];
	v11 =	vmpcnt.ones.xlane vm1;
	v8 =	vadd.s32 v10, v8  }
0x28d: {  	v10 =	vmpcnt.ones.xlane vm0;
	vm0 =	vge.s32 v4, v2;
	v4 =	vld [tilespmem:s16+$0x70];
	v8 =	vadd.s32 v9, v8  }
0x28e: {  	v9 =	vmpcnt.ones.xlane vm0;
	vm0 =	vge.s32 v3, v2;
	v8 =	vadd.s32 v8, v11  }
0x28f: {  	v3 =	vadd.s32 v10, v8;
	v8 =	vmpcnt.ones.xlane vm0;
	vm0 =	vge.s32 v5, v2  }
0x290: {  	v3 =	vadd.s32 v9, v3;
	v5 =	vmpcnt.ones.xlane vm0;
	vm0 =	vge.s32 v7, v2  }
0x291: {  	v3 =	vadd.s32 v8, v3;
	v7 =	vmpcnt.ones.xlane vm0;
	vm0 =	vge.s32 v6, v2  }
0x292: {  	v3 =	vadd.s32 v5, v3;
	v5 =	vmpcnt.ones.xlane vm0;
	vm0 =	vge.s32 v4, v2  }
0x293: {  	s18 =	simm.s32 $0x0;
	v3 =	vadd.s32 v7, v3;
	v4 =	vmpcnt.ones.xlane vm0  }
0x294: {  	v7 =	vld [tilespmem:s18+$0x0];
	v3 =	vadd.s32 v5, v3  }
0x295: {  	v5 =	vld [tilespmem:s18+$0x10];
	v3 =	vadd.s32 v4, v3  }
0x296: {  	v11 =	vld [tilespmem:s18+$0x20];
	vm0 =	vlt.s32 v3, v0  }
0x297: {  	v6 =	vld [tilespmem:s18+$0x30];
	v1 =	vsel vm0, v1, v2  }
0x298: {  	v4 =	vld [tilespmem:s18+$0x40];
	v2 =	vor.u32 $0x800, v1  }
0x299: {  	v3 =	vld [tilespmem:s18+$0x50];
	vm0 =	vge.s32 v7, v2  }
0x29a: {  	vm1 =	vge.s32 v5, v2;
	v5 =	vld [tilespmem:s18+$0x60];
	v9 =	vmpcnt.ones.xlane vm0  }
0x29b: {  	s17 =	simm.s32 $0x400;
	s16 =	simm.s32 $0x80;
	v10 =	vimm.s32 $0x0;
	v7 =	vld [tilespmem:s18+$0x70];
	v8 =	vmpcnt.ones.xlane vm1;
	vm0 =	vge.s32 v11, v2  }
.LBB2_44:
0x29c: {  	p0 =	sne.s32 s17, $0x8A00;
	v11 =	vld [tilespmem:s16+$0x0];
	v9 =	vadd.s32 v10, v9;
	v10 =	vmpcnt.ones.xlane vm0;
	vm0 =	vge.s32 v6, v2  }
0x29d: {  	v12 =	vld [tilespmem:s16+$0x10];
	v6 =	vadd.s32 v8, v9;
	v8 =	vmpcnt.ones.xlane vm0;
	vm0 =	vge.s32 v4, v2  }
0x29e: {  	v13 =	vld [tilespmem:s16+$0x20];
	v4 =	vadd.s32 v10, v6;
	v9 =	vmpcnt.ones.xlane vm0;
	vm0 =	vge.s32 v3, v2  }
.Ltmp21:
0x29f: {  	v6 =	vld [tilespmem:s16+$0x30];
	v3 =	vadd.s32 v8, v4;
	v8 =	vmpcnt.ones.xlane vm0;
	vm0 =	vge.s32 v5, v2;
	(pc) =	sbr.rel @p0 .LBB2_44-.Ltmp21, $4  }
0x2a0: {  	v4 =	vld [tilespmem:s16+$0x40];
	v5 =	vadd.s32 v9, v3;
	v10 =	vmpcnt.ones.xlane vm0;
	vm0 =	vge.s32 v7, v2  }
0x2a1: {  	vm1 =	vge.s32 v11, v2;
	v3 =	vld [tilespmem:s16+$0x50];
	v7 =	vadd.s32 v8, v5;
	v11 =	vmpcnt.ones.xlane vm0  }
0x2a2: {  	v9 =	vmpcnt.ones.xlane vm1;
	vm0 =	vge.s32 v12, v2;
	v5 =	vld [tilespmem:s16+$0x60];
	v10 =	vadd.s32 v10, v7  }
0x2a3: {  	v8 =	vmpcnt.ones.xlane vm0;
	vm0 =	vge.s32 v13, v2;
	v7 =	vld [tilespmem:s16+$0x70];
	s16 =	sshra.s32 s17, $0x2;
	s17 =	sadd.s32 $0x200, s17;
	v10 =	vadd.s32 v11, v10  }
0x2a4: {  	v11 =	vld [tilespmem:s16+$0x0];
	v9 =	vadd.s32 v10, v9;
	v10 =	vmpcnt.ones.xlane vm0;
	vm0 =	vge.s32 v6, v2  }
0x2a5: {  	v6 =	vld [tilespmem:s16+$0x10];
	v8 =	vadd.s32 v8, v9;
	v9 =	vmpcnt.ones.xlane vm0;
	vm0 =	vge.s32 v4, v2  }
0x2a6: {  	v4 =	vld [tilespmem:s16+$0x20];
	v8 =	vadd.s32 v10, v8;
	v10 =	vmpcnt.ones.xlane vm0;
	vm0 =	vge.s32 v3, v2  }
0x2a7: {  	v3 =	vld [tilespmem:s16+$0x30];
	v8 =	vadd.s32 v9, v8;
	v9 =	vmpcnt.ones.xlane vm0;
	vm0 =	vge.s32 v5, v2  }
0x2a8: {  	v5 =	vld [tilespmem:s16+$0x40];
	v8 =	vadd.s32 v10, v8;
	v10 =	vmpcnt.ones.xlane vm0;
	vm0 =	vge.s32 v7, v2  }
0x2a9: {  	v7 =	vld [tilespmem:s16+$0x50];
	vm1 =	vge.s32 v11, v2;
	v8 =	vadd.s32 v9, v8;
	v9 =	vmpcnt.ones.xlane vm0  }
0x2aa: {  	vm0 =	vge.s32 v6, v2;
	v6 =	vld [tilespmem:s16+$0x60];
	v11 =	vmpcnt.ones.xlane vm1;
	v8 =	vadd.s32 v10, v8  }
0x2ab: {  	v10 =	vmpcnt.ones.xlane vm0;
	vm0 =	vge.s32 v4, v2;
	v4 =	vld [tilespmem:s16+$0x70];
	v8 =	vadd.s32 v9, v8  }
0x2ac: {  	v9 =	vmpcnt.ones.xlane vm0;
	vm0 =	vge.s32 v3, v2;
	v8 =	vadd.s32 v8, v11  }
0x2ad: {  	v3 =	vadd.s32 v10, v8;
	v8 =	vmpcnt.ones.xlane vm0;
	vm0 =	vge.s32 v5, v2  }
0x2ae: {  	v3 =	vadd.s32 v9, v3;
	v5 =	vmpcnt.ones.xlane vm0;
	vm0 =	vge.s32 v7, v2  }
0x2af: {  	v3 =	vadd.s32 v8, v3;
	v7 =	vmpcnt.ones.xlane vm0;
	vm0 =	vge.s32 v6, v2  }
0x2b0: {  	v3 =	vadd.s32 v5, v3;
	v5 =	vmpcnt.ones.xlane vm0;
	vm0 =	vge.s32 v4, v2  }
0x2b1: {  	s18 =	simm.s32 $0x0;
	v3 =	vadd.s32 v7, v3;
	v4 =	vmpcnt.ones.xlane vm0  }
0x2b2: {  	v7 =	vld [tilespmem:s18+$0x0];
	v3 =	vadd.s32 v5, v3  }
0x2b3: {  	v5 =	vld [tilespmem:s18+$0x10];
	v3 =	vadd.s32 v4, v3  }
0x2b4: {  	v11 =	vld [tilespmem:s18+$0x20];
	vm0 =	vlt.s32 v3, v0  }
0x2b5: {  	v6 =	vld [tilespmem:s18+$0x30];
	v1 =	vsel vm0, v1, v2  }
0x2b6: {  	v4 =	vld [tilespmem:s18+$0x40];
	v2 =	vor.u32 $0x400, v1  }
0x2b7: {  	v3 =	vld [tilespmem:s18+$0x50];
	vm0 =	vge.s32 v7, v2  }
0x2b8: {  	vm1 =	vge.s32 v5, v2;
	v5 =	vld [tilespmem:s18+$0x60];
	v9 =	vmpcnt.ones.xlane vm0  }
0x2b9: {  	s17 =	simm.s32 $0x400;
	s16 =	simm.s32 $0x80;
	v10 =	vimm.s32 $0x0;
	v7 =	vld [tilespmem:s18+$0x70];
	v8 =	vmpcnt.ones.xlane vm1;
	vm0 =	vge.s32 v11, v2  }
.LBB2_46:
0x2ba: {  	p0 =	sne.s32 s17, $0x8A00;
	v11 =	vld [tilespmem:s16+$0x0];
	v9 =	vadd.s32 v10, v9;
	v10 =	vmpcnt.ones.xlane vm0;
	vm0 =	vge.s32 v6, v2  }
0x2bb: {  	v12 =	vld [tilespmem:s16+$0x10];
	v6 =	vadd.s32 v8, v9;
	v8 =	vmpcnt.ones.xlane vm0;
	vm0 =	vge.s32 v4, v2  }
0x2bc: {  	v13 =	vld [tilespmem:s16+$0x20];
	v4 =	vadd.s32 v10, v6;
	v9 =	vmpcnt.ones.xlane vm0;
	vm0 =	vge.s32 v3, v2  }
.Ltmp22:
0x2bd: {  	v6 =	vld [tilespmem:s16+$0x30];
	v3 =	vadd.s32 v8, v4;
	v8 =	vmpcnt.ones.xlane vm0;
	vm0 =	vge.s32 v5, v2;
	(pc) =	sbr.rel @p0 .LBB2_46-.Ltmp22, $4  }
0x2be: {  	v4 =	vld [tilespmem:s16+$0x40];
	v5 =	vadd.s32 v9, v3;
	v10 =	vmpcnt.ones.xlane vm0;
	vm0 =	vge.s32 v7, v2  }
0x2bf: {  	vm1 =	vge.s32 v11, v2;
	v3 =	vld [tilespmem:s16+$0x50];
	v7 =	vadd.s32 v8, v5;
	v11 =	vmpcnt.ones.xlane vm0  }
0x2c0: {  	v9 =	vmpcnt.ones.xlane vm1;
	vm0 =	vge.s32 v12, v2;
	v5 =	vld [tilespmem:s16+$0x60];
	v10 =	vadd.s32 v10, v7  }
0x2c1: {  	v8 =	vmpcnt.ones.xlane vm0;
	vm0 =	vge.s32 v13, v2;
	v7 =	vld [tilespmem:s16+$0x70];
	s16 =	sshra.s32 s17, $0x2;
	s17 =	sadd.s32 $0x200, s17;
	v10 =	vadd.s32 v11, v10  }
0x2c2: {  	v11 =	vld [tilespmem:s16+$0x0];
	v9 =	vadd.s32 v10, v9;
	v10 =	vmpcnt.ones.xlane vm0;
	vm0 =	vge.s32 v6, v2  }
0x2c3: {  	v6 =	vld [tilespmem:s16+$0x10];
	v8 =	vadd.s32 v8, v9;
	v9 =	vmpcnt.ones.xlane vm0;
	vm0 =	vge.s32 v4, v2  }
0x2c4: {  	v4 =	vld [tilespmem:s16+$0x20];
	v8 =	vadd.s32 v10, v8;
	v10 =	vmpcnt.ones.xlane vm0;
	vm0 =	vge.s32 v3, v2  }
0x2c5: {  	v3 =	vld [tilespmem:s16+$0x30];
	v8 =	vadd.s32 v9, v8;
	v9 =	vmpcnt.ones.xlane vm0;
	vm0 =	vge.s32 v5, v2  }
0x2c6: {  	v5 =	vld [tilespmem:s16+$0x40];
	v8 =	vadd.s32 v10, v8;
	v10 =	vmpcnt.ones.xlane vm0;
	vm0 =	vge.s32 v7, v2  }
0x2c7: {  	v7 =	vld [tilespmem:s16+$0x50];
	vm1 =	vge.s32 v11, v2;
	v8 =	vadd.s32 v9, v8;
	v9 =	vmpcnt.ones.xlane vm0  }
0x2c8: {  	vm0 =	vge.s32 v6, v2;
	v6 =	vld [tilespmem:s16+$0x60];
	v11 =	vmpcnt.ones.xlane vm1;
	v8 =	vadd.s32 v10, v8  }
0x2c9: {  	v10 =	vmpcnt.ones.xlane vm0;
	vm0 =	vge.s32 v4, v2;
	v4 =	vld [tilespmem:s16+$0x70];
	v8 =	vadd.s32 v9, v8  }
0x2ca: {  	v9 =	vmpcnt.ones.xlane vm0;
	vm0 =	vge.s32 v3, v2;
	v8 =	vadd.s32 v8, v11  }
0x2cb: {  	v3 =	vadd.s32 v10, v8;
	v8 =	vmpcnt.ones.xlane vm0;
	vm0 =	vge.s32 v5, v2  }
0x2cc: {  	v3 =	vadd.s32 v9, v3;
	v5 =	vmpcnt.ones.xlane vm0;
	vm0 =	vge.s32 v7, v2  }
0x2cd: {  	v3 =	vadd.s32 v8, v3;
	v7 =	vmpcnt.ones.xlane vm0;
	vm0 =	vge.s32 v6, v2  }
0x2ce: {  	v3 =	vadd.s32 v5, v3;
	v5 =	vmpcnt.ones.xlane vm0;
	vm0 =	vge.s32 v4, v2  }
0x2cf: {  	s18 =	simm.s32 $0x0;
	v3 =	vadd.s32 v7, v3;
	v4 =	vmpcnt.ones.xlane vm0  }
0x2d0: {  	v7 =	vld [tilespmem:s18+$0x0];
	v3 =	vadd.s32 v5, v3  }
0x2d1: {  	v5 =	vld [tilespmem:s18+$0x10];
	v3 =	vadd.s32 v4, v3  }
0x2d2: {  	v11 =	vld [tilespmem:s18+$0x20];
	vm0 =	vlt.s32 v3, v0  }
0x2d3: {  	v6 =	vld [tilespmem:s18+$0x30];
	v1 =	vsel vm0, v1, v2  }
0x2d4: {  	v4 =	vld [tilespmem:s18+$0x40];
	v2 =	vor.u32 $0x200, v1  }
0x2d5: {  	v3 =	vld [tilespmem:s18+$0x50];
	vm0 =	vge.s32 v7, v2  }
0x2d6: {  	vm1 =	vge.s32 v5, v2;
	v5 =	vld [tilespmem:s18+$0x60];
	v9 =	vmpcnt.ones.xlane vm0  }
0x2d7: {  	s17 =	simm.s32 $0x400;
	s16 =	simm.s32 $0x80;
	v10 =	vimm.s32 $0x0;
	v7 =	vld [tilespmem:s18+$0x70];
	v8 =	vmpcnt.ones.xlane vm1;
	vm0 =	vge.s32 v11, v2  }
.LBB2_48:
0x2d8: {  	p0 =	sne.s32 s17, $0x8A00;
	v11 =	vld [tilespmem:s16+$0x0];
	v9 =	vadd.s32 v10, v9;
	v10 =	vmpcnt.ones.xlane vm0;
	vm0 =	vge.s32 v6, v2  }
0x2d9: {  	v12 =	vld [tilespmem:s16+$0x10];
	v6 =	vadd.s32 v8, v9;
	v8 =	vmpcnt.ones.xlane vm0;
	vm0 =	vge.s32 v4, v2  }
0x2da: {  	v13 =	vld [tilespmem:s16+$0x20];
	v4 =	vadd.s32 v10, v6;
	v9 =	vmpcnt.ones.xlane vm0;
	vm0 =	vge.s32 v3, v2  }
.Ltmp23:
0x2db: {  	v6 =	vld [tilespmem:s16+$0x30];
	v3 =	vadd.s32 v8, v4;
	v8 =	vmpcnt.ones.xlane vm0;
	vm0 =	vge.s32 v5, v2;
	(pc) =	sbr.rel @p0 .LBB2_48-.Ltmp23, $4  }
0x2dc: {  	v4 =	vld [tilespmem:s16+$0x40];
	v5 =	vadd.s32 v9, v3;
	v10 =	vmpcnt.ones.xlane vm0;
	vm0 =	vge.s32 v7, v2  }
0x2dd: {  	vm1 =	vge.s32 v11, v2;
	v3 =	vld [tilespmem:s16+$0x50];
	v7 =	vadd.s32 v8, v5;
	v11 =	vmpcnt.ones.xlane vm0  }
0x2de: {  	v9 =	vmpcnt.ones.xlane vm1;
	vm0 =	vge.s32 v12, v2;
	v5 =	vld [tilespmem:s16+$0x60];
	v10 =	vadd.s32 v10, v7  }
0x2df: {  	v8 =	vmpcnt.ones.xlane vm0;
	vm0 =	vge.s32 v13, v2;
	v7 =	vld [tilespmem:s16+$0x70];
	s16 =	sshra.s32 s17, $0x2;
	s17 =	sadd.s32 $0x200, s17;
	v10 =	vadd.s32 v11, v10  }
0x2e0: {  	v11 =	vld [tilespmem:s16+$0x0];
	v9 =	vadd.s32 v10, v9;
	v10 =	vmpcnt.ones.xlane vm0;
	vm0 =	vge.s32 v6, v2  }
0x2e1: {  	v6 =	vld [tilespmem:s16+$0x10];
	v8 =	vadd.s32 v8, v9;
	v9 =	vmpcnt.ones.xlane vm0;
	vm0 =	vge.s32 v4, v2  }
0x2e2: {  	v4 =	vld [tilespmem:s16+$0x20];
	v8 =	vadd.s32 v10, v8;
	v10 =	vmpcnt.ones.xlane vm0;
	vm0 =	vge.s32 v3, v2  }
0x2e3: {  	v3 =	vld [tilespmem:s16+$0x30];
	v8 =	vadd.s32 v9, v8;
	v9 =	vmpcnt.ones.xlane vm0;
	vm0 =	vge.s32 v5, v2  }
0x2e4: {  	v5 =	vld [tilespmem:s16+$0x40];
	v8 =	vadd.s32 v10, v8;
	v10 =	vmpcnt.ones.xlane vm0;
	vm0 =	vge.s32 v7, v2  }
0x2e5: {  	v7 =	vld [tilespmem:s16+$0x50];
	vm1 =	vge.s32 v11, v2;
	v8 =	vadd.s32 v9, v8;
	v9 =	vmpcnt.ones.xlane vm0  }
0x2e6: {  	vm0 =	vge.s32 v6, v2;
	v6 =	vld [tilespmem:s16+$0x60];
	v11 =	vmpcnt.ones.xlane vm1;
	v8 =	vadd.s32 v10, v8  }
0x2e7: {  	v10 =	vmpcnt.ones.xlane vm0;
	vm0 =	vge.s32 v4, v2;
	v4 =	vld [tilespmem:s16+$0x70];
	v8 =	vadd.s32 v9, v8  }
0x2e8: {  	v9 =	vmpcnt.ones.xlane vm0;
	vm0 =	vge.s32 v3, v2;
	v8 =	vadd.s32 v8, v11  }
0x2e9: {  	v3 =	vadd.s32 v10, v8;
	v8 =	vmpcnt.ones.xlane vm0;
	vm0 =	vge.s32 v5, v2  }
0x2ea: {  	v3 =	vadd.s32 v9, v3;
	v5 =	vmpcnt.ones.xlane vm0;
	vm0 =	vge.s32 v7, v2  }
0x2eb: {  	v3 =	vadd.s32 v8, v3;
	v7 =	vmpcnt.ones.xlane vm0;
	vm0 =	vge.s32 v6, v2  }
0x2ec: {  	v3 =	vadd.s32 v5, v3;
	v5 =	vmpcnt.ones.xlane vm0;
	vm0 =	vge.s32 v4, v2  }
0x2ed: {  	s18 =	simm.s32 $0x0;
	v3 =	vadd.s32 v7, v3;
	v4 =	vmpcnt.ones.xlane vm0  }
0x2ee: {  	v7 =	vld [tilespmem:s18+$0x0];
	v3 =	vadd.s32 v5, v3  }
0x2ef: {  	v5 =	vld [tilespmem:s18+$0x10];
	v3 =	vadd.s32 v4, v3  }
0x2f0: {  	v11 =	vld [tilespmem:s18+$0x20];
	vm0 =	vlt.s32 v3, v0  }
0x2f1: {  	v6 =	vld [tilespmem:s18+$0x30];
	v1 =	vsel vm0, v1, v2  }
0x2f2: {  	v4 =	vld [tilespmem:s18+$0x40];
	v2 =	vor.u32 $0x100, v1  }
0x2f3: {  	v3 =	vld [tilespmem:s18+$0x50];
	vm0 =	vge.s32 v7, v2  }
0x2f4: {  	vm1 =	vge.s32 v5, v2;
	v5 =	vld [tilespmem:s18+$0x60];
	v9 =	vmpcnt.ones.xlane vm0  }
0x2f5: {  	s17 =	simm.s32 $0x400;
	s16 =	simm.s32 $0x80;
	v10 =	vimm.s32 $0x0;
	v7 =	vld [tilespmem:s18+$0x70];
	v8 =	vmpcnt.ones.xlane vm1;
	vm0 =	vge.s32 v11, v2  }
.LBB2_50:
0x2f6: {  	p0 =	sne.s32 s17, $0x8A00;
	v11 =	vld [tilespmem:s16+$0x0];
	v9 =	vadd.s32 v10, v9;
	v10 =	vmpcnt.ones.xlane vm0;
	vm0 =	vge.s32 v6, v2  }
0x2f7: {  	v12 =	vld [tilespmem:s16+$0x10];
	v6 =	vadd.s32 v8, v9;
	v8 =	vmpcnt.ones.xlane vm0;
	vm0 =	vge.s32 v4, v2  }
0x2f8: {  	v13 =	vld [tilespmem:s16+$0x20];
	v4 =	vadd.s32 v10, v6;
	v9 =	vmpcnt.ones.xlane vm0;
	vm0 =	vge.s32 v3, v2  }
.Ltmp24:
0x2f9: {  	v6 =	vld [tilespmem:s16+$0x30];
	v3 =	vadd.s32 v8, v4;
	v8 =	vmpcnt.ones.xlane vm0;
	vm0 =	vge.s32 v5, v2;
	(pc) =	sbr.rel @p0 .LBB2_50-.Ltmp24, $4  }
0x2fa: {  	v4 =	vld [tilespmem:s16+$0x40];
	v5 =	vadd.s32 v9, v3;
	v10 =	vmpcnt.ones.xlane vm0;
	vm0 =	vge.s32 v7, v2  }
0x2fb: {  	vm1 =	vge.s32 v11, v2;
	v3 =	vld [tilespmem:s16+$0x50];
	v7 =	vadd.s32 v8, v5;
	v11 =	vmpcnt.ones.xlane vm0  }
0x2fc: {  	v9 =	vmpcnt.ones.xlane vm1;
	vm0 =	vge.s32 v12, v2;
	v5 =	vld [tilespmem:s16+$0x60];
	v10 =	vadd.s32 v10, v7  }
0x2fd: {  	v8 =	vmpcnt.ones.xlane vm0;
	vm0 =	vge.s32 v13, v2;
	v7 =	vld [tilespmem:s16+$0x70];
	s16 =	sshra.s32 s17, $0x2;
	s17 =	sadd.s32 $0x200, s17;
	v10 =	vadd.s32 v11, v10  }
0x2fe: {  	v11 =	vld [tilespmem:s16+$0x0];
	v9 =	vadd.s32 v10, v9;
	v10 =	vmpcnt.ones.xlane vm0;
	vm0 =	vge.s32 v6, v2  }
0x2ff: {  	v6 =	vld [tilespmem:s16+$0x10];
	v8 =	vadd.s32 v8, v9;
	v9 =	vmpcnt.ones.xlane vm0;
	vm0 =	vge.s32 v4, v2  }
0x300: {  	v4 =	vld [tilespmem:s16+$0x20];
	v8 =	vadd.s32 v10, v8;
	v10 =	vmpcnt.ones.xlane vm0;
	vm0 =	vge.s32 v3, v2  }
0x301: {  	v3 =	vld [tilespmem:s16+$0x30];
	v8 =	vadd.s32 v9, v8;
	v9 =	vmpcnt.ones.xlane vm0;
	vm0 =	vge.s32 v5, v2  }
0x302: {  	v5 =	vld [tilespmem:s16+$0x40];
	v8 =	vadd.s32 v10, v8;
	v10 =	vmpcnt.ones.xlane vm0;
	vm0 =	vge.s32 v7, v2  }
0x303: {  	v7 =	vld [tilespmem:s16+$0x50];
	vm1 =	vge.s32 v11, v2;
	v8 =	vadd.s32 v9, v8;
	v9 =	vmpcnt.ones.xlane vm0  }
0x304: {  	vm0 =	vge.s32 v6, v2;
	v6 =	vld [tilespmem:s16+$0x60];
	v11 =	vmpcnt.ones.xlane vm1;
	v8 =	vadd.s32 v10, v8  }
0x305: {  	v10 =	vmpcnt.ones.xlane vm0;
	vm0 =	vge.s32 v4, v2;
	v4 =	vld [tilespmem:s16+$0x70];
	v8 =	vadd.s32 v9, v8  }
0x306: {  	v9 =	vmpcnt.ones.xlane vm0;
	vm0 =	vge.s32 v3, v2;
	v8 =	vadd.s32 v8, v11  }
0x307: {  	v3 =	vadd.s32 v10, v8;
	v8 =	vmpcnt.ones.xlane vm0;
	vm0 =	vge.s32 v5, v2  }
0x308: {  	v3 =	vadd.s32 v9, v3;
	v5 =	vmpcnt.ones.xlane vm0;
	vm0 =	vge.s32 v7, v2  }
0x309: {  	v3 =	vadd.s32 v8, v3;
	v7 =	vmpcnt.ones.xlane vm0;
	vm0 =	vge.s32 v6, v2  }
0x30a: {  	v3 =	vadd.s32 v5, v3;
	v5 =	vmpcnt.ones.xlane vm0;
	vm0 =	vge.s32 v4, v2  }
0x30b: {  	s18 =	simm.s32 $0x0;
	v3 =	vadd.s32 v7, v3;
	v4 =	vmpcnt.ones.xlane vm0  }
0x30c: {  	v7 =	vld [tilespmem:s18+$0x0];
	v3 =	vadd.s32 v5, v3  }
0x30d: {  	v5 =	vld [tilespmem:s18+$0x10];
	v3 =	vadd.s32 v4, v3  }
0x30e: {  	v11 =	vld [tilespmem:s18+$0x20];
	vm0 =	vlt.s32 v3, v0  }
0x30f: {  	v6 =	vld [tilespmem:s18+$0x30];
	v1 =	vsel vm0, v1, v2  }
0x310: {  	v4 =	vld [tilespmem:s18+$0x40];
	v2 =	vor.u32 $0x80, v1  }
0x311: {  	v3 =	vld [tilespmem:s18+$0x50];
	vm0 =	vge.s32 v7, v2  }
0x312: {  	vm1 =	vge.s32 v5, v2;
	v5 =	vld [tilespmem:s18+$0x60];
	v9 =	vmpcnt.ones.xlane vm0  }
0x313: {  	s17 =	simm.s32 $0x400;
	s16 =	simm.s32 $0x80;
	v10 =	vimm.s32 $0x0;
	v7 =	vld [tilespmem:s18+$0x70];
	v8 =	vmpcnt.ones.xlane vm1;
	vm0 =	vge.s32 v11, v2  }
.LBB2_52:
0x314: {  	p0 =	sne.s32 s17, $0x8A00;
	v11 =	vld [tilespmem:s16+$0x0];
	v9 =	vadd.s32 v10, v9;
	v10 =	vmpcnt.ones.xlane vm0;
	vm0 =	vge.s32 v6, v2  }
0x315: {  	v12 =	vld [tilespmem:s16+$0x10];
	v6 =	vadd.s32 v8, v9;
	v8 =	vmpcnt.ones.xlane vm0;
	vm0 =	vge.s32 v4, v2  }
0x316: {  	v13 =	vld [tilespmem:s16+$0x20];
	v4 =	vadd.s32 v10, v6;
	v9 =	vmpcnt.ones.xlane vm0;
	vm0 =	vge.s32 v3, v2  }
.Ltmp25:
0x317: {  	v6 =	vld [tilespmem:s16+$0x30];
	v3 =	vadd.s32 v8, v4;
	v8 =	vmpcnt.ones.xlane vm0;
	vm0 =	vge.s32 v5, v2;
	(pc) =	sbr.rel @p0 .LBB2_52-.Ltmp25, $4  }
0x318: {  	v4 =	vld [tilespmem:s16+$0x40];
	v5 =	vadd.s32 v9, v3;
	v10 =	vmpcnt.ones.xlane vm0;
	vm0 =	vge.s32 v7, v2  }
0x319: {  	vm1 =	vge.s32 v11, v2;
	v3 =	vld [tilespmem:s16+$0x50];
	v7 =	vadd.s32 v8, v5;
	v11 =	vmpcnt.ones.xlane vm0  }
0x31a: {  	v9 =	vmpcnt.ones.xlane vm1;
	vm0 =	vge.s32 v12, v2;
	v5 =	vld [tilespmem:s16+$0x60];
	v10 =	vadd.s32 v10, v7  }
0x31b: {  	v8 =	vmpcnt.ones.xlane vm0;
	vm0 =	vge.s32 v13, v2;
	v7 =	vld [tilespmem:s16+$0x70];
	s16 =	sshra.s32 s17, $0x2;
	s17 =	sadd.s32 $0x200, s17;
	v10 =	vadd.s32 v11, v10  }
0x31c: {  	v11 =	vld [tilespmem:s16+$0x0];
	v9 =	vadd.s32 v10, v9;
	v10 =	vmpcnt.ones.xlane vm0;
	vm0 =	vge.s32 v6, v2  }
0x31d: {  	v6 =	vld [tilespmem:s16+$0x10];
	v8 =	vadd.s32 v8, v9;
	v9 =	vmpcnt.ones.xlane vm0;
	vm0 =	vge.s32 v4, v2  }
0x31e: {  	v4 =	vld [tilespmem:s16+$0x20];
	v8 =	vadd.s32 v10, v8;
	v10 =	vmpcnt.ones.xlane vm0;
	vm0 =	vge.s32 v3, v2  }
0x31f: {  	v3 =	vld [tilespmem:s16+$0x30];
	v8 =	vadd.s32 v9, v8;
	v9 =	vmpcnt.ones.xlane vm0;
	vm0 =	vge.s32 v5, v2  }
0x320: {  	v5 =	vld [tilespmem:s16+$0x40];
	v8 =	vadd.s32 v10, v8;
	v10 =	vmpcnt.ones.xlane vm0;
	vm0 =	vge.s32 v7, v2  }
0x321: {  	v7 =	vld [tilespmem:s16+$0x50];
	vm1 =	vge.s32 v11, v2;
	v8 =	vadd.s32 v9, v8;
	v9 =	vmpcnt.ones.xlane vm0  }
0x322: {  	vm0 =	vge.s32 v6, v2;
	v6 =	vld [tilespmem:s16+$0x60];
	v11 =	vmpcnt.ones.xlane vm1;
	v8 =	vadd.s32 v10, v8  }
0x323: {  	v10 =	vmpcnt.ones.xlane vm0;
	vm0 =	vge.s32 v4, v2;
	v4 =	vld [tilespmem:s16+$0x70];
	v8 =	vadd.s32 v9, v8  }
0x324: {  	v9 =	vmpcnt.ones.xlane vm0;
	vm0 =	vge.s32 v3, v2;
	v8 =	vadd.s32 v8, v11  }
0x325: {  	v3 =	vadd.s32 v10, v8;
	v8 =	vmpcnt.ones.xlane vm0;
	vm0 =	vge.s32 v5, v2  }
0x326: {  	v3 =	vadd.s32 v9, v3;
	v5 =	vmpcnt.ones.xlane vm0;
	vm0 =	vge.s32 v7, v2  }
0x327: {  	v3 =	vadd.s32 v8, v3;
	v7 =	vmpcnt.ones.xlane vm0;
	vm0 =	vge.s32 v6, v2  }
0x328: {  	v3 =	vadd.s32 v5, v3;
	v5 =	vmpcnt.ones.xlane vm0;
	vm0 =	vge.s32 v4, v2  }
0x329: {  	s18 =	simm.s32 $0x0;
	v3 =	vadd.s32 v7, v3;
	v4 =	vmpcnt.ones.xlane vm0  }
0x32a: {  	v7 =	vld [tilespmem:s18+$0x0];
	v3 =	vadd.s32 v5, v3  }
0x32b: {  	v5 =	vld [tilespmem:s18+$0x10];
	v3 =	vadd.s32 v4, v3  }
0x32c: {  	v11 =	vld [tilespmem:s18+$0x20];
	vm0 =	vlt.s32 v3, v0  }
0x32d: {  	v6 =	vld [tilespmem:s18+$0x30];
	v1 =	vsel vm0, v1, v2  }
0x32e: {  	v4 =	vld [tilespmem:s18+$0x40];
	v2 =	vor.u32 $0x40, v1  }
0x32f: {  	v3 =	vld [tilespmem:s18+$0x50];
	vm0 =	vge.s32 v7, v2  }
0x330: {  	vm1 =	vge.s32 v5, v2;
	v5 =	vld [tilespmem:s18+$0x60];
	v9 =	vmpcnt.ones.xlane vm0  }
0x331: {  	s17 =	simm.s32 $0x400;
	s16 =	simm.s32 $0x80;
	v10 =	vimm.s32 $0x0;
	v7 =	vld [tilespmem:s18+$0x70];
	v8 =	vmpcnt.ones.xlane vm1;
	vm0 =	vge.s32 v11, v2  }
.LBB2_54:
0x332: {  	p0 =	sne.s32 s17, $0x8A00;
	v11 =	vld [tilespmem:s16+$0x0];
	v9 =	vadd.s32 v10, v9;
	v10 =	vmpcnt.ones.xlane vm0;
	vm0 =	vge.s32 v6, v2  }
0x333: {  	v12 =	vld [tilespmem:s16+$0x10];
	v6 =	vadd.s32 v8, v9;
	v8 =	vmpcnt.ones.xlane vm0;
	vm0 =	vge.s32 v4, v2  }
0x334: {  	v13 =	vld [tilespmem:s16+$0x20];
	v4 =	vadd.s32 v10, v6;
	v9 =	vmpcnt.ones.xlane vm0;
	vm0 =	vge.s32 v3, v2  }
.Ltmp26:
0x335: {  	v6 =	vld [tilespmem:s16+$0x30];
	v3 =	vadd.s32 v8, v4;
	v8 =	vmpcnt.ones.xlane vm0;
	vm0 =	vge.s32 v5, v2;
	(pc) =	sbr.rel @p0 .LBB2_54-.Ltmp26, $4  }
0x336: {  	v4 =	vld [tilespmem:s16+$0x40];
	v5 =	vadd.s32 v9, v3;
	v10 =	vmpcnt.ones.xlane vm0;
	vm0 =	vge.s32 v7, v2  }
0x337: {  	vm1 =	vge.s32 v11, v2;
	v3 =	vld [tilespmem:s16+$0x50];
	v7 =	vadd.s32 v8, v5;
	v11 =	vmpcnt.ones.xlane vm0  }
0x338: {  	v9 =	vmpcnt.ones.xlane vm1;
	vm0 =	vge.s32 v12, v2;
	v5 =	vld [tilespmem:s16+$0x60];
	v10 =	vadd.s32 v10, v7  }
0x339: {  	v8 =	vmpcnt.ones.xlane vm0;
	vm0 =	vge.s32 v13, v2;
	v7 =	vld [tilespmem:s16+$0x70];
	s16 =	sshra.s32 s17, $0x2;
	s17 =	sadd.s32 $0x200, s17;
	v10 =	vadd.s32 v11, v10  }
0x33a: {  	v11 =	vld [tilespmem:s16+$0x0];
	v9 =	vadd.s32 v10, v9;
	v10 =	vmpcnt.ones.xlane vm0;
	vm0 =	vge.s32 v6, v2  }
0x33b: {  	v6 =	vld [tilespmem:s16+$0x10];
	v8 =	vadd.s32 v8, v9;
	v9 =	vmpcnt.ones.xlane vm0;
	vm0 =	vge.s32 v4, v2  }
0x33c: {  	v4 =	vld [tilespmem:s16+$0x20];
	v8 =	vadd.s32 v10, v8;
	v10 =	vmpcnt.ones.xlane vm0;
	vm0 =	vge.s32 v3, v2  }
0x33d: {  	v3 =	vld [tilespmem:s16+$0x30];
	v8 =	vadd.s32 v9, v8;
	v9 =	vmpcnt.ones.xlane vm0;
	vm0 =	vge.s32 v5, v2  }
0x33e: {  	v5 =	vld [tilespmem:s16+$0x40];
	v8 =	vadd.s32 v10, v8;
	v10 =	vmpcnt.ones.xlane vm0;
	vm0 =	vge.s32 v7, v2  }
0x33f: {  	v7 =	vld [tilespmem:s16+$0x50];
	vm1 =	vge.s32 v11, v2;
	v8 =	vadd.s32 v9, v8;
	v9 =	vmpcnt.ones.xlane vm0  }
0x340: {  	vm0 =	vge.s32 v6, v2;
	v6 =	vld [tilespmem:s16+$0x60];
	v11 =	vmpcnt.ones.xlane vm1;
	v8 =	vadd.s32 v10, v8  }
0x341: {  	v10 =	vmpcnt.ones.xlane vm0;
	vm0 =	vge.s32 v4, v2;
	v4 =	vld [tilespmem:s16+$0x70];
	v8 =	vadd.s32 v9, v8  }
0x342: {  	v9 =	vmpcnt.ones.xlane vm0;
	vm0 =	vge.s32 v3, v2;
	v8 =	vadd.s32 v8, v11  }
0x343: {  	v3 =	vadd.s32 v10, v8;
	v8 =	vmpcnt.ones.xlane vm0;
	vm0 =	vge.s32 v5, v2  }
0x344: {  	v3 =	vadd.s32 v9, v3;
	v5 =	vmpcnt.ones.xlane vm0;
	vm0 =	vge.s32 v7, v2  }
0x345: {  	v3 =	vadd.s32 v8, v3;
	v7 =	vmpcnt.ones.xlane vm0;
	vm0 =	vge.s32 v6, v2  }
0x346: {  	v3 =	vadd.s32 v5, v3;
	v5 =	vmpcnt.ones.xlane vm0;
	vm0 =	vge.s32 v4, v2  }
0x347: {  	s18 =	simm.s32 $0x0;
	v3 =	vadd.s32 v7, v3;
	v4 =	vmpcnt.ones.xlane vm0  }
0x348: {  	v7 =	vld [tilespmem:s18+$0x0];
	v3 =	vadd.s32 v5, v3  }
0x349: {  	v5 =	vld [tilespmem:s18+$0x10];
	v3 =	vadd.s32 v4, v3  }
0x34a: {  	v11 =	vld [tilespmem:s18+$0x20];
	vm0 =	vlt.s32 v3, v0  }
0x34b: {  	v6 =	vld [tilespmem:s18+$0x30];
	v1 =	vsel vm0, v1, v2  }
0x34c: {  	v4 =	vld [tilespmem:s18+$0x40];
	v2 =	vor.u32 $0x20, v1  }
0x34d: {  	v3 =	vld [tilespmem:s18+$0x50];
	vm0 =	vge.s32 v7, v2  }
0x34e: {  	vm1 =	vge.s32 v5, v2;
	v5 =	vld [tilespmem:s18+$0x60];
	v9 =	vmpcnt.ones.xlane vm0  }
0x34f: {  	s17 =	simm.s32 $0x400;
	s16 =	simm.s32 $0x80;
	v10 =	vimm.s32 $0x0;
	v7 =	vld [tilespmem:s18+$0x70];
	v8 =	vmpcnt.ones.xlane vm1;
	vm0 =	vge.s32 v11, v2  }
.LBB2_56:
0x350: {  	p0 =	sne.s32 s17, $0x8A00;
	v11 =	vld [tilespmem:s16+$0x0];
	v9 =	vadd.s32 v10, v9;
	v10 =	vmpcnt.ones.xlane vm0;
	vm0 =	vge.s32 v6, v2  }
0x351: {  	v12 =	vld [tilespmem:s16+$0x10];
	v6 =	vadd.s32 v8, v9;
	v8 =	vmpcnt.ones.xlane vm0;
	vm0 =	vge.s32 v4, v2  }
0x352: {  	v13 =	vld [tilespmem:s16+$0x20];
	v4 =	vadd.s32 v10, v6;
	v9 =	vmpcnt.ones.xlane vm0;
	vm0 =	vge.s32 v3, v2  }
.Ltmp27:
0x353: {  	v6 =	vld [tilespmem:s16+$0x30];
	v3 =	vadd.s32 v8, v4;
	v8 =	vmpcnt.ones.xlane vm0;
	vm0 =	vge.s32 v5, v2;
	(pc) =	sbr.rel @p0 .LBB2_56-.Ltmp27, $4  }
0x354: {  	v4 =	vld [tilespmem:s16+$0x40];
	v5 =	vadd.s32 v9, v3;
	v10 =	vmpcnt.ones.xlane vm0;
	vm0 =	vge.s32 v7, v2  }
0x355: {  	vm1 =	vge.s32 v11, v2;
	v3 =	vld [tilespmem:s16+$0x50];
	v7 =	vadd.s32 v8, v5;
	v11 =	vmpcnt.ones.xlane vm0  }
0x356: {  	v9 =	vmpcnt.ones.xlane vm1;
	vm0 =	vge.s32 v12, v2;
	v5 =	vld [tilespmem:s16+$0x60];
	v10 =	vadd.s32 v10, v7  }
0x357: {  	v8 =	vmpcnt.ones.xlane vm0;
	vm0 =	vge.s32 v13, v2;
	v7 =	vld [tilespmem:s16+$0x70];
	s16 =	sshra.s32 s17, $0x2;
	s17 =	sadd.s32 $0x200, s17;
	v10 =	vadd.s32 v11, v10  }
0x358: {  	v11 =	vld [tilespmem:s16+$0x0];
	v9 =	vadd.s32 v10, v9;
	v10 =	vmpcnt.ones.xlane vm0;
	vm0 =	vge.s32 v6, v2  }
0x359: {  	v6 =	vld [tilespmem:s16+$0x10];
	v8 =	vadd.s32 v8, v9;
	v9 =	vmpcnt.ones.xlane vm0;
	vm0 =	vge.s32 v4, v2  }
0x35a: {  	v4 =	vld [tilespmem:s16+$0x20];
	v8 =	vadd.s32 v10, v8;
	v10 =	vmpcnt.ones.xlane vm0;
	vm0 =	vge.s32 v3, v2  }
0x35b: {  	v3 =	vld [tilespmem:s16+$0x30];
	v8 =	vadd.s32 v9, v8;
	v9 =	vmpcnt.ones.xlane vm0;
	vm0 =	vge.s32 v5, v2  }
0x35c: {  	v5 =	vld [tilespmem:s16+$0x40];
	v8 =	vadd.s32 v10, v8;
	v10 =	vmpcnt.ones.xlane vm0;
	vm0 =	vge.s32 v7, v2  }
0x35d: {  	v7 =	vld [tilespmem:s16+$0x50];
	vm1 =	vge.s32 v11, v2;
	v8 =	vadd.s32 v9, v8;
	v9 =	vmpcnt.ones.xlane vm0  }
0x35e: {  	vm0 =	vge.s32 v6, v2;
	v6 =	vld [tilespmem:s16+$0x60];
	v11 =	vmpcnt.ones.xlane vm1;
	v8 =	vadd.s32 v10, v8  }
0x35f: {  	v10 =	vmpcnt.ones.xlane vm0;
	vm0 =	vge.s32 v4, v2;
	v4 =	vld [tilespmem:s16+$0x70];
	v8 =	vadd.s32 v9, v8  }
0x360: {  	v9 =	vmpcnt.ones.xlane vm0;
	vm0 =	vge.s32 v3, v2;
	v8 =	vadd.s32 v8, v11  }
0x361: {  	v3 =	vadd.s32 v10, v8;
	v8 =	vmpcnt.ones.xlane vm0;
	vm0 =	vge.s32 v5, v2  }
0x362: {  	v3 =	vadd.s32 v9, v3;
	v5 =	vmpcnt.ones.xlane vm0;
	vm0 =	vge.s32 v7, v2  }
0x363: {  	v3 =	vadd.s32 v8, v3;
	v7 =	vmpcnt.ones.xlane vm0;
	vm0 =	vge.s32 v6, v2  }
0x364: {  	v3 =	vadd.s32 v5, v3;
	v5 =	vmpcnt.ones.xlane vm0;
	vm0 =	vge.s32 v4, v2  }
0x365: {  	s18 =	simm.s32 $0x0;
	v3 =	vadd.s32 v7, v3;
	v4 =	vmpcnt.ones.xlane vm0  }
0x366: {  	v7 =	vld [tilespmem:s18+$0x0];
	v3 =	vadd.s32 v5, v3  }
0x367: {  	v5 =	vld [tilespmem:s18+$0x10];
	v3 =	vadd.s32 v4, v3  }
0x368: {  	v11 =	vld [tilespmem:s18+$0x20];
	vm0 =	vlt.s32 v3, v0  }
0x369: {  	v6 =	vld [tilespmem:s18+$0x30];
	v1 =	vsel vm0, v1, v2  }
0x36a: {  	v4 =	vld [tilespmem:s18+$0x40];
	v2 =	vor.u32 $0x10, v1  }
0x36b: {  	v3 =	vld [tilespmem:s18+$0x50];
	vm0 =	vge.s32 v7, v2  }
0x36c: {  	vm1 =	vge.s32 v5, v2;
	v5 =	vld [tilespmem:s18+$0x60];
	v9 =	vmpcnt.ones.xlane vm0  }
0x36d: {  	s17 =	simm.s32 $0x400;
	s16 =	simm.s32 $0x80;
	v10 =	vimm.s32 $0x0;
	v7 =	vld [tilespmem:s18+$0x70];
	v8 =	vmpcnt.ones.xlane vm1;
	vm0 =	vge.s32 v11, v2  }
.LBB2_58:
0x36e: {  	p0 =	sne.s32 s17, $0x8A00;
	v11 =	vld [tilespmem:s16+$0x0];
	v9 =	vadd.s32 v10, v9;
	v10 =	vmpcnt.ones.xlane vm0;
	vm0 =	vge.s32 v6, v2  }
0x36f: {  	v12 =	vld [tilespmem:s16+$0x10];
	v6 =	vadd.s32 v8, v9;
	v8 =	vmpcnt.ones.xlane vm0;
	vm0 =	vge.s32 v4, v2  }
0x370: {  	v13 =	vld [tilespmem:s16+$0x20];
	v4 =	vadd.s32 v10, v6;
	v9 =	vmpcnt.ones.xlane vm0;
	vm0 =	vge.s32 v3, v2  }
.Ltmp28:
0x371: {  	v6 =	vld [tilespmem:s16+$0x30];
	v3 =	vadd.s32 v8, v4;
	v8 =	vmpcnt.ones.xlane vm0;
	vm0 =	vge.s32 v5, v2;
	(pc) =	sbr.rel @p0 .LBB2_58-.Ltmp28, $4  }
0x372: {  	v4 =	vld [tilespmem:s16+$0x40];
	v5 =	vadd.s32 v9, v3;
	v10 =	vmpcnt.ones.xlane vm0;
	vm0 =	vge.s32 v7, v2  }
0x373: {  	vm1 =	vge.s32 v11, v2;
	v3 =	vld [tilespmem:s16+$0x50];
	v7 =	vadd.s32 v8, v5;
	v11 =	vmpcnt.ones.xlane vm0  }
0x374: {  	v9 =	vmpcnt.ones.xlane vm1;
	vm0 =	vge.s32 v12, v2;
	v5 =	vld [tilespmem:s16+$0x60];
	v10 =	vadd.s32 v10, v7  }
0x375: {  	v8 =	vmpcnt.ones.xlane vm0;
	vm0 =	vge.s32 v13, v2;
	v7 =	vld [tilespmem:s16+$0x70];
	s16 =	sshra.s32 s17, $0x2;
	s17 =	sadd.s32 $0x200, s17;
	v10 =	vadd.s32 v11, v10  }
0x376: {  	v11 =	vld [tilespmem:s16+$0x0];
	v9 =	vadd.s32 v10, v9;
	v10 =	vmpcnt.ones.xlane vm0;
	vm0 =	vge.s32 v6, v2  }
0x377: {  	v6 =	vld [tilespmem:s16+$0x10];
	v8 =	vadd.s32 v8, v9;
	v9 =	vmpcnt.ones.xlane vm0;
	vm0 =	vge.s32 v4, v2  }
0x378: {  	v4 =	vld [tilespmem:s16+$0x20];
	v8 =	vadd.s32 v10, v8;
	v10 =	vmpcnt.ones.xlane vm0;
	vm0 =	vge.s32 v3, v2  }
0x379: {  	v3 =	vld [tilespmem:s16+$0x30];
	v8 =	vadd.s32 v9, v8;
	v9 =	vmpcnt.ones.xlane vm0;
	vm0 =	vge.s32 v5, v2  }
0x37a: {  	v5 =	vld [tilespmem:s16+$0x40];
	v8 =	vadd.s32 v10, v8;
	v10 =	vmpcnt.ones.xlane vm0;
	vm0 =	vge.s32 v7, v2  }
0x37b: {  	v7 =	vld [tilespmem:s16+$0x50];
	vm1 =	vge.s32 v11, v2;
	v8 =	vadd.s32 v9, v8;
	v9 =	vmpcnt.ones.xlane vm0  }
0x37c: {  	vm0 =	vge.s32 v6, v2;
	v6 =	vld [tilespmem:s16+$0x60];
	v11 =	vmpcnt.ones.xlane vm1;
	v8 =	vadd.s32 v10, v8  }
0x37d: {  	v10 =	vmpcnt.ones.xlane vm0;
	vm0 =	vge.s32 v4, v2;
	v4 =	vld [tilespmem:s16+$0x70];
	v8 =	vadd.s32 v9, v8  }
0x37e: {  	v9 =	vmpcnt.ones.xlane vm0;
	vm0 =	vge.s32 v3, v2;
	v8 =	vadd.s32 v8, v11  }
0x37f: {  	v3 =	vadd.s32 v10, v8;
	v8 =	vmpcnt.ones.xlane vm0;
	vm0 =	vge.s32 v5, v2  }
0x380: {  	v3 =	vadd.s32 v9, v3;
	v5 =	vmpcnt.ones.xlane vm0;
	vm0 =	vge.s32 v7, v2  }
0x381: {  	v3 =	vadd.s32 v8, v3;
	v7 =	vmpcnt.ones.xlane vm0;
	vm0 =	vge.s32 v6, v2  }
0x382: {  	v3 =	vadd.s32 v5, v3;
	v5 =	vmpcnt.ones.xlane vm0;
	vm0 =	vge.s32 v4, v2  }
0x383: {  	s18 =	simm.s32 $0x0;
	v3 =	vadd.s32 v7, v3;
	v4 =	vmpcnt.ones.xlane vm0  }
0x384: {  	v7 =	vld [tilespmem:s18+$0x0];
	v3 =	vadd.s32 v5, v3  }
0x385: {  	v5 =	vld [tilespmem:s18+$0x10];
	v3 =	vadd.s32 v4, v3  }
0x386: {  	v11 =	vld [tilespmem:s18+$0x20];
	vm0 =	vlt.s32 v3, v0  }
0x387: {  	v6 =	vld [tilespmem:s18+$0x30];
	v1 =	vsel vm0, v1, v2  }
0x388: {  	v4 =	vld [tilespmem:s18+$0x40];
	v2 =	vor.u32 $0x8, v1  }
0x389: {  	v3 =	vld [tilespmem:s18+$0x50];
	vm0 =	vge.s32 v7, v2  }
0x38a: {  	vm1 =	vge.s32 v5, v2;
	v5 =	vld [tilespmem:s18+$0x60];
	v9 =	vmpcnt.ones.xlane vm0  }
0x38b: {  	s17 =	simm.s32 $0x400;
	s16 =	simm.s32 $0x80;
	v10 =	vimm.s32 $0x0;
	v7 =	vld [tilespmem:s18+$0x70];
	v8 =	vmpcnt.ones.xlane vm1;
	vm0 =	vge.s32 v11, v2  }
.LBB2_60:
0x38c: {  	p0 =	sne.s32 s17, $0x8A00;
	v11 =	vld [tilespmem:s16+$0x0];
	v9 =	vadd.s32 v10, v9;
	v10 =	vmpcnt.ones.xlane vm0;
	vm0 =	vge.s32 v6, v2  }
0x38d: {  	v12 =	vld [tilespmem:s16+$0x10];
	v6 =	vadd.s32 v8, v9;
	v8 =	vmpcnt.ones.xlane vm0;
	vm0 =	vge.s32 v4, v2  }
0x38e: {  	v13 =	vld [tilespmem:s16+$0x20];
	v4 =	vadd.s32 v10, v6;
	v9 =	vmpcnt.ones.xlane vm0;
	vm0 =	vge.s32 v3, v2  }
.Ltmp29:
0x38f: {  	v6 =	vld [tilespmem:s16+$0x30];
	v3 =	vadd.s32 v8, v4;
	v8 =	vmpcnt.ones.xlane vm0;
	vm0 =	vge.s32 v5, v2;
	(pc) =	sbr.rel @p0 .LBB2_60-.Ltmp29, $4  }
0x390: {  	v4 =	vld [tilespmem:s16+$0x40];
	v5 =	vadd.s32 v9, v3;
	v10 =	vmpcnt.ones.xlane vm0;
	vm0 =	vge.s32 v7, v2  }
0x391: {  	vm1 =	vge.s32 v11, v2;
	v3 =	vld [tilespmem:s16+$0x50];
	v7 =	vadd.s32 v8, v5;
	v11 =	vmpcnt.ones.xlane vm0  }
0x392: {  	v9 =	vmpcnt.ones.xlane vm1;
	vm0 =	vge.s32 v12, v2;
	v5 =	vld [tilespmem:s16+$0x60];
	v10 =	vadd.s32 v10, v7  }
0x393: {  	v8 =	vmpcnt.ones.xlane vm0;
	vm0 =	vge.s32 v13, v2;
	v7 =	vld [tilespmem:s16+$0x70];
	s16 =	sshra.s32 s17, $0x2;
	s17 =	sadd.s32 $0x200, s17;
	v10 =	vadd.s32 v11, v10  }
0x394: {  	v11 =	vld [tilespmem:s16+$0x0];
	v9 =	vadd.s32 v10, v9;
	v10 =	vmpcnt.ones.xlane vm0;
	vm0 =	vge.s32 v6, v2  }
0x395: {  	v6 =	vld [tilespmem:s16+$0x10];
	v8 =	vadd.s32 v8, v9;
	v9 =	vmpcnt.ones.xlane vm0;
	vm0 =	vge.s32 v4, v2  }
0x396: {  	v4 =	vld [tilespmem:s16+$0x20];
	v8 =	vadd.s32 v10, v8;
	v10 =	vmpcnt.ones.xlane vm0;
	vm0 =	vge.s32 v3, v2  }
0x397: {  	v3 =	vld [tilespmem:s16+$0x30];
	v8 =	vadd.s32 v9, v8;
	v9 =	vmpcnt.ones.xlane vm0;
	vm0 =	vge.s32 v5, v2  }
0x398: {  	v5 =	vld [tilespmem:s16+$0x40];
	v8 =	vadd.s32 v10, v8;
	v10 =	vmpcnt.ones.xlane vm0;
	vm0 =	vge.s32 v7, v2  }
0x399: {  	v7 =	vld [tilespmem:s16+$0x50];
	vm1 =	vge.s32 v11, v2;
	v8 =	vadd.s32 v9, v8;
	v9 =	vmpcnt.ones.xlane vm0  }
0x39a: {  	vm0 =	vge.s32 v6, v2;
	v6 =	vld [tilespmem:s16+$0x60];
	v11 =	vmpcnt.ones.xlane vm1;
	v8 =	vadd.s32 v10, v8  }
0x39b: {  	v10 =	vmpcnt.ones.xlane vm0;
	vm0 =	vge.s32 v4, v2;
	v4 =	vld [tilespmem:s16+$0x70];
	v8 =	vadd.s32 v9, v8  }
0x39c: {  	v9 =	vmpcnt.ones.xlane vm0;
	vm0 =	vge.s32 v3, v2;
	v8 =	vadd.s32 v8, v11  }
0x39d: {  	v3 =	vadd.s32 v10, v8;
	v8 =	vmpcnt.ones.xlane vm0;
	vm0 =	vge.s32 v5, v2  }
0x39e: {  	v3 =	vadd.s32 v9, v3;
	v5 =	vmpcnt.ones.xlane vm0;
	vm0 =	vge.s32 v7, v2  }
0x39f: {  	v3 =	vadd.s32 v8, v3;
	v7 =	vmpcnt.ones.xlane vm0;
	vm0 =	vge.s32 v6, v2  }
0x3a0: {  	v3 =	vadd.s32 v5, v3;
	v5 =	vmpcnt.ones.xlane vm0;
	vm0 =	vge.s32 v4, v2  }
0x3a1: {  	s18 =	simm.s32 $0x0;
	v3 =	vadd.s32 v7, v3;
	v4 =	vmpcnt.ones.xlane vm0  }
0x3a2: {  	v7 =	vld [tilespmem:s18+$0x0];
	v3 =	vadd.s32 v5, v3  }
0x3a3: {  	v5 =	vld [tilespmem:s18+$0x10];
	v3 =	vadd.s32 v4, v3  }
0x3a4: {  	v11 =	vld [tilespmem:s18+$0x20];
	vm0 =	vlt.s32 v3, v0  }
0x3a5: {  	v6 =	vld [tilespmem:s18+$0x30];
	v1 =	vsel vm0, v1, v2  }
0x3a6: {  	v4 =	vld [tilespmem:s18+$0x40];
	v2 =	vor.u32 $0x4, v1  }
0x3a7: {  	v3 =	vld [tilespmem:s18+$0x50];
	vm0 =	vge.s32 v7, v2  }
0x3a8: {  	vm1 =	vge.s32 v5, v2;
	v5 =	vld [tilespmem:s18+$0x60];
	v9 =	vmpcnt.ones.xlane vm0  }
0x3a9: {  	s17 =	simm.s32 $0x400;
	s16 =	simm.s32 $0x80;
	v10 =	vimm.s32 $0x0;
	v7 =	vld [tilespmem:s18+$0x70];
	v8 =	vmpcnt.ones.xlane vm1;
	vm0 =	vge.s32 v11, v2  }
.LBB2_62:
0x3aa: {  	p0 =	sne.s32 s17, $0x8A00;
	v11 =	vld [tilespmem:s16+$0x0];
	v9 =	vadd.s32 v10, v9;
	v10 =	vmpcnt.ones.xlane vm0;
	vm0 =	vge.s32 v6, v2  }
0x3ab: {  	v12 =	vld [tilespmem:s16+$0x10];
	v6 =	vadd.s32 v8, v9;
	v8 =	vmpcnt.ones.xlane vm0;
	vm0 =	vge.s32 v4, v2  }
0x3ac: {  	v13 =	vld [tilespmem:s16+$0x20];
	v4 =	vadd.s32 v10, v6;
	v9 =	vmpcnt.ones.xlane vm0;
	vm0 =	vge.s32 v3, v2  }
.Ltmp30:
0x3ad: {  	v6 =	vld [tilespmem:s16+$0x30];
	v3 =	vadd.s32 v8, v4;
	v8 =	vmpcnt.ones.xlane vm0;
	vm0 =	vge.s32 v5, v2;
	(pc) =	sbr.rel @p0 .LBB2_62-.Ltmp30, $4  }
0x3ae: {  	v4 =	vld [tilespmem:s16+$0x40];
	v5 =	vadd.s32 v9, v3;
	v10 =	vmpcnt.ones.xlane vm0;
	vm0 =	vge.s32 v7, v2  }
0x3af: {  	vm1 =	vge.s32 v11, v2;
	v3 =	vld [tilespmem:s16+$0x50];
	v7 =	vadd.s32 v8, v5;
	v11 =	vmpcnt.ones.xlane vm0  }
0x3b0: {  	v9 =	vmpcnt.ones.xlane vm1;
	vm0 =	vge.s32 v12, v2;
	v5 =	vld [tilespmem:s16+$0x60];
	v10 =	vadd.s32 v10, v7  }
0x3b1: {  	v8 =	vmpcnt.ones.xlane vm0;
	vm0 =	vge.s32 v13, v2;
	v7 =	vld [tilespmem:s16+$0x70];
	s16 =	sshra.s32 s17, $0x2;
	s17 =	sadd.s32 $0x200, s17;
	v10 =	vadd.s32 v11, v10  }
0x3b2: {  	v11 =	vld [tilespmem:s16+$0x0];
	v9 =	vadd.s32 v10, v9;
	v10 =	vmpcnt.ones.xlane vm0;
	vm0 =	vge.s32 v6, v2  }
0x3b3: {  	v6 =	vld [tilespmem:s16+$0x10];
	v8 =	vadd.s32 v8, v9;
	v9 =	vmpcnt.ones.xlane vm0;
	vm0 =	vge.s32 v4, v2  }
0x3b4: {  	v4 =	vld [tilespmem:s16+$0x20];
	v8 =	vadd.s32 v10, v8;
	v10 =	vmpcnt.ones.xlane vm0;
	vm0 =	vge.s32 v3, v2  }
0x3b5: {  	v3 =	vld [tilespmem:s16+$0x30];
	v8 =	vadd.s32 v9, v8;
	v9 =	vmpcnt.ones.xlane vm0;
	vm0 =	vge.s32 v5, v2  }
0x3b6: {  	v5 =	vld [tilespmem:s16+$0x40];
	v8 =	vadd.s32 v10, v8;
	v10 =	vmpcnt.ones.xlane vm0;
	vm0 =	vge.s32 v7, v2  }
0x3b7: {  	v7 =	vld [tilespmem:s16+$0x50];
	vm1 =	vge.s32 v11, v2;
	v8 =	vadd.s32 v9, v8;
	v9 =	vmpcnt.ones.xlane vm0  }
0x3b8: {  	vm0 =	vge.s32 v6, v2;
	v6 =	vld [tilespmem:s16+$0x60];
	v11 =	vmpcnt.ones.xlane vm1;
	v8 =	vadd.s32 v10, v8  }
0x3b9: {  	v10 =	vmpcnt.ones.xlane vm0;
	vm0 =	vge.s32 v4, v2;
	v4 =	vld [tilespmem:s16+$0x70];
	v8 =	vadd.s32 v9, v8  }
0x3ba: {  	v9 =	vmpcnt.ones.xlane vm0;
	vm0 =	vge.s32 v3, v2;
	v8 =	vadd.s32 v8, v11  }
0x3bb: {  	v3 =	vadd.s32 v10, v8;
	v8 =	vmpcnt.ones.xlane vm0;
	vm0 =	vge.s32 v5, v2  }
0x3bc: {  	v3 =	vadd.s32 v9, v3;
	v5 =	vmpcnt.ones.xlane vm0;
	vm0 =	vge.s32 v7, v2  }
0x3bd: {  	v3 =	vadd.s32 v8, v3;
	v7 =	vmpcnt.ones.xlane vm0;
	vm0 =	vge.s32 v6, v2  }
0x3be: {  	v3 =	vadd.s32 v5, v3;
	v5 =	vmpcnt.ones.xlane vm0;
	vm0 =	vge.s32 v4, v2  }
0x3bf: {  	s18 =	simm.s32 $0x0;
	v3 =	vadd.s32 v7, v3;
	v4 =	vmpcnt.ones.xlane vm0  }
0x3c0: {  	v7 =	vld [tilespmem:s18+$0x0];
	v3 =	vadd.s32 v5, v3  }
0x3c1: {  	v5 =	vld [tilespmem:s18+$0x10];
	v3 =	vadd.s32 v4, v3  }
0x3c2: {  	v11 =	vld [tilespmem:s18+$0x20];
	vm0 =	vlt.s32 v3, v0  }
0x3c3: {  	v6 =	vld [tilespmem:s18+$0x30];
	v1 =	vsel vm0, v1, v2  }
0x3c4: {  	v4 =	vld [tilespmem:s18+$0x40];
	v2 =	vor.u32 $0x2, v1  }
0x3c5: {  	v3 =	vld [tilespmem:s18+$0x50];
	vm0 =	vge.s32 v7, v2  }
0x3c6: {  	vm1 =	vge.s32 v5, v2;
	v5 =	vld [tilespmem:s18+$0x60];
	v9 =	vmpcnt.ones.xlane vm0  }
0x3c7: {  	s17 =	simm.s32 $0x400;
	s16 =	simm.s32 $0x80;
	v10 =	vimm.s32 $0x0;
	v7 =	vld [tilespmem:s18+$0x70];
	v8 =	vmpcnt.ones.xlane vm1;
	vm0 =	vge.s32 v11, v2  }
.LBB2_64:
0x3c8: {  	p0 =	sne.s32 s17, $0x8A00;
	v11 =	vld [tilespmem:s16+$0x0];
	v9 =	vadd.s32 v10, v9;
	v10 =	vmpcnt.ones.xlane vm0;
	vm0 =	vge.s32 v6, v2  }
0x3c9: {  	v12 =	vld [tilespmem:s16+$0x10];
	v6 =	vadd.s32 v8, v9;
	v8 =	vmpcnt.ones.xlane vm0;
	vm0 =	vge.s32 v4, v2  }
0x3ca: {  	v13 =	vld [tilespmem:s16+$0x20];
	v4 =	vadd.s32 v10, v6;
	v9 =	vmpcnt.ones.xlane vm0;
	vm0 =	vge.s32 v3, v2  }
.Ltmp31:
0x3cb: {  	v6 =	vld [tilespmem:s16+$0x30];
	v3 =	vadd.s32 v8, v4;
	v8 =	vmpcnt.ones.xlane vm0;
	vm0 =	vge.s32 v5, v2;
	(pc) =	sbr.rel @p0 .LBB2_64-.Ltmp31, $4  }
0x3cc: {  	v4 =	vld [tilespmem:s16+$0x40];
	v5 =	vadd.s32 v9, v3;
	v10 =	vmpcnt.ones.xlane vm0;
	vm0 =	vge.s32 v7, v2  }
0x3cd: {  	vm1 =	vge.s32 v11, v2;
	v3 =	vld [tilespmem:s16+$0x50];
	v7 =	vadd.s32 v8, v5;
	v11 =	vmpcnt.ones.xlane vm0  }
0x3ce: {  	v9 =	vmpcnt.ones.xlane vm1;
	vm0 =	vge.s32 v12, v2;
	v5 =	vld [tilespmem:s16+$0x60];
	v10 =	vadd.s32 v10, v7  }
0x3cf: {  	v8 =	vmpcnt.ones.xlane vm0;
	vm0 =	vge.s32 v13, v2;
	v7 =	vld [tilespmem:s16+$0x70];
	s16 =	sshra.s32 s17, $0x2;
	s17 =	sadd.s32 $0x200, s17;
	v10 =	vadd.s32 v11, v10  }
0x3d0: {  	v11 =	vld [tilespmem:s16+$0x0];
	v9 =	vadd.s32 v10, v9;
	v10 =	vmpcnt.ones.xlane vm0;
	vm0 =	vge.s32 v6, v2  }
0x3d1: {  	v6 =	vld [tilespmem:s16+$0x10];
	v8 =	vadd.s32 v8, v9;
	v9 =	vmpcnt.ones.xlane vm0;
	vm0 =	vge.s32 v4, v2  }
0x3d2: {  	v4 =	vld [tilespmem:s16+$0x20];
	v8 =	vadd.s32 v10, v8;
	v10 =	vmpcnt.ones.xlane vm0;
	vm0 =	vge.s32 v3, v2  }
0x3d3: {  	v3 =	vld [tilespmem:s16+$0x30];
	v8 =	vadd.s32 v9, v8;
	v9 =	vmpcnt.ones.xlane vm0;
	vm0 =	vge.s32 v5, v2  }
0x3d4: {  	v5 =	vld [tilespmem:s16+$0x40];
	v8 =	vadd.s32 v10, v8;
	v10 =	vmpcnt.ones.xlane vm0;
	vm0 =	vge.s32 v7, v2  }
0x3d5: {  	v7 =	vld [tilespmem:s16+$0x50];
	vm1 =	vge.s32 v11, v2;
	v8 =	vadd.s32 v9, v8;
	v9 =	vmpcnt.ones.xlane vm0  }
0x3d6: {  	vm0 =	vge.s32 v6, v2;
	v6 =	vld [tilespmem:s16+$0x60];
	v11 =	vmpcnt.ones.xlane vm1;
	v8 =	vadd.s32 v10, v8  }
0x3d7: {  	v10 =	vmpcnt.ones.xlane vm0;
	vm0 =	vge.s32 v4, v2;
	v4 =	vld [tilespmem:s16+$0x70];
	v8 =	vadd.s32 v9, v8  }
0x3d8: {  	v9 =	vmpcnt.ones.xlane vm0;
	vm0 =	vge.s32 v3, v2;
	v8 =	vadd.s32 v8, v11  }
0x3d9: {  	v3 =	vadd.s32 v10, v8;
	v8 =	vmpcnt.ones.xlane vm0;
	vm0 =	vge.s32 v5, v2  }
0x3da: {  	v3 =	vadd.s32 v9, v3;
	v5 =	vmpcnt.ones.xlane vm0;
	vm0 =	vge.s32 v7, v2  }
0x3db: {  	v3 =	vadd.s32 v8, v3;
	v7 =	vmpcnt.ones.xlane vm0;
	vm0 =	vge.s32 v6, v2  }
0x3dc: {  	v3 =	vadd.s32 v5, v3;
	v5 =	vmpcnt.ones.xlane vm0;
	vm0 =	vge.s32 v4, v2  }
0x3dd: {  	s18 =	simm.s32 $0x0;
	v3 =	vadd.s32 v7, v3;
	v4 =	vmpcnt.ones.xlane vm0  }
0x3de: {  	v7 =	vld [tilespmem:s18+$0x0];
	v3 =	vadd.s32 v5, v3  }
0x3df: {  	v5 =	vld [tilespmem:s18+$0x10];
	v3 =	vadd.s32 v4, v3  }
0x3e0: {  	v11 =	vld [tilespmem:s18+$0x20];
	vm0 =	vlt.s32 v3, v0  }
0x3e1: {  	v6 =	vld [tilespmem:s18+$0x30];
	v1 =	vsel vm0, v1, v2  }
0x3e2: {  	v4 =	vld [tilespmem:s18+$0x40];
	v2 =	vor.u32 $0x1, v1  }
0x3e3: {  	v3 =	vld [tilespmem:s18+$0x50];
	vm0 =	vge.s32 v7, v2  }
0x3e4: {  	vm1 =	vge.s32 v5, v2;
	v5 =	vld [tilespmem:s18+$0x60];
	v9 =	vmpcnt.ones.xlane vm0  }
0x3e5: {  	s17 =	simm.s32 $0x400;
	s16 =	simm.s32 $0x80;
	v10 =	vimm.s32 $0x0;
	v7 =	vld [tilespmem:s18+$0x70];
	v8 =	vmpcnt.ones.xlane vm1;
	vm0 =	vge.s32 v11, v2  }
.LBB2_66:
0x3e6: {  	p0 =	sne.s32 s17, $0x8A00;
	v11 =	vld [tilespmem:s16+$0x0];
	v9 =	vadd.s32 v10, v9;
	v10 =	vmpcnt.ones.xlane vm0;
	vm0 =	vge.s32 v6, v2  }
0x3e7: {  	v12 =	vld [tilespmem:s16+$0x10];
	v6 =	vadd.s32 v8, v9;
	v8 =	vmpcnt.ones.xlane vm0;
	vm0 =	vge.s32 v4, v2  }
0x3e8: {  	v13 =	vld [tilespmem:s16+$0x20];
	v4 =	vadd.s32 v10, v6;
	v9 =	vmpcnt.ones.xlane vm0;
	vm0 =	vge.s32 v3, v2  }
.Ltmp32:
0x3e9: {  	v6 =	vld [tilespmem:s16+$0x30];
	v3 =	vadd.s32 v8, v4;
	v8 =	vmpcnt.ones.xlane vm0;
	vm0 =	vge.s32 v5, v2;
	(pc) =	sbr.rel @p0 .LBB2_66-.Ltmp32, $4  }
0x3ea: {  	v4 =	vld [tilespmem:s16+$0x40];
	v5 =	vadd.s32 v9, v3;
	v10 =	vmpcnt.ones.xlane vm0;
	vm0 =	vge.s32 v7, v2  }
0x3eb: {  	vm1 =	vge.s32 v11, v2;
	v3 =	vld [tilespmem:s16+$0x50];
	v7 =	vadd.s32 v8, v5;
	v11 =	vmpcnt.ones.xlane vm0  }
0x3ec: {  	v9 =	vmpcnt.ones.xlane vm1;
	vm0 =	vge.s32 v12, v2;
	v5 =	vld [tilespmem:s16+$0x60];
	v10 =	vadd.s32 v10, v7  }
0x3ed: {  	v8 =	vmpcnt.ones.xlane vm0;
	vm0 =	vge.s32 v13, v2;
	v7 =	vld [tilespmem:s16+$0x70];
	s16 =	sshra.s32 s17, $0x2;
	s17 =	sadd.s32 $0x200, s17;
	v10 =	vadd.s32 v11, v10  }
0x3ee: {  	v11 =	vld [tilespmem:s16+$0x0];
	v9 =	vadd.s32 v10, v9;
	v10 =	vmpcnt.ones.xlane vm0;
	vm0 =	vge.s32 v6, v2  }
0x3ef: {  	v6 =	vld [tilespmem:s16+$0x10];
	v8 =	vadd.s32 v8, v9;
	v9 =	vmpcnt.ones.xlane vm0;
	vm0 =	vge.s32 v4, v2  }
0x3f0: {  	v4 =	vld [tilespmem:s16+$0x20];
	v8 =	vadd.s32 v10, v8;
	v10 =	vmpcnt.ones.xlane vm0;
	vm0 =	vge.s32 v3, v2  }
0x3f1: {  	v3 =	vld [tilespmem:s16+$0x30];
	v8 =	vadd.s32 v9, v8;
	v9 =	vmpcnt.ones.xlane vm0;
	vm0 =	vge.s32 v5, v2  }
0x3f2: {  	v5 =	vld [tilespmem:s16+$0x40];
	v8 =	vadd.s32 v10, v8;
	v10 =	vmpcnt.ones.xlane vm0;
	vm0 =	vge.s32 v7, v2  }
0x3f3: {  	v7 =	vld [tilespmem:s16+$0x50];
	vm1 =	vge.s32 v11, v2;
	v8 =	vadd.s32 v9, v8;
	v9 =	vmpcnt.ones.xlane vm0  }
0x3f4: {  	vm0 =	vge.s32 v6, v2;
	v6 =	vld [tilespmem:s16+$0x60];
	v11 =	vmpcnt.ones.xlane vm1;
	v8 =	vadd.s32 v10, v8  }
0x3f5: {  	v10 =	vmpcnt.ones.xlane vm0;
	vm0 =	vge.s32 v4, v2;
	v4 =	vld [tilespmem:s16+$0x70];
	v8 =	vadd.s32 v9, v8  }
0x3f6: {  	v9 =	vmpcnt.ones.xlane vm0;
	vm0 =	vge.s32 v3, v2;
	v8 =	vadd.s32 v8, v11  }
0x3f7: {  	v3 =	vadd.s32 v10, v8;
	v8 =	vmpcnt.ones.xlane vm0;
	vm0 =	vge.s32 v5, v2  }
0x3f8: {  	s16 =	simm.s32 $0x0;
	v3 =	vadd.s32 v9, v3;
	v5 =	vmpcnt.ones.xlane vm0;
	vm0 =	vge.s32 v7, v2  }
0x3f9: {  	v11 =	vld [tilespmem:s16+$0x10];
	v3 =	vadd.s32 v8, v3;
	v7 =	vmpcnt.ones.xlane vm0;
	vm0 =	vge.s32 v6, v2  }
0x3fa: {  	v9 =	vld [tilespmem:s16+$0x40];
	v3 =	vadd.s32 v5, v3;
	v5 =	vmpcnt.ones.xlane vm0;
	vm0 =	vge.s32 v4, v2  }
0x3fb: {  	v6 =	vld [tilespmem:s16+$0x70];
	v3 =	vadd.s32 v7, v3;
	v7 =	vmpcnt.ones.xlane vm0  }
0x3fc: {  	v8 =	vld [tilespmem:s16+$0x50];
	v3 =	vadd.s32 v5, v3  }
0x3fd: {  	v4 =	vld [tilespmem:s16+$0x60];
	v3 =	vadd.s32 v7, v3  }
0x3fe: {  	v10 =	vld [tilespmem:s16+$0x20];
	vm0 =	vlt.s32 v3, v0  }
0x3ff: {  	v7 =	vld [tilespmem:s16+$0x30];
	v2 =	vsel vm0, v1, v2  }
0x400: {  	v5 =	vimm.f32 $0.0e+00;
	v3 =	vimm.s32 $0x0;
	v1 =	vld [tilespmem:s16+$0x2370];
	vm2 =	vgt.s32 v6, v2  }
0x401: {  	vm5 =	veq.s32 v6, v2;
	vm0 =	vgt.s32 v9, v2;
	vm1 =	veq.s32 v9, v2;
	v9 =	vld [tilespmem:s16+$0x0]  }
0x402: {  	vm3 =	vgt.s32 v8, v2;
	vm6 =	vgt.s32 v4, v2;
	vm8 =	veq.s32 v4, v2  }
0x403: {  	vm9 =	veq.s32 v8, v2;
	vm11 =	vgt.s32 v10, v2;
	v4 =	vld [tilespmem:s16+$0x2360];
	vm10 =	vgt.s32 v11, v2  }
0x404: {  	vm12 =	veq.s32 v11, v2;
	vm13 =	veq.s32 v10, v2;
	v8 =	vimm.f32 $0.0e+00  }
0x405: {  	s17 =	simm.s32 $0x200;
	v6 =	vimm.s32 $0x0;
	vm4 =	vgt.s32 v7, v2;
	vm7 =	veq.s32 v7, v2;
	v7 =	vld [tilespmem:s16+$0x2350]  }
.LBB2_68:
0x406: {  	p0 =	sne.s32 s17, $0x8A00;
	v10 =	vld [tilespmem:s16+$0x2300];
	vm15 =	vgt.s32 v9, v2;
	vm14 =	veq.s32 v9, v2;
	v9 =	vnsel vm2, $0x0, v1  }
0x407: {  	v11 =	vnsel vm5, $0x0, v1;
	v12 =	vmpcnt.ones.xlane vm2;
	v13 =	vmpcnt.ones.xlane vm5  }
0x408: {  	v15 =	vmpcnt.ones.xlane vm6;
	v16 =	vmpcnt.ones.xlane vm8;
	v1 =	vld [tilespmem:s16+$0x2310];
	v14 =	vnsel vm6, $0x0, v4  }
0x409: {  	v18 =	vmpcnt.ones.xlane vm3;
	v19 =	vmpcnt.ones.xlane vm9;
	v4 =	vnsel vm8, $0x0, v4;
	v17 =	vld [tilespmem:s16+$0x2340]  }
0x40a: {  	v21 =	vmpcnt.ones.xlane vm0;
	v22 =	vmpcnt.ones.xlane vm1;
	v20 =	vld [tilespmem:s16+$0x2320];
	v23 =	vnsel vm3, $0x0, v7  }
0x40b: {  	v25 =	vmpcnt.ones.xlane vm4;
	v7 =	vnsel vm9, $0x0, v7;
	v24 =	vnsel vm15, $0x0, v10  }
0x40c: {  	v26 =	vmpcnt.ones.xlane vm7;
	v10 =	vnsel vm14, $0x0, v10;
	v5 =	vadd.f32 v24, v5;
	v24 =	vld [tilespmem:s16+$0x2330]  }
0x40d: {  	v27 =	vmpcnt.ones.xlane vm11;
	v8 =	vadd.f32 v10, v8;
	v10 =	vnsel vm10, $0x0, v1  }
0x40e: {  	v1 =	vnsel vm12, $0x0, v1;
	v5 =	vadd.f32 v10, v5;
	v10 =	vmpcnt.ones.xlane vm13  }
0x40f: {  	v1 =	vadd.f32 v1, v8;
	v28 =	vnsel vm0, $0x0, v17;
	v8 =	vnsel vm11, $0x0, v20  }
0x410: {  	v17 =	vnsel vm1, $0x0, v17;
	v5 =	vadd.f32 v8, v5;
	v8 =	vnsel vm13, $0x0, v20  }
0x411: {  	v20 =	vmpcnt.ones.xlane vm15;
	v1 =	vadd.f32 v8, v1;
	v8 =	vnsel vm4, $0x0, v24  }
0x412: {  	v29 =	vmpcnt.ones.xlane vm14;
	v5 =	vadd.f32 v8, v5;
	v8 =	vnsel vm7, $0x0, v24  }
0x413: {  	v30 =	vmpcnt.ones.xlane vm12;
	s16 =	sshra.s32 s17, $0x2;
	v24 =	vmpcnt.ones.xlane vm10;
	v8 =	vadd.f32 v8, v1  }
0x414: {  	v6 =	vadd.s32 v6, v29;
	v3 =	vadd.s32 v3, v20;
	v1 =	vld [tilespmem:s16+$0x2370];
	v5 =	vadd.f32 v28, v5  }
0x415: {  	v6 =	vadd.s32 v30, v6;
	v3 =	vadd.s32 v24, v3;
	v20 =	vld [tilespmem:s16+$0x70];
	v8 =	vadd.f32 v17, v8  }
0x416: {  	v6 =	vadd.s32 v10, v6;
	v3 =	vadd.s32 v27, v3;
	v17 =	vld [tilespmem:s16+$0x60];
	v5 =	vadd.f32 v23, v5  }
0x417: {  	v6 =	vadd.s32 v26, v6;
	v3 =	vadd.s32 v25, v3;
	v10 =	vld [tilespmem:s16+$0x50];
	v7 =	vadd.f32 v7, v8  }
0x418: {  	v6 =	vadd.s32 v22, v6;
	v3 =	vadd.s32 v21, v3;
	v23 =	vld [tilespmem:s16+$0x40];
	v5 =	vadd.f32 v14, v5  }
0x419: {  	v6 =	vadd.s32 v19, v6;
	v3 =	vadd.s32 v18, v3;
	v14 =	vld [tilespmem:s16+$0x30];
	v4 =	vadd.f32 v4, v7  }
0x41a: {  	v6 =	vadd.s32 v16, v6;
	v3 =	vadd.s32 v15, v3;
	v7 =	vld [tilespmem:s16+$0x20];
	v5 =	vadd.f32 v9, v5  }
0x41b: {  	v6 =	vadd.s32 v13, v6;
	v3 =	vadd.s32 v12, v3;
	v15 =	vld [tilespmem:s16+$0x10];
	v8 =	vadd.f32 v11, v4  }
.Ltmp33:
0x41c: {  	vm2 =	vgt.s32 v20, v2;
	vm5 =	veq.s32 v20, v2;
	v9 =	vld [tilespmem:s16+$0x0];
	(pc) =	sbr.rel @p0 .LBB2_68-.Ltmp33, $4  }
0x41d: {  	vm6 =	vgt.s32 v17, v2;
	vm8 =	veq.s32 v17, v2;
	vm3 =	vgt.s32 v10, v2  }
0x41e: {  	vm9 =	veq.s32 v10, v2;
	vm0 =	vgt.s32 v23, v2;
	vm1 =	veq.s32 v23, v2;
	v4 =	vld [tilespmem:s16+$0x2360]  }
0x41f: {  	vm4 =	vgt.s32 v14, v2;
	vm7 =	veq.s32 v14, v2;
	vm11 =	vgt.s32 v7, v2  }
0x420: {  	s17 =	sadd.s32 $0x200, s17;
	vm13 =	veq.s32 v7, v2;
	vm10 =	vgt.s32 v15, v2;
	vm12 =	veq.s32 v15, v2;
	v7 =	vld [tilespmem:s16+$0x2350]  }
0x421: {  	vm14 =	veq.s32 v9, v2;
	v10 =	vmpcnt.ones.xlane vm2  }
0x422: {  	v12 =	vmpcnt.ones.xlane vm5;
	v13 =	vmpcnt.ones.xlane vm14  }
0x423: {  	vm15 =	vgt.s32 v9, v2;
	v36 =	vmpcnt.ones.xlane vm6;
	v37 =	vmpcnt.ones.xlane vm12  }
0x424: {  	v11 =	vld [tilespmem:s16+$0x2300];
	v14 =	vmpcnt.ones.xlane vm8;
	v15 =	vmpcnt.ones.xlane vm13;
	v6 =	vadd.s32 v6, v13  }
0x425: {  	v16 =	vmpcnt.ones.xlane vm3;
	v17 =	vmpcnt.ones.xlane vm7;
	v6 =	vadd.s32 v37, v6  }
0x426: {  	v38 =	vld [tilespmem:s16+$0x2310];
	v39 =	vmpcnt.ones.xlane vm9;
	v18 =	vmpcnt.ones.xlane vm1;
	v6 =	vadd.s32 v15, v6  }
0x427: {  	v40 =	vmpcnt.ones.xlane vm0;
	v20 =	vmpcnt.ones.xlane vm4;
	v6 =	vadd.s32 v17, v6  }
0x428: {  	v41 =	vld [tilespmem:s16+$0x2320];
	v44 =	vmpcnt.ones.xlane vm11;
	v45 =	vmpcnt.ones.xlane vm15;
	v6 =	vadd.s32 v18, v6  }
0x429: {  	v19 =	vnsel vm15, $0x0, v11;
	v11 =	vnsel vm14, $0x0, v11;
	v6 =	vadd.s32 v39, v6  }
0x42a: {  	v42 =	vld [tilespmem:s16+$0x2330];
	v47 =	vmpcnt.ones.xlane vm10;
	v8 =	vadd.f32 v11, v8;
	v6 =	vadd.s32 v14, v6  }
0x42b: {  	v3 =	vadd.s32 v3, v45;
	v13 =	vnsel vm12, $0x0, v38;
	v6 =	vadd.s32 v12, v6  }
0x42c: {  	v46 =	vld [tilespmem:s16+$0x2340];
	v5 =	vadd.f32 v19, v5;
	v8 =	vadd.f32 v13, v8;
	v6 =	vcvt.s32.f32 v6  }
0x42d: {  	v3 =	vadd.s32 v47, v3;
	v43 =	vnsel vm10, $0x0, v38;
	v48 =	vnsel vm13, $0x0, v41  }
0x42e: {  	v5 =	vadd.f32 v43, v5;
	v8 =	vadd.f32 v48, v8;
	(erf) = vrcp.f32 v6  }
0x42f: {  	v49 =	vnsel vm11, $0x0, v41;
	v50 =	vnsel vm7, $0x0, v42;
	v3 =	vadd.s32 v44, v3  }
0x430: {  	v3 =	vadd.s32 v20, v3;
	v5 =	vadd.f32 v49, v5;
	v51 =	vadd.f32 v50, v8  }
0x431: {  	v52 =	vnsel vm1, $0x0, v46;
	v9 =	vnsel vm4, $0x0, v42;
	v3 =	vadd.s32 v40, v3  }
0x432: {  	v3 =	vadd.s32 v16, v3;
	v5 =	vadd.f32 v9, v5;
	v6 =	vadd.f32 v52, v51  }
0x433: {  	v53 =	vnsel vm9, $0x0, v7;
	v54 =	vnsel vm0, $0x0, v46;
	v2 =	vadd.s32 v36, v3  }
0x434: {  	v2 =	vadd.s32 v10, v2;
	v55 =	vadd.f32 v54, v5;
	v56 =	vadd.f32 v53, v6  }
0x435: {  	v57 =	vnsel vm8, $0x0, v4;
	v58 =	vnsel vm3, $0x0, v7;
	v2 =	vsub.s32 v0, v2  }
0x436: {  	v2 =	vcvt.s32.f32 v2;
	v3 =	vadd.f32 v58, v55;
	v5 =	vadd.f32 v57, v56  }
0x437: {  	v59 =	vnsel vm5, $0x0, v1;
	v60 =	vnsel vm6, $0x0, v4;
	v61 =	vpop (erf)  }
0x438: {  	v3 =	vadd.f32 v60, v3;
	v62 =	vadd.f32 v59, v5;
	v2 =	vmul.f32 v2, v61  }
0x439: {  	v63 =	vnsel vm2, $0x0, v1  }
0x43a: {  	v1 =	vadd.f32 v63, v3;
	v2 =	vmul.f32 v2, v62;
	_ =	sdelay $0x1  }
0x43b: {  	v1 =	vadd.f32 v2, v1  }
0x43c: {  	s15 =	sadd.s32 $0x1, s15;
	vm15 =	vgt.s32 v0, $0x0  }
0x43d: {  	p0 =	sne.s32 s15, s7;
	v0 =	vnsel vm15, $0x0, v1  }
.Ltmp34:
0x43e: {  	[tilespmem:$0x4700] =	vst v0;
	(pc) =	sbr.rel @p0 .LBB2_1-.Ltmp34, $4  }
0x43f: {  	[hbm4b:s6+s2] =	stream.linear.scatter [tilespmem:s14], [sflag:$0x1], $0x80, $0x38;
	[tilespmem:$0x4780] =	vst v63  }
0x440: {  	_ =	swait.ge [sflag:s11], $0x80  }
0x441: {  	[sflag:s11] =	ssyncset.done $0x0  }
0x442: {  	[sflag:s11] =	ssyncadd.s32 $0xFFFFFF80  }
0x443: {  	_ =	sfence.sel $0x180000  }
0x444: {  	[bflag:$0x0] =	sbarrier.arrive $0xFFFF  }
0x445: {  	p0 =	sne.s32 s0, $0x0;
	_ =	strace $0x90000047  }
0x446: {  	s0 =	sadd.s32 @!p0 $0x100000, s1;
	[bflag:$0x2] =	sbarrier.arrive $0xFFFF  }
0x447: {  	[sflag:s0] =	ssyncadd.tile.s32 @!p0 $0x1;
	_ =	shalt  }
.Lfunc_end2:
_tile_overlayer_lowered:
.L_overlay_start_2:
0x448: {  	(tag) =	ssettag $0x2  }
0x449: {  	s0 =	rddreg [dreg:$0x0];
	s2 =	stileid.u32  }
0x44a: {  	s1 =	rddreg [dreg:$0x1];
	p0 =	sne.s32 s2, $0x0  }
0x44b: {  	s3 =	rddreg [dreg:$0x2];
	[bflag:$0x3] =	sbarrier.arrive $0xFFFF;
	s2 =	simm.s32 @!p0 $0x1C01  }
0x44c: {  	[timem:s3], [sflag:s2] =	dma.local @!p0 [hbm:s0], s1  }
0x44d: {  	s0 =	simm.s32 @!p0 $0x1  }
0x44e: {  	_ =	swait.ge @!p0 [sflag:s0], s1  }
0x44f: {  	s1 =	ssub.s32 @!p0 $0x0, s1;
	[sflag:s0] =	ssyncset.done @!p0 $0x0  }
0x450: {  	[sflag:s0] =	ssyncadd.s32 @!p0 s1  }
0x451: {  	[bflag:$0x3] =	sbarrier.arrive $0xFFFF  }
0x452: {  	_ =	shalt  }

</sc_bundles>
